<compile_context>
chip_gen: v7x
topology: tpu7x:2x2x1
jax: 0.10.2.dev20260603
libtpu: 0.0.44.dev20260713+nightly
codegen_flags: <defaults>
</compile_context>

<pallas_src>
import functools

import jax
import jax.numpy as jnp
from jax import lax
from jax.experimental import pallas as pl
from jax.experimental.pallas import tpu as pltpu
from jax.experimental.pallas import tpu_sc as plsc

N = 50000
E = 800000
F_IN = 14
H = 256

NC = 2
NS = 16
CHUNK = 128
NCHB = 28
IBLK = NCHB * CHUNK
EPAD = ((E + NC * NS * CHUNK - 1) // (NC * NS * CHUNK)) * (NC * NS * CHUNK)
ACC_ROWS = 50048
RT = ACC_ROWS // NS
CR = 128
CR_TAIL = RT - (RT // CR) * CR
CRO = 128
CRO_TAIL = RT - 24 * CRO
NSLAB = 8
SLAB = H // NSLAB

_SELU_ALPHA = 1.6732632423543772
_SELU_SCALE = 1.0507009873554805


def _selu(x):
    return _SELU_SCALE * jnp.where(x > 0, x, _SELU_ALPHA * (jnp.exp(x) - 1.0))



def _sc_segsum16_body(x16_hbm, src_hbm, dst2_hbm, z16_hbm, part_hbm,
                      acc_sh, src_blk, dst_blk, rows_v, buf_v, sg, ss):
    c = lax.axis_index("c")
    t = lax.axis_index("s")
    tile_edges = EPAD // (NC * NS)
    base = (c * NS + t) * tile_edges

    pltpu.sync_copy(z16_hbm, buf_v)
    r0 = t * RT

    def zero_body(i, _):
        pltpu.sync_copy(buf_v, acc_sh.at[pl.ds(r0 + i * CR, CR)])
        return 0
    lax.fori_loop(0, RT // CR, zero_body, 0)
    pltpu.sync_copy(buf_v.at[pl.ds(0, CR_TAIL)],
                    acc_sh.at[pl.ds(r0 + (RT // CR) * CR, CR_TAIL)])
    plsc.subcore_barrier()

    def blk_body(g, _):
        e0 = base + g * IBLK
        pltpu.sync_copy(src_hbm.at[pl.ds(e0, IBLK)], src_blk)
        pltpu.sync_copy(dst2_hbm.at[pl.ds(e0 // CHUNK, NCHB)], dst_blk)
        for b in range(4):
            pltpu.async_copy(
                x16_hbm.at[src_blk.at[pl.ds(b * CHUNK, CHUNK)]],
                rows_v[b], sg[b])

        def grp_body(k, _):
            for b in range(4):
                ch = 4 * k + b
                pltpu.make_async_copy(
                    x16_hbm.at[src_blk.at[pl.ds(ch * CHUNK, CHUNK)]],
                    rows_v[b], sg[b]).wait()
                pltpu.async_copy(rows_v[b], acc_sh.at[dst_blk.at[ch]],
                                 ss[b], add=True)
            for b in range(4):
                ch = 4 * (k + 1) + b
                pltpu.make_async_copy(rows_v[b], acc_sh.at[dst_blk.at[ch]],
                                      ss[b]).wait()
                pltpu.async_copy(
                    x16_hbm.at[src_blk.at[pl.ds(ch * CHUNK, CHUNK)]],
                    rows_v[b], sg[b])
            return 0
        lax.fori_loop(0, NCHB // 4 - 1, grp_body, 0)
        for b in range(4):
            ch = NCHB - 4 + b
            pltpu.make_async_copy(
                x16_hbm.at[src_blk.at[pl.ds(ch * CHUNK, CHUNK)]],
                rows_v[b], sg[b]).wait()
            pltpu.async_copy(rows_v[b], acc_sh.at[dst_blk.at[ch]],
                             ss[b], add=True)
        for b in range(4):
            pltpu.make_async_copy(rows_v[b], acc_sh.at[dst_blk.at[0]],
                                  ss[b]).wait()
        return 0
    lax.fori_loop(0, tile_edges // IBLK, blk_body, 0)
    plsc.subcore_barrier()

    def out_body(i, _):
        rr = r0 + i * CR
        pltpu.sync_copy(acc_sh.at[pl.ds(rr, CR)], buf_v)
        pltpu.sync_copy(buf_v, part_hbm.at[c, pl.ds(rr, CR)])
        return 0
    lax.fori_loop(0, RT // CR, out_body, 0)
    rr = r0 + (RT // CR) * CR
    pltpu.sync_copy(acc_sh.at[pl.ds(rr, CR_TAIL)], buf_v.at[pl.ds(0, CR_TAIL)])
    pltpu.sync_copy(buf_v.at[pl.ds(0, CR_TAIL)],
                    part_hbm.at[c, pl.ds(rr, CR_TAIL)])


_sc_segsum16 = functools.partial(
    pl.kernel,
    out_type=jax.ShapeDtypeStruct((NC, ACC_ROWS, 16), jnp.float32),
    mesh=plsc.VectorSubcoreMesh(core_axis_name="c", subcore_axis_name="s"),
    compiler_params=pltpu.CompilerParams(use_tc_tiling_on_sc=False),
    scratch_types=[
        pltpu.VMEM_SHARED((ACC_ROWS, 16), jnp.float32),
        pltpu.VMEM((IBLK,), jnp.int32),
        pltpu.VMEM((NCHB, CHUNK), jnp.int32),
        [pltpu.VMEM((CHUNK, 16), jnp.float32) for _ in range(4)],
        pltpu.VMEM((CR, 16), jnp.float32),
        [pltpu.SemaphoreType.DMA for _ in range(4)],
        [pltpu.SemaphoreType.DMA for _ in range(4)],
    ],
)(_sc_segsum16_body)



def _sc_segsum256_body(p2_hbm, src_hbm, dst2_hbm, z32_hbm, agg_hbm,
                       acc_sh, src_blk, dst_blk, rows_v, buf_v, sg, ss, sz):
    c = lax.axis_index("c")
    t = lax.axis_index("s")
    tile_edges = EPAD // NS
    base = t * tile_edges
    r0 = t * RT

    for j in range(NSLAB // NC):
        s = c * (NSLAB // NC) + j
        s_off = s * N

        pltpu.sync_copy(z32_hbm, buf_v)

        def zero_start(i, _):
            pltpu.async_copy(buf_v, acc_sh.at[pl.ds(r0 + i * CR, CR)], sz)
            return 0
        lax.fori_loop(0, RT // CR, zero_start, 0)
        pltpu.sync_copy(buf_v.at[pl.ds(0, CR_TAIL)],
                        acc_sh.at[pl.ds(r0 + (RT // CR) * CR, CR_TAIL)])

        def zero_drain(i, _):
            pltpu.make_async_copy(buf_v,
                                  acc_sh.at[pl.ds(r0 + i * CR, CR)],
                                  sz).wait()
            return 0
        lax.fori_loop(0, RT // CR, zero_drain, 0)
        plsc.subcore_barrier()

        p2s = p2_hbm.at[pl.ds(s_off, N)]

        def blk_body(g, _):
            e0 = base + g * IBLK
            pltpu.sync_copy(src_hbm.at[pl.ds(e0, IBLK)], src_blk)
            pltpu.sync_copy(dst2_hbm.at[pl.ds(e0 // CHUNK, NCHB)], dst_blk)
            for b in range(4):
                pltpu.async_copy(
                    p2s.at[src_blk.at[pl.ds(b * CHUNK, CHUNK)]],
                    rows_v[b], sg[b])

            def grp_body(k, _):
                for b in range(4):
                    ch = 4 * k + b
                    pltpu.make_async_copy(
                        p2s.at[src_blk.at[pl.ds(ch * CHUNK, CHUNK)]],
                        rows_v[b], sg[b]).wait()
                    pltpu.async_copy(rows_v[b], acc_sh.at[dst_blk.at[ch]],
                                     ss[b], add=True)
                for b in range(4):
                    ch = 4 * (k + 1) + b
                    pltpu.make_async_copy(rows_v[b],
                                          acc_sh.at[dst_blk.at[ch]],
                                          ss[b]).wait()
                    pltpu.async_copy(
                        p2s.at[src_blk.at[pl.ds(ch * CHUNK, CHUNK)]],
                        rows_v[b], sg[b])
                return 0
            lax.fori_loop(0, NCHB // 4 - 1, grp_body, 0)
            for b in range(4):
                ch = NCHB - 4 + b
                pltpu.make_async_copy(
                    p2s.at[src_blk.at[pl.ds(ch * CHUNK, CHUNK)]],
                    rows_v[b], sg[b]).wait()
                pltpu.async_copy(rows_v[b], acc_sh.at[dst_blk.at[ch]],
                                 ss[b], add=True)
            for b in range(4):
                pltpu.make_async_copy(rows_v[b], acc_sh.at[dst_blk.at[0]],
                                      ss[b]).wait()
            return 0
        lax.fori_loop(0, tile_edges // IBLK, blk_body, 0)
        plsc.subcore_barrier()

        def out_body(i, _):
            for b in range(2):
                rr = r0 + (2 * i + b) * CRO

                @pl.when(i > 0)
                def _():
                    pltpu.make_async_copy(
                        rows_v[b], agg_hbm.at[s, pl.ds(rr - 2 * CRO, CRO)],
                        ss[b]).wait()
                pltpu.async_copy(acc_sh.at[pl.ds(rr, CRO)], rows_v[b],
                                 sg[b])
            for b in range(2):
                rr = r0 + (2 * i + b) * CRO
                pltpu.make_async_copy(acc_sh.at[pl.ds(rr, CRO)], rows_v[b],
                                      sg[b]).wait()
                pltpu.async_copy(rows_v[b], agg_hbm.at[s, pl.ds(rr, CRO)],
                                 ss[b])
            return 0
        lax.fori_loop(0, RT // (2 * CRO), out_body, 0)
        rr = r0 + (RT // (2 * CRO)) * 2 * CRO
        pltpu.sync_copy(acc_sh.at[pl.ds(rr, CRO_TAIL)],
                        buf_v.at[pl.ds(0, CRO_TAIL)])
        pltpu.sync_copy(buf_v.at[pl.ds(0, CRO_TAIL)],
                        agg_hbm.at[s, pl.ds(rr, CRO_TAIL)])
        for b in range(2):
            pltpu.make_async_copy(rows_v[b], agg_hbm.at[s, pl.ds(r0, CRO)],
                                  ss[b]).wait()
        plsc.subcore_barrier()


_sc_segsum256 = functools.partial(
    pl.kernel,
    out_type=jax.ShapeDtypeStruct((NSLAB, ACC_ROWS, SLAB), jnp.float32),
    mesh=plsc.VectorSubcoreMesh(core_axis_name="c", subcore_axis_name="s"),
    compiler_params=pltpu.CompilerParams(use_tc_tiling_on_sc=False),
    scratch_types=[
        pltpu.VMEM_SHARED((ACC_ROWS, SLAB), jnp.float32),
        pltpu.VMEM((IBLK,), jnp.int32),
        pltpu.VMEM((NCHB, CHUNK), jnp.int32),
        [pltpu.VMEM((CHUNK, SLAB), jnp.float32) for _ in range(4)],
        pltpu.VMEM((CR, SLAB), jnp.float32),
        [pltpu.SemaphoreType.DMA for _ in range(4)],
        [pltpu.SemaphoreType.DMA for _ in range(4)],
        pltpu.SemaphoreType.DMA,
    ],
)(_sc_segsum256_body)



_BR = 1000


def _tc_dense_body(part_ref, x_ref, w1rel_ref, w1root_ref, b1_ref,
                   w2rel_ref, w2root_ref, b2_ref, p2_ref, r2_ref):
    agg = part_ref[0] + part_ref[1]
    pre = (jnp.dot(agg, w1rel_ref[...], preferred_element_type=jnp.float32)
           + jnp.dot(x_ref[...], w1root_ref[...],
                     preferred_element_type=jnp.float32)
           + b1_ref[...])
    h = _selu(pre)
    p2 = jnp.dot(h, w2rel_ref[...], preferred_element_type=jnp.float32)
    r2_ref[...] = (jnp.dot(h, w2root_ref[...],
                           preferred_element_type=jnp.float32) + b2_ref[...])
    for j in range(NSLAB):
        p2_ref[j] = p2[:, j * SLAB:(j + 1) * SLAB]


def _tc_dense(part, x, w1rel16, w1root, b1, w2rel, w2root, b2):
    return pl.pallas_call(
        _tc_dense_body,
        grid=(N // _BR,),
        in_specs=[
            pl.BlockSpec((NC, _BR, 16), lambda i: (0, i, 0)),
            pl.BlockSpec((_BR, F_IN), lambda i: (i, 0)),
            pl.BlockSpec((16, H), lambda i: (0, 0)),
            pl.BlockSpec((F_IN, H), lambda i: (0, 0)),
            pl.BlockSpec((1, H), lambda i: (0, 0)),
            pl.BlockSpec((H, H), lambda i: (0, 0)),
            pl.BlockSpec((H, H), lambda i: (0, 0)),
            pl.BlockSpec((1, H), lambda i: (0, 0)),
        ],
        out_specs=[
            pl.BlockSpec((NSLAB, _BR, SLAB), lambda i: (0, i, 0)),
            pl.BlockSpec((_BR, H), lambda i: (i, 0)),
        ],
        out_shape=[
            jax.ShapeDtypeStruct((NSLAB, N, SLAB), jnp.float32),
            jax.ShapeDtypeStruct((N, H), jnp.float32),
        ],
    )(part, x, w1rel16, w1root, b1, w2rel, w2root, b2)


def _tc_final_body(agg_ref, r2_ref, out_ref):
    parts = [agg_ref[j] for j in range(NSLAB)]
    out_ref[...] = _selu(jnp.concatenate(parts, axis=1) + r2_ref[...])


def _tc_final(agg2, r2):
    return pl.pallas_call(
        _tc_final_body,
        grid=(N // _BR,),
        in_specs=[
            pl.BlockSpec((NSLAB, _BR, SLAB), lambda i: (0, i, 0)),
            pl.BlockSpec((_BR, H), lambda i: (i, 0)),
        ],
        out_specs=pl.BlockSpec((_BR, H), lambda i: (i, 0)),
        out_shape=jax.ShapeDtypeStruct((N, H), jnp.float32),
    )(agg2, r2)


def kernel(x, edge_index, batch, W1_rel, W1_root, b1, W2_rel, W2_root, b2):
    src = edge_index[0]
    dst = edge_index[1]
    npad = EPAD - E
    src_p = jnp.concatenate([src, jnp.zeros((npad,), jnp.int32)])
    dst_p = jnp.concatenate([dst, jnp.full((npad,), N, jnp.int32)])
    dst2 = dst_p.reshape(EPAD // CHUNK, CHUNK)

    x16 = jnp.pad(x, ((0, 0), (0, 16 - F_IN)))
    w1rel16 = jnp.pad(W1_rel, ((0, 16 - F_IN), (0, 0)))
    z16 = jnp.zeros((CR, 16), jnp.float32)
    z32 = jnp.zeros((CR, SLAB), jnp.float32)

    part = _sc_segsum16(x16, src_p, dst2, z16)
    p2, r2 = _tc_dense(part, x, w1rel16, W1_root, b1.reshape(1, H),
                       W2_rel, W2_root, b2.reshape(1, H))
    agg2 = _sc_segsum256(p2.reshape(NSLAB * N, SLAB), src_p, dst2, z32)
    return _tc_final(agg2, r2)

# --- scband reference (transcript-rebuilt; emitter-appended) ---
"""Pipeline reference for scband-feature-extractor-19000935318315 (READ-ONLY COPY).

The authoritative reference and input builder live on the scoring server;
editing this copy changes nothing except your own understanding.
"""

import jax, jax.numpy as jnp
import numpy as np

N = 50000
E = 800000
F_IN = 14
H = 256  # nhid * 2


def setup_inputs(seed: int = 0) -> dict:
    key = jax.random.key(seed)
    ks = jax.random.split(key, 10)
    x = jax.random.normal(ks[0], (N, F_IN), dtype=jnp.float32)
    edge_index = jax.random.randint(ks[1], (2, E), 0, N, dtype=jnp.int32)
    batch = jnp.sort(jax.random.randint(ks[2], (N,), 0, 64, dtype=jnp.int32))
    # GraphConv layer 1: lin_rel (aggregated neighbors) and lin_root (self), bias on lin_rel
    s1 = 1.0 / np.sqrt(F_IN)
    W1_rel = jax.random.uniform(ks[3], (F_IN, H), dtype=jnp.float32, minval=-s1, maxval=s1)
    W1_root = jax.random.uniform(ks[4], (F_IN, H), dtype=jnp.float32, minval=-s1, maxval=s1)
    b1 = jax.random.uniform(ks[5], (H,), dtype=jnp.float32, minval=-s1, maxval=s1)
    # GraphConv layer 2
    s2 = 1.0 / np.sqrt(H)
    W2_rel = jax.random.uniform(ks[6], (H, H), dtype=jnp.float32, minval=-s2, maxval=s2)
    W2_root = jax.random.uniform(ks[7], (H, H), dtype=jnp.float32, minval=-s2, maxval=s2)
    b2 = jax.random.uniform(ks[8], (H,), dtype=jnp.float32, minval=-s2, maxval=s2)
    return {"x": x, "edge_index": edge_index, "batch": batch,
            "W1_rel": W1_rel, "W1_root": W1_root, "b1": b1,
            "W2_rel": W2_rel, "W2_root": W2_root, "b2": b2}


def graph_conv(x, src, dst, W_rel, W_root, b):
    # PyG GraphConv with aggr='add': out = lin_rel(sum_{j in N(i)} x_j) + lin_root(x_i)
    msgs = jnp.take(x, src, axis=0)               # gather x_j per edge
    agg = jax.ops.segment_sum(msgs, dst, num_segments=N)  # scatter-add to dst nodes
    return agg @ W_rel + b + x @ W_root


def reference(x, edge_index, batch, W1_rel, W1_root, b1, W2_rel, W2_root, b2):
    src = edge_index[0]
    dst = edge_index[1]
    h = jax.nn.selu(graph_conv(x, src, dst, W1_rel, W1_root, b1))
    out = jax.nn.selu(graph_conv(h, src, dst, W2_rel, W2_root, b2))
    return out

if __name__ == "__main__":
    import jax
    _d = setup_inputs()
    print(jax.jit(kernel)(*tuple(_d.values())))

</pallas_src>

<mosaic_0001>
#map = affine_map<(d0, d1) -> (0, 0)>
#map1 = affine_map<(d0, d1) -> (0)>
#map2 = affine_map<(d0, d1) -> (0, 0, 0)>
module attributes {stable_mosaic.version = 14 : i64} {
  func.func @_sc_segsum256_body(%arg0: i32, %arg1: i32, %arg2: memref<400000x32xf32, #tpu.memory_space<hbm>>, %arg3: memref<802816xi32, #tpu.memory_space<hbm>>, %arg4: memref<6272x128xi32, #tpu.memory_space<hbm>>, %arg5: memref<128x32xf32, #tpu.memory_space<hbm>>, %arg6: memref<8x50048x32xf32, #tpu.memory_space<hbm>>, %arg7: memref<50048x32xf32, #tpu.memory_space<vmem_shared>>, %arg8: memref<3584xi32, #tpu.memory_space<vmem>>, %arg9: memref<28x128xi32, #tpu.memory_space<vmem>>, %arg10: memref<128x32xf32, #tpu.memory_space<vmem>>, %arg11: memref<128x32xf32, #tpu.memory_space<vmem>>, %arg12: memref<128x32xf32, #tpu.memory_space<vmem>>, %arg13: memref<128x32xf32, #tpu.memory_space<vmem>>, %arg14: memref<128x32xf32, #tpu.memory_space<vmem>>, %arg15: memref<!tpu.dma_semaphore, #tpu.memory_space<semaphore_mem>>, %arg16: memref<!tpu.dma_semaphore, #tpu.memory_space<semaphore_mem>>, %arg17: memref<!tpu.dma_semaphore, #tpu.memory_space<semaphore_mem>>, %arg18: memref<!tpu.dma_semaphore, #tpu.memory_space<semaphore_mem>>, %arg19: memref<!tpu.dma_semaphore, #tpu.memory_space<semaphore_mem>>, %arg20: memref<!tpu.dma_semaphore, #tpu.memory_space<semaphore_mem>>, %arg21: memref<!tpu.dma_semaphore, #tpu.memory_space<semaphore_mem>>, %arg22: memref<!tpu.dma_semaphore, #tpu.memory_space<semaphore_mem>>, %arg23: memref<!tpu.dma_semaphore, #tpu.memory_space<semaphore_mem>>) attributes {dimension_semantics = [#tpu.dimension_semantics<core_parallel>, #tpu.dimension_semantics<subcore_parallel>], iteration_bounds = array<i64: 2, 16>, scalar_prefetch = 0 : i64, scratch_operands = 17 : i64, tpu.core_type = #tpu.core_type<sc_vector_subcore>, window_params = [{transform_indices = #map}, {transform_indices = #map1}, {transform_indices = #map}, {transform_indices = #map}, {transform_indices = #map2}]} {
    %mul3A = arith.constant 50176 : i32
    %mul3A_0 = arith.muli %arg1, %mul3A : i32
    %mul3A_1 = arith.constant 3128 : i32
    %mul3A_2 = arith.muli %arg1, %mul3A_1 : i32
    %mul3A_3 = arith.constant 4 : i32
    %mul3A_4 = arith.muli %arg0, %mul3A_3 : i32
    %add3A = arith.constant 0 : i32
    %add3A_5 = arith.addi %mul3A_4, %add3A : i32
    %mul3A_6 = arith.constant 50000 : i32
    %mul3A_7 = arith.muli %add3A_5, %mul3A_6 : i32
    "tpu.region"() ({
      %run_scoped3A = tpu.sem_alloc : memref<!tpu.dma_semaphore, #tpu.memory_space<semaphore_mem>>
      tpu.enqueue_dma source(%arg5 : memref<128x32xf32, #tpu.memory_space<hbm>>) target(%arg14 : memref<128x32xf32, #tpu.memory_space<vmem>>) target_semaphore(%run_scoped3A : memref<!tpu.dma_semaphore, #tpu.memory_space<semaphore_mem>>)
      tpu.wait_dma2 semaphore(%run_scoped3A : memref<!tpu.dma_semaphore, #tpu.memory_space<semaphore_mem>>) src(%arg5 : memref<128x32xf32, #tpu.memory_space<hbm>>) dst(%arg14 : memref<128x32xf32, #tpu.memory_space<vmem>>)
      tpu.yield
    }) : () -> ()
    %scan3A = arith.constant 0 : i32
    %scan3A_8 = arith.constant 0 : i32
    %scan3A_9 = arith.constant 24 : i32
    %scan3A_10 = arith.addi %scan3A_8, %scan3A_9 : i32
    %scan3A_11 = arith.constant 1 : i32
    %scan3A_12 = scf.for %scan3A_211 = %scan3A_8 to %scan3A_10 step %scan3A_11 iter_args(%scan3A_212 = %scan3A) -> (i32)  : i32 {
      %mul3A_213 = arith.constant 128 : i32
      %mul3A_214 = arith.muli %scan3A_211, %mul3A_213 : i32
      %add3A_215 = arith.addi %mul3A_2, %mul3A_214 : i32
      %dma_start3A = arith.constant 0 : i32
      %dma_start3A_216 = tpu.memref_slice %arg7[%add3A_215, %dma_start3A] : memref<50048x32xf32, #tpu.memory_space<vmem_shared>> -> memref<128x32xf32, #tpu.memory_space<vmem_shared>>
      %dma_start3A_217 = arith.constant 0 : i32
      %dma_start3A_218 = tpu.memref_slice %arg7[%add3A_215, %dma_start3A_217] : memref<50048x32xf32, #tpu.memory_space<vmem_shared>> -> memref<128x32xf32, #tpu.memory_space<vmem_shared>>
      tpu.enqueue_dma source(%arg14 : memref<128x32xf32, #tpu.memory_space<vmem>>) target(%dma_start3A_218 : memref<128x32xf32, #tpu.memory_space<vmem_shared>>) target_semaphore(%arg23 : memref<!tpu.dma_semaphore, #tpu.memory_space<semaphore_mem>>)
      %scan3A_219 = arith.constant 0 : i32
      scf.yield %scan3A_219 : i32
    }
    %scan3A_13 = arith.constant 24 : i32
    %add3A_14 = arith.constant 3072 : i32
    %add3A_15 = arith.addi %mul3A_2, %add3A_14 : i32
    "tpu.region"() ({
      %run_scoped3A = tpu.sem_alloc : memref<!tpu.dma_semaphore, #tpu.memory_space<semaphore_mem>>
      %dma_start3A = arith.constant 0 : i32
      %dma_start3A_211 = arith.constant 0 : i32
      %dma_start3A_212 = tpu.memref_slice %arg14[%dma_start3A, %dma_start3A_211] : memref<128x32xf32, #tpu.memory_space<vmem>> -> memref<56x32xf32, #tpu.memory_space<vmem>>
      %dma_start3A_213 = arith.constant 0 : i32
      %dma_start3A_214 = tpu.memref_slice %arg7[%add3A_15, %dma_start3A_213] : memref<50048x32xf32, #tpu.memory_space<vmem_shared>> -> memref<56x32xf32, #tpu.memory_space<vmem_shared>>
      %dma_start3A_215 = arith.constant 0 : i32
      %dma_start3A_216 = tpu.memref_slice %arg7[%add3A_15, %dma_start3A_215] : memref<50048x32xf32, #tpu.memory_space<vmem_shared>> -> memref<56x32xf32, #tpu.memory_space<vmem_shared>>
      %dma_start3A_217 = arith.constant 0 : i32
      %dma_start3A_218 = arith.constant 0 : i32
      %dma_start3A_219 = tpu.memref_slice %arg14[%dma_start3A_217, %dma_start3A_218] : memref<128x32xf32, #tpu.memory_space<vmem>> -> memref<56x32xf32, #tpu.memory_space<vmem>>
      tpu.enqueue_dma source(%dma_start3A_219 : memref<56x32xf32, #tpu.memory_space<vmem>>) target(%dma_start3A_216 : memref<56x32xf32, #tpu.memory_space<vmem_shared>>) target_semaphore(%run_scoped3A : memref<!tpu.dma_semaphore, #tpu.memory_space<semaphore_mem>>)
      %dma_wait3A_220 = arith.constant 0 : i32
      %dma_wait3A_221 = arith.constant 0 : i32
      %dma_wait3A_222 = tpu.memref_slice %arg14[%dma_wait3A_220, %dma_wait3A_221] : memref<128x32xf32, #tpu.memory_space<vmem>> -> memref<56x32xf32, #tpu.memory_space<vmem>>
      %dma_wait3A_223 = arith.constant 0 : i32
      %dma_wait3A_224 = tpu.memref_slice %arg7[%add3A_15, %dma_wait3A_223] : memref<50048x32xf32, #tpu.memory_space<vmem_shared>> -> memref<56x32xf32, #tpu.memory_space<vmem_shared>>
      %dma_wait3A_225 = arith.constant 0 : i32
      %dma_wait3A_226 = tpu.memref_slice %arg7[%add3A_15, %dma_wait3A_225] : memref<50048x32xf32, #tpu.memory_space<vmem_shared>> -> memref<56x32xf32, #tpu.memory_space<vmem_shared>>
      %dma_wait3A_227 = arith.constant 0 : i32
      %dma_wait3A_228 = arith.constant 0 : i32
      %dma_wait3A_229 = tpu.memref_slice %arg14[%dma_wait3A_227, %dma_wait3A_228] : memref<128x32xf32, #tpu.memory_space<vmem>> -> memref<56x32xf32, #tpu.memory_space<vmem>>
      tpu.wait_dma2 semaphore(%run_scoped3A : memref<!tpu.dma_semaphore, #tpu.memory_space<semaphore_mem>>) src(%dma_wait3A_229 : memref<56x32xf32, #tpu.memory_space<vmem>>) dst(%dma_wait3A_226 : memref<56x32xf32, #tpu.memory_space<vmem_shared>>)
      tpu.yield
    }) : () -> ()
    %scan3A_16 = arith.constant 0 : i32
    %scan3A_17 = arith.constant 0 : i32
    %scan3A_18 = arith.constant 24 : i32
    %scan3A_19 = arith.addi %scan3A_17, %scan3A_18 : i32
    %scan3A_20 = arith.constant 1 : i32
    %scan3A_21 = scf.for %scan3A_211 = %scan3A_17 to %scan3A_19 step %scan3A_20 iter_args(%scan3A_212 = %scan3A_16) -> (i32)  : i32 {
      %mul3A_213 = arith.constant 128 : i32
      %mul3A_214 = arith.muli %scan3A_211, %mul3A_213 : i32
      %add3A_215 = arith.addi %mul3A_2, %mul3A_214 : i32
      %dma_wait3A_216 = arith.constant 0 : i32
      %dma_wait3A_217 = tpu.memref_slice %arg7[%add3A_215, %dma_wait3A_216] : memref<50048x32xf32, #tpu.memory_space<vmem_shared>> -> memref<128x32xf32, #tpu.memory_space<vmem_shared>>
      %dma_wait3A_218 = arith.constant 0 : i32
      %dma_wait3A_219 = tpu.memref_slice %arg7[%add3A_215, %dma_wait3A_218] : memref<50048x32xf32, #tpu.memory_space<vmem_shared>> -> memref<128x32xf32, #tpu.memory_space<vmem_shared>>
      tpu.wait_dma2 semaphore(%arg23 : memref<!tpu.dma_semaphore, #tpu.memory_space<semaphore_mem>>) src(%arg14 : memref<128x32xf32, #tpu.memory_space<vmem>>) dst(%dma_wait3A_219 : memref<128x32xf32, #tpu.memory_space<vmem_shared>>)
      %scan3A_220 = arith.constant 0 : i32
      scf.yield %scan3A_220 : i32
    }
    %scan3A_22 = arith.constant 24 : i32
    %barrier3A = arith.constant 0 : index
    tpu.barrier barrier_id(%barrier3A)
    %scan3A_23 = arith.constant 0 : i32
    %scan3A_24 = arith.constant 0 : i32
    %scan3A_25 = arith.constant 14 : i32
    %scan3A_26 = arith.addi %scan3A_24, %scan3A_25 : i32
    %scan3A_27 = arith.constant 1 : i32
    %scan3A_28 = scf.for %scan3A_211 = %scan3A_24 to %scan3A_26 step %scan3A_27 iter_args(%scan3A_212 = %scan3A_23) -> (i32)  : i32 {
      %mul3A_213 = arith.constant 3584 : i32
      %mul3A_214 = arith.muli %scan3A_211, %mul3A_213 : i32
      %add3A_215 = arith.addi %mul3A_0, %mul3A_214 : i32
      "tpu.region"() ({
        %run_scoped3A = tpu.sem_alloc : memref<!tpu.dma_semaphore, #tpu.memory_space<semaphore_mem>>
        %dma_start3A_351 = tpu.memref_slice %arg3[%add3A_215] : memref<802816xi32, #tpu.memory_space<hbm>> -> memref<3584xi32, #tpu.memory_space<hbm>>
        %dma_start3A_352 = tpu.memref_slice %arg3[%add3A_215] : memref<802816xi32, #tpu.memory_space<hbm>> -> memref<3584xi32, #tpu.memory_space<hbm>>
        tpu.enqueue_dma source(%dma_start3A_352 : memref<3584xi32, #tpu.memory_space<hbm>>) target(%arg8 : memref<3584xi32, #tpu.memory_space<vmem>>) target_semaphore(%run_scoped3A : memref<!tpu.dma_semaphore, #tpu.memory_space<semaphore_mem>>)
        %dma_wait3A_353 = tpu.memref_slice %arg3[%add3A_215] : memref<802816xi32, #tpu.memory_space<hbm>> -> memref<3584xi32, #tpu.memory_space<hbm>>
        %dma_wait3A_354 = tpu.memref_slice %arg3[%add3A_215] : memref<802816xi32, #tpu.memory_space<hbm>> -> memref<3584xi32, #tpu.memory_space<hbm>>
        tpu.wait_dma2 semaphore(%run_scoped3A : memref<!tpu.dma_semaphore, #tpu.memory_space<semaphore_mem>>) src(%dma_wait3A_354 : memref<3584xi32, #tpu.memory_space<hbm>>) dst(%arg8 : memref<3584xi32, #tpu.memory_space<vmem>>)
        tpu.yield
      }) : () -> ()
      %jit3A = arith.constant 128 : i32
      %div3A = arith.divsi %add3A_215, %jit3A : i32
      %sign3A = arith.constant 0 : i32
      %sign3A_216 = arith.cmpi sgt, %add3A_215, %sign3A : i32
      %sign3A_217 = arith.extui %sign3A_216 : i1 to i32
      %sign3A_218 = arith.constant 0 : i32
      %sign3A_219 = arith.cmpi slt, %add3A_215, %sign3A_218 : i32
      %sign3A_220 = arith.extui %sign3A_219 : i1 to i32
      %sign3A_221 = arith.subi %sign3A_217, %sign3A_220 : i32
      %sign3A_222 = arith.constant 0 : i32
      %sign3A_223 = arith.cmpi sgt, %jit3A, %sign3A_222 : i32
      %sign3A_224 = arith.extui %sign3A_223 : i1 to i32
      %sign3A_225 = arith.constant 0 : i32
      %sign3A_226 = arith.cmpi slt, %jit3A, %sign3A_225 : i32
      %sign3A_227 = arith.extui %sign3A_226 : i1 to i32
      %sign3A_228 = arith.subi %sign3A_224, %sign3A_227 : i32
      %ne3A = arith.cmpi ne, %sign3A_221, %sign3A_228 : i32
      %rem3A = arith.remsi %add3A_215, %jit3A : i32
      %ne3A_229 = arith.constant 0 : i32
      %ne3A_230 = arith.cmpi ne, %rem3A, %ne3A_229 : i32
      %and3A = arith.andi %ne3A, %ne3A_230 : i1
      %sub3A = arith.constant 1 : i32
      %sub3A_231 = arith.subi %div3A, %sub3A : i32
      %select_n3A = arith.select %and3A, %sub3A_231, %div3A : i32
      "tpu.region"() ({
        %run_scoped3A = tpu.sem_alloc : memref<!tpu.dma_semaphore, #tpu.memory_space<semaphore_mem>>
        %dma_start3A_351 = arith.constant 0 : i32
        %dma_start3A_352 = tpu.memref_slice %arg4[%select_n3A, %dma_start3A_351] : memref<6272x128xi32, #tpu.memory_space<hbm>> -> memref<28x128xi32, #tpu.memory_space<hbm>>
        %dma_start3A_353 = arith.constant 0 : i32
        %dma_start3A_354 = tpu.memref_slice %arg4[%select_n3A, %dma_start3A_353] : memref<6272x128xi32, #tpu.memory_space<hbm>> -> memref<28x128xi32, #tpu.memory_space<hbm>>
        tpu.enqueue_dma source(%dma_start3A_354 : memref<28x128xi32, #tpu.memory_space<hbm>>) target(%arg9 : memref<28x128xi32, #tpu.memory_space<vmem>>) target_semaphore(%run_scoped3A : memref<!tpu.dma_semaphore, #tpu.memory_space<semaphore_mem>>)
        %dma_wait3A_355 = arith.constant 0 : i32
        %dma_wait3A_356 = tpu.memref_slice %arg4[%select_n3A, %dma_wait3A_355] : memref<6272x128xi32, #tpu.memory_space<hbm>> -> memref<28x128xi32, #tpu.memory_space<hbm>>
        %dma_wait3A_357 = arith.constant 0 : i32
        %dma_wait3A_358 = tpu.memref_slice %arg4[%select_n3A, %dma_wait3A_357] : memref<6272x128xi32, #tpu.memory_space<hbm>> -> memref<28x128xi32, #tpu.memory_space<hbm>>
        tpu.wait_dma2 semaphore(%run_scoped3A : memref<!tpu.dma_semaphore, #tpu.memory_space<semaphore_mem>>) src(%dma_wait3A_358 : memref<28x128xi32, #tpu.memory_space<hbm>>) dst(%arg9 : memref<28x128xi32, #tpu.memory_space<vmem>>)
        tpu.yield
      }) : () -> ()
      %dma_start3A = arith.constant 0 : i32
      %dma_start3A_232 = tpu.memref_slice %arg8[%dma_start3A] : memref<3584xi32, #tpu.memory_space<vmem>> -> memref<128xi32, #tpu.memory_space<vmem>>
      %dma_start3A_233 = arith.constant 0 : i32
      %dma_start3A_234 = tpu.memref_slice %arg2[%mul3A_7, %dma_start3A_233] : memref<400000x32xf32, #tpu.memory_space<hbm>> -> memref<50000x32xf32, #tpu.memory_space<hbm>>
      %dma_start3A_235 = arith.constant 0 : i32
      %dma_start3A_236 = arith.constant 0 : i32
      %dma_start3A_237 = tpu.memref_slice %dma_start3A_234[%dma_start3A_235, %dma_start3A_236] : memref<50000x32xf32, #tpu.memory_space<hbm>> -> memref<50000x32xf32, #tpu.memory_space<hbm>>
      tpu.enqueue_indirect_dma source(%dma_start3A_237 : memref<50000x32xf32, #tpu.memory_space<hbm>>) target(%arg10 : memref<128x32xf32, #tpu.memory_space<vmem>>) offsets(%dma_start3A_232 : memref<128xi32, #tpu.memory_space<vmem>>) semaphore(%arg15 : memref<!tpu.dma_semaphore, #tpu.memory_space<semaphore_mem>>)
      %dma_start3A_238 = arith.constant 128 : i32
      %dma_start3A_239 = tpu.memref_slice %arg8[%dma_start3A_238] : memref<3584xi32, #tpu.memory_space<vmem>> -> memref<128xi32, #tpu.memory_space<vmem>>
      %dma_start3A_240 = arith.constant 0 : i32
      %dma_start3A_241 = tpu.memref_slice %arg2[%mul3A_7, %dma_start3A_240] : memref<400000x32xf32, #tpu.memory_space<hbm>> -> memref<50000x32xf32, #tpu.memory_space<hbm>>
      %dma_start3A_242 = arith.constant 0 : i32
      %dma_start3A_243 = arith.constant 0 : i32
      %dma_start3A_244 = tpu.memref_slice %dma_start3A_241[%dma_start3A_242, %dma_start3A_243] : memref<50000x32xf32, #tpu.memory_space<hbm>> -> memref<50000x32xf32, #tpu.memory_space<hbm>>
      tpu.enqueue_indirect_dma source(%dma_start3A_244 : memref<50000x32xf32, #tpu.memory_space<hbm>>) target(%arg11 : memref<128x32xf32, #tpu.memory_space<vmem>>) offsets(%dma_start3A_239 : memref<128xi32, #tpu.memory_space<vmem>>) semaphore(%arg16 : memref<!tpu.dma_semaphore, #tpu.memory_space<semaphore_mem>>)
      %dma_start3A_245 = arith.constant 256 : i32
      %dma_start3A_246 = tpu.memref_slice %arg8[%dma_start3A_245] : memref<3584xi32, #tpu.memory_space<vmem>> -> memref<128xi32, #tpu.memory_space<vmem>>
      %dma_start3A_247 = arith.constant 0 : i32
      %dma_start3A_248 = tpu.memref_slice %arg2[%mul3A_7, %dma_start3A_247] : memref<400000x32xf32, #tpu.memory_space<hbm>> -> memref<50000x32xf32, #tpu.memory_space<hbm>>
      %dma_start3A_249 = arith.constant 0 : i32
      %dma_start3A_250 = arith.constant 0 : i32
      %dma_start3A_251 = tpu.memref_slice %dma_start3A_248[%dma_start3A_249, %dma_start3A_250] : memref<50000x32xf32, #tpu.memory_space<hbm>> -> memref<50000x32xf32, #tpu.memory_space<hbm>>
      tpu.enqueue_indirect_dma source(%dma_start3A_251 : memref<50000x32xf32, #tpu.memory_space<hbm>>) target(%arg12 : memref<128x32xf32, #tpu.memory_space<vmem>>) offsets(%dma_start3A_246 : memref<128xi32, #tpu.memory_space<vmem>>) semaphore(%arg17 : memref<!tpu.dma_semaphore, #tpu.memory_space<semaphore_mem>>)
      %dma_start3A_252 = arith.constant 384 : i32
      %dma_start3A_253 = tpu.memref_slice %arg8[%dma_start3A_252] : memref<3584xi32, #tpu.memory_space<vmem>> -> memref<128xi32, #tpu.memory_space<vmem>>
      %dma_start3A_254 = arith.constant 0 : i32
      %dma_start3A_255 = tpu.memref_slice %arg2[%mul3A_7, %dma_start3A_254] : memref<400000x32xf32, #tpu.memory_space<hbm>> -> memref<50000x32xf32, #tpu.memory_space<hbm>>
      %dma_start3A_256 = arith.constant 0 : i32
      %dma_start3A_257 = arith.constant 0 : i32
      %dma_start3A_258 = tpu.memref_slice %dma_start3A_255[%dma_start3A_256, %dma_start3A_257] : memref<50000x32xf32, #tpu.memory_space<hbm>> -> memref<50000x32xf32, #tpu.memory_space<hbm>>
      tpu.enqueue_indirect_dma source(%dma_start3A_258 : memref<50000x32xf32, #tpu.memory_space<hbm>>) target(%arg13 : memref<128x32xf32, #tpu.memory_space<vmem>>) offsets(%dma_start3A_253 : memref<128xi32, #tpu.memory_space<vmem>>) semaphore(%arg18 : memref<!tpu.dma_semaphore, #tpu.memory_space<semaphore_mem>>)
      %scan3A_259 = arith.constant 0 : i32
      %scan3A_260 = arith.constant 0 : i32
      %scan3A_261 = arith.constant 6 : i32
      %scan3A_262 = arith.addi %scan3A_260, %scan3A_261 : i32
      %scan3A_263 = arith.constant 1 : i32
      %scan3A_264 = scf.for %scan3A_351 = %scan3A_260 to %scan3A_262 step %scan3A_263 iter_args(%scan3A_352 = %scan3A_259) -> (i32)  : i32 {
        %mul3A_353 = arith.constant 4 : i32
        %mul3A_354 = arith.muli %mul3A_353, %scan3A_351 : i32
        %add3A_355 = arith.constant 0 : i32
        %add3A_356 = arith.addi %mul3A_354, %add3A_355 : i32
        %mul3A_357 = arith.constant 128 : i32
        %mul3A_358 = arith.muli %add3A_356, %mul3A_357 : i32
        %dma_wait3A_359 = tpu.memref_slice %arg8[%mul3A_358] : memref<3584xi32, #tpu.memory_space<vmem>> -> memref<128xi32, #tpu.memory_space<vmem>>
        %dma_wait3A_360 = arith.constant 0 : i32
        %dma_wait3A_361 = tpu.memref_slice %arg2[%mul3A_7, %dma_wait3A_360] : memref<400000x32xf32, #tpu.memory_space<hbm>> -> memref<50000x32xf32, #tpu.memory_space<hbm>>
        %dma_wait3A_362 = arith.constant 0 : i32
        %dma_wait3A_363 = arith.constant 0 : i32
        %dma_wait3A_364 = tpu.memref_slice %dma_wait3A_361[%dma_wait3A_362, %dma_wait3A_363] : memref<50000x32xf32, #tpu.memory_space<hbm>> -> memref<50000x32xf32, #tpu.memory_space<hbm>>
        tpu.wait_indirect_dma semaphore(%arg15 : memref<!tpu.dma_semaphore, #tpu.memory_space<semaphore_mem>>) src(%dma_wait3A_364 : memref<50000x32xf32, #tpu.memory_space<hbm>>) dst(%arg10 : memref<128x32xf32, #tpu.memory_space<vmem>>)
        %dma_start3A_365 = arith.constant 0 : i32
        %dma_start3A_366 = tpu.memref_slice %arg9[%add3A_356, %dma_start3A_365] : memref<28x128xi32, #tpu.memory_space<vmem>> -> memref<1x128xi32, #tpu.memory_space<vmem>>
        %dma_start3A_367 = tpu.memref_squeeze %dma_start3A_366 : memref<1x128xi32, #tpu.memory_space<vmem>> -> memref<128xi32, #tpu.memory_space<vmem>>
        %dma_start3A_368 = arith.constant 0 : i32
        %dma_start3A_369 = arith.constant 0 : i32
        %dma_start3A_370 = tpu.memref_slice %arg7[%dma_start3A_368, %dma_start3A_369] : memref<50048x32xf32, #tpu.memory_space<vmem_shared>> -> memref<50048x32xf32, #tpu.memory_space<vmem_shared>>
        tpu.enqueue_indirect_dma source(%arg10 : memref<128x32xf32, #tpu.memory_space<vmem>>) target(%dma_start3A_370 : memref<50048x32xf32, #tpu.memory_space<vmem_shared>>) offsets(%dma_start3A_367 : memref<128xi32, #tpu.memory_space<vmem>>) semaphore(%arg19 : memref<!tpu.dma_semaphore, #tpu.memory_space<semaphore_mem>>) {add = true}
        %mul3A_371 = arith.constant 4 : i32
        %mul3A_372 = arith.muli %mul3A_371, %scan3A_351 : i32
        %add3A_373 = arith.constant 1 : i32
        %add3A_374 = arith.addi %mul3A_372, %add3A_373 : i32
        %mul3A_375 = arith.constant 128 : i32
        %mul3A_376 = arith.muli %add3A_374, %mul3A_375 : i32
        %dma_wait3A_377 = tpu.memref_slice %arg8[%mul3A_376] : memref<3584xi32, #tpu.memory_space<vmem>> -> memref<128xi32, #tpu.memory_space<vmem>>
        %dma_wait3A_378 = arith.constant 0 : i32
        %dma_wait3A_379 = tpu.memref_slice %arg2[%mul3A_7, %dma_wait3A_378] : memref<400000x32xf32, #tpu.memory_space<hbm>> -> memref<50000x32xf32, #tpu.memory_space<hbm>>
        %dma_wait3A_380 = arith.constant 0 : i32
        %dma_wait3A_381 = arith.constant 0 : i32
        %dma_wait3A_382 = tpu.memref_slice %dma_wait3A_379[%dma_wait3A_380, %dma_wait3A_381] : memref<50000x32xf32, #tpu.memory_space<hbm>> -> memref<50000x32xf32, #tpu.memory_space<hbm>>
        tpu.wait_indirect_dma semaphore(%arg16 : memref<!tpu.dma_semaphore, #tpu.memory_space<semaphore_mem>>) src(%dma_wait3A_382 : memref<50000x32xf32, #tpu.memory_space<hbm>>) dst(%arg11 : memref<128x32xf32, #tpu.memory_space<vmem>>)
        %dma_start3A_383 = arith.constant 0 : i32
        %dma_start3A_384 = tpu.memref_slice %arg9[%add3A_374, %dma_start3A_383] : memref<28x128xi32, #tpu.memory_space<vmem>> -> memref<1x128xi32, #tpu.memory_space<vmem>>
        %dma_start3A_385 = tpu.memref_squeeze %dma_start3A_384 : memref<1x128xi32, #tpu.memory_space<vmem>> -> memref<128xi32, #tpu.memory_space<vmem>>
        %dma_start3A_386 = arith.constant 0 : i32
        %dma_start3A_387 = arith.constant 0 : i32
        %dma_start3A_388 = tpu.memref_slice %arg7[%dma_start3A_386, %dma_start3A_387] : memref<50048x32xf32, #tpu.memory_space<vmem_shared>> -> memref<50048x32xf32, #tpu.memory_space<vmem_shared>>
        tpu.enqueue_indirect_dma source(%arg11 : memref<128x32xf32, #tpu.memory_space<vmem>>) target(%dma_start3A_388 : memref<50048x32xf32, #tpu.memory_space<vmem_shared>>) offsets(%dma_start3A_385 : memref<128xi32, #tpu.memory_space<vmem>>) semaphore(%arg20 : memref<!tpu.dma_semaphore, #tpu.memory_space<semaphore_mem>>) {add = true}
        %mul3A_389 = arith.constant 4 : i32
        %mul3A_390 = arith.muli %mul3A_389, %scan3A_351 : i32
        %add3A_391 = arith.constant 2 : i32
        %add3A_392 = arith.addi %mul3A_390, %add3A_391 : i32
        %mul3A_393 = arith.constant 128 : i32
        %mul3A_394 = arith.muli %add3A_392, %mul3A_393 : i32
        %dma_wait3A_395 = tpu.memref_slice %arg8[%mul3A_394] : memref<3584xi32, #tpu.memory_space<vmem>> -> memref<128xi32, #tpu.memory_space<vmem>>
        %dma_wait3A_396 = arith.constant 0 : i32
        %dma_wait3A_397 = tpu.memref_slice %arg2[%mul3A_7, %dma_wait3A_396] : memref<400000x32xf32, #tpu.memory_space<hbm>> -> memref<50000x32xf32, #tpu.memory_space<hbm>>
        %dma_wait3A_398 = arith.constant 0 : i32
        %dma_wait3A_399 = arith.constant 0 : i32
        %dma_wait3A_400 = tpu.memref_slice %dma_wait3A_397[%dma_wait3A_398, %dma_wait3A_399] : memref<50000x32xf32, #tpu.memory_space<hbm>> -> memref<50000x32xf32, #tpu.memory_space<hbm>>
        tpu.wait_indirect_dma semaphore(%arg17 : memref<!tpu.dma_semaphore, #tpu.memory_space<semaphore_mem>>) src(%dma_wait3A_400 : memref<50000x32xf32, #tpu.memory_space<hbm>>) dst(%arg12 : memref<128x32xf32, #tpu.memory_space<vmem>>)
        %dma_start3A_401 = arith.constant 0 : i32
        %dma_start3A_402 = tpu.memref_slice %arg9[%add3A_392, %dma_start3A_401] : memref<28x128xi32, #tpu.memory_space<vmem>> -> memref<1x128xi32, #tpu.memory_space<vmem>>
        %dma_start3A_403 = tpu.memref_squeeze %dma_start3A_402 : memref<1x128xi32, #tpu.memory_space<vmem>> -> memref<128xi32, #tpu.memory_space<vmem>>
        %dma_start3A_404 = arith.constant 0 : i32
        %dma_start3A_405 = arith.constant 0 : i32
        %dma_start3A_406 = tpu.memref_slice %arg7[%dma_start3A_404, %dma_start3A_405] : memref<50048x32xf32, #tpu.memory_space<vmem_shared>> -> memref<50048x32xf32, #tpu.memory_space<vmem_shared>>
        tpu.enqueue_indirect_dma source(%arg12 : memref<128x32xf32, #tpu.memory_space<vmem>>) target(%dma_start3A_406 : memref<50048x32xf32, #tpu.memory_space<vmem_shared>>) offsets(%dma_start3A_403 : memref<128xi32, #tpu.memory_space<vmem>>) semaphore(%arg21 : memref<!tpu.dma_semaphore, #tpu.memory_space<semaphore_mem>>) {add = true}
        %mul3A_407 = arith.constant 4 : i32
        %mul3A_408 = arith.muli %mul3A_407, %scan3A_351 : i32
        %add3A_409 = arith.constant 3 : i32
        %add3A_410 = arith.addi %mul3A_408, %add3A_409 : i32
        %mul3A_411 = arith.constant 128 : i32
        %mul3A_412 = arith.muli %add3A_410, %mul3A_411 : i32
        %dma_wait3A_413 = tpu.memref_slice %arg8[%mul3A_412] : memref<3584xi32, #tpu.memory_space<vmem>> -> memref<128xi32, #tpu.memory_space<vmem>>
        %dma_wait3A_414 = arith.constant 0 : i32
        %dma_wait3A_415 = tpu.memref_slice %arg2[%mul3A_7, %dma_wait3A_414] : memref<400000x32xf32, #tpu.memory_space<hbm>> -> memref<50000x32xf32, #tpu.memory_space<hbm>>
        %dma_wait3A_416 = arith.constant 0 : i32
        %dma_wait3A_417 = arith.constant 0 : i32
        %dma_wait3A_418 = tpu.memref_slice %dma_wait3A_415[%dma_wait3A_416, %dma_wait3A_417] : memref<50000x32xf32, #tpu.memory_space<hbm>> -> memref<50000x32xf32, #tpu.memory_space<hbm>>
        tpu.wait_indirect_dma semaphore(%arg18 : memref<!tpu.dma_semaphore, #tpu.memory_space<semaphore_mem>>) src(%dma_wait3A_418 : memref<50000x32xf32, #tpu.memory_space<hbm>>) dst(%arg13 : memref<128x32xf32, #tpu.memory_space<vmem>>)
        %dma_start3A_419 = arith.constant 0 : i32
        %dma_start3A_420 = tpu.memref_slice %arg9[%add3A_410, %dma_start3A_419] : memref<28x128xi32, #tpu.memory_space<vmem>> -> memref<1x128xi32, #tpu.memory_space<vmem>>
        %dma_start3A_421 = tpu.memref_squeeze %dma_start3A_420 : memref<1x128xi32, #tpu.memory_space<vmem>> -> memref<128xi32, #tpu.memory_space<vmem>>
        %dma_start3A_422 = arith.constant 0 : i32
        %dma_start3A_423 = arith.constant 0 : i32
        %dma_start3A_424 = tpu.memref_slice %arg7[%dma_start3A_422, %dma_start3A_423] : memref<50048x32xf32, #tpu.memory_space<vmem_shared>> -> memref<50048x32xf32, #tpu.memory_space<vmem_shared>>
        tpu.enqueue_indirect_dma source(%arg13 : memref<128x32xf32, #tpu.memory_space<vmem>>) target(%dma_start3A_424 : memref<50048x32xf32, #tpu.memory_space<vmem_shared>>) offsets(%dma_start3A_421 : memref<128xi32, #tpu.memory_space<vmem>>) semaphore(%arg22 : memref<!tpu.dma_semaphore, #tpu.memory_space<semaphore_mem>>) {add = true}
        %add3A_425 = arith.constant 1 : i32
        %add3A_426 = arith.addi %scan3A_351, %add3A_425 : i32
        %mul3A_427 = arith.constant 4 : i32
        %mul3A_428 = arith.muli %mul3A_427, %add3A_426 : i32
        %add3A_429 = arith.constant 0 : i32
        %add3A_430 = arith.addi %mul3A_428, %add3A_429 : i32
        %dma_wait3A_431 = arith.constant 0 : i32
        %dma_wait3A_432 = tpu.memref_slice %arg9[%add3A_430, %dma_wait3A_431] : memref<28x128xi32, #tpu.memory_space<vmem>> -> memref<1x128xi32, #tpu.memory_space<vmem>>
        %dma_wait3A_433 = tpu.memref_squeeze %dma_wait3A_432 : memref<1x128xi32, #tpu.memory_space<vmem>> -> memref<128xi32, #tpu.memory_space<vmem>>
        %dma_wait3A_434 = arith.constant 0 : i32
        %dma_wait3A_435 = arith.constant 0 : i32
        %dma_wait3A_436 = tpu.memref_slice %arg7[%dma_wait3A_434, %dma_wait3A_435] : memref<50048x32xf32, #tpu.memory_space<vmem_shared>> -> memref<50048x32xf32, #tpu.memory_space<vmem_shared>>
        tpu.wait_indirect_dma semaphore(%arg19 : memref<!tpu.dma_semaphore, #tpu.memory_space<semaphore_mem>>) src(%arg10 : memref<128x32xf32, #tpu.memory_space<vmem>>) dst(%dma_wait3A_436 : memref<50048x32xf32, #tpu.memory_space<vmem_shared>>)
        %mul3A_437 = arith.constant 128 : i32
        %mul3A_438 = arith.muli %add3A_430, %mul3A_437 : i32
        %dma_start3A_439 = tpu.memref_slice %arg8[%mul3A_438] : memref<3584xi32, #tpu.memory_space<vmem>> -> memref<128xi32, #tpu.memory_space<vmem>>
        %dma_start3A_440 = arith.constant 0 : i32
        %dma_start3A_441 = tpu.memref_slice %arg2[%mul3A_7, %dma_start3A_440] : memref<400000x32xf32, #tpu.memory_space<hbm>> -> memref<50000x32xf32, #tpu.memory_space<hbm>>
        %dma_start3A_442 = arith.constant 0 : i32
        %dma_start3A_443 = arith.constant 0 : i32
        %dma_start3A_444 = tpu.memref_slice %dma_start3A_441[%dma_start3A_442, %dma_start3A_443] : memref<50000x32xf32, #tpu.memory_space<hbm>> -> memref<50000x32xf32, #tpu.memory_space<hbm>>
        tpu.enqueue_indirect_dma source(%dma_start3A_444 : memref<50000x32xf32, #tpu.memory_space<hbm>>) target(%arg10 : memref<128x32xf32, #tpu.memory_space<vmem>>) offsets(%dma_start3A_439 : memref<128xi32, #tpu.memory_space<vmem>>) semaphore(%arg15 : memref<!tpu.dma_semaphore, #tpu.memory_space<semaphore_mem>>)
        %add3A_445 = arith.constant 1 : i32
        %add3A_446 = arith.addi %scan3A_351, %add3A_445 : i32
        %mul3A_447 = arith.constant 4 : i32
        %mul3A_448 = arith.muli %mul3A_447, %add3A_446 : i32
        %add3A_449 = arith.constant 1 : i32
        %add3A_450 = arith.addi %mul3A_448, %add3A_449 : i32
        %dma_wait3A_451 = arith.constant 0 : i32
        %dma_wait3A_452 = tpu.memref_slice %arg9[%add3A_450, %dma_wait3A_451] : memref<28x128xi32, #tpu.memory_space<vmem>> -> memref<1x128xi32, #tpu.memory_space<vmem>>
        %dma_wait3A_453 = tpu.memref_squeeze %dma_wait3A_452 : memref<1x128xi32, #tpu.memory_space<vmem>> -> memref<128xi32, #tpu.memory_space<vmem>>
        %dma_wait3A_454 = arith.constant 0 : i32
        %dma_wait3A_455 = arith.constant 0 : i32
        %dma_wait3A_456 = tpu.memref_slice %arg7[%dma_wait3A_454, %dma_wait3A_455] : memref<50048x32xf32, #tpu.memory_space<vmem_shared>> -> memref<50048x32xf32, #tpu.memory_space<vmem_shared>>
        tpu.wait_indirect_dma semaphore(%arg20 : memref<!tpu.dma_semaphore, #tpu.memory_space<semaphore_mem>>) src(%arg11 : memref<128x32xf32, #tpu.memory_space<vmem>>) dst(%dma_wait3A_456 : memref<50048x32xf32, #tpu.memory_space<vmem_shared>>)
        %mul3A_457 = arith.constant 128 : i32
        %mul3A_458 = arith.muli %add3A_450, %mul3A_457 : i32
        %dma_start3A_459 = tpu.memref_slice %arg8[%mul3A_458] : memref<3584xi32, #tpu.memory_space<vmem>> -> memref<128xi32, #tpu.memory_space<vmem>>
        %dma_start3A_460 = arith.constant 0 : i32
        %dma_start3A_461 = tpu.memref_slice %arg2[%mul3A_7, %dma_start3A_460] : memref<400000x32xf32, #tpu.memory_space<hbm>> -> memref<50000x32xf32, #tpu.memory_space<hbm>>
        %dma_start3A_462 = arith.constant 0 : i32
        %dma_start3A_463 = arith.constant 0 : i32
        %dma_start3A_464 = tpu.memref_slice %dma_start3A_461[%dma_start3A_462, %dma_start3A_463] : memref<50000x32xf32, #tpu.memory_space<hbm>> -> memref<50000x32xf32, #tpu.memory_space<hbm>>
        tpu.enqueue_indirect_dma source(%dma_start3A_464 : memref<50000x32xf32, #tpu.memory_space<hbm>>) target(%arg11 : memref<128x32xf32, #tpu.memory_space<vmem>>) offsets(%dma_start3A_459 : memref<128xi32, #tpu.memory_space<vmem>>) semaphore(%arg16 : memref<!tpu.dma_semaphore, #tpu.memory_space<semaphore_mem>>)
        %add3A_465 = arith.constant 1 : i32
        %add3A_466 = arith.addi %scan3A_351, %add3A_465 : i32
        %mul3A_467 = arith.constant 4 : i32
        %mul3A_468 = arith.muli %mul3A_467, %add3A_466 : i32
        %add3A_469 = arith.constant 2 : i32
        %add3A_470 = arith.addi %mul3A_468, %add3A_469 : i32
        %dma_wait3A_471 = arith.constant 0 : i32
        %dma_wait3A_472 = tpu.memref_slice %arg9[%add3A_470, %dma_wait3A_471] : memref<28x128xi32, #tpu.memory_space<vmem>> -> memref<1x128xi32, #tpu.memory_space<vmem>>
        %dma_wait3A_473 = tpu.memref_squeeze %dma_wait3A_472 : memref<1x128xi32, #tpu.memory_space<vmem>> -> memref<128xi32, #tpu.memory_space<vmem>>
        %dma_wait3A_474 = arith.constant 0 : i32
        %dma_wait3A_475 = arith.constant 0 : i32
        %dma_wait3A_476 = tpu.memref_slice %arg7[%dma_wait3A_474, %dma_wait3A_475] : memref<50048x32xf32, #tpu.memory_space<vmem_shared>> -> memref<50048x32xf32, #tpu.memory_space<vmem_shared>>
        tpu.wait_indirect_dma semaphore(%arg21 : memref<!tpu.dma_semaphore, #tpu.memory_space<semaphore_mem>>) src(%arg12 : memref<128x32xf32, #tpu.memory_space<vmem>>) dst(%dma_wait3A_476 : memref<50048x32xf32, #tpu.memory_space<vmem_shared>>)
        %mul3A_477 = arith.constant 128 : i32
        %mul3A_478 = arith.muli %add3A_470, %mul3A_477 : i32
        %dma_start3A_479 = tpu.memref_slice %arg8[%mul3A_478] : memref<3584xi32, #tpu.memory_space<vmem>> -> memref<128xi32, #tpu.memory_space<vmem>>
        %dma_start3A_480 = arith.constant 0 : i32
        %dma_start3A_481 = tpu.memref_slice %arg2[%mul3A_7, %dma_start3A_480] : memref<400000x32xf32, #tpu.memory_space<hbm>> -> memref<50000x32xf32, #tpu.memory_space<hbm>>
        %dma_start3A_482 = arith.constant 0 : i32
        %dma_start3A_483 = arith.constant 0 : i32
        %dma_start3A_484 = tpu.memref_slice %dma_start3A_481[%dma_start3A_482, %dma_start3A_483] : memref<50000x32xf32, #tpu.memory_space<hbm>> -> memref<50000x32xf32, #tpu.memory_space<hbm>>
        tpu.enqueue_indirect_dma source(%dma_start3A_484 : memref<50000x32xf32, #tpu.memory_space<hbm>>) target(%arg12 : memref<128x32xf32, #tpu.memory_space<vmem>>) offsets(%dma_start3A_479 : memref<128xi32, #tpu.memory_space<vmem>>) semaphore(%arg17 : memref<!tpu.dma_semaphore, #tpu.memory_space<semaphore_mem>>)
        %add3A_485 = arith.constant 1 : i32
        %add3A_486 = arith.addi %scan3A_351, %add3A_485 : i32
        %mul3A_487 = arith.constant 4 : i32
        %mul3A_488 = arith.muli %mul3A_487, %add3A_486 : i32
        %add3A_489 = arith.constant 3 : i32
        %add3A_490 = arith.addi %mul3A_488, %add3A_489 : i32
        %dma_wait3A_491 = arith.constant 0 : i32
        %dma_wait3A_492 = tpu.memref_slice %arg9[%add3A_490, %dma_wait3A_491] : memref<28x128xi32, #tpu.memory_space<vmem>> -> memref<1x128xi32, #tpu.memory_space<vmem>>
        %dma_wait3A_493 = tpu.memref_squeeze %dma_wait3A_492 : memref<1x128xi32, #tpu.memory_space<vmem>> -> memref<128xi32, #tpu.memory_space<vmem>>
        %dma_wait3A_494 = arith.constant 0 : i32
        %dma_wait3A_495 = arith.constant 0 : i32
        %dma_wait3A_496 = tpu.memref_slice %arg7[%dma_wait3A_494, %dma_wait3A_495] : memref<50048x32xf32, #tpu.memory_space<vmem_shared>> -> memref<50048x32xf32, #tpu.memory_space<vmem_shared>>
        tpu.wait_indirect_dma semaphore(%arg22 : memref<!tpu.dma_semaphore, #tpu.memory_space<semaphore_mem>>) src(%arg13 : memref<128x32xf32, #tpu.memory_space<vmem>>) dst(%dma_wait3A_496 : memref<50048x32xf32, #tpu.memory_space<vmem_shared>>)
        %mul3A_497 = arith.constant 128 : i32
        %mul3A_498 = arith.muli %add3A_490, %mul3A_497 : i32
        %dma_start3A_499 = tpu.memref_slice %arg8[%mul3A_498] : memref<3584xi32, #tpu.memory_space<vmem>> -> memref<128xi32, #tpu.memory_space<vmem>>
        %dma_start3A_500 = arith.constant 0 : i32
        %dma_start3A_501 = tpu.memref_slice %arg2[%mul3A_7, %dma_start3A_500] : memref<400000x32xf32, #tpu.memory_space<hbm>> -> memref<50000x32xf32, #tpu.memory_space<hbm>>
        %dma_start3A_502 = arith.constant 0 : i32
        %dma_start3A_503 = arith.constant 0 : i32
        %dma_start3A_504 = tpu.memref_slice %dma_start3A_501[%dma_start3A_502, %dma_start3A_503] : memref<50000x32xf32, #tpu.memory_space<hbm>> -> memref<50000x32xf32, #tpu.memory_space<hbm>>
        tpu.enqueue_indirect_dma source(%dma_start3A_504 : memref<50000x32xf32, #tpu.memory_space<hbm>>) target(%arg13 : memref<128x32xf32, #tpu.memory_space<vmem>>) offsets(%dma_start3A_499 : memref<128xi32, #tpu.memory_space<vmem>>) semaphore(%arg18 : memref<!tpu.dma_semaphore, #tpu.memory_space<semaphore_mem>>)
        %scan3A_505 = arith.constant 0 : i32
        scf.yield %scan3A_505 : i32
      }
      %scan3A_265 = arith.constant 6 : i32
      %dma_wait3A_266 = arith.constant 3072 : i32
      %dma_wait3A_267 = tpu.memref_slice %arg8[%dma_wait3A_266] : memref<3584xi32, #tpu.memory_space<vmem>> -> memref<128xi32, #tpu.memory_space<vmem>>
      %dma_wait3A_268 = arith.constant 0 : i32
      %dma_wait3A_269 = tpu.memref_slice %arg2[%mul3A_7, %dma_wait3A_268] : memref<400000x32xf32, #tpu.memory_space<hbm>> -> memref<50000x32xf32, #tpu.memory_space<hbm>>
      %dma_wait3A_270 = arith.constant 0 : i32
      %dma_wait3A_271 = arith.constant 0 : i32
      %dma_wait3A_272 = tpu.memref_slice %dma_wait3A_269[%dma_wait3A_270, %dma_wait3A_271] : memref<50000x32xf32, #tpu.memory_space<hbm>> -> memref<50000x32xf32, #tpu.memory_space<hbm>>
      tpu.wait_indirect_dma semaphore(%arg15 : memref<!tpu.dma_semaphore, #tpu.memory_space<semaphore_mem>>) src(%dma_wait3A_272 : memref<50000x32xf32, #tpu.memory_space<hbm>>) dst(%arg10 : memref<128x32xf32, #tpu.memory_space<vmem>>)
      %dma_start3A_273 = arith.constant 24 : i32
      %dma_start3A_274 = arith.constant 0 : i32
      %dma_start3A_275 = tpu.memref_slice %arg9[%dma_start3A_273, %dma_start3A_274] : memref<28x128xi32, #tpu.memory_space<vmem>> -> memref<1x128xi32, #tpu.memory_space<vmem>>
      %dma_start3A_276 = tpu.memref_squeeze %dma_start3A_275 : memref<1x128xi32, #tpu.memory_space<vmem>> -> memref<128xi32, #tpu.memory_space<vmem>>
      %dma_start3A_277 = arith.constant 0 : i32
      %dma_start3A_278 = arith.constant 0 : i32
      %dma_start3A_279 = tpu.memref_slice %arg7[%dma_start3A_277, %dma_start3A_278] : memref<50048x32xf32, #tpu.memory_space<vmem_shared>> -> memref<50048x32xf32, #tpu.memory_space<vmem_shared>>
      tpu.enqueue_indirect_dma source(%arg10 : memref<128x32xf32, #tpu.memory_space<vmem>>) target(%dma_start3A_279 : memref<50048x32xf32, #tpu.memory_space<vmem_shared>>) offsets(%dma_start3A_276 : memref<128xi32, #tpu.memory_space<vmem>>) semaphore(%arg19 : memref<!tpu.dma_semaphore, #tpu.memory_space<semaphore_mem>>) {add = true}
      %dma_wait3A_280 = arith.constant 3200 : i32
      %dma_wait3A_281 = tpu.memref_slice %arg8[%dma_wait3A_280] : memref<3584xi32, #tpu.memory_space<vmem>> -> memref<128xi32, #tpu.memory_space<vmem>>
      %dma_wait3A_282 = arith.constant 0 : i32
      %dma_wait3A_283 = tpu.memref_slice %arg2[%mul3A_7, %dma_wait3A_282] : memref<400000x32xf32, #tpu.memory_space<hbm>> -> memref<50000x32xf32, #tpu.memory_space<hbm>>
      %dma_wait3A_284 = arith.constant 0 : i32
      %dma_wait3A_285 = arith.constant 0 : i32
      %dma_wait3A_286 = tpu.memref_slice %dma_wait3A_283[%dma_wait3A_284, %dma_wait3A_285] : memref<50000x32xf32, #tpu.memory_space<hbm>> -> memref<50000x32xf32, #tpu.memory_space<hbm>>
      tpu.wait_indirect_dma semaphore(%arg16 : memref<!tpu.dma_semaphore, #tpu.memory_space<semaphore_mem>>) src(%dma_wait3A_286 : memref<50000x32xf32, #tpu.memory_space<hbm>>) dst(%arg11 : memref<128x32xf32, #tpu.memory_space<vmem>>)
      %dma_start3A_287 = arith.constant 25 : i32
      %dma_start3A_288 = arith.constant 0 : i32
      %dma_start3A_289 = tpu.memref_slice %arg9[%dma_start3A_287, %dma_start3A_288] : memref<28x128xi32, #tpu.memory_space<vmem>> -> memref<1x128xi32, #tpu.memory_space<vmem>>
      %dma_start3A_290 = tpu.memref_squeeze %dma_start3A_289 : memref<1x128xi32, #tpu.memory_space<vmem>> -> memref<128xi32, #tpu.memory_space<vmem>>
      %dma_start3A_291 = arith.constant 0 : i32
      %dma_start3A_292 = arith.constant 0 : i32
      %dma_start3A_293 = tpu.memref_slice %arg7[%dma_start3A_291, %dma_start3A_292] : memref<50048x32xf32, #tpu.memory_space<vmem_shared>> -> memref<50048x32xf32, #tpu.memory_space<vmem_shared>>
      tpu.enqueue_indirect_dma source(%arg11 : memref<128x32xf32, #tpu.memory_space<vmem>>) target(%dma_start3A_293 : memref<50048x32xf32, #tpu.memory_space<vmem_shared>>) offsets(%dma_start3A_290 : memref<128xi32, #tpu.memory_space<vmem>>) semaphore(%arg20 : memref<!tpu.dma_semaphore, #tpu.memory_space<semaphore_mem>>) {add = true}
      %dma_wait3A_294 = arith.constant 3328 : i32
      %dma_wait3A_295 = tpu.memref_slice %arg8[%dma_wait3A_294] : memref<3584xi32, #tpu.memory_space<vmem>> -> memref<128xi32, #tpu.memory_space<vmem>>
      %dma_wait3A_296 = arith.constant 0 : i32
      %dma_wait3A_297 = tpu.memref_slice %arg2[%mul3A_7, %dma_wait3A_296] : memref<400000x32xf32, #tpu.memory_space<hbm>> -> memref<50000x32xf32, #tpu.memory_space<hbm>>
      %dma_wait3A_298 = arith.constant 0 : i32
      %dma_wait3A_299 = arith.constant 0 : i32
      %dma_wait3A_300 = tpu.memref_slice %dma_wait3A_297[%dma_wait3A_298, %dma_wait3A_299] : memref<50000x32xf32, #tpu.memory_space<hbm>> -> memref<50000x32xf32, #tpu.memory_space<hbm>>
      tpu.wait_indirect_dma semaphore(%arg17 : memref<!tpu.dma_semaphore, #tpu.memory_space<semaphore_mem>>) src(%dma_wait3A_300 : memref<50000x32xf32, #tpu.memory_space<hbm>>) dst(%arg12 : memref<128x32xf32, #tpu.memory_space<vmem>>)
      %dma_start3A_301 = arith.constant 26 : i32
      %dma_start3A_302 = arith.constant 0 : i32
      %dma_start3A_303 = tpu.memref_slice %arg9[%dma_start3A_301, %dma_start3A_302] : memref<28x128xi32, #tpu.memory_space<vmem>> -> memref<1x128xi32, #tpu.memory_space<vmem>>
      %dma_start3A_304 = tpu.memref_squeeze %dma_start3A_303 : memref<1x128xi32, #tpu.memory_space<vmem>> -> memref<128xi32, #tpu.memory_space<vmem>>
      %dma_start3A_305 = arith.constant 0 : i32
      %dma_start3A_306 = arith.constant 0 : i32
      %dma_start3A_307 = tpu.memref_slice %arg7[%dma_start3A_305, %dma_start3A_306] : memref<50048x32xf32, #tpu.memory_space<vmem_shared>> -> memref<50048x32xf32, #tpu.memory_space<vmem_shared>>
      tpu.enqueue_indirect_dma source(%arg12 : memref<128x32xf32, #tpu.memory_space<vmem>>) target(%dma_start3A_307 : memref<50048x32xf32, #tpu.memory_space<vmem_shared>>) offsets(%dma_start3A_304 : memref<128xi32, #tpu.memory_space<vmem>>) semaphore(%arg21 : memref<!tpu.dma_semaphore, #tpu.memory_space<semaphore_mem>>) {add = true}
      %dma_wait3A_308 = arith.constant 3456 : i32
      %dma_wait3A_309 = tpu.memref_slice %arg8[%dma_wait3A_308] : memref<3584xi32, #tpu.memory_space<vmem>> -> memref<128xi32, #tpu.memory_space<vmem>>
      %dma_wait3A_310 = arith.constant 0 : i32
      %dma_wait3A_311 = tpu.memref_slice %arg2[%mul3A_7, %dma_wait3A_310] : memref<400000x32xf32, #tpu.memory_space<hbm>> -> memref<50000x32xf32, #tpu.memory_space<hbm>>
      %dma_wait3A_312 = arith.constant 0 : i32
      %dma_wait3A_313 = arith.constant 0 : i32
      %dma_wait3A_314 = tpu.memref_slice %dma_wait3A_311[%dma_wait3A_312, %dma_wait3A_313] : memref<50000x32xf32, #tpu.memory_space<hbm>> -> memref<50000x32xf32, #tpu.memory_space<hbm>>
      tpu.wait_indirect_dma semaphore(%arg18 : memref<!tpu.dma_semaphore, #tpu.memory_space<semaphore_mem>>) src(%dma_wait3A_314 : memref<50000x32xf32, #tpu.memory_space<hbm>>) dst(%arg13 : memref<128x32xf32, #tpu.memory_space<vmem>>)
      %dma_start3A_315 = arith.constant 27 : i32
      %dma_start3A_316 = arith.constant 0 : i32
      %dma_start3A_317 = tpu.memref_slice %arg9[%dma_start3A_315, %dma_start3A_316] : memref<28x128xi32, #tpu.memory_space<vmem>> -> memref<1x128xi32, #tpu.memory_space<vmem>>
      %dma_start3A_318 = tpu.memref_squeeze %dma_start3A_317 : memref<1x128xi32, #tpu.memory_space<vmem>> -> memref<128xi32, #tpu.memory_space<vmem>>
      %dma_start3A_319 = arith.constant 0 : i32
      %dma_start3A_320 = arith.constant 0 : i32
      %dma_start3A_321 = tpu.memref_slice %arg7[%dma_start3A_319, %dma_start3A_320] : memref<50048x32xf32, #tpu.memory_space<vmem_shared>> -> memref<50048x32xf32, #tpu.memory_space<vmem_shared>>
      tpu.enqueue_indirect_dma source(%arg13 : memref<128x32xf32, #tpu.memory_space<vmem>>) target(%dma_start3A_321 : memref<50048x32xf32, #tpu.memory_space<vmem_shared>>) offsets(%dma_start3A_318 : memref<128xi32, #tpu.memory_space<vmem>>) semaphore(%arg22 : memref<!tpu.dma_semaphore, #tpu.memory_space<semaphore_mem>>) {add = true}
      %dma_wait3A_322 = arith.constant 0 : i32
      %dma_wait3A_323 = arith.constant 0 : i32
      %dma_wait3A_324 = tpu.memref_slice %arg9[%dma_wait3A_322, %dma_wait3A_323] : memref<28x128xi32, #tpu.memory_space<vmem>> -> memref<1x128xi32, #tpu.memory_space<vmem>>
      %dma_wait3A_325 = tpu.memref_squeeze %dma_wait3A_324 : memref<1x128xi32, #tpu.memory_space<vmem>> -> memref<128xi32, #tpu.memory_space<vmem>>
      %dma_wait3A_326 = arith.constant 0 : i32
      %dma_wait3A_327 = arith.constant 0 : i32
      %dma_wait3A_328 = tpu.memref_slice %arg7[%dma_wait3A_326, %dma_wait3A_327] : memref<50048x32xf32, #tpu.memory_space<vmem_shared>> -> memref<50048x32xf32, #tpu.memory_space<vmem_shared>>
      tpu.wait_indirect_dma semaphore(%arg19 : memref<!tpu.dma_semaphore, #tpu.memory_space<semaphore_mem>>) src(%arg10 : memref<128x32xf32, #tpu.memory_space<vmem>>) dst(%dma_wait3A_328 : memref<50048x32xf32, #tpu.memory_space<vmem_shared>>)
      %dma_wait3A_329 = arith.constant 0 : i32
      %dma_wait3A_330 = arith.constant 0 : i32
      %dma_wait3A_331 = tpu.memref_slice %arg9[%dma_wait3A_329, %dma_wait3A_330] : memref<28x128xi32, #tpu.memory_space<vmem>> -> memref<1x128xi32, #tpu.memory_space<vmem>>
      %dma_wait3A_332 = tpu.memref_squeeze %dma_wait3A_331 : memref<1x128xi32, #tpu.memory_space<vmem>> -> memref<128xi32, #tpu.memory_space<vmem>>
      %dma_wait3A_333 = arith.constant 0 : i32
      %dma_wait3A_334 = arith.constant 0 : i32
      %dma_wait3A_335 = tpu.memref_slice %arg7[%dma_wait3A_333, %dma_wait3A_334] : memref<50048x32xf32, #tpu.memory_space<vmem_shared>> -> memref<50048x32xf32, #tpu.memory_space<vmem_shared>>
      tpu.wait_indirect_dma semaphore(%arg20 : memref<!tpu.dma_semaphore, #tpu.memory_space<semaphore_mem>>) src(%arg11 : memref<128x32xf32, #tpu.memory_space<vmem>>) dst(%dma_wait3A_335 : memref<50048x32xf32, #tpu.memory_space<vmem_shared>>)
      %dma_wait3A_336 = arith.constant 0 : i32
      %dma_wait3A_337 = arith.constant 0 : i32
      %dma_wait3A_338 = tpu.memref_slice %arg9[%dma_wait3A_336, %dma_wait3A_337] : memref<28x128xi32, #tpu.memory_space<vmem>> -> memref<1x128xi32, #tpu.memory_space<vmem>>
      %dma_wait3A_339 = tpu.memref_squeeze %dma_wait3A_338 : memref<1x128xi32, #tpu.memory_space<vmem>> -> memref<128xi32, #tpu.memory_space<vmem>>
      %dma_wait3A_340 = arith.constant 0 : i32
      %dma_wait3A_341 = arith.constant 0 : i32
      %dma_wait3A_342 = tpu.memref_slice %arg7[%dma_wait3A_340, %dma_wait3A_341] : memref<50048x32xf32, #tpu.memory_space<vmem_shared>> -> memref<50048x32xf32, #tpu.memory_space<vmem_shared>>
      tpu.wait_indirect_dma semaphore(%arg21 : memref<!tpu.dma_semaphore, #tpu.memory_space<semaphore_mem>>) src(%arg12 : memref<128x32xf32, #tpu.memory_space<vmem>>) dst(%dma_wait3A_342 : memref<50048x32xf32, #tpu.memory_space<vmem_shared>>)
      %dma_wait3A_343 = arith.constant 0 : i32
      %dma_wait3A_344 = arith.constant 0 : i32
      %dma_wait3A_345 = tpu.memref_slice %arg9[%dma_wait3A_343, %dma_wait3A_344] : memref<28x128xi32, #tpu.memory_space<vmem>> -> memref<1x128xi32, #tpu.memory_space<vmem>>
      %dma_wait3A_346 = tpu.memref_squeeze %dma_wait3A_345 : memref<1x128xi32, #tpu.memory_space<vmem>> -> memref<128xi32, #tpu.memory_space<vmem>>
      %dma_wait3A_347 = arith.constant 0 : i32
      %dma_wait3A_348 = arith.constant 0 : i32
      %dma_wait3A_349 = tpu.memref_slice %arg7[%dma_wait3A_347, %dma_wait3A_348] : memref<50048x32xf32, #tpu.memory_space<vmem_shared>> -> memref<50048x32xf32, #tpu.memory_space<vmem_shared>>
      tpu.wait_indirect_dma semaphore(%arg22 : memref<!tpu.dma_semaphore, #tpu.memory_space<semaphore_mem>>) src(%arg13 : memref<128x32xf32, #tpu.memory_space<vmem>>) dst(%dma_wait3A_349 : memref<50048x32xf32, #tpu.memory_space<vmem_shared>>)
      %scan3A_350 = arith.constant 0 : i32
      scf.yield %scan3A_350 : i32
    }
    %scan3A_29 = arith.constant 14 : i32
    %barrier3A_30 = arith.constant 0 : index
    tpu.barrier barrier_id(%barrier3A_30)
    %scan3A_31 = arith.constant 0 : i32
    %scan3A_32 = arith.constant 0 : i32
    %scan3A_33 = arith.constant 12 : i32
    %scan3A_34 = arith.addi %scan3A_32, %scan3A_33 : i32
    %scan3A_35 = arith.constant 1 : i32
    %scan3A_36 = scf.for %scan3A_211 = %scan3A_32 to %scan3A_34 step %scan3A_35 iter_args(%scan3A_212 = %scan3A_31) -> (i32)  : i32 {
      %mul3A_213 = arith.constant 2 : i32
      %mul3A_214 = arith.muli %mul3A_213, %scan3A_211 : i32
      %add3A_215 = arith.constant 0 : i32
      %add3A_216 = arith.addi %mul3A_214, %add3A_215 : i32
      %mul3A_217 = arith.constant 128 : i32
      %mul3A_218 = arith.muli %add3A_216, %mul3A_217 : i32
      %add3A_219 = arith.addi %mul3A_2, %mul3A_218 : i32
      %gt3A = arith.constant 0 : i32
      %gt3A_220 = arith.cmpi sgt, %scan3A_211, %gt3A : i32
      %convert_element_type3A = arith.extui %gt3A_220 : i1 to i32
      %cond3A = arith.constant 0 : i32
      %cond3A_221 = arith.cmpi ne, %convert_element_type3A, %cond3A : i32
      scf.if %cond3A_221 {
        %sub3A = arith.constant 256 : i32
        %sub3A_276 = arith.subi %add3A_219, %sub3A : i32
        %dma_wait3A_277 = arith.constant 0 : i32
        %dma_wait3A_278 = tpu.memref_slice %arg6[%add3A_5, %sub3A_276, %dma_wait3A_277] : memref<8x50048x32xf32, #tpu.memory_space<hbm>> -> memref<1x128x32xf32, #tpu.memory_space<hbm>>
        %dma_wait3A_279 = tpu.memref_squeeze %dma_wait3A_278 : memref<1x128x32xf32, #tpu.memory_space<hbm>> -> memref<128x32xf32, #tpu.memory_space<hbm>>
        %dma_wait3A_280 = arith.constant 0 : i32
        %dma_wait3A_281 = tpu.memref_slice %arg6[%add3A_5, %sub3A_276, %dma_wait3A_280] : memref<8x50048x32xf32, #tpu.memory_space<hbm>> -> memref<1x128x32xf32, #tpu.memory_space<hbm>>
        %dma_wait3A_282 = tpu.memref_squeeze %dma_wait3A_281 : memref<1x128x32xf32, #tpu.memory_space<hbm>> -> memref<128x32xf32, #tpu.memory_space<hbm>>
        tpu.wait_dma2 semaphore(%arg19 : memref<!tpu.dma_semaphore, #tpu.memory_space<semaphore_mem>>) src(%arg10 : memref<128x32xf32, #tpu.memory_space<vmem>>) dst(%dma_wait3A_282 : memref<128x32xf32, #tpu.memory_space<hbm>>)
      } else {
      }
      %dma_start3A = arith.constant 0 : i32
      %dma_start3A_222 = tpu.memref_slice %arg7[%add3A_219, %dma_start3A] : memref<50048x32xf32, #tpu.memory_space<vmem_shared>> -> memref<128x32xf32, #tpu.memory_space<vmem_shared>>
      %dma_start3A_223 = arith.constant 0 : i32
      %dma_start3A_224 = tpu.memref_slice %arg7[%add3A_219, %dma_start3A_223] : memref<50048x32xf32, #tpu.memory_space<vmem_shared>> -> memref<128x32xf32, #tpu.memory_space<vmem_shared>>
      tpu.enqueue_dma source(%dma_start3A_224 : memref<128x32xf32, #tpu.memory_space<vmem_shared>>) target(%arg10 : memref<128x32xf32, #tpu.memory_space<vmem>>) target_semaphore(%arg15 : memref<!tpu.dma_semaphore, #tpu.memory_space<semaphore_mem>>)
      %mul3A_225 = arith.constant 2 : i32
      %mul3A_226 = arith.muli %mul3A_225, %scan3A_211 : i32
      %add3A_227 = arith.constant 1 : i32
      %add3A_228 = arith.addi %mul3A_226, %add3A_227 : i32
      %mul3A_229 = arith.constant 128 : i32
      %mul3A_230 = arith.muli %add3A_228, %mul3A_229 : i32
      %add3A_231 = arith.addi %mul3A_2, %mul3A_230 : i32
      %gt3A_232 = arith.constant 0 : i32
      %gt3A_233 = arith.cmpi sgt, %scan3A_211, %gt3A_232 : i32
      %convert_element_type3A_234 = arith.extui %gt3A_233 : i1 to i32
      %cond3A_235 = arith.constant 0 : i32
      %cond3A_236 = arith.cmpi ne, %convert_element_type3A_234, %cond3A_235 : i32
      scf.if %cond3A_236 {
        %sub3A = arith.constant 256 : i32
        %sub3A_276 = arith.subi %add3A_231, %sub3A : i32
        %dma_wait3A_277 = arith.constant 0 : i32
        %dma_wait3A_278 = tpu.memref_slice %arg6[%add3A_5, %sub3A_276, %dma_wait3A_277] : memref<8x50048x32xf32, #tpu.memory_space<hbm>> -> memref<1x128x32xf32, #tpu.memory_space<hbm>>
        %dma_wait3A_279 = tpu.memref_squeeze %dma_wait3A_278 : memref<1x128x32xf32, #tpu.memory_space<hbm>> -> memref<128x32xf32, #tpu.memory_space<hbm>>
        %dma_wait3A_280 = arith.constant 0 : i32
        %dma_wait3A_281 = tpu.memref_slice %arg6[%add3A_5, %sub3A_276, %dma_wait3A_280] : memref<8x50048x32xf32, #tpu.memory_space<hbm>> -> memref<1x128x32xf32, #tpu.memory_space<hbm>>
        %dma_wait3A_282 = tpu.memref_squeeze %dma_wait3A_281 : memref<1x128x32xf32, #tpu.memory_space<hbm>> -> memref<128x32xf32, #tpu.memory_space<hbm>>
        tpu.wait_dma2 semaphore(%arg20 : memref<!tpu.dma_semaphore, #tpu.memory_space<semaphore_mem>>) src(%arg11 : memref<128x32xf32, #tpu.memory_space<vmem>>) dst(%dma_wait3A_282 : memref<128x32xf32, #tpu.memory_space<hbm>>)
      } else {
      }
      %dma_start3A_237 = arith.constant 0 : i32
      %dma_start3A_238 = tpu.memref_slice %arg7[%add3A_231, %dma_start3A_237] : memref<50048x32xf32, #tpu.memory_space<vmem_shared>> -> memref<128x32xf32, #tpu.memory_space<vmem_shared>>
      %dma_start3A_239 = arith.constant 0 : i32
      %dma_start3A_240 = tpu.memref_slice %arg7[%add3A_231, %dma_start3A_239] : memref<50048x32xf32, #tpu.memory_space<vmem_shared>> -> memref<128x32xf32, #tpu.memory_space<vmem_shared>>
      tpu.enqueue_dma source(%dma_start3A_240 : memref<128x32xf32, #tpu.memory_space<vmem_shared>>) target(%arg11 : memref<128x32xf32, #tpu.memory_space<vmem>>) target_semaphore(%arg16 : memref<!tpu.dma_semaphore, #tpu.memory_space<semaphore_mem>>)
      %mul3A_241 = arith.constant 2 : i32
      %mul3A_242 = arith.muli %mul3A_241, %scan3A_211 : i32
      %add3A_243 = arith.constant 0 : i32
      %add3A_244 = arith.addi %mul3A_242, %add3A_243 : i32
      %mul3A_245 = arith.constant 128 : i32
      %mul3A_246 = arith.muli %add3A_244, %mul3A_245 : i32
      %add3A_247 = arith.addi %mul3A_2, %mul3A_246 : i32
      %dma_wait3A_248 = arith.constant 0 : i32
      %dma_wait3A_249 = tpu.memref_slice %arg7[%add3A_247, %dma_wait3A_248] : memref<50048x32xf32, #tpu.memory_space<vmem_shared>> -> memref<128x32xf32, #tpu.memory_space<vmem_shared>>
      %dma_wait3A_250 = arith.constant 0 : i32
      %dma_wait3A_251 = tpu.memref_slice %arg7[%add3A_247, %dma_wait3A_250] : memref<50048x32xf32, #tpu.memory_space<vmem_shared>> -> memref<128x32xf32, #tpu.memory_space<vmem_shared>>
      tpu.wait_dma2 semaphore(%arg15 : memref<!tpu.dma_semaphore, #tpu.memory_space<semaphore_mem>>) src(%dma_wait3A_251 : memref<128x32xf32, #tpu.memory_space<vmem_shared>>) dst(%arg10 : memref<128x32xf32, #tpu.memory_space<vmem>>)
      %dma_start3A_252 = arith.constant 0 : i32
      %dma_start3A_253 = tpu.memref_slice %arg6[%add3A_5, %add3A_247, %dma_start3A_252] : memref<8x50048x32xf32, #tpu.memory_space<hbm>> -> memref<1x128x32xf32, #tpu.memory_space<hbm>>
      %dma_start3A_254 = tpu.memref_squeeze %dma_start3A_253 : memref<1x128x32xf32, #tpu.memory_space<hbm>> -> memref<128x32xf32, #tpu.memory_space<hbm>>
      %dma_start3A_255 = arith.constant 0 : i32
      %dma_start3A_256 = tpu.memref_slice %arg6[%add3A_5, %add3A_247, %dma_start3A_255] : memref<8x50048x32xf32, #tpu.memory_space<hbm>> -> memref<1x128x32xf32, #tpu.memory_space<hbm>>
      %dma_start3A_257 = tpu.memref_squeeze %dma_start3A_256 : memref<1x128x32xf32, #tpu.memory_space<hbm>> -> memref<128x32xf32, #tpu.memory_space<hbm>>
      tpu.enqueue_dma source(%arg10 : memref<128x32xf32, #tpu.memory_space<vmem>>) target(%dma_start3A_257 : memref<128x32xf32, #tpu.memory_space<hbm>>) target_semaphore(%arg19 : memref<!tpu.dma_semaphore, #tpu.memory_space<semaphore_mem>>)
      %mul3A_258 = arith.constant 2 : i32
      %mul3A_259 = arith.muli %mul3A_258, %scan3A_211 : i32
      %add3A_260 = arith.constant 1 : i32
      %add3A_261 = arith.addi %mul3A_259, %add3A_260 : i32
      %mul3A_262 = arith.constant 128 : i32
      %mul3A_263 = arith.muli %add3A_261, %mul3A_262 : i32
      %add3A_264 = arith.addi %mul3A_2, %mul3A_263 : i32
      %dma_wait3A_265 = arith.constant 0 : i32
      %dma_wait3A_266 = tpu.memref_slice %arg7[%add3A_264, %dma_wait3A_265] : memref<50048x32xf32, #tpu.memory_space<vmem_shared>> -> memref<128x32xf32, #tpu.memory_space<vmem_shared>>
      %dma_wait3A_267 = arith.constant 0 : i32
      %dma_wait3A_268 = tpu.memref_slice %arg7[%add3A_264, %dma_wait3A_267] : memref<50048x32xf32, #tpu.memory_space<vmem_shared>> -> memref<128x32xf32, #tpu.memory_space<vmem_shared>>
      tpu.wait_dma2 semaphore(%arg16 : memref<!tpu.dma_semaphore, #tpu.memory_space<semaphore_mem>>) src(%dma_wait3A_268 : memref<128x32xf32, #tpu.memory_space<vmem_shared>>) dst(%arg11 : memref<128x32xf32, #tpu.memory_space<vmem>>)
      %dma_start3A_269 = arith.constant 0 : i32
      %dma_start3A_270 = tpu.memref_slice %arg6[%add3A_5, %add3A_264, %dma_start3A_269] : memref<8x50048x32xf32, #tpu.memory_space<hbm>> -> memref<1x128x32xf32, #tpu.memory_space<hbm>>
      %dma_start3A_271 = tpu.memref_squeeze %dma_start3A_270 : memref<1x128x32xf32, #tpu.memory_space<hbm>> -> memref<128x32xf32, #tpu.memory_space<hbm>>
      %dma_start3A_272 = arith.constant 0 : i32
      %dma_start3A_273 = tpu.memref_slice %arg6[%add3A_5, %add3A_264, %dma_start3A_272] : memref<8x50048x32xf32, #tpu.memory_space<hbm>> -> memref<1x128x32xf32, #tpu.memory_space<hbm>>
      %dma_start3A_274 = tpu.memref_squeeze %dma_start3A_273 : memref<1x128x32xf32, #tpu.memory_space<hbm>> -> memref<128x32xf32, #tpu.memory_space<hbm>>
      tpu.enqueue_dma source(%arg11 : memref<128x32xf32, #tpu.memory_space<vmem>>) target(%dma_start3A_274 : memref<128x32xf32, #tpu.memory_space<hbm>>) target_semaphore(%arg20 : memref<!tpu.dma_semaphore, #tpu.memory_space<semaphore_mem>>)
      %scan3A_275 = arith.constant 0 : i32
      scf.yield %scan3A_275 : i32
    }
    %scan3A_37 = arith.constant 12 : i32
    %add3A_38 = arith.constant 3072 : i32
    %add3A_39 = arith.addi %mul3A_2, %add3A_38 : i32
    "tpu.region"() ({
      %run_scoped3A = tpu.sem_alloc : memref<!tpu.dma_semaphore, #tpu.memory_space<semaphore_mem>>
      %dma_start3A = arith.constant 0 : i32
      %dma_start3A_211 = arith.constant 0 : i32
      %dma_start3A_212 = tpu.memref_slice %arg14[%dma_start3A, %dma_start3A_211] : memref<128x32xf32, #tpu.memory_space<vmem>> -> memref<56x32xf32, #tpu.memory_space<vmem>>
      %dma_start3A_213 = arith.constant 0 : i32
      %dma_start3A_214 = tpu.memref_slice %arg7[%add3A_39, %dma_start3A_213] : memref<50048x32xf32, #tpu.memory_space<vmem_shared>> -> memref<56x32xf32, #tpu.memory_space<vmem_shared>>
      %dma_start3A_215 = arith.constant 0 : i32
      %dma_start3A_216 = arith.constant 0 : i32
      %dma_start3A_217 = tpu.memref_slice %arg14[%dma_start3A_215, %dma_start3A_216] : memref<128x32xf32, #tpu.memory_space<vmem>> -> memref<56x32xf32, #tpu.memory_space<vmem>>
      %dma_start3A_218 = arith.constant 0 : i32
      %dma_start3A_219 = tpu.memref_slice %arg7[%add3A_39, %dma_start3A_218] : memref<50048x32xf32, #tpu.memory_space<vmem_shared>> -> memref<56x32xf32, #tpu.memory_space<vmem_shared>>
      tpu.enqueue_dma source(%dma_start3A_219 : memref<56x32xf32, #tpu.memory_space<vmem_shared>>) target(%dma_start3A_217 : memref<56x32xf32, #tpu.memory_space<vmem>>) target_semaphore(%run_scoped3A : memref<!tpu.dma_semaphore, #tpu.memory_space<semaphore_mem>>)
      %dma_wait3A_220 = arith.constant 0 : i32
      %dma_wait3A_221 = arith.constant 0 : i32
      %dma_wait3A_222 = tpu.memref_slice %arg14[%dma_wait3A_220, %dma_wait3A_221] : memref<128x32xf32, #tpu.memory_space<vmem>> -> memref<56x32xf32, #tpu.memory_space<vmem>>
      %dma_wait3A_223 = arith.constant 0 : i32
      %dma_wait3A_224 = tpu.memref_slice %arg7[%add3A_39, %dma_wait3A_223] : memref<50048x32xf32, #tpu.memory_space<vmem_shared>> -> memref<56x32xf32, #tpu.memory_space<vmem_shared>>
      %dma_wait3A_225 = arith.constant 0 : i32
      %dma_wait3A_226 = arith.constant 0 : i32
      %dma_wait3A_227 = tpu.memref_slice %arg14[%dma_wait3A_225, %dma_wait3A_226] : memref<128x32xf32, #tpu.memory_space<vmem>> -> memref<56x32xf32, #tpu.memory_space<vmem>>
      %dma_wait3A_228 = arith.constant 0 : i32
      %dma_wait3A_229 = tpu.memref_slice %arg7[%add3A_39, %dma_wait3A_228] : memref<50048x32xf32, #tpu.memory_space<vmem_shared>> -> memref<56x32xf32, #tpu.memory_space<vmem_shared>>
      tpu.wait_dma2 semaphore(%run_scoped3A : memref<!tpu.dma_semaphore, #tpu.memory_space<semaphore_mem>>) src(%dma_wait3A_229 : memref<56x32xf32, #tpu.memory_space<vmem_shared>>) dst(%dma_wait3A_227 : memref<56x32xf32, #tpu.memory_space<vmem>>)
      tpu.yield
    }) : () -> ()
    "tpu.region"() ({
      %run_scoped3A = tpu.sem_alloc : memref<!tpu.dma_semaphore, #tpu.memory_space<semaphore_mem>>
      %dma_start3A = arith.constant 0 : i32
      %dma_start3A_211 = arith.constant 0 : i32
      %dma_start3A_212 = tpu.memref_slice %arg14[%dma_start3A, %dma_start3A_211] : memref<128x32xf32, #tpu.memory_space<vmem>> -> memref<56x32xf32, #tpu.memory_space<vmem>>
      %dma_start3A_213 = arith.constant 0 : i32
      %dma_start3A_214 = tpu.memref_slice %arg6[%add3A_5, %add3A_39, %dma_start3A_213] : memref<8x50048x32xf32, #tpu.memory_space<hbm>> -> memref<1x56x32xf32, #tpu.memory_space<hbm>>
      %dma_start3A_215 = tpu.memref_squeeze %dma_start3A_214 : memref<1x56x32xf32, #tpu.memory_space<hbm>> -> memref<56x32xf32, #tpu.memory_space<hbm>>
      %dma_start3A_216 = arith.constant 0 : i32
      %dma_start3A_217 = tpu.memref_slice %arg6[%add3A_5, %add3A_39, %dma_start3A_216] : memref<8x50048x32xf32, #tpu.memory_space<hbm>> -> memref<1x56x32xf32, #tpu.memory_space<hbm>>
      %dma_start3A_218 = tpu.memref_squeeze %dma_start3A_217 : memref<1x56x32xf32, #tpu.memory_space<hbm>> -> memref<56x32xf32, #tpu.memory_space<hbm>>
      %dma_start3A_219 = arith.constant 0 : i32
      %dma_start3A_220 = arith.constant 0 : i32
      %dma_start3A_221 = tpu.memref_slice %arg14[%dma_start3A_219, %dma_start3A_220] : memref<128x32xf32, #tpu.memory_space<vmem>> -> memref<56x32xf32, #tpu.memory_space<vmem>>
      tpu.enqueue_dma source(%dma_start3A_221 : memref<56x32xf32, #tpu.memory_space<vmem>>) target(%dma_start3A_218 : memref<56x32xf32, #tpu.memory_space<hbm>>) target_semaphore(%run_scoped3A : memref<!tpu.dma_semaphore, #tpu.memory_space<semaphore_mem>>)
      %dma_wait3A_222 = arith.constant 0 : i32
      %dma_wait3A_223 = arith.constant 0 : i32
      %dma_wait3A_224 = tpu.memref_slice %arg14[%dma_wait3A_222, %dma_wait3A_223] : memref<128x32xf32, #tpu.memory_space<vmem>> -> memref<56x32xf32, #tpu.memory_space<vmem>>
      %dma_wait3A_225 = arith.constant 0 : i32
      %dma_wait3A_226 = tpu.memref_slice %arg6[%add3A_5, %add3A_39, %dma_wait3A_225] : memref<8x50048x32xf32, #tpu.memory_space<hbm>> -> memref<1x56x32xf32, #tpu.memory_space<hbm>>
      %dma_wait3A_227 = tpu.memref_squeeze %dma_wait3A_226 : memref<1x56x32xf32, #tpu.memory_space<hbm>> -> memref<56x32xf32, #tpu.memory_space<hbm>>
      %dma_wait3A_228 = arith.constant 0 : i32
      %dma_wait3A_229 = tpu.memref_slice %arg6[%add3A_5, %add3A_39, %dma_wait3A_228] : memref<8x50048x32xf32, #tpu.memory_space<hbm>> -> memref<1x56x32xf32, #tpu.memory_space<hbm>>
      %dma_wait3A_230 = tpu.memref_squeeze %dma_wait3A_229 : memref<1x56x32xf32, #tpu.memory_space<hbm>> -> memref<56x32xf32, #tpu.memory_space<hbm>>
      %dma_wait3A_231 = arith.constant 0 : i32
      %dma_wait3A_232 = arith.constant 0 : i32
      %dma_wait3A_233 = tpu.memref_slice %arg14[%dma_wait3A_231, %dma_wait3A_232] : memref<128x32xf32, #tpu.memory_space<vmem>> -> memref<56x32xf32, #tpu.memory_space<vmem>>
      tpu.wait_dma2 semaphore(%run_scoped3A : memref<!tpu.dma_semaphore, #tpu.memory_space<semaphore_mem>>) src(%dma_wait3A_233 : memref<56x32xf32, #tpu.memory_space<vmem>>) dst(%dma_wait3A_230 : memref<56x32xf32, #tpu.memory_space<hbm>>)
      tpu.yield
    }) : () -> ()
    %dma_wait3A = arith.constant 0 : i32
    %dma_wait3A_40 = tpu.memref_slice %arg6[%add3A_5, %mul3A_2, %dma_wait3A] : memref<8x50048x32xf32, #tpu.memory_space<hbm>> -> memref<1x128x32xf32, #tpu.memory_space<hbm>>
    %dma_wait3A_41 = tpu.memref_squeeze %dma_wait3A_40 : memref<1x128x32xf32, #tpu.memory_space<hbm>> -> memref<128x32xf32, #tpu.memory_space<hbm>>
    %dma_wait3A_42 = arith.constant 0 : i32
    %dma_wait3A_43 = tpu.memref_slice %arg6[%add3A_5, %mul3A_2, %dma_wait3A_42] : memref<8x50048x32xf32, #tpu.memory_space<hbm>> -> memref<1x128x32xf32, #tpu.memory_space<hbm>>
    %dma_wait3A_44 = tpu.memref_squeeze %dma_wait3A_43 : memref<1x128x32xf32, #tpu.memory_space<hbm>> -> memref<128x32xf32, #tpu.memory_space<hbm>>
    tpu.wait_dma2 semaphore(%arg19 : memref<!tpu.dma_semaphore, #tpu.memory_space<semaphore_mem>>) src(%arg10 : memref<128x32xf32, #tpu.memory_space<vmem>>) dst(%dma_wait3A_44 : memref<128x32xf32, #tpu.memory_space<hbm>>)
    %dma_wait3A_45 = arith.constant 0 : i32
    %dma_wait3A_46 = tpu.memref_slice %arg6[%add3A_5, %mul3A_2, %dma_wait3A_45] : memref<8x50048x32xf32, #tpu.memory_space<hbm>> -> memref<1x128x32xf32, #tpu.memory_space<hbm>>
    %dma_wait3A_47 = tpu.memref_squeeze %dma_wait3A_46 : memref<1x128x32xf32, #tpu.memory_space<hbm>> -> memref<128x32xf32, #tpu.memory_space<hbm>>
    %dma_wait3A_48 = arith.constant 0 : i32
    %dma_wait3A_49 = tpu.memref_slice %arg6[%add3A_5, %mul3A_2, %dma_wait3A_48] : memref<8x50048x32xf32, #tpu.memory_space<hbm>> -> memref<1x128x32xf32, #tpu.memory_space<hbm>>
    %dma_wait3A_50 = tpu.memref_squeeze %dma_wait3A_49 : memref<1x128x32xf32, #tpu.memory_space<hbm>> -> memref<128x32xf32, #tpu.memory_space<hbm>>
    tpu.wait_dma2 semaphore(%arg20 : memref<!tpu.dma_semaphore, #tpu.memory_space<semaphore_mem>>) src(%arg11 : memref<128x32xf32, #tpu.memory_space<vmem>>) dst(%dma_wait3A_50 : memref<128x32xf32, #tpu.memory_space<hbm>>)
    %barrier3A_51 = arith.constant 0 : index
    tpu.barrier barrier_id(%barrier3A_51)
    %mul3A_52 = arith.constant 4 : i32
    %mul3A_53 = arith.muli %arg0, %mul3A_52 : i32
    %add3A_54 = arith.constant 1 : i32
    %add3A_55 = arith.addi %mul3A_53, %add3A_54 : i32
    %mul3A_56 = arith.constant 50000 : i32
    %mul3A_57 = arith.muli %add3A_55, %mul3A_56 : i32
    "tpu.region"() ({
      %run_scoped3A = tpu.sem_alloc : memref<!tpu.dma_semaphore, #tpu.memory_space<semaphore_mem>>
      tpu.enqueue_dma source(%arg5 : memref<128x32xf32, #tpu.memory_space<hbm>>) target(%arg14 : memref<128x32xf32, #tpu.memory_space<vmem>>) target_semaphore(%run_scoped3A : memref<!tpu.dma_semaphore, #tpu.memory_space<semaphore_mem>>)
      tpu.wait_dma2 semaphore(%run_scoped3A : memref<!tpu.dma_semaphore, #tpu.memory_space<semaphore_mem>>) src(%arg5 : memref<128x32xf32, #tpu.memory_space<hbm>>) dst(%arg14 : memref<128x32xf32, #tpu.memory_space<vmem>>)
      tpu.yield
    }) : () -> ()
    %scan3A_58 = arith.constant 0 : i32
    %scan3A_59 = arith.constant 0 : i32
    %scan3A_60 = arith.constant 24 : i32
    %scan3A_61 = arith.addi %scan3A_59, %scan3A_60 : i32
    %scan3A_62 = arith.constant 1 : i32
    %scan3A_63 = scf.for %scan3A_211 = %scan3A_59 to %scan3A_61 step %scan3A_62 iter_args(%scan3A_212 = %scan3A_58) -> (i32)  : i32 {
      %mul3A_213 = arith.constant 128 : i32
      %mul3A_214 = arith.muli %scan3A_211, %mul3A_213 : i32
      %add3A_215 = arith.addi %mul3A_2, %mul3A_214 : i32
      %dma_start3A = arith.constant 0 : i32
      %dma_start3A_216 = tpu.memref_slice %arg7[%add3A_215, %dma_start3A] : memref<50048x32xf32, #tpu.memory_space<vmem_shared>> -> memref<128x32xf32, #tpu.memory_space<vmem_shared>>
      %dma_start3A_217 = arith.constant 0 : i32
      %dma_start3A_218 = tpu.memref_slice %arg7[%add3A_215, %dma_start3A_217] : memref<50048x32xf32, #tpu.memory_space<vmem_shared>> -> memref<128x32xf32, #tpu.memory_space<vmem_shared>>
      tpu.enqueue_dma source(%arg14 : memref<128x32xf32, #tpu.memory_space<vmem>>) target(%dma_start3A_218 : memref<128x32xf32, #tpu.memory_space<vmem_shared>>) target_semaphore(%arg23 : memref<!tpu.dma_semaphore, #tpu.memory_space<semaphore_mem>>)
      %scan3A_219 = arith.constant 0 : i32
      scf.yield %scan3A_219 : i32
    }
    %scan3A_64 = arith.constant 24 : i32
    %add3A_65 = arith.constant 3072 : i32
    %add3A_66 = arith.addi %mul3A_2, %add3A_65 : i32
    "tpu.region"() ({
      %run_scoped3A = tpu.sem_alloc : memref<!tpu.dma_semaphore, #tpu.memory_space<semaphore_mem>>
      %dma_start3A = arith.constant 0 : i32
      %dma_start3A_211 = arith.constant 0 : i32
      %dma_start3A_212 = tpu.memref_slice %arg14[%dma_start3A, %dma_start3A_211] : memref<128x32xf32, #tpu.memory_space<vmem>> -> memref<56x32xf32, #tpu.memory_space<vmem>>
      %dma_start3A_213 = arith.constant 0 : i32
      %dma_start3A_214 = tpu.memref_slice %arg7[%add3A_66, %dma_start3A_213] : memref<50048x32xf32, #tpu.memory_space<vmem_shared>> -> memref<56x32xf32, #tpu.memory_space<vmem_shared>>
      %dma_start3A_215 = arith.constant 0 : i32
      %dma_start3A_216 = tpu.memref_slice %arg7[%add3A_66, %dma_start3A_215] : memref<50048x32xf32, #tpu.memory_space<vmem_shared>> -> memref<56x32xf32, #tpu.memory_space<vmem_shared>>
      %dma_start3A_217 = arith.constant 0 : i32
      %dma_start3A_218 = arith.constant 0 : i32
      %dma_start3A_219 = tpu.memref_slice %arg14[%dma_start3A_217, %dma_start3A_218] : memref<128x32xf32, #tpu.memory_space<vmem>> -> memref<56x32xf32, #tpu.memory_space<vmem>>
      tpu.enqueue_dma source(%dma_start3A_219 : memref<56x32xf32, #tpu.memory_space<vmem>>) target(%dma_start3A_216 : memref<56x32xf32, #tpu.memory_space<vmem_shared>>) target_semaphore(%run_scoped3A : memref<!tpu.dma_semaphore, #tpu.memory_space<semaphore_mem>>)
      %dma_wait3A_220 = arith.constant 0 : i32
      %dma_wait3A_221 = arith.constant 0 : i32
      %dma_wait3A_222 = tpu.memref_slice %arg14[%dma_wait3A_220, %dma_wait3A_221] : memref<128x32xf32, #tpu.memory_space<vmem>> -> memref<56x32xf32, #tpu.memory_space<vmem>>
      %dma_wait3A_223 = arith.constant 0 : i32
      %dma_wait3A_224 = tpu.memref_slice %arg7[%add3A_66, %dma_wait3A_223] : memref<50048x32xf32, #tpu.memory_space<vmem_shared>> -> memref<56x32xf32, #tpu.memory_space<vmem_shared>>
      %dma_wait3A_225 = arith.constant 0 : i32
      %dma_wait3A_226 = tpu.memref_slice %arg7[%add3A_66, %dma_wait3A_225] : memref<50048x32xf32, #tpu.memory_space<vmem_shared>> -> memref<56x32xf32, #tpu.memory_space<vmem_shared>>
      %dma_wait3A_227 = arith.constant 0 : i32
      %dma_wait3A_228 = arith.constant 0 : i32
      %dma_wait3A_229 = tpu.memref_slice %arg14[%dma_wait3A_227, %dma_wait3A_228] : memref<128x32xf32, #tpu.memory_space<vmem>> -> memref<56x32xf32, #tpu.memory_space<vmem>>
      tpu.wait_dma2 semaphore(%run_scoped3A : memref<!tpu.dma_semaphore, #tpu.memory_space<semaphore_mem>>) src(%dma_wait3A_229 : memref<56x32xf32, #tpu.memory_space<vmem>>) dst(%dma_wait3A_226 : memref<56x32xf32, #tpu.memory_space<vmem_shared>>)
      tpu.yield
    }) : () -> ()
    %scan3A_67 = arith.constant 0 : i32
    %scan3A_68 = arith.constant 0 : i32
    %scan3A_69 = arith.constant 24 : i32
    %scan3A_70 = arith.addi %scan3A_68, %scan3A_69 : i32
    %scan3A_71 = arith.constant 1 : i32
    %scan3A_72 = scf.for %scan3A_211 = %scan3A_68 to %scan3A_70 step %scan3A_71 iter_args(%scan3A_212 = %scan3A_67) -> (i32)  : i32 {
      %mul3A_213 = arith.constant 128 : i32
      %mul3A_214 = arith.muli %scan3A_211, %mul3A_213 : i32
      %add3A_215 = arith.addi %mul3A_2, %mul3A_214 : i32
      %dma_wait3A_216 = arith.constant 0 : i32
      %dma_wait3A_217 = tpu.memref_slice %arg7[%add3A_215, %dma_wait3A_216] : memref<50048x32xf32, #tpu.memory_space<vmem_shared>> -> memref<128x32xf32, #tpu.memory_space<vmem_shared>>
      %dma_wait3A_218 = arith.constant 0 : i32
      %dma_wait3A_219 = tpu.memref_slice %arg7[%add3A_215, %dma_wait3A_218] : memref<50048x32xf32, #tpu.memory_space<vmem_shared>> -> memref<128x32xf32, #tpu.memory_space<vmem_shared>>
      tpu.wait_dma2 semaphore(%arg23 : memref<!tpu.dma_semaphore, #tpu.memory_space<semaphore_mem>>) src(%arg14 : memref<128x32xf32, #tpu.memory_space<vmem>>) dst(%dma_wait3A_219 : memref<128x32xf32, #tpu.memory_space<vmem_shared>>)
      %scan3A_220 = arith.constant 0 : i32
      scf.yield %scan3A_220 : i32
    }
    %scan3A_73 = arith.constant 24 : i32
    %barrier3A_74 = arith.constant 0 : index
    tpu.barrier barrier_id(%barrier3A_74)
    %scan3A_75 = arith.constant 0 : i32
    %scan3A_76 = arith.constant 0 : i32
    %scan3A_77 = arith.constant 14 : i32
    %scan3A_78 = arith.addi %scan3A_76, %scan3A_77 : i32
    %scan3A_79 = arith.constant 1 : i32
    %scan3A_80 = scf.for %scan3A_211 = %scan3A_76 to %scan3A_78 step %scan3A_79 iter_args(%scan3A_212 = %scan3A_75) -> (i32)  : i32 {
      %mul3A_213 = arith.constant 3584 : i32
      %mul3A_214 = arith.muli %scan3A_211, %mul3A_213 : i32
      %add3A_215 = arith.addi %mul3A_0, %mul3A_214 : i32
      "tpu.region"() ({
        %run_scoped3A = tpu.sem_alloc : memref<!tpu.dma_semaphore, #tpu.memory_space<semaphore_mem>>
        %dma_start3A_351 = tpu.memref_slice %arg3[%add3A_215] : memref<802816xi32, #tpu.memory_space<hbm>> -> memref<3584xi32, #tpu.memory_space<hbm>>
        %dma_start3A_352 = tpu.memref_slice %arg3[%add3A_215] : memref<802816xi32, #tpu.memory_space<hbm>> -> memref<3584xi32, #tpu.memory_space<hbm>>
        tpu.enqueue_dma source(%dma_start3A_352 : memref<3584xi32, #tpu.memory_space<hbm>>) target(%arg8 : memref<3584xi32, #tpu.memory_space<vmem>>) target_semaphore(%run_scoped3A : memref<!tpu.dma_semaphore, #tpu.memory_space<semaphore_mem>>)
        %dma_wait3A_353 = tpu.memref_slice %arg3[%add3A_215] : memref<802816xi32, #tpu.memory_space<hbm>> -> memref<3584xi32, #tpu.memory_space<hbm>>
        %dma_wait3A_354 = tpu.memref_slice %arg3[%add3A_215] : memref<802816xi32, #tpu.memory_space<hbm>> -> memref<3584xi32, #tpu.memory_space<hbm>>
        tpu.wait_dma2 semaphore(%run_scoped3A : memref<!tpu.dma_semaphore, #tpu.memory_space<semaphore_mem>>) src(%dma_wait3A_354 : memref<3584xi32, #tpu.memory_space<hbm>>) dst(%arg8 : memref<3584xi32, #tpu.memory_space<vmem>>)
        tpu.yield
      }) : () -> ()
      %jit3A = arith.constant 128 : i32
      %div3A = arith.divsi %add3A_215, %jit3A : i32
      %sign3A = arith.constant 0 : i32
      %sign3A_216 = arith.cmpi sgt, %add3A_215, %sign3A : i32
      %sign3A_217 = arith.extui %sign3A_216 : i1 to i32
      %sign3A_218 = arith.constant 0 : i32
      %sign3A_219 = arith.cmpi slt, %add3A_215, %sign3A_218 : i32
      %sign3A_220 = arith.extui %sign3A_219 : i1 to i32
      %sign3A_221 = arith.subi %sign3A_217, %sign3A_220 : i32
      %sign3A_222 = arith.constant 0 : i32
      %sign3A_223 = arith.cmpi sgt, %jit3A, %sign3A_222 : i32
      %sign3A_224 = arith.extui %sign3A_223 : i1 to i32
      %sign3A_225 = arith.constant 0 : i32
      %sign3A_226 = arith.cmpi slt, %jit3A, %sign3A_225 : i32
      %sign3A_227 = arith.extui %sign3A_226 : i1 to i32
      %sign3A_228 = arith.subi %sign3A_224, %sign3A_227 : i32
      %ne3A = arith.cmpi ne, %sign3A_221, %sign3A_228 : i32
      %rem3A = arith.remsi %add3A_215, %jit3A : i32
      %ne3A_229 = arith.constant 0 : i32
      %ne3A_230 = arith.cmpi ne, %rem3A, %ne3A_229 : i32
      %and3A = arith.andi %ne3A, %ne3A_230 : i1
      %sub3A = arith.constant 1 : i32
      %sub3A_231 = arith.subi %div3A, %sub3A : i32
      %select_n3A = arith.select %and3A, %sub3A_231, %div3A : i32
      "tpu.region"() ({
        %run_scoped3A = tpu.sem_alloc : memref<!tpu.dma_semaphore, #tpu.memory_space<semaphore_mem>>
        %dma_start3A_351 = arith.constant 0 : i32
        %dma_start3A_352 = tpu.memref_slice %arg4[%select_n3A, %dma_start3A_351] : memref<6272x128xi32, #tpu.memory_space<hbm>> -> memref<28x128xi32, #tpu.memory_space<hbm>>
        %dma_start3A_353 = arith.constant 0 : i32
        %dma_start3A_354 = tpu.memref_slice %arg4[%select_n3A, %dma_start3A_353] : memref<6272x128xi32, #tpu.memory_space<hbm>> -> memref<28x128xi32, #tpu.memory_space<hbm>>
        tpu.enqueue_dma source(%dma_start3A_354 : memref<28x128xi32, #tpu.memory_space<hbm>>) target(%arg9 : memref<28x128xi32, #tpu.memory_space<vmem>>) target_semaphore(%run_scoped3A : memref<!tpu.dma_semaphore, #tpu.memory_space<semaphore_mem>>)
        %dma_wait3A_355 = arith.constant 0 : i32
        %dma_wait3A_356 = tpu.memref_slice %arg4[%select_n3A, %dma_wait3A_355] : memref<6272x128xi32, #tpu.memory_space<hbm>> -> memref<28x128xi32, #tpu.memory_space<hbm>>
        %dma_wait3A_357 = arith.constant 0 : i32
        %dma_wait3A_358 = tpu.memref_slice %arg4[%select_n3A, %dma_wait3A_357] : memref<6272x128xi32, #tpu.memory_space<hbm>> -> memref<28x128xi32, #tpu.memory_space<hbm>>
        tpu.wait_dma2 semaphore(%run_scoped3A : memref<!tpu.dma_semaphore, #tpu.memory_space<semaphore_mem>>) src(%dma_wait3A_358 : memref<28x128xi32, #tpu.memory_space<hbm>>) dst(%arg9 : memref<28x128xi32, #tpu.memory_space<vmem>>)
        tpu.yield
      }) : () -> ()
      %dma_start3A = arith.constant 0 : i32
      %dma_start3A_232 = tpu.memref_slice %arg8[%dma_start3A] : memref<3584xi32, #tpu.memory_space<vmem>> -> memref<128xi32, #tpu.memory_space<vmem>>
      %dma_start3A_233 = arith.constant 0 : i32
      %dma_start3A_234 = tpu.memref_slice %arg2[%mul3A_57, %dma_start3A_233] : memref<400000x32xf32, #tpu.memory_space<hbm>> -> memref<50000x32xf32, #tpu.memory_space<hbm>>
      %dma_start3A_235 = arith.constant 0 : i32
      %dma_start3A_236 = arith.constant 0 : i32
      %dma_start3A_237 = tpu.memref_slice %dma_start3A_234[%dma_start3A_235, %dma_start3A_236] : memref<50000x32xf32, #tpu.memory_space<hbm>> -> memref<50000x32xf32, #tpu.memory_space<hbm>>
      tpu.enqueue_indirect_dma source(%dma_start3A_237 : memref<50000x32xf32, #tpu.memory_space<hbm>>) target(%arg10 : memref<128x32xf32, #tpu.memory_space<vmem>>) offsets(%dma_start3A_232 : memref<128xi32, #tpu.memory_space<vmem>>) semaphore(%arg15 : memref<!tpu.dma_semaphore, #tpu.memory_space<semaphore_mem>>)
      %dma_start3A_238 = arith.constant 128 : i32
      %dma_start3A_239 = tpu.memref_slice %arg8[%dma_start3A_238] : memref<3584xi32, #tpu.memory_space<vmem>> -> memref<128xi32, #tpu.memory_space<vmem>>
      %dma_start3A_240 = arith.constant 0 : i32
      %dma_start3A_241 = tpu.memref_slice %arg2[%mul3A_57, %dma_start3A_240] : memref<400000x32xf32, #tpu.memory_space<hbm>> -> memref<50000x32xf32, #tpu.memory_space<hbm>>
      %dma_start3A_242 = arith.constant 0 : i32
      %dma_start3A_243 = arith.constant 0 : i32
      %dma_start3A_244 = tpu.memref_slice %dma_start3A_241[%dma_start3A_242, %dma_start3A_243] : memref<50000x32xf32, #tpu.memory_space<hbm>> -> memref<50000x32xf32, #tpu.memory_space<hbm>>
      tpu.enqueue_indirect_dma source(%dma_start3A_244 : memref<50000x32xf32, #tpu.memory_space<hbm>>) target(%arg11 : memref<128x32xf32, #tpu.memory_space<vmem>>) offsets(%dma_start3A_239 : memref<128xi32, #tpu.memory_space<vmem>>) semaphore(%arg16 : memref<!tpu.dma_semaphore, #tpu.memory_space<semaphore_mem>>)
      %dma_start3A_245 = arith.constant 256 : i32
      %dma_start3A_246 = tpu.memref_slice %arg8[%dma_start3A_245] : memref<3584xi32, #tpu.memory_space<vmem>> -> memref<128xi32, #tpu.memory_space<vmem>>
      %dma_start3A_247 = arith.constant 0 : i32
      %dma_start3A_248 = tpu.memref_slice %arg2[%mul3A_57, %dma_start3A_247] : memref<400000x32xf32, #tpu.memory_space<hbm>> -> memref<50000x32xf32, #tpu.memory_space<hbm>>
      %dma_start3A_249 = arith.constant 0 : i32
      %dma_start3A_250 = arith.constant 0 : i32
      %dma_start3A_251 = tpu.memref_slice %dma_start3A_248[%dma_start3A_249, %dma_start3A_250] : memref<50000x32xf32, #tpu.memory_space<hbm>> -> memref<50000x32xf32, #tpu.memory_space<hbm>>
      tpu.enqueue_indirect_dma source(%dma_start3A_251 : memref<50000x32xf32, #tpu.memory_space<hbm>>) target(%arg12 : memref<128x32xf32, #tpu.memory_space<vmem>>) offsets(%dma_start3A_246 : memref<128xi32, #tpu.memory_space<vmem>>) semaphore(%arg17 : memref<!tpu.dma_semaphore, #tpu.memory_space<semaphore_mem>>)
      %dma_start3A_252 = arith.constant 384 : i32
      %dma_start3A_253 = tpu.memref_slice %arg8[%dma_start3A_252] : memref<3584xi32, #tpu.memory_space<vmem>> -> memref<128xi32, #tpu.memory_space<vmem>>
      %dma_start3A_254 = arith.constant 0 : i32
      %dma_start3A_255 = tpu.memref_slice %arg2[%mul3A_57, %dma_start3A_254] : memref<400000x32xf32, #tpu.memory_space<hbm>> -> memref<50000x32xf32, #tpu.memory_space<hbm>>
      %dma_start3A_256 = arith.constant 0 : i32
      %dma_start3A_257 = arith.constant 0 : i32
      %dma_start3A_258 = tpu.memref_slice %dma_start3A_255[%dma_start3A_256, %dma_start3A_257] : memref<50000x32xf32, #tpu.memory_space<hbm>> -> memref<50000x32xf32, #tpu.memory_space<hbm>>
      tpu.enqueue_indirect_dma source(%dma_start3A_258 : memref<50000x32xf32, #tpu.memory_space<hbm>>) target(%arg13 : memref<128x32xf32, #tpu.memory_space<vmem>>) offsets(%dma_start3A_253 : memref<128xi32, #tpu.memory_space<vmem>>) semaphore(%arg18 : memref<!tpu.dma_semaphore, #tpu.memory_space<semaphore_mem>>)
      %scan3A_259 = arith.constant 0 : i32
      %scan3A_260 = arith.constant 0 : i32
      %scan3A_261 = arith.constant 6 : i32
      %scan3A_262 = arith.addi %scan3A_260, %scan3A_261 : i32
      %scan3A_263 = arith.constant 1 : i32
      %scan3A_264 = scf.for %scan3A_351 = %scan3A_260 to %scan3A_262 step %scan3A_263 iter_args(%scan3A_352 = %scan3A_259) -> (i32)  : i32 {
        %mul3A_353 = arith.constant 4 : i32
        %mul3A_354 = arith.muli %mul3A_353, %scan3A_351 : i32
        %add3A_355 = arith.constant 0 : i32
        %add3A_356 = arith.addi %mul3A_354, %add3A_355 : i32
        %mul3A_357 = arith.constant 128 : i32
        %mul3A_358 = arith.muli %add3A_356, %mul3A_357 : i32
        %dma_wait3A_359 = tpu.memref_slice %arg8[%mul3A_358] : memref<3584xi32, #tpu.memory_space<vmem>> -> memref<128xi32, #tpu.memory_space<vmem>>
        %dma_wait3A_360 = arith.constant 0 : i32
        %dma_wait3A_361 = tpu.memref_slice %arg2[%mul3A_57, %dma_wait3A_360] : memref<400000x32xf32, #tpu.memory_space<hbm>> -> memref<50000x32xf32, #tpu.memory_space<hbm>>
        %dma_wait3A_362 = arith.constant 0 : i32
        %dma_wait3A_363 = arith.constant 0 : i32
        %dma_wait3A_364 = tpu.memref_slice %dma_wait3A_361[%dma_wait3A_362, %dma_wait3A_363] : memref<50000x32xf32, #tpu.memory_space<hbm>> -> memref<50000x32xf32, #tpu.memory_space<hbm>>
        tpu.wait_indirect_dma semaphore(%arg15 : memref<!tpu.dma_semaphore, #tpu.memory_space<semaphore_mem>>) src(%dma_wait3A_364 : memref<50000x32xf32, #tpu.memory_space<hbm>>) dst(%arg10 : memref<128x32xf32, #tpu.memory_space<vmem>>)
        %dma_start3A_365 = arith.constant 0 : i32
        %dma_start3A_366 = tpu.memref_slice %arg9[%add3A_356, %dma_start3A_365] : memref<28x128xi32, #tpu.memory_space<vmem>> -> memref<1x128xi32, #tpu.memory_space<vmem>>
        %dma_start3A_367 = tpu.memref_squeeze %dma_start3A_366 : memref<1x128xi32, #tpu.memory_space<vmem>> -> memref<128xi32, #tpu.memory_space<vmem>>
        %dma_start3A_368 = arith.constant 0 : i32
        %dma_start3A_369 = arith.constant 0 : i32
        %dma_start3A_370 = tpu.memref_slice %arg7[%dma_start3A_368, %dma_start3A_369] : memref<50048x32xf32, #tpu.memory_space<vmem_shared>> -> memref<50048x32xf32, #tpu.memory_space<vmem_shared>>
        tpu.enqueue_indirect_dma source(%arg10 : memref<128x32xf32, #tpu.memory_space<vmem>>) target(%dma_start3A_370 : memref<50048x32xf32, #tpu.memory_space<vmem_shared>>) offsets(%dma_start3A_367 : memref<128xi32, #tpu.memory_space<vmem>>) semaphore(%arg19 : memref<!tpu.dma_semaphore, #tpu.memory_space<semaphore_mem>>) {add = true}
        %mul3A_371 = arith.constant 4 : i32
        %mul3A_372 = arith.muli %mul3A_371, %scan3A_351 : i32
        %add3A_373 = arith.constant 1 : i32
        %add3A_374 = arith.addi %mul3A_372, %add3A_373 : i32
        %mul3A_375 = arith.constant 128 : i32
        %mul3A_376 = arith.muli %add3A_374, %mul3A_375 : i32
        %dma_wait3A_377 = tpu.memref_slice %arg8[%mul3A_376] : memref<3584xi32, #tpu.memory_space<vmem>> -> memref<128xi32, #tpu.memory_space<vmem>>
        %dma_wait3A_378 = arith.constant 0 : i32
        %dma_wait3A_379 = tpu.memref_slice %arg2[%mul3A_57, %dma_wait3A_378] : memref<400000x32xf32, #tpu.memory_space<hbm>> -> memref<50000x32xf32, #tpu.memory_space<hbm>>
        %dma_wait3A_380 = arith.constant 0 : i32
        %dma_wait3A_381 = arith.constant 0 : i32
        %dma_wait3A_382 = tpu.memref_slice %dma_wait3A_379[%dma_wait3A_380, %dma_wait3A_381] : memref<50000x32xf32, #tpu.memory_space<hbm>> -> memref<50000x32xf32, #tpu.memory_space<hbm>>
        tpu.wait_indirect_dma semaphore(%arg16 : memref<!tpu.dma_semaphore, #tpu.memory_space<semaphore_mem>>) src(%dma_wait3A_382 : memref<50000x32xf32, #tpu.memory_space<hbm>>) dst(%arg11 : memref<128x32xf32, #tpu.memory_space<vmem>>)
        %dma_start3A_383 = arith.constant 0 : i32
        %dma_start3A_384 = tpu.memref_slice %arg9[%add3A_374, %dma_start3A_383] : memref<28x128xi32, #tpu.memory_space<vmem>> -> memref<1x128xi32, #tpu.memory_space<vmem>>
        %dma_start3A_385 = tpu.memref_squeeze %dma_start3A_384 : memref<1x128xi32, #tpu.memory_space<vmem>> -> memref<128xi32, #tpu.memory_space<vmem>>
        %dma_start3A_386 = arith.constant 0 : i32
        %dma_start3A_387 = arith.constant 0 : i32
        %dma_start3A_388 = tpu.memref_slice %arg7[%dma_start3A_386, %dma_start3A_387] : memref<50048x32xf32, #tpu.memory_space<vmem_shared>> -> memref<50048x32xf32, #tpu.memory_space<vmem_shared>>
        tpu.enqueue_indirect_dma source(%arg11 : memref<128x32xf32, #tpu.memory_space<vmem>>) target(%dma_start3A_388 : memref<50048x32xf32, #tpu.memory_space<vmem_shared>>) offsets(%dma_start3A_385 : memref<128xi32, #tpu.memory_space<vmem>>) semaphore(%arg20 : memref<!tpu.dma_semaphore, #tpu.memory_space<semaphore_mem>>) {add = true}
        %mul3A_389 = arith.constant 4 : i32
        %mul3A_390 = arith.muli %mul3A_389, %scan3A_351 : i32
        %add3A_391 = arith.constant 2 : i32
        %add3A_392 = arith.addi %mul3A_390, %add3A_391 : i32
        %mul3A_393 = arith.constant 128 : i32
        %mul3A_394 = arith.muli %add3A_392, %mul3A_393 : i32
        %dma_wait3A_395 = tpu.memref_slice %arg8[%mul3A_394] : memref<3584xi32, #tpu.memory_space<vmem>> -> memref<128xi32, #tpu.memory_space<vmem>>
        %dma_wait3A_396 = arith.constant 0 : i32
        %dma_wait3A_397 = tpu.memref_slice %arg2[%mul3A_57, %dma_wait3A_396] : memref<400000x32xf32, #tpu.memory_space<hbm>> -> memref<50000x32xf32, #tpu.memory_space<hbm>>
        %dma_wait3A_398 = arith.constant 0 : i32
        %dma_wait3A_399 = arith.constant 0 : i32
        %dma_wait3A_400 = tpu.memref_slice %dma_wait3A_397[%dma_wait3A_398, %dma_wait3A_399] : memref<50000x32xf32, #tpu.memory_space<hbm>> -> memref<50000x32xf32, #tpu.memory_space<hbm>>
        tpu.wait_indirect_dma semaphore(%arg17 : memref<!tpu.dma_semaphore, #tpu.memory_space<semaphore_mem>>) src(%dma_wait3A_400 : memref<50000x32xf32, #tpu.memory_space<hbm>>) dst(%arg12 : memref<128x32xf32, #tpu.memory_space<vmem>>)
        %dma_start3A_401 = arith.constant 0 : i32
        %dma_start3A_402 = tpu.memref_slice %arg9[%add3A_392, %dma_start3A_401] : memref<28x128xi32, #tpu.memory_space<vmem>> -> memref<1x128xi32, #tpu.memory_space<vmem>>
        %dma_start3A_403 = tpu.memref_squeeze %dma_start3A_402 : memref<1x128xi32, #tpu.memory_space<vmem>> -> memref<128xi32, #tpu.memory_space<vmem>>
        %dma_start3A_404 = arith.constant 0 : i32
        %dma_start3A_405 = arith.constant 0 : i32
        %dma_start3A_406 = tpu.memref_slice %arg7[%dma_start3A_404, %dma_start3A_405] : memref<50048x32xf32, #tpu.memory_space<vmem_shared>> -> memref<50048x32xf32, #tpu.memory_space<vmem_shared>>
        tpu.enqueue_indirect_dma source(%arg12 : memref<128x32xf32, #tpu.memory_space<vmem>>) target(%dma_start3A_406 : memref<50048x32xf32, #tpu.memory_space<vmem_shared>>) offsets(%dma_start3A_403 : memref<128xi32, #tpu.memory_space<vmem>>) semaphore(%arg21 : memref<!tpu.dma_semaphore, #tpu.memory_space<semaphore_mem>>) {add = true}
        %mul3A_407 = arith.constant 4 : i32
        %mul3A_408 = arith.muli %mul3A_407, %scan3A_351 : i32
        %add3A_409 = arith.constant 3 : i32
        %add3A_410 = arith.addi %mul3A_408, %add3A_409 : i32
        %mul3A_411 = arith.constant 128 : i32
        %mul3A_412 = arith.muli %add3A_410, %mul3A_411 : i32
        %dma_wait3A_413 = tpu.memref_slice %arg8[%mul3A_412] : memref<3584xi32, #tpu.memory_space<vmem>> -> memref<128xi32, #tpu.memory_space<vmem>>
        %dma_wait3A_414 = arith.constant 0 : i32
        %dma_wait3A_415 = tpu.memref_slice %arg2[%mul3A_57, %dma_wait3A_414] : memref<400000x32xf32, #tpu.memory_space<hbm>> -> memref<50000x32xf32, #tpu.memory_space<hbm>>
        %dma_wait3A_416 = arith.constant 0 : i32
        %dma_wait3A_417 = arith.constant 0 : i32
        %dma_wait3A_418 = tpu.memref_slice %dma_wait3A_415[%dma_wait3A_416, %dma_wait3A_417] : memref<50000x32xf32, #tpu.memory_space<hbm>> -> memref<50000x32xf32, #tpu.memory_space<hbm>>
        tpu.wait_indirect_dma semaphore(%arg18 : memref<!tpu.dma_semaphore, #tpu.memory_space<semaphore_mem>>) src(%dma_wait3A_418 : memref<50000x32xf32, #tpu.memory_space<hbm>>) dst(%arg13 : memref<128x32xf32, #tpu.memory_space<vmem>>)
        %dma_start3A_419 = arith.constant 0 : i32
        %dma_start3A_420 = tpu.memref_slice %arg9[%add3A_410, %dma_start3A_419] : memref<28x128xi32, #tpu.memory_space<vmem>> -> memref<1x128xi32, #tpu.memory_space<vmem>>
        %dma_start3A_421 = tpu.memref_squeeze %dma_start3A_420 : memref<1x128xi32, #tpu.memory_space<vmem>> -> memref<128xi32, #tpu.memory_space<vmem>>
        %dma_start3A_422 = arith.constant 0 : i32
        %dma_start3A_423 = arith.constant 0 : i32
        %dma_start3A_424 = tpu.memref_slice %arg7[%dma_start3A_422, %dma_start3A_423] : memref<50048x32xf32, #tpu.memory_space<vmem_shared>> -> memref<50048x32xf32, #tpu.memory_space<vmem_shared>>
        tpu.enqueue_indirect_dma source(%arg13 : memref<128x32xf32, #tpu.memory_space<vmem>>) target(%dma_start3A_424 : memref<50048x32xf32, #tpu.memory_space<vmem_shared>>) offsets(%dma_start3A_421 : memref<128xi32, #tpu.memory_space<vmem>>) semaphore(%arg22 : memref<!tpu.dma_semaphore, #tpu.memory_space<semaphore_mem>>) {add = true}
        %add3A_425 = arith.constant 1 : i32
        %add3A_426 = arith.addi %scan3A_351, %add3A_425 : i32
        %mul3A_427 = arith.constant 4 : i32
        %mul3A_428 = arith.muli %mul3A_427, %add3A_426 : i32
        %add3A_429 = arith.constant 0 : i32
        %add3A_430 = arith.addi %mul3A_428, %add3A_429 : i32
        %dma_wait3A_431 = arith.constant 0 : i32
        %dma_wait3A_432 = tpu.memref_slice %arg9[%add3A_430, %dma_wait3A_431] : memref<28x128xi32, #tpu.memory_space<vmem>> -> memref<1x128xi32, #tpu.memory_space<vmem>>
        %dma_wait3A_433 = tpu.memref_squeeze %dma_wait3A_432 : memref<1x128xi32, #tpu.memory_space<vmem>> -> memref<128xi32, #tpu.memory_space<vmem>>
        %dma_wait3A_434 = arith.constant 0 : i32
        %dma_wait3A_435 = arith.constant 0 : i32
        %dma_wait3A_436 = tpu.memref_slice %arg7[%dma_wait3A_434, %dma_wait3A_435] : memref<50048x32xf32, #tpu.memory_space<vmem_shared>> -> memref<50048x32xf32, #tpu.memory_space<vmem_shared>>
        tpu.wait_indirect_dma semaphore(%arg19 : memref<!tpu.dma_semaphore, #tpu.memory_space<semaphore_mem>>) src(%arg10 : memref<128x32xf32, #tpu.memory_space<vmem>>) dst(%dma_wait3A_436 : memref<50048x32xf32, #tpu.memory_space<vmem_shared>>)
        %mul3A_437 = arith.constant 128 : i32
        %mul3A_438 = arith.muli %add3A_430, %mul3A_437 : i32
        %dma_start3A_439 = tpu.memref_slice %arg8[%mul3A_438] : memref<3584xi32, #tpu.memory_space<vmem>> -> memref<128xi32, #tpu.memory_space<vmem>>
        %dma_start3A_440 = arith.constant 0 : i32
        %dma_start3A_441 = tpu.memref_slice %arg2[%mul3A_57, %dma_start3A_440] : memref<400000x32xf32, #tpu.memory_space<hbm>> -> memref<50000x32xf32, #tpu.memory_space<hbm>>
        %dma_start3A_442 = arith.constant 0 : i32
        %dma_start3A_443 = arith.constant 0 : i32
        %dma_start3A_444 = tpu.memref_slice %dma_start3A_441[%dma_start3A_442, %dma_start3A_443] : memref<50000x32xf32, #tpu.memory_space<hbm>> -> memref<50000x32xf32, #tpu.memory_space<hbm>>
        tpu.enqueue_indirect_dma source(%dma_start3A_444 : memref<50000x32xf32, #tpu.memory_space<hbm>>) target(%arg10 : memref<128x32xf32, #tpu.memory_space<vmem>>) offsets(%dma_start3A_439 : memref<128xi32, #tpu.memory_space<vmem>>) semaphore(%arg15 : memref<!tpu.dma_semaphore, #tpu.memory_space<semaphore_mem>>)
        %add3A_445 = arith.constant 1 : i32
        %add3A_446 = arith.addi %scan3A_351, %add3A_445 : i32
        %mul3A_447 = arith.constant 4 : i32
        %mul3A_448 = arith.muli %mul3A_447, %add3A_446 : i32
        %add3A_449 = arith.constant 1 : i32
        %add3A_450 = arith.addi %mul3A_448, %add3A_449 : i32
        %dma_wait3A_451 = arith.constant 0 : i32
        %dma_wait3A_452 = tpu.memref_slice %arg9[%add3A_450, %dma_wait3A_451] : memref<28x128xi32, #tpu.memory_space<vmem>> -> memref<1x128xi32, #tpu.memory_space<vmem>>
        %dma_wait3A_453 = tpu.memref_squeeze %dma_wait3A_452 : memref<1x128xi32, #tpu.memory_space<vmem>> -> memref<128xi32, #tpu.memory_space<vmem>>
        %dma_wait3A_454 = arith.constant 0 : i32
        %dma_wait3A_455 = arith.constant 0 : i32
        %dma_wait3A_456 = tpu.memref_slice %arg7[%dma_wait3A_454, %dma_wait3A_455] : memref<50048x32xf32, #tpu.memory_space<vmem_shared>> -> memref<50048x32xf32, #tpu.memory_space<vmem_shared>>
        tpu.wait_indirect_dma semaphore(%arg20 : memref<!tpu.dma_semaphore, #tpu.memory_space<semaphore_mem>>) src(%arg11 : memref<128x32xf32, #tpu.memory_space<vmem>>) dst(%dma_wait3A_456 : memref<50048x32xf32, #tpu.memory_space<vmem_shared>>)
        %mul3A_457 = arith.constant 128 : i32
        %mul3A_458 = arith.muli %add3A_450, %mul3A_457 : i32
        %dma_start3A_459 = tpu.memref_slice %arg8[%mul3A_458] : memref<3584xi32, #tpu.memory_space<vmem>> -> memref<128xi32, #tpu.memory_space<vmem>>
        %dma_start3A_460 = arith.constant 0 : i32
        %dma_start3A_461 = tpu.memref_slice %arg2[%mul3A_57, %dma_start3A_460] : memref<400000x32xf32, #tpu.memory_space<hbm>> -> memref<50000x32xf32, #tpu.memory_space<hbm>>
        %dma_start3A_462 = arith.constant 0 : i32
        %dma_start3A_463 = arith.constant 0 : i32
        %dma_start3A_464 = tpu.memref_slice %dma_start3A_461[%dma_start3A_462, %dma_start3A_463] : memref<50000x32xf32, #tpu.memory_space<hbm>> -> memref<50000x32xf32, #tpu.memory_space<hbm>>
        tpu.enqueue_indirect_dma source(%dma_start3A_464 : memref<50000x32xf32, #tpu.memory_space<hbm>>) target(%arg11 : memref<128x32xf32, #tpu.memory_space<vmem>>) offsets(%dma_start3A_459 : memref<128xi32, #tpu.memory_space<vmem>>) semaphore(%arg16 : memref<!tpu.dma_semaphore, #tpu.memory_space<semaphore_mem>>)
        %add3A_465 = arith.constant 1 : i32
        %add3A_466 = arith.addi %scan3A_351, %add3A_465 : i32
        %mul3A_467 = arith.constant 4 : i32
        %mul3A_468 = arith.muli %mul3A_467, %add3A_466 : i32
        %add3A_469 = arith.constant 2 : i32
        %add3A_470 = arith.addi %mul3A_468, %add3A_469 : i32
        %dma_wait3A_471 = arith.constant 0 : i32
        %dma_wait3A_472 = tpu.memref_slice %arg9[%add3A_470, %dma_wait3A_471] : memref<28x128xi32, #tpu.memory_space<vmem>> -> memref<1x128xi32, #tpu.memory_space<vmem>>
        %dma_wait3A_473 = tpu.memref_squeeze %dma_wait3A_472 : memref<1x128xi32, #tpu.memory_space<vmem>> -> memref<128xi32, #tpu.memory_space<vmem>>
        %dma_wait3A_474 = arith.constant 0 : i32
        %dma_wait3A_475 = arith.constant 0 : i32
        %dma_wait3A_476 = tpu.memref_slice %arg7[%dma_wait3A_474, %dma_wait3A_475] : memref<50048x32xf32, #tpu.memory_space<vmem_shared>> -> memref<50048x32xf32, #tpu.memory_space<vmem_shared>>
        tpu.wait_indirect_dma semaphore(%arg21 : memref<!tpu.dma_semaphore, #tpu.memory_space<semaphore_mem>>) src(%arg12 : memref<128x32xf32, #tpu.memory_space<vmem>>) dst(%dma_wait3A_476 : memref<50048x32xf32, #tpu.memory_space<vmem_shared>>)
        %mul3A_477 = arith.constant 128 : i32
        %mul3A_478 = arith.muli %add3A_470, %mul3A_477 : i32
        %dma_start3A_479 = tpu.memref_slice %arg8[%mul3A_478] : memref<3584xi32, #tpu.memory_space<vmem>> -> memref<128xi32, #tpu.memory_space<vmem>>
        %dma_start3A_480 = arith.constant 0 : i32
        %dma_start3A_481 = tpu.memref_slice %arg2[%mul3A_57, %dma_start3A_480] : memref<400000x32xf32, #tpu.memory_space<hbm>> -> memref<50000x32xf32, #tpu.memory_space<hbm>>
        %dma_start3A_482 = arith.constant 0 : i32
        %dma_start3A_483 = arith.constant 0 : i32
        %dma_start3A_484 = tpu.memref_slice %dma_start3A_481[%dma_start3A_482, %dma_start3A_483] : memref<50000x32xf32, #tpu.memory_space<hbm>> -> memref<50000x32xf32, #tpu.memory_space<hbm>>
        tpu.enqueue_indirect_dma source(%dma_start3A_484 : memref<50000x32xf32, #tpu.memory_space<hbm>>) target(%arg12 : memref<128x32xf32, #tpu.memory_space<vmem>>) offsets(%dma_start3A_479 : memref<128xi32, #tpu.memory_space<vmem>>) semaphore(%arg17 : memref<!tpu.dma_semaphore, #tpu.memory_space<semaphore_mem>>)
        %add3A_485 = arith.constant 1 : i32
        %add3A_486 = arith.addi %scan3A_351, %add3A_485 : i32
        %mul3A_487 = arith.constant 4 : i32
        %mul3A_488 = arith.muli %mul3A_487, %add3A_486 : i32
        %add3A_489 = arith.constant 3 : i32
        %add3A_490 = arith.addi %mul3A_488, %add3A_489 : i32
        %dma_wait3A_491 = arith.constant 0 : i32
        %dma_wait3A_492 = tpu.memref_slice %arg9[%add3A_490, %dma_wait3A_491] : memref<28x128xi32, #tpu.memory_space<vmem>> -> memref<1x128xi32, #tpu.memory_space<vmem>>
        %dma_wait3A_493 = tpu.memref_squeeze %dma_wait3A_492 : memref<1x128xi32, #tpu.memory_space<vmem>> -> memref<128xi32, #tpu.memory_space<vmem>>
        %dma_wait3A_494 = arith.constant 0 : i32
        %dma_wait3A_495 = arith.constant 0 : i32
        %dma_wait3A_496 = tpu.memref_slice %arg7[%dma_wait3A_494, %dma_wait3A_495] : memref<50048x32xf32, #tpu.memory_space<vmem_shared>> -> memref<50048x32xf32, #tpu.memory_space<vmem_shared>>
        tpu.wait_indirect_dma semaphore(%arg22 : memref<!tpu.dma_semaphore, #tpu.memory_space<semaphore_mem>>) src(%arg13 : memref<128x32xf32, #tpu.memory_space<vmem>>) dst(%dma_wait3A_496 : memref<50048x32xf32, #tpu.memory_space<vmem_shared>>)
        %mul3A_497 = arith.constant 128 : i32
        %mul3A_498 = arith.muli %add3A_490, %mul3A_497 : i32
        %dma_start3A_499 = tpu.memref_slice %arg8[%mul3A_498] : memref<3584xi32, #tpu.memory_space<vmem>> -> memref<128xi32, #tpu.memory_space<vmem>>
        %dma_start3A_500 = arith.constant 0 : i32
        %dma_start3A_501 = tpu.memref_slice %arg2[%mul3A_57, %dma_start3A_500] : memref<400000x32xf32, #tpu.memory_space<hbm>> -> memref<50000x32xf32, #tpu.memory_space<hbm>>
        %dma_start3A_502 = arith.constant 0 : i32
        %dma_start3A_503 = arith.constant 0 : i32
        %dma_start3A_504 = tpu.memref_slice %dma_start3A_501[%dma_start3A_502, %dma_start3A_503] : memref<50000x32xf32, #tpu.memory_space<hbm>> -> memref<50000x32xf32, #tpu.memory_space<hbm>>
        tpu.enqueue_indirect_dma source(%dma_start3A_504 : memref<50000x32xf32, #tpu.memory_space<hbm>>) target(%arg13 : memref<128x32xf32, #tpu.memory_space<vmem>>) offsets(%dma_start3A_499 : memref<128xi32, #tpu.memory_space<vmem>>) semaphore(%arg18 : memref<!tpu.dma_semaphore, #tpu.memory_space<semaphore_mem>>)
        %scan3A_505 = arith.constant 0 : i32
        scf.yield %scan3A_505 : i32
      }
      %scan3A_265 = arith.constant 6 : i32
      %dma_wait3A_266 = arith.constant 3072 : i32
      %dma_wait3A_267 = tpu.memref_slice %arg8[%dma_wait3A_266] : memref<3584xi32, #tpu.memory_space<vmem>> -> memref<128xi32, #tpu.memory_space<vmem>>
      %dma_wait3A_268 = arith.constant 0 : i32
      %dma_wait3A_269 = tpu.memref_slice %arg2[%mul3A_57, %dma_wait3A_268] : memref<400000x32xf32, #tpu.memory_space<hbm>> -> memref<50000x32xf32, #tpu.memory_space<hbm>>
      %dma_wait3A_270 = arith.constant 0 : i32
      %dma_wait3A_271 = arith.constant 0 : i32
      %dma_wait3A_272 = tpu.memref_slice %dma_wait3A_269[%dma_wait3A_270, %dma_wait3A_271] : memref<50000x32xf32, #tpu.memory_space<hbm>> -> memref<50000x32xf32, #tpu.memory_space<hbm>>
      tpu.wait_indirect_dma semaphore(%arg15 : memref<!tpu.dma_semaphore, #tpu.memory_space<semaphore_mem>>) src(%dma_wait3A_272 : memref<50000x32xf32, #tpu.memory_space<hbm>>) dst(%arg10 : memref<128x32xf32, #tpu.memory_space<vmem>>)
      %dma_start3A_273 = arith.constant 24 : i32
      %dma_start3A_274 = arith.constant 0 : i32
      %dma_start3A_275 = tpu.memref_slice %arg9[%dma_start3A_273, %dma_start3A_274] : memref<28x128xi32, #tpu.memory_space<vmem>> -> memref<1x128xi32, #tpu.memory_space<vmem>>
      %dma_start3A_276 = tpu.memref_squeeze %dma_start3A_275 : memref<1x128xi32, #tpu.memory_space<vmem>> -> memref<128xi32, #tpu.memory_space<vmem>>
      %dma_start3A_277 = arith.constant 0 : i32
      %dma_start3A_278 = arith.constant 0 : i32
      %dma_start3A_279 = tpu.memref_slice %arg7[%dma_start3A_277, %dma_start3A_278] : memref<50048x32xf32, #tpu.memory_space<vmem_shared>> -> memref<50048x32xf32, #tpu.memory_space<vmem_shared>>
      tpu.enqueue_indirect_dma source(%arg10 : memref<128x32xf32, #tpu.memory_space<vmem>>) target(%dma_start3A_279 : memref<50048x32xf32, #tpu.memory_space<vmem_shared>>) offsets(%dma_start3A_276 : memref<128xi32, #tpu.memory_space<vmem>>) semaphore(%arg19 : memref<!tpu.dma_semaphore, #tpu.memory_space<semaphore_mem>>) {add = true}
      %dma_wait3A_280 = arith.constant 3200 : i32
      %dma_wait3A_281 = tpu.memref_slice %arg8[%dma_wait3A_280] : memref<3584xi32, #tpu.memory_space<vmem>> -> memref<128xi32, #tpu.memory_space<vmem>>
      %dma_wait3A_282 = arith.constant 0 : i32
      %dma_wait3A_283 = tpu.memref_slice %arg2[%mul3A_57, %dma_wait3A_282] : memref<400000x32xf32, #tpu.memory_space<hbm>> -> memref<50000x32xf32, #tpu.memory_space<hbm>>
      %dma_wait3A_284 = arith.constant 0 : i32
      %dma_wait3A_285 = arith.constant 0 : i32
      %dma_wait3A_286 = tpu.memref_slice %dma_wait3A_283[%dma_wait3A_284, %dma_wait3A_285] : memref<50000x32xf32, #tpu.memory_space<hbm>> -> memref<50000x32xf32, #tpu.memory_space<hbm>>
      tpu.wait_indirect_dma semaphore(%arg16 : memref<!tpu.dma_semaphore, #tpu.memory_space<semaphore_mem>>) src(%dma_wait3A_286 : memref<50000x32xf32, #tpu.memory_space<hbm>>) dst(%arg11 : memref<128x32xf32, #tpu.memory_space<vmem>>)
      %dma_start3A_287 = arith.constant 25 : i32
      %dma_start3A_288 = arith.constant 0 : i32
      %dma_start3A_289 = tpu.memref_slice %arg9[%dma_start3A_287, %dma_start3A_288] : memref<28x128xi32, #tpu.memory_space<vmem>> -> memref<1x128xi32, #tpu.memory_space<vmem>>
      %dma_start3A_290 = tpu.memref_squeeze %dma_start3A_289 : memref<1x128xi32, #tpu.memory_space<vmem>> -> memref<128xi32, #tpu.memory_space<vmem>>
      %dma_start3A_291 = arith.constant 0 : i32
      %dma_start3A_292 = arith.constant 0 : i32
      %dma_start3A_293 = tpu.memref_slice %arg7[%dma_start3A_291, %dma_start3A_292] : memref<50048x32xf32, #tpu.memory_space<vmem_shared>> -> memref<50048x32xf32, #tpu.memory_space<vmem_shared>>
      tpu.enqueue_indirect_dma source(%arg11 : memref<128x32xf32, #tpu.memory_space<vmem>>) target(%dma_start3A_293 : memref<50048x32xf32, #tpu.memory_space<vmem_shared>>) offsets(%dma_start3A_290 : memref<128xi32, #tpu.memory_space<vmem>>) semaphore(%arg20 : memref<!tpu.dma_semaphore, #tpu.memory_space<semaphore_mem>>) {add = true}
      %dma_wait3A_294 = arith.constant 3328 : i32
      %dma_wait3A_295 = tpu.memref_slice %arg8[%dma_wait3A_294] : memref<3584xi32, #tpu.memory_space<vmem>> -> memref<128xi32, #tpu.memory_space<vmem>>
      %dma_wait3A_296 = arith.constant 0 : i32
      %dma_wait3A_297 = tpu.memref_slice %arg2[%mul3A_57, %dma_wait3A_296] : memref<400000x32xf32, #tpu.memory_space<hbm>> -> memref<50000x32xf32, #tpu.memory_space<hbm>>
      %dma_wait3A_298 = arith.constant 0 : i32
      %dma_wait3A_299 = arith.constant 0 : i32
      %dma_wait3A_300 = tpu.memref_slice %dma_wait3A_297[%dma_wait3A_298, %dma_wait3A_299] : memref<50000x32xf32, #tpu.memory_space<hbm>> -> memref<50000x32xf32, #tpu.memory_space<hbm>>
      tpu.wait_indirect_dma semaphore(%arg17 : memref<!tpu.dma_semaphore, #tpu.memory_space<semaphore_mem>>) src(%dma_wait3A_300 : memref<50000x32xf32, #tpu.memory_space<hbm>>) dst(%arg12 : memref<128x32xf32, #tpu.memory_space<vmem>>)
      %dma_start3A_301 = arith.constant 26 : i32
      %dma_start3A_302 = arith.constant 0 : i32
      %dma_start3A_303 = tpu.memref_slice %arg9[%dma_start3A_301, %dma_start3A_302] : memref<28x128xi32, #tpu.memory_space<vmem>> -> memref<1x128xi32, #tpu.memory_space<vmem>>
      %dma_start3A_304 = tpu.memref_squeeze %dma_start3A_303 : memref<1x128xi32, #tpu.memory_space<vmem>> -> memref<128xi32, #tpu.memory_space<vmem>>
      %dma_start3A_305 = arith.constant 0 : i32
      %dma_start3A_306 = arith.constant 0 : i32
      %dma_start3A_307 = tpu.memref_slice %arg7[%dma_start3A_305, %dma_start3A_306] : memref<50048x32xf32, #tpu.memory_space<vmem_shared>> -> memref<50048x32xf32, #tpu.memory_space<vmem_shared>>
      tpu.enqueue_indirect_dma source(%arg12 : memref<128x32xf32, #tpu.memory_space<vmem>>) target(%dma_start3A_307 : memref<50048x32xf32, #tpu.memory_space<vmem_shared>>) offsets(%dma_start3A_304 : memref<128xi32, #tpu.memory_space<vmem>>) semaphore(%arg21 : memref<!tpu.dma_semaphore, #tpu.memory_space<semaphore_mem>>) {add = true}
      %dma_wait3A_308 = arith.constant 3456 : i32
      %dma_wait3A_309 = tpu.memref_slice %arg8[%dma_wait3A_308] : memref<3584xi32, #tpu.memory_space<vmem>> -> memref<128xi32, #tpu.memory_space<vmem>>
      %dma_wait3A_310 = arith.constant 0 : i32
      %dma_wait3A_311 = tpu.memref_slice %arg2[%mul3A_57, %dma_wait3A_310] : memref<400000x32xf32, #tpu.memory_space<hbm>> -> memref<50000x32xf32, #tpu.memory_space<hbm>>
      %dma_wait3A_312 = arith.constant 0 : i32
      %dma_wait3A_313 = arith.constant 0 : i32
      %dma_wait3A_314 = tpu.memref_slice %dma_wait3A_311[%dma_wait3A_312, %dma_wait3A_313] : memref<50000x32xf32, #tpu.memory_space<hbm>> -> memref<50000x32xf32, #tpu.memory_space<hbm>>
      tpu.wait_indirect_dma semaphore(%arg18 : memref<!tpu.dma_semaphore, #tpu.memory_space<semaphore_mem>>) src(%dma_wait3A_314 : memref<50000x32xf32, #tpu.memory_space<hbm>>) dst(%arg13 : memref<128x32xf32, #tpu.memory_space<vmem>>)
      %dma_start3A_315 = arith.constant 27 : i32
      %dma_start3A_316 = arith.constant 0 : i32
      %dma_start3A_317 = tpu.memref_slice %arg9[%dma_start3A_315, %dma_start3A_316] : memref<28x128xi32, #tpu.memory_space<vmem>> -> memref<1x128xi32, #tpu.memory_space<vmem>>
      %dma_start3A_318 = tpu.memref_squeeze %dma_start3A_317 : memref<1x128xi32, #tpu.memory_space<vmem>> -> memref<128xi32, #tpu.memory_space<vmem>>
      %dma_start3A_319 = arith.constant 0 : i32
      %dma_start3A_320 = arith.constant 0 : i32
      %dma_start3A_321 = tpu.memref_slice %arg7[%dma_start3A_319, %dma_start3A_320] : memref<50048x32xf32, #tpu.memory_space<vmem_shared>> -> memref<50048x32xf32, #tpu.memory_space<vmem_shared>>
      tpu.enqueue_indirect_dma source(%arg13 : memref<128x32xf32, #tpu.memory_space<vmem>>) target(%dma_start3A_321 : memref<50048x32xf32, #tpu.memory_space<vmem_shared>>) offsets(%dma_start3A_318 : memref<128xi32, #tpu.memory_space<vmem>>) semaphore(%arg22 : memref<!tpu.dma_semaphore, #tpu.memory_space<semaphore_mem>>) {add = true}
      %dma_wait3A_322 = arith.constant 0 : i32
      %dma_wait3A_323 = arith.constant 0 : i32
      %dma_wait3A_324 = tpu.memref_slice %arg9[%dma_wait3A_322, %dma_wait3A_323] : memref<28x128xi32, #tpu.memory_space<vmem>> -> memref<1x128xi32, #tpu.memory_space<vmem>>
      %dma_wait3A_325 = tpu.memref_squeeze %dma_wait3A_324 : memref<1x128xi32, #tpu.memory_space<vmem>> -> memref<128xi32, #tpu.memory_space<vmem>>
      %dma_wait3A_326 = arith.constant 0 : i32
      %dma_wait3A_327 = arith.constant 0 : i32
      %dma_wait3A_328 = tpu.memref_slice %arg7[%dma_wait3A_326, %dma_wait3A_327] : memref<50048x32xf32, #tpu.memory_space<vmem_shared>> -> memref<50048x32xf32, #tpu.memory_space<vmem_shared>>
      tpu.wait_indirect_dma semaphore(%arg19 : memref<!tpu.dma_semaphore, #tpu.memory_space<semaphore_mem>>) src(%arg10 : memref<128x32xf32, #tpu.memory_space<vmem>>) dst(%dma_wait3A_328 : memref<50048x32xf32, #tpu.memory_space<vmem_shared>>)
      %dma_wait3A_329 = arith.constant 0 : i32
      %dma_wait3A_330 = arith.constant 0 : i32
      %dma_wait3A_331 = tpu.memref_slice %arg9[%dma_wait3A_329, %dma_wait3A_330] : memref<28x128xi32, #tpu.memory_space<vmem>> -> memref<1x128xi32, #tpu.memory_space<vmem>>
      %dma_wait3A_332 = tpu.memref_squeeze %dma_wait3A_331 : memref<1x128xi32, #tpu.memory_space<vmem>> -> memref<128xi32, #tpu.memory_space<vmem>>
      %dma_wait3A_333 = arith.constant 0 : i32
      %dma_wait3A_334 = arith.constant 0 : i32
      %dma_wait3A_335 = tpu.memref_slice %arg7[%dma_wait3A_333, %dma_wait3A_334] : memref<50048x32xf32, #tpu.memory_space<vmem_shared>> -> memref<50048x32xf32, #tpu.memory_space<vmem_shared>>
      tpu.wait_indirect_dma semaphore(%arg20 : memref<!tpu.dma_semaphore, #tpu.memory_space<semaphore_mem>>) src(%arg11 : memref<128x32xf32, #tpu.memory_space<vmem>>) dst(%dma_wait3A_335 : memref<50048x32xf32, #tpu.memory_space<vmem_shared>>)
      %dma_wait3A_336 = arith.constant 0 : i32
      %dma_wait3A_337 = arith.constant 0 : i32
      %dma_wait3A_338 = tpu.memref_slice %arg9[%dma_wait3A_336, %dma_wait3A_337] : memref<28x128xi32, #tpu.memory_space<vmem>> -> memref<1x128xi32, #tpu.memory_space<vmem>>
      %dma_wait3A_339 = tpu.memref_squeeze %dma_wait3A_338 : memref<1x128xi32, #tpu.memory_space<vmem>> -> memref<128xi32, #tpu.memory_space<vmem>>
      %dma_wait3A_340 = arith.constant 0 : i32
      %dma_wait3A_341 = arith.constant 0 : i32
      %dma_wait3A_342 = tpu.memref_slice %arg7[%dma_wait3A_340, %dma_wait3A_341] : memref<50048x32xf32, #tpu.memory_space<vmem_shared>> -> memref<50048x32xf32, #tpu.memory_space<vmem_shared>>
      tpu.wait_indirect_dma semaphore(%arg21 : memref<!tpu.dma_semaphore, #tpu.memory_space<semaphore_mem>>) src(%arg12 : memref<128x32xf32, #tpu.memory_space<vmem>>) dst(%dma_wait3A_342 : memref<50048x32xf32, #tpu.memory_space<vmem_shared>>)
      %dma_wait3A_343 = arith.constant 0 : i32
      %dma_wait3A_344 = arith.constant 0 : i32
      %dma_wait3A_345 = tpu.memref_slice %arg9[%dma_wait3A_343, %dma_wait3A_344] : memref<28x128xi32, #tpu.memory_space<vmem>> -> memref<1x128xi32, #tpu.memory_space<vmem>>
      %dma_wait3A_346 = tpu.memref_squeeze %dma_wait3A_345 : memref<1x128xi32, #tpu.memory_space<vmem>> -> memref<128xi32, #tpu.memory_space<vmem>>
      %dma_wait3A_347 = arith.constant 0 : i32
      %dma_wait3A_348 = arith.constant 0 : i32
      %dma_wait3A_349 = tpu.memref_slice %arg7[%dma_wait3A_347, %dma_wait3A_348] : memref<50048x32xf32, #tpu.memory_space<vmem_shared>> -> memref<50048x32xf32, #tpu.memory_space<vmem_shared>>
      tpu.wait_indirect_dma semaphore(%arg22 : memref<!tpu.dma_semaphore, #tpu.memory_space<semaphore_mem>>) src(%arg13 : memref<128x32xf32, #tpu.memory_space<vmem>>) dst(%dma_wait3A_349 : memref<50048x32xf32, #tpu.memory_space<vmem_shared>>)
      %scan3A_350 = arith.constant 0 : i32
      scf.yield %scan3A_350 : i32
    }
    %scan3A_81 = arith.constant 14 : i32
    %barrier3A_82 = arith.constant 0 : index
    tpu.barrier barrier_id(%barrier3A_82)
    %scan3A_83 = arith.constant 0 : i32
    %scan3A_84 = arith.constant 0 : i32
    %scan3A_85 = arith.constant 12 : i32
    %scan3A_86 = arith.addi %scan3A_84, %scan3A_85 : i32
    %scan3A_87 = arith.constant 1 : i32
    %scan3A_88 = scf.for %scan3A_211 = %scan3A_84 to %scan3A_86 step %scan3A_87 iter_args(%scan3A_212 = %scan3A_83) -> (i32)  : i32 {
      %mul3A_213 = arith.constant 2 : i32
      %mul3A_214 = arith.muli %mul3A_213, %scan3A_211 : i32
      %add3A_215 = arith.constant 0 : i32
      %add3A_216 = arith.addi %mul3A_214, %add3A_215 : i32
      %mul3A_217 = arith.constant 128 : i32
      %mul3A_218 = arith.muli %add3A_216, %mul3A_217 : i32
      %add3A_219 = arith.addi %mul3A_2, %mul3A_218 : i32
      %gt3A = arith.constant 0 : i32
      %gt3A_220 = arith.cmpi sgt, %scan3A_211, %gt3A : i32
      %convert_element_type3A = arith.extui %gt3A_220 : i1 to i32
      %cond3A = arith.constant 0 : i32
      %cond3A_221 = arith.cmpi ne, %convert_element_type3A, %cond3A : i32
      scf.if %cond3A_221 {
        %sub3A = arith.constant 256 : i32
        %sub3A_276 = arith.subi %add3A_219, %sub3A : i32
        %dma_wait3A_277 = arith.constant 0 : i32
        %dma_wait3A_278 = tpu.memref_slice %arg6[%add3A_55, %sub3A_276, %dma_wait3A_277] : memref<8x50048x32xf32, #tpu.memory_space<hbm>> -> memref<1x128x32xf32, #tpu.memory_space<hbm>>
        %dma_wait3A_279 = tpu.memref_squeeze %dma_wait3A_278 : memref<1x128x32xf32, #tpu.memory_space<hbm>> -> memref<128x32xf32, #tpu.memory_space<hbm>>
        %dma_wait3A_280 = arith.constant 0 : i32
        %dma_wait3A_281 = tpu.memref_slice %arg6[%add3A_55, %sub3A_276, %dma_wait3A_280] : memref<8x50048x32xf32, #tpu.memory_space<hbm>> -> memref<1x128x32xf32, #tpu.memory_space<hbm>>
        %dma_wait3A_282 = tpu.memref_squeeze %dma_wait3A_281 : memref<1x128x32xf32, #tpu.memory_space<hbm>> -> memref<128x32xf32, #tpu.memory_space<hbm>>
        tpu.wait_dma2 semaphore(%arg19 : memref<!tpu.dma_semaphore, #tpu.memory_space<semaphore_mem>>) src(%arg10 : memref<128x32xf32, #tpu.memory_space<vmem>>) dst(%dma_wait3A_282 : memref<128x32xf32, #tpu.memory_space<hbm>>)
      } else {
      }
      %dma_start3A = arith.constant 0 : i32
      %dma_start3A_222 = tpu.memref_slice %arg7[%add3A_219, %dma_start3A] : memref<50048x32xf32, #tpu.memory_space<vmem_shared>> -> memref<128x32xf32, #tpu.memory_space<vmem_shared>>
      %dma_start3A_223 = arith.constant 0 : i32
      %dma_start3A_224 = tpu.memref_slice %arg7[%add3A_219, %dma_start3A_223] : memref<50048x32xf32, #tpu.memory_space<vmem_shared>> -> memref<128x32xf32, #tpu.memory_space<vmem_shared>>
      tpu.enqueue_dma source(%dma_start3A_224 : memref<128x32xf32, #tpu.memory_space<vmem_shared>>) target(%arg10 : memref<128x32xf32, #tpu.memory_space<vmem>>) target_semaphore(%arg15 : memref<!tpu.dma_semaphore, #tpu.memory_space<semaphore_mem>>)
      %mul3A_225 = arith.constant 2 : i32
      %mul3A_226 = arith.muli %mul3A_225, %scan3A_211 : i32
      %add3A_227 = arith.constant 1 : i32
      %add3A_228 = arith.addi %mul3A_226, %add3A_227 : i32
      %mul3A_229 = arith.constant 128 : i32
      %mul3A_230 = arith.muli %add3A_228, %mul3A_229 : i32
      %add3A_231 = arith.addi %mul3A_2, %mul3A_230 : i32
      %gt3A_232 = arith.constant 0 : i32
      %gt3A_233 = arith.cmpi sgt, %scan3A_211, %gt3A_232 : i32
      %convert_element_type3A_234 = arith.extui %gt3A_233 : i1 to i32
      %cond3A_235 = arith.constant 0 : i32
      %cond3A_236 = arith.cmpi ne, %convert_element_type3A_234, %cond3A_235 : i32
      scf.if %cond3A_236 {
        %sub3A = arith.constant 256 : i32
        %sub3A_276 = arith.subi %add3A_231, %sub3A : i32
        %dma_wait3A_277 = arith.constant 0 : i32
        %dma_wait3A_278 = tpu.memref_slice %arg6[%add3A_55, %sub3A_276, %dma_wait3A_277] : memref<8x50048x32xf32, #tpu.memory_space<hbm>> -> memref<1x128x32xf32, #tpu.memory_space<hbm>>
        %dma_wait3A_279 = tpu.memref_squeeze %dma_wait3A_278 : memref<1x128x32xf32, #tpu.memory_space<hbm>> -> memref<128x32xf32, #tpu.memory_space<hbm>>
        %dma_wait3A_280 = arith.constant 0 : i32
        %dma_wait3A_281 = tpu.memref_slice %arg6[%add3A_55, %sub3A_276, %dma_wait3A_280] : memref<8x50048x32xf32, #tpu.memory_space<hbm>> -> memref<1x128x32xf32, #tpu.memory_space<hbm>>
        %dma_wait3A_282 = tpu.memref_squeeze %dma_wait3A_281 : memref<1x128x32xf32, #tpu.memory_space<hbm>> -> memref<128x32xf32, #tpu.memory_space<hbm>>
        tpu.wait_dma2 semaphore(%arg20 : memref<!tpu.dma_semaphore, #tpu.memory_space<semaphore_mem>>) src(%arg11 : memref<128x32xf32, #tpu.memory_space<vmem>>) dst(%dma_wait3A_282 : memref<128x32xf32, #tpu.memory_space<hbm>>)
      } else {
      }
      %dma_start3A_237 = arith.constant 0 : i32
      %dma_start3A_238 = tpu.memref_slice %arg7[%add3A_231, %dma_start3A_237] : memref<50048x32xf32, #tpu.memory_space<vmem_shared>> -> memref<128x32xf32, #tpu.memory_space<vmem_shared>>
      %dma_start3A_239 = arith.constant 0 : i32
      %dma_start3A_240 = tpu.memref_slice %arg7[%add3A_231, %dma_start3A_239] : memref<50048x32xf32, #tpu.memory_space<vmem_shared>> -> memref<128x32xf32, #tpu.memory_space<vmem_shared>>
      tpu.enqueue_dma source(%dma_start3A_240 : memref<128x32xf32, #tpu.memory_space<vmem_shared>>) target(%arg11 : memref<128x32xf32, #tpu.memory_space<vmem>>) target_semaphore(%arg16 : memref<!tpu.dma_semaphore, #tpu.memory_space<semaphore_mem>>)
      %mul3A_241 = arith.constant 2 : i32
      %mul3A_242 = arith.muli %mul3A_241, %scan3A_211 : i32
      %add3A_243 = arith.constant 0 : i32
      %add3A_244 = arith.addi %mul3A_242, %add3A_243 : i32
      %mul3A_245 = arith.constant 128 : i32
      %mul3A_246 = arith.muli %add3A_244, %mul3A_245 : i32
      %add3A_247 = arith.addi %mul3A_2, %mul3A_246 : i32
      %dma_wait3A_248 = arith.constant 0 : i32
      %dma_wait3A_249 = tpu.memref_slice %arg7[%add3A_247, %dma_wait3A_248] : memref<50048x32xf32, #tpu.memory_space<vmem_shared>> -> memref<128x32xf32, #tpu.memory_space<vmem_shared>>
      %dma_wait3A_250 = arith.constant 0 : i32
      %dma_wait3A_251 = tpu.memref_slice %arg7[%add3A_247, %dma_wait3A_250] : memref<50048x32xf32, #tpu.memory_space<vmem_shared>> -> memref<128x32xf32, #tpu.memory_space<vmem_shared>>
      tpu.wait_dma2 semaphore(%arg15 : memref<!tpu.dma_semaphore, #tpu.memory_space<semaphore_mem>>) src(%dma_wait3A_251 : memref<128x32xf32, #tpu.memory_space<vmem_shared>>) dst(%arg10 : memref<128x32xf32, #tpu.memory_space<vmem>>)
      %dma_start3A_252 = arith.constant 0 : i32
      %dma_start3A_253 = tpu.memref_slice %arg6[%add3A_55, %add3A_247, %dma_start3A_252] : memref<8x50048x32xf32, #tpu.memory_space<hbm>> -> memref<1x128x32xf32, #tpu.memory_space<hbm>>
      %dma_start3A_254 = tpu.memref_squeeze %dma_start3A_253 : memref<1x128x32xf32, #tpu.memory_space<hbm>> -> memref<128x32xf32, #tpu.memory_space<hbm>>
      %dma_start3A_255 = arith.constant 0 : i32
      %dma_start3A_256 = tpu.memref_slice %arg6[%add3A_55, %add3A_247, %dma_start3A_255] : memref<8x50048x32xf32, #tpu.memory_space<hbm>> -> memref<1x128x32xf32, #tpu.memory_space<hbm>>
      %dma_start3A_257 = tpu.memref_squeeze %dma_start3A_256 : memref<1x128x32xf32, #tpu.memory_space<hbm>> -> memref<128x32xf32, #tpu.memory_space<hbm>>
      tpu.enqueue_dma source(%arg10 : memref<128x32xf32, #tpu.memory_space<vmem>>) target(%dma_start3A_257 : memref<128x32xf32, #tpu.memory_space<hbm>>) target_semaphore(%arg19 : memref<!tpu.dma_semaphore, #tpu.memory_space<semaphore_mem>>)
      %mul3A_258 = arith.constant 2 : i32
      %mul3A_259 = arith.muli %mul3A_258, %scan3A_211 : i32
      %add3A_260 = arith.constant 1 : i32
      %add3A_261 = arith.addi %mul3A_259, %add3A_260 : i32
      %mul3A_262 = arith.constant 128 : i32
      %mul3A_263 = arith.muli %add3A_261, %mul3A_262 : i32
      %add3A_264 = arith.addi %mul3A_2, %mul3A_263 : i32
      %dma_wait3A_265 = arith.constant 0 : i32
      %dma_wait3A_266 = tpu.memref_slice %arg7[%add3A_264, %dma_wait3A_265] : memref<50048x32xf32, #tpu.memory_space<vmem_shared>> -> memref<128x32xf32, #tpu.memory_space<vmem_shared>>
      %dma_wait3A_267 = arith.constant 0 : i32
      %dma_wait3A_268 = tpu.memref_slice %arg7[%add3A_264, %dma_wait3A_267] : memref<50048x32xf32, #tpu.memory_space<vmem_shared>> -> memref<128x32xf32, #tpu.memory_space<vmem_shared>>
      tpu.wait_dma2 semaphore(%arg16 : memref<!tpu.dma_semaphore, #tpu.memory_space<semaphore_mem>>) src(%dma_wait3A_268 : memref<128x32xf32, #tpu.memory_space<vmem_shared>>) dst(%arg11 : memref<128x32xf32, #tpu.memory_space<vmem>>)
      %dma_start3A_269 = arith.constant 0 : i32
      %dma_start3A_270 = tpu.memref_slice %arg6[%add3A_55, %add3A_264, %dma_start3A_269] : memref<8x50048x32xf32, #tpu.memory_space<hbm>> -> memref<1x128x32xf32, #tpu.memory_space<hbm>>
      %dma_start3A_271 = tpu.memref_squeeze %dma_start3A_270 : memref<1x128x32xf32, #tpu.memory_space<hbm>> -> memref<128x32xf32, #tpu.memory_space<hbm>>
      %dma_start3A_272 = arith.constant 0 : i32
      %dma_start3A_273 = tpu.memref_slice %arg6[%add3A_55, %add3A_264, %dma_start3A_272] : memref<8x50048x32xf32, #tpu.memory_space<hbm>> -> memref<1x128x32xf32, #tpu.memory_space<hbm>>
      %dma_start3A_274 = tpu.memref_squeeze %dma_start3A_273 : memref<1x128x32xf32, #tpu.memory_space<hbm>> -> memref<128x32xf32, #tpu.memory_space<hbm>>
      tpu.enqueue_dma source(%arg11 : memref<128x32xf32, #tpu.memory_space<vmem>>) target(%dma_start3A_274 : memref<128x32xf32, #tpu.memory_space<hbm>>) target_semaphore(%arg20 : memref<!tpu.dma_semaphore, #tpu.memory_space<semaphore_mem>>)
      %scan3A_275 = arith.constant 0 : i32
      scf.yield %scan3A_275 : i32
    }
    %scan3A_89 = arith.constant 12 : i32
    %add3A_90 = arith.constant 3072 : i32
    %add3A_91 = arith.addi %mul3A_2, %add3A_90 : i32
    "tpu.region"() ({
      %run_scoped3A = tpu.sem_alloc : memref<!tpu.dma_semaphore, #tpu.memory_space<semaphore_mem>>
      %dma_start3A = arith.constant 0 : i32
      %dma_start3A_211 = arith.constant 0 : i32
      %dma_start3A_212 = tpu.memref_slice %arg14[%dma_start3A, %dma_start3A_211] : memref<128x32xf32, #tpu.memory_space<vmem>> -> memref<56x32xf32, #tpu.memory_space<vmem>>
      %dma_start3A_213 = arith.constant 0 : i32
      %dma_start3A_214 = tpu.memref_slice %arg7[%add3A_91, %dma_start3A_213] : memref<50048x32xf32, #tpu.memory_space<vmem_shared>> -> memref<56x32xf32, #tpu.memory_space<vmem_shared>>
      %dma_start3A_215 = arith.constant 0 : i32
      %dma_start3A_216 = arith.constant 0 : i32
      %dma_start3A_217 = tpu.memref_slice %arg14[%dma_start3A_215, %dma_start3A_216] : memref<128x32xf32, #tpu.memory_space<vmem>> -> memref<56x32xf32, #tpu.memory_space<vmem>>
      %dma_start3A_218 = arith.constant 0 : i32
      %dma_start3A_219 = tpu.memref_slice %arg7[%add3A_91, %dma_start3A_218] : memref<50048x32xf32, #tpu.memory_space<vmem_shared>> -> memref<56x32xf32, #tpu.memory_space<vmem_shared>>
      tpu.enqueue_dma source(%dma_start3A_219 : memref<56x32xf32, #tpu.memory_space<vmem_shared>>) target(%dma_start3A_217 : memref<56x32xf32, #tpu.memory_space<vmem>>) target_semaphore(%run_scoped3A : memref<!tpu.dma_semaphore, #tpu.memory_space<semaphore_mem>>)
      %dma_wait3A_220 = arith.constant 0 : i32
      %dma_wait3A_221 = arith.constant 0 : i32
      %dma_wait3A_222 = tpu.memref_slice %arg14[%dma_wait3A_220, %dma_wait3A_221] : memref<128x32xf32, #tpu.memory_space<vmem>> -> memref<56x32xf32, #tpu.memory_space<vmem>>
      %dma_wait3A_223 = arith.constant 0 : i32
      %dma_wait3A_224 = tpu.memref_slice %arg7[%add3A_91, %dma_wait3A_223] : memref<50048x32xf32, #tpu.memory_space<vmem_shared>> -> memref<56x32xf32, #tpu.memory_space<vmem_shared>>
      %dma_wait3A_225 = arith.constant 0 : i32
      %dma_wait3A_226 = arith.constant 0 : i32
      %dma_wait3A_227 = tpu.memref_slice %arg14[%dma_wait3A_225, %dma_wait3A_226] : memref<128x32xf32, #tpu.memory_space<vmem>> -> memref<56x32xf32, #tpu.memory_space<vmem>>
      %dma_wait3A_228 = arith.constant 0 : i32
      %dma_wait3A_229 = tpu.memref_slice %arg7[%add3A_91, %dma_wait3A_228] : memref<50048x32xf32, #tpu.memory_space<vmem_shared>> -> memref<56x32xf32, #tpu.memory_space<vmem_shared>>
      tpu.wait_dma2 semaphore(%run_scoped3A : memref<!tpu.dma_semaphore, #tpu.memory_space<semaphore_mem>>) src(%dma_wait3A_229 : memref<56x32xf32, #tpu.memory_space<vmem_shared>>) dst(%dma_wait3A_227 : memref<56x32xf32, #tpu.memory_space<vmem>>)
      tpu.yield
    }) : () -> ()
    "tpu.region"() ({
      %run_scoped3A = tpu.sem_alloc : memref<!tpu.dma_semaphore, #tpu.memory_space<semaphore_mem>>
      %dma_start3A = arith.constant 0 : i32
      %dma_start3A_211 = arith.constant 0 : i32
      %dma_start3A_212 = tpu.memref_slice %arg14[%dma_start3A, %dma_start3A_211] : memref<128x32xf32, #tpu.memory_space<vmem>> -> memref<56x32xf32, #tpu.memory_space<vmem>>
      %dma_start3A_213 = arith.constant 0 : i32
      %dma_start3A_214 = tpu.memref_slice %arg6[%add3A_55, %add3A_91, %dma_start3A_213] : memref<8x50048x32xf32, #tpu.memory_space<hbm>> -> memref<1x56x32xf32, #tpu.memory_space<hbm>>
      %dma_start3A_215 = tpu.memref_squeeze %dma_start3A_214 : memref<1x56x32xf32, #tpu.memory_space<hbm>> -> memref<56x32xf32, #tpu.memory_space<hbm>>
      %dma_start3A_216 = arith.constant 0 : i32
      %dma_start3A_217 = tpu.memref_slice %arg6[%add3A_55, %add3A_91, %dma_start3A_216] : memref<8x50048x32xf32, #tpu.memory_space<hbm>> -> memref<1x56x32xf32, #tpu.memory_space<hbm>>
      %dma_start3A_218 = tpu.memref_squeeze %dma_start3A_217 : memref<1x56x32xf32, #tpu.memory_space<hbm>> -> memref<56x32xf32, #tpu.memory_space<hbm>>
      %dma_start3A_219 = arith.constant 0 : i32
      %dma_start3A_220 = arith.constant 0 : i32
      %dma_start3A_221 = tpu.memref_slice %arg14[%dma_start3A_219, %dma_start3A_220] : memref<128x32xf32, #tpu.memory_space<vmem>> -> memref<56x32xf32, #tpu.memory_space<vmem>>
      tpu.enqueue_dma source(%dma_start3A_221 : memref<56x32xf32, #tpu.memory_space<vmem>>) target(%dma_start3A_218 : memref<56x32xf32, #tpu.memory_space<hbm>>) target_semaphore(%run_scoped3A : memref<!tpu.dma_semaphore, #tpu.memory_space<semaphore_mem>>)
      %dma_wait3A_222 = arith.constant 0 : i32
      %dma_wait3A_223 = arith.constant 0 : i32
      %dma_wait3A_224 = tpu.memref_slice %arg14[%dma_wait3A_222, %dma_wait3A_223] : memref<128x32xf32, #tpu.memory_space<vmem>> -> memref<56x32xf32, #tpu.memory_space<vmem>>
      %dma_wait3A_225 = arith.constant 0 : i32
      %dma_wait3A_226 = tpu.memref_slice %arg6[%add3A_55, %add3A_91, %dma_wait3A_225] : memref<8x50048x32xf32, #tpu.memory_space<hbm>> -> memref<1x56x32xf32, #tpu.memory_space<hbm>>
      %dma_wait3A_227 = tpu.memref_squeeze %dma_wait3A_226 : memref<1x56x32xf32, #tpu.memory_space<hbm>> -> memref<56x32xf32, #tpu.memory_space<hbm>>
      %dma_wait3A_228 = arith.constant 0 : i32
      %dma_wait3A_229 = tpu.memref_slice %arg6[%add3A_55, %add3A_91, %dma_wait3A_228] : memref<8x50048x32xf32, #tpu.memory_space<hbm>> -> memref<1x56x32xf32, #tpu.memory_space<hbm>>
      %dma_wait3A_230 = tpu.memref_squeeze %dma_wait3A_229 : memref<1x56x32xf32, #tpu.memory_space<hbm>> -> memref<56x32xf32, #tpu.memory_space<hbm>>
      %dma_wait3A_231 = arith.constant 0 : i32
      %dma_wait3A_232 = arith.constant 0 : i32
      %dma_wait3A_233 = tpu.memref_slice %arg14[%dma_wait3A_231, %dma_wait3A_232] : memref<128x32xf32, #tpu.memory_space<vmem>> -> memref<56x32xf32, #tpu.memory_space<vmem>>
      tpu.wait_dma2 semaphore(%run_scoped3A : memref<!tpu.dma_semaphore, #tpu.memory_space<semaphore_mem>>) src(%dma_wait3A_233 : memref<56x32xf32, #tpu.memory_space<vmem>>) dst(%dma_wait3A_230 : memref<56x32xf32, #tpu.memory_space<hbm>>)
      tpu.yield
    }) : () -> ()
    %dma_wait3A_92 = arith.constant 0 : i32
    %dma_wait3A_93 = tpu.memref_slice %arg6[%add3A_55, %mul3A_2, %dma_wait3A_92] : memref<8x50048x32xf32, #tpu.memory_space<hbm>> -> memref<1x128x32xf32, #tpu.memory_space<hbm>>
    %dma_wait3A_94 = tpu.memref_squeeze %dma_wait3A_93 : memref<1x128x32xf32, #tpu.memory_space<hbm>> -> memref<128x32xf32, #tpu.memory_space<hbm>>
    %dma_wait3A_95 = arith.constant 0 : i32
    %dma_wait3A_96 = tpu.memref_slice %arg6[%add3A_55, %mul3A_2, %dma_wait3A_95] : memref<8x50048x32xf32, #tpu.memory_space<hbm>> -> memref<1x128x32xf32, #tpu.memory_space<hbm>>
    %dma_wait3A_97 = tpu.memref_squeeze %dma_wait3A_96 : memref<1x128x32xf32, #tpu.memory_space<hbm>> -> memref<128x32xf32, #tpu.memory_space<hbm>>
    tpu.wait_dma2 semaphore(%arg19 : memref<!tpu.dma_semaphore, #tpu.memory_space<semaphore_mem>>) src(%arg10 : memref<128x32xf32, #tpu.memory_space<vmem>>) dst(%dma_wait3A_97 : memref<128x32xf32, #tpu.memory_space<hbm>>)
    %dma_wait3A_98 = arith.constant 0 : i32
    %dma_wait3A_99 = tpu.memref_slice %arg6[%add3A_55, %mul3A_2, %dma_wait3A_98] : memref<8x50048x32xf32, #tpu.memory_space<hbm>> -> memref<1x128x32xf32, #tpu.memory_space<hbm>>
    %dma_wait3A_100 = tpu.memref_squeeze %dma_wait3A_99 : memref<1x128x32xf32, #tpu.memory_space<hbm>> -> memref<128x32xf32, #tpu.memory_space<hbm>>
    %dma_wait3A_101 = arith.constant 0 : i32
    %dma_wait3A_102 = tpu.memref_slice %arg6[%add3A_55, %mul3A_2, %dma_wait3A_101] : memref<8x50048x32xf32, #tpu.memory_space<hbm>> -> memref<1x128x32xf32, #tpu.memory_space<hbm>>
    %dma_wait3A_103 = tpu.memref_squeeze %dma_wait3A_102 : memref<1x128x32xf32, #tpu.memory_space<hbm>> -> memref<128x32xf32, #tpu.memory_space<hbm>>
    tpu.wait_dma2 semaphore(%arg20 : memref<!tpu.dma_semaphore, #tpu.memory_space<semaphore_mem>>) src(%arg11 : memref<128x32xf32, #tpu.memory_space<vmem>>) dst(%dma_wait3A_103 : memref<128x32xf32, #tpu.memory_space<hbm>>)
    %barrier3A_104 = arith.constant 0 : index
    tpu.barrier barrier_id(%barrier3A_104)
    %mul3A_105 = arith.constant 4 : i32
    %mul3A_106 = arith.muli %arg0, %mul3A_105 : i32
    %add3A_107 = arith.constant 2 : i32
    %add3A_108 = arith.addi %mul3A_106, %add3A_107 : i32
    %mul3A_109 = arith.constant 50000 : i32
    %mul3A_110 = arith.muli %add3A_108, %mul3A_109 : i32
    "tpu.region"() ({
      %run_scoped3A = tpu.sem_alloc : memref<!tpu.dma_semaphore, #tpu.memory_space<semaphore_mem>>
      tpu.enqueue_dma source(%arg5 : memref<128x32xf32, #tpu.memory_space<hbm>>) target(%arg14 : memref<128x32xf32, #tpu.memory_space<vmem>>) target_semaphore(%run_scoped3A : memref<!tpu.dma_semaphore, #tpu.memory_space<semaphore_mem>>)
      tpu.wait_dma2 semaphore(%run_scoped3A : memref<!tpu.dma_semaphore, #tpu.memory_space<semaphore_mem>>) src(%arg5 : memref<128x32xf32, #tpu.memory_space<hbm>>) dst(%arg14 : memref<128x32xf32, #tpu.memory_space<vmem>>)
      tpu.yield
    }) : () -> ()
    %scan3A_111 = arith.constant 0 : i32
    %scan3A_112 = arith.constant 0 : i32
    %scan3A_113 = arith.constant 24 : i32
    %scan3A_114 = arith.addi %scan3A_112, %scan3A_113 : i32
    %scan3A_115 = arith.constant 1 : i32
    %scan3A_116 = scf.for %scan3A_211 = %scan3A_112 to %scan3A_114 step %scan3A_115 iter_args(%scan3A_212 = %scan3A_111) -> (i32)  : i32 {
      %mul3A_213 = arith.constant 128 : i32
      %mul3A_214 = arith.muli %scan3A_211, %mul3A_213 : i32
      %add3A_215 = arith.addi %mul3A_2, %mul3A_214 : i32
      %dma_start3A = arith.constant 0 : i32
      %dma_start3A_216 = tpu.memref_slice %arg7[%add3A_215, %dma_start3A] : memref<50048x32xf32, #tpu.memory_space<vmem_shared>> -> memref<128x32xf32, #tpu.memory_space<vmem_shared>>
      %dma_start3A_217 = arith.constant 0 : i32
      %dma_start3A_218 = tpu.memref_slice %arg7[%add3A_215, %dma_start3A_217] : memref<50048x32xf32, #tpu.memory_space<vmem_shared>> -> memref<128x32xf32, #tpu.memory_space<vmem_shared>>
      tpu.enqueue_dma source(%arg14 : memref<128x32xf32, #tpu.memory_space<vmem>>) target(%dma_start3A_218 : memref<128x32xf32, #tpu.memory_space<vmem_shared>>) target_semaphore(%arg23 : memref<!tpu.dma_semaphore, #tpu.memory_space<semaphore_mem>>)
      %scan3A_219 = arith.constant 0 : i32
      scf.yield %scan3A_219 : i32
    }
    %scan3A_117 = arith.constant 24 : i32
    %add3A_118 = arith.constant 3072 : i32
    %add3A_119 = arith.addi %mul3A_2, %add3A_118 : i32
    "tpu.region"() ({
      %run_scoped3A = tpu.sem_alloc : memref<!tpu.dma_semaphore, #tpu.memory_space<semaphore_mem>>
      %dma_start3A = arith.constant 0 : i32
      %dma_start3A_211 = arith.constant 0 : i32
      %dma_start3A_212 = tpu.memref_slice %arg14[%dma_start3A, %dma_start3A_211] : memref<128x32xf32, #tpu.memory_space<vmem>> -> memref<56x32xf32, #tpu.memory_space<vmem>>
      %dma_start3A_213 = arith.constant 0 : i32
      %dma_start3A_214 = tpu.memref_slice %arg7[%add3A_119, %dma_start3A_213] : memref<50048x32xf32, #tpu.memory_space<vmem_shared>> -> memref<56x32xf32, #tpu.memory_space<vmem_shared>>
      %dma_start3A_215 = arith.constant 0 : i32
      %dma_start3A_216 = tpu.memref_slice %arg7[%add3A_119, %dma_start3A_215] : memref<50048x32xf32, #tpu.memory_space<vmem_shared>> -> memref<56x32xf32, #tpu.memory_space<vmem_shared>>
      %dma_start3A_217 = arith.constant 0 : i32
      %dma_start3A_218 = arith.constant 0 : i32
      %dma_start3A_219 = tpu.memref_slice %arg14[%dma_start3A_217, %dma_start3A_218] : memref<128x32xf32, #tpu.memory_space<vmem>> -> memref<56x32xf32, #tpu.memory_space<vmem>>
      tpu.enqueue_dma source(%dma_start3A_219 : memref<56x32xf32, #tpu.memory_space<vmem>>) target(%dma_start3A_216 : memref<56x32xf32, #tpu.memory_space<vmem_shared>>) target_semaphore(%run_scoped3A : memref<!tpu.dma_semaphore, #tpu.memory_space<semaphore_mem>>)
      %dma_wait3A_220 = arith.constant 0 : i32
      %dma_wait3A_221 = arith.constant 0 : i32
      %dma_wait3A_222 = tpu.memref_slice %arg14[%dma_wait3A_220, %dma_wait3A_221] : memref<128x32xf32, #tpu.memory_space<vmem>> -> memref<56x32xf32, #tpu.memory_space<vmem>>
      %dma_wait3A_223 = arith.constant 0 : i32
      %dma_wait3A_224 = tpu.memref_slice %arg7[%add3A_119, %dma_wait3A_223] : memref<50048x32xf32, #tpu.memory_space<vmem_shared>> -> memref<56x32xf32, #tpu.memory_space<vmem_shared>>
      %dma_wait3A_225 = arith.constant 0 : i32
      %dma_wait3A_226 = tpu.memref_slice %arg7[%add3A_119, %dma_wait3A_225] : memref<50048x32xf32, #tpu.memory_space<vmem_shared>> -> memref<56x32xf32, #tpu.memory_space<vmem_shared>>
      %dma_wait3A_227 = arith.constant 0 : i32
      %dma_wait3A_228 = arith.constant 0 : i32
      %dma_wait3A_229 = tpu.memref_slice %arg14[%dma_wait3A_227, %dma_wait3A_228] : memref<128x32xf32, #tpu.memory_space<vmem>> -> memref<56x32xf32, #tpu.memory_space<vmem>>
      tpu.wait_dma2 semaphore(%run_scoped3A : memref<!tpu.dma_semaphore, #tpu.memory_space<semaphore_mem>>) src(%dma_wait3A_229 : memref<56x32xf32, #tpu.memory_space<vmem>>) dst(%dma_wait3A_226 : memref<56x32xf32, #tpu.memory_space<vmem_shared>>)
      tpu.yield
    }) : () -> ()
    %scan3A_120 = arith.constant 0 : i32
    %scan3A_121 = arith.constant 0 : i32
    %scan3A_122 = arith.constant 24 : i32
    %scan3A_123 = arith.addi %scan3A_121, %scan3A_122 : i32
    %scan3A_124 = arith.constant 1 : i32
    %scan3A_125 = scf.for %scan3A_211 = %scan3A_121 to %scan3A_123 step %scan3A_124 iter_args(%scan3A_212 = %scan3A_120) -> (i32)  : i32 {
      %mul3A_213 = arith.constant 128 : i32
      %mul3A_214 = arith.muli %scan3A_211, %mul3A_213 : i32
      %add3A_215 = arith.addi %mul3A_2, %mul3A_214 : i32
      %dma_wait3A_216 = arith.constant 0 : i32
      %dma_wait3A_217 = tpu.memref_slice %arg7[%add3A_215, %dma_wait3A_216] : memref<50048x32xf32, #tpu.memory_space<vmem_shared>> -> memref<128x32xf32, #tpu.memory_space<vmem_shared>>
      %dma_wait3A_218 = arith.constant 0 : i32
      %dma_wait3A_219 = tpu.memref_slice %arg7[%add3A_215, %dma_wait3A_218] : memref<50048x32xf32, #tpu.memory_space<vmem_shared>> -> memref<128x32xf32, #tpu.memory_space<vmem_shared>>
      tpu.wait_dma2 semaphore(%arg23 : memref<!tpu.dma_semaphore, #tpu.memory_space<semaphore_mem>>) src(%arg14 : memref<128x32xf32, #tpu.memory_space<vmem>>) dst(%dma_wait3A_219 : memref<128x32xf32, #tpu.memory_space<vmem_shared>>)
      %scan3A_220 = arith.constant 0 : i32
      scf.yield %scan3A_220 : i32
    }
    %scan3A_126 = arith.constant 24 : i32
    %barrier3A_127 = arith.constant 0 : index
    tpu.barrier barrier_id(%barrier3A_127)
    %scan3A_128 = arith.constant 0 : i32
    %scan3A_129 = arith.constant 0 : i32
    %scan3A_130 = arith.constant 14 : i32
    %scan3A_131 = arith.addi %scan3A_129, %scan3A_130 : i32
    %scan3A_132 = arith.constant 1 : i32
    %scan3A_133 = scf.for %scan3A_211 = %scan3A_129 to %scan3A_131 step %scan3A_132 iter_args(%scan3A_212 = %scan3A_128) -> (i32)  : i32 {
      %mul3A_213 = arith.constant 3584 : i32
      %mul3A_214 = arith.muli %scan3A_211, %mul3A_213 : i32
      %add3A_215 = arith.addi %mul3A_0, %mul3A_214 : i32
      "tpu.region"() ({
        %run_scoped3A = tpu.sem_alloc : memref<!tpu.dma_semaphore, #tpu.memory_space<semaphore_mem>>
        %dma_start3A_351 = tpu.memref_slice %arg3[%add3A_215] : memref<802816xi32, #tpu.memory_space<hbm>> -> memref<3584xi32, #tpu.memory_space<hbm>>
        %dma_start3A_352 = tpu.memref_slice %arg3[%add3A_215] : memref<802816xi32, #tpu.memory_space<hbm>> -> memref<3584xi32, #tpu.memory_space<hbm>>
        tpu.enqueue_dma source(%dma_start3A_352 : memref<3584xi32, #tpu.memory_space<hbm>>) target(%arg8 : memref<3584xi32, #tpu.memory_space<vmem>>) target_semaphore(%run_scoped3A : memref<!tpu.dma_semaphore, #tpu.memory_space<semaphore_mem>>)
        %dma_wait3A_353 = tpu.memref_slice %arg3[%add3A_215] : memref<802816xi32, #tpu.memory_space<hbm>> -> memref<3584xi32, #tpu.memory_space<hbm>>
        %dma_wait3A_354 = tpu.memref_slice %arg3[%add3A_215] : memref<802816xi32, #tpu.memory_space<hbm>> -> memref<3584xi32, #tpu.memory_space<hbm>>
        tpu.wait_dma2 semaphore(%run_scoped3A : memref<!tpu.dma_semaphore, #tpu.memory_space<semaphore_mem>>) src(%dma_wait3A_354 : memref<3584xi32, #tpu.memory_space<hbm>>) dst(%arg8 : memref<3584xi32, #tpu.memory_space<vmem>>)
        tpu.yield
      }) : () -> ()
      %jit3A = arith.constant 128 : i32
      %div3A = arith.divsi %add3A_215, %jit3A : i32
      %sign3A = arith.constant 0 : i32
      %sign3A_216 = arith.cmpi sgt, %add3A_215, %sign3A : i32
      %sign3A_217 = arith.extui %sign3A_216 : i1 to i32
      %sign3A_218 = arith.constant 0 : i32
      %sign3A_219 = arith.cmpi slt, %add3A_215, %sign3A_218 : i32
      %sign3A_220 = arith.extui %sign3A_219 : i1 to i32
      %sign3A_221 = arith.subi %sign3A_217, %sign3A_220 : i32
      %sign3A_222 = arith.constant 0 : i32
      %sign3A_223 = arith.cmpi sgt, %jit3A, %sign3A_222 : i32
      %sign3A_224 = arith.extui %sign3A_223 : i1 to i32
      %sign3A_225 = arith.constant 0 : i32
      %sign3A_226 = arith.cmpi slt, %jit3A, %sign3A_225 : i32
      %sign3A_227 = arith.extui %sign3A_226 : i1 to i32
      %sign3A_228 = arith.subi %sign3A_224, %sign3A_227 : i32
      %ne3A = arith.cmpi ne, %sign3A_221, %sign3A_228 : i32
      %rem3A = arith.remsi %add3A_215, %jit3A : i32
      %ne3A_229 = arith.constant 0 : i32
      %ne3A_230 = arith.cmpi ne, %rem3A, %ne3A_229 : i32
      %and3A = arith.andi %ne3A, %ne3A_230 : i1
      %sub3A = arith.constant 1 : i32
      %sub3A_231 = arith.subi %div3A, %sub3A : i32
      %select_n3A = arith.select %and3A, %sub3A_231, %div3A : i32
      "tpu.region"() ({
        %run_scoped3A = tpu.sem_alloc : memref<!tpu.dma_semaphore, #tpu.memory_space<semaphore_mem>>
        %dma_start3A_351 = arith.constant 0 : i32
        %dma_start3A_352 = tpu.memref_slice %arg4[%select_n3A, %dma_start3A_351] : memref<6272x128xi32, #tpu.memory_space<hbm>> -> memref<28x128xi32, #tpu.memory_space<hbm>>
        %dma_start3A_353 = arith.constant 0 : i32
        %dma_start3A_354 = tpu.memref_slice %arg4[%select_n3A, %dma_start3A_353] : memref<6272x128xi32, #tpu.memory_space<hbm>> -> memref<28x128xi32, #tpu.memory_space<hbm>>
        tpu.enqueue_dma source(%dma_start3A_354 : memref<28x128xi32, #tpu.memory_space<hbm>>) target(%arg9 : memref<28x128xi32, #tpu.memory_space<vmem>>) target_semaphore(%run_scoped3A : memref<!tpu.dma_semaphore, #tpu.memory_space<semaphore_mem>>)
        %dma_wait3A_355 = arith.constant 0 : i32
        %dma_wait3A_356 = tpu.memref_slice %arg4[%select_n3A, %dma_wait3A_355] : memref<6272x128xi32, #tpu.memory_space<hbm>> -> memref<28x128xi32, #tpu.memory_space<hbm>>
        %dma_wait3A_357 = arith.constant 0 : i32
        %dma_wait3A_358 = tpu.memref_slice %arg4[%select_n3A, %dma_wait3A_357] : memref<6272x128xi32, #tpu.memory_space<hbm>> -> memref<28x128xi32, #tpu.memory_space<hbm>>
        tpu.wait_dma2 semaphore(%run_scoped3A : memref<!tpu.dma_semaphore, #tpu.memory_space<semaphore_mem>>) src(%dma_wait3A_358 : memref<28x128xi32, #tpu.memory_space<hbm>>) dst(%arg9 : memref<28x128xi32, #tpu.memory_space<vmem>>)
        tpu.yield
      }) : () -> ()
      %dma_start3A = arith.constant 0 : i32
      %dma_start3A_232 = tpu.memref_slice %arg8[%dma_start3A] : memref<3584xi32, #tpu.memory_space<vmem>> -> memref<128xi32, #tpu.memory_space<vmem>>
      %dma_start3A_233 = arith.constant 0 : i32
      %dma_start3A_234 = tpu.memref_slice %arg2[%mul3A_110, %dma_start3A_233] : memref<400000x32xf32, #tpu.memory_space<hbm>> -> memref<50000x32xf32, #tpu.memory_space<hbm>>
      %dma_start3A_235 = arith.constant 0 : i32
      %dma_start3A_236 = arith.constant 0 : i32
      %dma_start3A_237 = tpu.memref_slice %dma_start3A_234[%dma_start3A_235, %dma_start3A_236] : memref<50000x32xf32, #tpu.memory_space<hbm>> -> memref<50000x32xf32, #tpu.memory_space<hbm>>
      tpu.enqueue_indirect_dma source(%dma_start3A_237 : memref<50000x32xf32, #tpu.memory_space<hbm>>) target(%arg10 : memref<128x32xf32, #tpu.memory_space<vmem>>) offsets(%dma_start3A_232 : memref<128xi32, #tpu.memory_space<vmem>>) semaphore(%arg15 : memref<!tpu.dma_semaphore, #tpu.memory_space<semaphore_mem>>)
      %dma_start3A_238 = arith.constant 128 : i32
      %dma_start3A_239 = tpu.memref_slice %arg8[%dma_start3A_238] : memref<3584xi32, #tpu.memory_space<vmem>> -> memref<128xi32, #tpu.memory_space<vmem>>
      %dma_start3A_240 = arith.constant 0 : i32
      %dma_start3A_241 = tpu.memref_slice %arg2[%mul3A_110, %dma_start3A_240] : memref<400000x32xf32, #tpu.memory_space<hbm>> -> memref<50000x32xf32, #tpu.memory_space<hbm>>
      %dma_start3A_242 = arith.constant 0 : i32
      %dma_start3A_243 = arith.constant 0 : i32
      %dma_start3A_244 = tpu.memref_slice %dma_start3A_241[%dma_start3A_242, %dma_start3A_243] : memref<50000x32xf32, #tpu.memory_space<hbm>> -> memref<50000x32xf32, #tpu.memory_space<hbm>>
      tpu.enqueue_indirect_dma source(%dma_start3A_244 : memref<50000x32xf32, #tpu.memory_space<hbm>>) target(%arg11 : memref<128x32xf32, #tpu.memory_space<vmem>>) offsets(%dma_start3A_239 : memref<128xi32, #tpu.memory_space<vmem>>) semaphore(%arg16 : memref<!tpu.dma_semaphore, #tpu.memory_space<semaphore_mem>>)
      %dma_start3A_245 = arith.constant 256 : i32
      %dma_start3A_246 = tpu.memref_slice %arg8[%dma_start3A_245] : memref<3584xi32, #tpu.memory_space<vmem>> -> memref<128xi32, #tpu.memory_space<vmem>>
      %dma_start3A_247 = arith.constant 0 : i32
      %dma_start3A_248 = tpu.memref_slice %arg2[%mul3A_110, %dma_start3A_247] : memref<400000x32xf32, #tpu.memory_space<hbm>> -> memref<50000x32xf32, #tpu.memory_space<hbm>>
      %dma_start3A_249 = arith.constant 0 : i32
      %dma_start3A_250 = arith.constant 0 : i32
      %dma_start3A_251 = tpu.memref_slice %dma_start3A_248[%dma_start3A_249, %dma_start3A_250] : memref<50000x32xf32, #tpu.memory_space<hbm>> -> memref<50000x32xf32, #tpu.memory_space<hbm>>
      tpu.enqueue_indirect_dma source(%dma_start3A_251 : memref<50000x32xf32, #tpu.memory_space<hbm>>) target(%arg12 : memref<128x32xf32, #tpu.memory_space<vmem>>) offsets(%dma_start3A_246 : memref<128xi32, #tpu.memory_space<vmem>>) semaphore(%arg17 : memref<!tpu.dma_semaphore, #tpu.memory_space<semaphore_mem>>)
      %dma_start3A_252 = arith.constant 384 : i32
      %dma_start3A_253 = tpu.memref_slice %arg8[%dma_start3A_252] : memref<3584xi32, #tpu.memory_space<vmem>> -> memref<128xi32, #tpu.memory_space<vmem>>
      %dma_start3A_254 = arith.constant 0 : i32
      %dma_start3A_255 = tpu.memref_slice %arg2[%mul3A_110, %dma_start3A_254] : memref<400000x32xf32, #tpu.memory_space<hbm>> -> memref<50000x32xf32, #tpu.memory_space<hbm>>
      %dma_start3A_256 = arith.constant 0 : i32
      %dma_start3A_257 = arith.constant 0 : i32
      %dma_start3A_258 = tpu.memref_slice %dma_start3A_255[%dma_start3A_256, %dma_start3A_257] : memref<50000x32xf32, #tpu.memory_space<hbm>> -> memref<50000x32xf32, #tpu.memory_space<hbm>>
      tpu.enqueue_indirect_dma source(%dma_start3A_258 : memref<50000x32xf32, #tpu.memory_space<hbm>>) target(%arg13 : memref<128x32xf32, #tpu.memory_space<vmem>>) offsets(%dma_start3A_253 : memref<128xi32, #tpu.memory_space<vmem>>) semaphore(%arg18 : memref<!tpu.dma_semaphore, #tpu.memory_space<semaphore_mem>>)
      %scan3A_259 = arith.constant 0 : i32
      %scan3A_260 = arith.constant 0 : i32
      %scan3A_261 = arith.constant 6 : i32
      %scan3A_262 = arith.addi %scan3A_260, %scan3A_261 : i32
      %scan3A_263 = arith.constant 1 : i32
      %scan3A_264 = scf.for %scan3A_351 = %scan3A_260 to %scan3A_262 step %scan3A_263 iter_args(%scan3A_352 = %scan3A_259) -> (i32)  : i32 {
        %mul3A_353 = arith.constant 4 : i32
        %mul3A_354 = arith.muli %mul3A_353, %scan3A_351 : i32
        %add3A_355 = arith.constant 0 : i32
        %add3A_356 = arith.addi %mul3A_354, %add3A_355 : i32
        %mul3A_357 = arith.constant 128 : i32
        %mul3A_358 = arith.muli %add3A_356, %mul3A_357 : i32
        %dma_wait3A_359 = tpu.memref_slice %arg8[%mul3A_358] : memref<3584xi32, #tpu.memory_space<vmem>> -> memref<128xi32, #tpu.memory_space<vmem>>
        %dma_wait3A_360 = arith.constant 0 : i32
        %dma_wait3A_361 = tpu.memref_slice %arg2[%mul3A_110, %dma_wait3A_360] : memref<400000x32xf32, #tpu.memory_space<hbm>> -> memref<50000x32xf32, #tpu.memory_space<hbm>>
        %dma_wait3A_362 = arith.constant 0 : i32
        %dma_wait3A_363 = arith.constant 0 : i32
        %dma_wait3A_364 = tpu.memref_slice %dma_wait3A_361[%dma_wait3A_362, %dma_wait3A_363] : memref<50000x32xf32, #tpu.memory_space<hbm>> -> memref<50000x32xf32, #tpu.memory_space<hbm>>
        tpu.wait_indirect_dma semaphore(%arg15 : memref<!tpu.dma_semaphore, #tpu.memory_space<semaphore_mem>>) src(%dma_wait3A_364 : memref<50000x32xf32, #tpu.memory_space<hbm>>) dst(%arg10 : memref<128x32xf32, #tpu.memory_space<vmem>>)
        %dma_start3A_365 = arith.constant 0 : i32
        %dma_start3A_366 = tpu.memref_slice %arg9[%add3A_356, %dma_start3A_365] : memref<28x128xi32, #tpu.memory_space<vmem>> -> memref<1x128xi32, #tpu.memory_space<vmem>>
        %dma_start3A_367 = tpu.memref_squeeze %dma_start3A_366 : memref<1x128xi32, #tpu.memory_space<vmem>> -> memref<128xi32, #tpu.memory_space<vmem>>
        %dma_start3A_368 = arith.constant 0 : i32
        %dma_start3A_369 = arith.constant 0 : i32
        %dma_start3A_370 = tpu.memref_slice %arg7[%dma_start3A_368, %dma_start3A_369] : memref<50048x32xf32, #tpu.memory_space<vmem_shared>> -> memref<50048x32xf32, #tpu.memory_space<vmem_shared>>
        tpu.enqueue_indirect_dma source(%arg10 : memref<128x32xf32, #tpu.memory_space<vmem>>) target(%dma_start3A_370 : memref<50048x32xf32, #tpu.memory_space<vmem_shared>>) offsets(%dma_start3A_367 : memref<128xi32, #tpu.memory_space<vmem>>) semaphore(%arg19 : memref<!tpu.dma_semaphore, #tpu.memory_space<semaphore_mem>>) {add = true}
        %mul3A_371 = arith.constant 4 : i32
        %mul3A_372 = arith.muli %mul3A_371, %scan3A_351 : i32
        %add3A_373 = arith.constant 1 : i32
        %add3A_374 = arith.addi %mul3A_372, %add3A_373 : i32
        %mul3A_375 = arith.constant 128 : i32
        %mul3A_376 = arith.muli %add3A_374, %mul3A_375 : i32
        %dma_wait3A_377 = tpu.memref_slice %arg8[%mul3A_376] : memref<3584xi32, #tpu.memory_space<vmem>> -> memref<128xi32, #tpu.memory_space<vmem>>
        %dma_wait3A_378 = arith.constant 0 : i32
        %dma_wait3A_379 = tpu.memref_slice %arg2[%mul3A_110, %dma_wait3A_378] : memref<400000x32xf32, #tpu.memory_space<hbm>> -> memref<50000x32xf32, #tpu.memory_space<hbm>>
        %dma_wait3A_380 = arith.constant 0 : i32
        %dma_wait3A_381 = arith.constant 0 : i32
        %dma_wait3A_382 = tpu.memref_slice %dma_wait3A_379[%dma_wait3A_380, %dma_wait3A_381] : memref<50000x32xf32, #tpu.memory_space<hbm>> -> memref<50000x32xf32, #tpu.memory_space<hbm>>
        tpu.wait_indirect_dma semaphore(%arg16 : memref<!tpu.dma_semaphore, #tpu.memory_space<semaphore_mem>>) src(%dma_wait3A_382 : memref<50000x32xf32, #tpu.memory_space<hbm>>) dst(%arg11 : memref<128x32xf32, #tpu.memory_space<vmem>>)
        %dma_start3A_383 = arith.constant 0 : i32
        %dma_start3A_384 = tpu.memref_slice %arg9[%add3A_374, %dma_start3A_383] : memref<28x128xi32, #tpu.memory_space<vmem>> -> memref<1x128xi32, #tpu.memory_space<vmem>>
        %dma_start3A_385 = tpu.memref_squeeze %dma_start3A_384 : memref<1x128xi32, #tpu.memory_space<vmem>> -> memref<128xi32, #tpu.memory_space<vmem>>
        %dma_start3A_386 = arith.constant 0 : i32
        %dma_start3A_387 = arith.constant 0 : i32
        %dma_start3A_388 = tpu.memref_slice %arg7[%dma_start3A_386, %dma_start3A_387] : memref<50048x32xf32, #tpu.memory_space<vmem_shared>> -> memref<50048x32xf32, #tpu.memory_space<vmem_shared>>
        tpu.enqueue_indirect_dma source(%arg11 : memref<128x32xf32, #tpu.memory_space<vmem>>) target(%dma_start3A_388 : memref<50048x32xf32, #tpu.memory_space<vmem_shared>>) offsets(%dma_start3A_385 : memref<128xi32, #tpu.memory_space<vmem>>) semaphore(%arg20 : memref<!tpu.dma_semaphore, #tpu.memory_space<semaphore_mem>>) {add = true}
        %mul3A_389 = arith.constant 4 : i32
        %mul3A_390 = arith.muli %mul3A_389, %scan3A_351 : i32
        %add3A_391 = arith.constant 2 : i32
        %add3A_392 = arith.addi %mul3A_390, %add3A_391 : i32
        %mul3A_393 = arith.constant 128 : i32
        %mul3A_394 = arith.muli %add3A_392, %mul3A_393 : i32
        %dma_wait3A_395 = tpu.memref_slice %arg8[%mul3A_394] : memref<3584xi32, #tpu.memory_space<vmem>> -> memref<128xi32, #tpu.memory_space<vmem>>
        %dma_wait3A_396 = arith.constant 0 : i32
        %dma_wait3A_397 = tpu.memref_slice %arg2[%mul3A_110, %dma_wait3A_396] : memref<400000x32xf32, #tpu.memory_space<hbm>> -> memref<50000x32xf32, #tpu.memory_space<hbm>>
        %dma_wait3A_398 = arith.constant 0 : i32
        %dma_wait3A_399 = arith.constant 0 : i32
        %dma_wait3A_400 = tpu.memref_slice %dma_wait3A_397[%dma_wait3A_398, %dma_wait3A_399] : memref<50000x32xf32, #tpu.memory_space<hbm>> -> memref<50000x32xf32, #tpu.memory_space<hbm>>
        tpu.wait_indirect_dma semaphore(%arg17 : memref<!tpu.dma_semaphore, #tpu.memory_space<semaphore_mem>>) src(%dma_wait3A_400 : memref<50000x32xf32, #tpu.memory_space<hbm>>) dst(%arg12 : memref<128x32xf32, #tpu.memory_space<vmem>>)
        %dma_start3A_401 = arith.constant 0 : i32
        %dma_start3A_402 = tpu.memref_slice %arg9[%add3A_392, %dma_start3A_401] : memref<28x128xi32, #tpu.memory_space<vmem>> -> memref<1x128xi32, #tpu.memory_space<vmem>>
        %dma_start3A_403 = tpu.memref_squeeze %dma_start3A_402 : memref<1x128xi32, #tpu.memory_space<vmem>> -> memref<128xi32, #tpu.memory_space<vmem>>
        %dma_start3A_404 = arith.constant 0 : i32
        %dma_start3A_405 = arith.constant 0 : i32
        %dma_start3A_406 = tpu.memref_slice %arg7[%dma_start3A_404, %dma_start3A_405] : memref<50048x32xf32, #tpu.memory_space<vmem_shared>> -> memref<50048x32xf32, #tpu.memory_space<vmem_shared>>
        tpu.enqueue_indirect_dma source(%arg12 : memref<128x32xf32, #tpu.memory_space<vmem>>) target(%dma_start3A_406 : memref<50048x32xf32, #tpu.memory_space<vmem_shared>>) offsets(%dma_start3A_403 : memref<128xi32, #tpu.memory_space<vmem>>) semaphore(%arg21 : memref<!tpu.dma_semaphore, #tpu.memory_space<semaphore_mem>>) {add = true}
        %mul3A_407 = arith.constant 4 : i32
        %mul3A_408 = arith.muli %mul3A_407, %scan3A_351 : i32
        %add3A_409 = arith.constant 3 : i32
        %add3A_410 = arith.addi %mul3A_408, %add3A_409 : i32
        %mul3A_411 = arith.constant 128 : i32
        %mul3A_412 = arith.muli %add3A_410, %mul3A_411 : i32
        %dma_wait3A_413 = tpu.memref_slice %arg8[%mul3A_412] : memref<3584xi32, #tpu.memory_space<vmem>> -> memref<128xi32, #tpu.memory_space<vmem>>
        %dma_wait3A_414 = arith.constant 0 : i32
        %dma_wait3A_415 = tpu.memref_slice %arg2[%mul3A_110, %dma_wait3A_414] : memref<400000x32xf32, #tpu.memory_space<hbm>> -> memref<50000x32xf32, #tpu.memory_space<hbm>>
        %dma_wait3A_416 = arith.constant 0 : i32
        %dma_wait3A_417 = arith.constant 0 : i32
        %dma_wait3A_418 = tpu.memref_slice %dma_wait3A_415[%dma_wait3A_416, %dma_wait3A_417] : memref<50000x32xf32, #tpu.memory_space<hbm>> -> memref<50000x32xf32, #tpu.memory_space<hbm>>
        tpu.wait_indirect_dma semaphore(%arg18 : memref<!tpu.dma_semaphore, #tpu.memory_space<semaphore_mem>>) src(%dma_wait3A_418 : memref<50000x32xf32, #tpu.memory_space<hbm>>) dst(%arg13 : memref<128x32xf32, #tpu.memory_space<vmem>>)
        %dma_start3A_419 = arith.constant 0 : i32
        %dma_start3A_420 = tpu.memref_slice %arg9[%add3A_410, %dma_start3A_419] : memref<28x128xi32, #tpu.memory_space<vmem>> -> memref<1x128xi32, #tpu.memory_space<vmem>>
        %dma_start3A_421 = tpu.memref_squeeze %dma_start3A_420 : memref<1x128xi32, #tpu.memory_space<vmem>> -> memref<128xi32, #tpu.memory_space<vmem>>
        %dma_start3A_422 = arith.constant 0 : i32
        %dma_start3A_423 = arith.constant 0 : i32
        %dma_start3A_424 = tpu.memref_slice %arg7[%dma_start3A_422, %dma_start3A_423] : memref<50048x32xf32, #tpu.memory_space<vmem_shared>> -> memref<50048x32xf32, #tpu.memory_space<vmem_shared>>
        tpu.enqueue_indirect_dma source(%arg13 : memref<128x32xf32, #tpu.memory_space<vmem>>) target(%dma_start3A_424 : memref<50048x32xf32, #tpu.memory_space<vmem_shared>>) offsets(%dma_start3A_421 : memref<128xi32, #tpu.memory_space<vmem>>) semaphore(%arg22 : memref<!tpu.dma_semaphore, #tpu.memory_space<semaphore_mem>>) {add = true}
        %add3A_425 = arith.constant 1 : i32
        %add3A_426 = arith.addi %scan3A_351, %add3A_425 : i32
        %mul3A_427 = arith.constant 4 : i32
        %mul3A_428 = arith.muli %mul3A_427, %add3A_426 : i32
        %add3A_429 = arith.constant 0 : i32
        %add3A_430 = arith.addi %mul3A_428, %add3A_429 : i32
        %dma_wait3A_431 = arith.constant 0 : i32
        %dma_wait3A_432 = tpu.memref_slice %arg9[%add3A_430, %dma_wait3A_431] : memref<28x128xi32, #tpu.memory_space<vmem>> -> memref<1x128xi32, #tpu.memory_space<vmem>>
        %dma_wait3A_433 = tpu.memref_squeeze %dma_wait3A_432 : memref<1x128xi32, #tpu.memory_space<vmem>> -> memref<128xi32, #tpu.memory_space<vmem>>
        %dma_wait3A_434 = arith.constant 0 : i32
        %dma_wait3A_435 = arith.constant 0 : i32
        %dma_wait3A_436 = tpu.memref_slice %arg7[%dma_wait3A_434, %dma_wait3A_435] : memref<50048x32xf32, #tpu.memory_space<vmem_shared>> -> memref<50048x32xf32, #tpu.memory_space<vmem_shared>>
        tpu.wait_indirect_dma semaphore(%arg19 : memref<!tpu.dma_semaphore, #tpu.memory_space<semaphore_mem>>) src(%arg10 : memref<128x32xf32, #tpu.memory_space<vmem>>) dst(%dma_wait3A_436 : memref<50048x32xf32, #tpu.memory_space<vmem_shared>>)
        %mul3A_437 = arith.constant 128 : i32
        %mul3A_438 = arith.muli %add3A_430, %mul3A_437 : i32
        %dma_start3A_439 = tpu.memref_slice %arg8[%mul3A_438] : memref<3584xi32, #tpu.memory_space<vmem>> -> memref<128xi32, #tpu.memory_space<vmem>>
        %dma_start3A_440 = arith.constant 0 : i32
        %dma_start3A_441 = tpu.memref_slice %arg2[%mul3A_110, %dma_start3A_440] : memref<400000x32xf32, #tpu.memory_space<hbm>> -> memref<50000x32xf32, #tpu.memory_space<hbm>>
        %dma_start3A_442 = arith.constant 0 : i32
        %dma_start3A_443 = arith.constant 0 : i32
        %dma_start3A_444 = tpu.memref_slice %dma_start3A_441[%dma_start3A_442, %dma_start3A_443] : memref<50000x32xf32, #tpu.memory_space<hbm>> -> memref<50000x32xf32, #tpu.memory_space<hbm>>
        tpu.enqueue_indirect_dma source(%dma_start3A_444 : memref<50000x32xf32, #tpu.memory_space<hbm>>) target(%arg10 : memref<128x32xf32, #tpu.memory_space<vmem>>) offsets(%dma_start3A_439 : memref<128xi32, #tpu.memory_space<vmem>>) semaphore(%arg15 : memref<!tpu.dma_semaphore, #tpu.memory_space<semaphore_mem>>)
        %add3A_445 = arith.constant 1 : i32
        %add3A_446 = arith.addi %scan3A_351, %add3A_445 : i32
        %mul3A_447 = arith.constant 4 : i32
        %mul3A_448 = arith.muli %mul3A_447, %add3A_446 : i32
        %add3A_449 = arith.constant 1 : i32
        %add3A_450 = arith.addi %mul3A_448, %add3A_449 : i32
        %dma_wait3A_451 = arith.constant 0 : i32
        %dma_wait3A_452 = tpu.memref_slice %arg9[%add3A_450, %dma_wait3A_451] : memref<28x128xi32, #tpu.memory_space<vmem>> -> memref<1x128xi32, #tpu.memory_space<vmem>>
        %dma_wait3A_453 = tpu.memref_squeeze %dma_wait3A_452 : memref<1x128xi32, #tpu.memory_space<vmem>> -> memref<128xi32, #tpu.memory_space<vmem>>
        %dma_wait3A_454 = arith.constant 0 : i32
        %dma_wait3A_455 = arith.constant 0 : i32
        %dma_wait3A_456 = tpu.memref_slice %arg7[%dma_wait3A_454, %dma_wait3A_455] : memref<50048x32xf32, #tpu.memory_space<vmem_shared>> -> memref<50048x32xf32, #tpu.memory_space<vmem_shared>>
        tpu.wait_indirect_dma semaphore(%arg20 : memref<!tpu.dma_semaphore, #tpu.memory_space<semaphore_mem>>) src(%arg11 : memref<128x32xf32, #tpu.memory_space<vmem>>) dst(%dma_wait3A_456 : memref<50048x32xf32, #tpu.memory_space<vmem_shared>>)
        %mul3A_457 = arith.constant 128 : i32
        %mul3A_458 = arith.muli %add3A_450, %mul3A_457 : i32
        %dma_start3A_459 = tpu.memref_slice %arg8[%mul3A_458] : memref<3584xi32, #tpu.memory_space<vmem>> -> memref<128xi32, #tpu.memory_space<vmem>>
        %dma_start3A_460 = arith.constant 0 : i32
        %dma_start3A_461 = tpu.memref_slice %arg2[%mul3A_110, %dma_start3A_460] : memref<400000x32xf32, #tpu.memory_space<hbm>> -> memref<50000x32xf32, #tpu.memory_space<hbm>>
        %dma_start3A_462 = arith.constant 0 : i32
        %dma_start3A_463 = arith.constant 0 : i32
        %dma_start3A_464 = tpu.memref_slice %dma_start3A_461[%dma_start3A_462, %dma_start3A_463] : memref<50000x32xf32, #tpu.memory_space<hbm>> -> memref<50000x32xf32, #tpu.memory_space<hbm>>
        tpu.enqueue_indirect_dma source(%dma_start3A_464 : memref<50000x32xf32, #tpu.memory_space<hbm>>) target(%arg11 : memref<128x32xf32, #tpu.memory_space<vmem>>) offsets(%dma_start3A_459 : memref<128xi32, #tpu.memory_space<vmem>>) semaphore(%arg16 : memref<!tpu.dma_semaphore, #tpu.memory_space<semaphore_mem>>)
        %add3A_465 = arith.constant 1 : i32
        %add3A_466 = arith.addi %scan3A_351, %add3A_465 : i32
        %mul3A_467 = arith.constant 4 : i32
        %mul3A_468 = arith.muli %mul3A_467, %add3A_466 : i32
        %add3A_469 = arith.constant 2 : i32
        %add3A_470 = arith.addi %mul3A_468, %add3A_469 : i32
        %dma_wait3A_471 = arith.constant 0 : i32
        %dma_wait3A_472 = tpu.memref_slice %arg9[%add3A_470, %dma_wait3A_471] : memref<28x128xi32, #tpu.memory_space<vmem>> -> memref<1x128xi32, #tpu.memory_space<vmem>>
        %dma_wait3A_473 = tpu.memref_squeeze %dma_wait3A_472 : memref<1x128xi32, #tpu.memory_space<vmem>> -> memref<128xi32, #tpu.memory_space<vmem>>
        %dma_wait3A_474 = arith.constant 0 : i32
        %dma_wait3A_475 = arith.constant 0 : i32
        %dma_wait3A_476 = tpu.memref_slice %arg7[%dma_wait3A_474, %dma_wait3A_475] : memref<50048x32xf32, #tpu.memory_space<vmem_shared>> -> memref<50048x32xf32, #tpu.memory_space<vmem_shared>>
        tpu.wait_indirect_dma semaphore(%arg21 : memref<!tpu.dma_semaphore, #tpu.memory_space<semaphore_mem>>) src(%arg12 : memref<128x32xf32, #tpu.memory_space<vmem>>) dst(%dma_wait3A_476 : memref<50048x32xf32, #tpu.memory_space<vmem_shared>>)
        %mul3A_477 = arith.constant 128 : i32
        %mul3A_478 = arith.muli %add3A_470, %mul3A_477 : i32
        %dma_start3A_479 = tpu.memref_slice %arg8[%mul3A_478] : memref<3584xi32, #tpu.memory_space<vmem>> -> memref<128xi32, #tpu.memory_space<vmem>>
        %dma_start3A_480 = arith.constant 0 : i32
        %dma_start3A_481 = tpu.memref_slice %arg2[%mul3A_110, %dma_start3A_480] : memref<400000x32xf32, #tpu.memory_space<hbm>> -> memref<50000x32xf32, #tpu.memory_space<hbm>>
        %dma_start3A_482 = arith.constant 0 : i32
        %dma_start3A_483 = arith.constant 0 : i32
        %dma_start3A_484 = tpu.memref_slice %dma_start3A_481[%dma_start3A_482, %dma_start3A_483] : memref<50000x32xf32, #tpu.memory_space<hbm>> -> memref<50000x32xf32, #tpu.memory_space<hbm>>
        tpu.enqueue_indirect_dma source(%dma_start3A_484 : memref<50000x32xf32, #tpu.memory_space<hbm>>) target(%arg12 : memref<128x32xf32, #tpu.memory_space<vmem>>) offsets(%dma_start3A_479 : memref<128xi32, #tpu.memory_space<vmem>>) semaphore(%arg17 : memref<!tpu.dma_semaphore, #tpu.memory_space<semaphore_mem>>)
        %add3A_485 = arith.constant 1 : i32
        %add3A_486 = arith.addi %scan3A_351, %add3A_485 : i32
        %mul3A_487 = arith.constant 4 : i32
        %mul3A_488 = arith.muli %mul3A_487, %add3A_486 : i32
        %add3A_489 = arith.constant 3 : i32
        %add3A_490 = arith.addi %mul3A_488, %add3A_489 : i32
        %dma_wait3A_491 = arith.constant 0 : i32
        %dma_wait3A_492 = tpu.memref_slice %arg9[%add3A_490, %dma_wait3A_491] : memref<28x128xi32, #tpu.memory_space<vmem>> -> memref<1x128xi32, #tpu.memory_space<vmem>>
        %dma_wait3A_493 = tpu.memref_squeeze %dma_wait3A_492 : memref<1x128xi32, #tpu.memory_space<vmem>> -> memref<128xi32, #tpu.memory_space<vmem>>
        %dma_wait3A_494 = arith.constant 0 : i32
        %dma_wait3A_495 = arith.constant 0 : i32
        %dma_wait3A_496 = tpu.memref_slice %arg7[%dma_wait3A_494, %dma_wait3A_495] : memref<50048x32xf32, #tpu.memory_space<vmem_shared>> -> memref<50048x32xf32, #tpu.memory_space<vmem_shared>>
        tpu.wait_indirect_dma semaphore(%arg22 : memref<!tpu.dma_semaphore, #tpu.memory_space<semaphore_mem>>) src(%arg13 : memref<128x32xf32, #tpu.memory_space<vmem>>) dst(%dma_wait3A_496 : memref<50048x32xf32, #tpu.memory_space<vmem_shared>>)
        %mul3A_497 = arith.constant 128 : i32
        %mul3A_498 = arith.muli %add3A_490, %mul3A_497 : i32
        %dma_start3A_499 = tpu.memref_slice %arg8[%mul3A_498] : memref<3584xi32, #tpu.memory_space<vmem>> -> memref<128xi32, #tpu.memory_space<vmem>>
        %dma_start3A_500 = arith.constant 0 : i32
        %dma_start3A_501 = tpu.memref_slice %arg2[%mul3A_110, %dma_start3A_500] : memref<400000x32xf32, #tpu.memory_space<hbm>> -> memref<50000x32xf32, #tpu.memory_space<hbm>>
        %dma_start3A_502 = arith.constant 0 : i32
        %dma_start3A_503 = arith.constant 0 : i32
        %dma_start3A_504 = tpu.memref_slice %dma_start3A_501[%dma_start3A_502, %dma_start3A_503] : memref<50000x32xf32, #tpu.memory_space<hbm>> -> memref<50000x32xf32, #tpu.memory_space<hbm>>
        tpu.enqueue_indirect_dma source(%dma_start3A_504 : memref<50000x32xf32, #tpu.memory_space<hbm>>) target(%arg13 : memref<128x32xf32, #tpu.memory_space<vmem>>) offsets(%dma_start3A_499 : memref<128xi32, #tpu.memory_space<vmem>>) semaphore(%arg18 : memref<!tpu.dma_semaphore, #tpu.memory_space<semaphore_mem>>)
        %scan3A_505 = arith.constant 0 : i32
        scf.yield %scan3A_505 : i32
      }
      %scan3A_265 = arith.constant 6 : i32
      %dma_wait3A_266 = arith.constant 3072 : i32
      %dma_wait3A_267 = tpu.memref_slice %arg8[%dma_wait3A_266] : memref<3584xi32, #tpu.memory_space<vmem>> -> memref<128xi32, #tpu.memory_space<vmem>>
      %dma_wait3A_268 = arith.constant 0 : i32
      %dma_wait3A_269 = tpu.memref_slice %arg2[%mul3A_110, %dma_wait3A_268] : memref<400000x32xf32, #tpu.memory_space<hbm>> -> memref<50000x32xf32, #tpu.memory_space<hbm>>
      %dma_wait3A_270 = arith.constant 0 : i32
      %dma_wait3A_271 = arith.constant 0 : i32
      %dma_wait3A_272 = tpu.memref_slice %dma_wait3A_269[%dma_wait3A_270, %dma_wait3A_271] : memref<50000x32xf32, #tpu.memory_space<hbm>> -> memref<50000x32xf32, #tpu.memory_space<hbm>>
      tpu.wait_indirect_dma semaphore(%arg15 : memref<!tpu.dma_semaphore, #tpu.memory_space<semaphore_mem>>) src(%dma_wait3A_272 : memref<50000x32xf32, #tpu.memory_space<hbm>>) dst(%arg10 : memref<128x32xf32, #tpu.memory_space<vmem>>)
      %dma_start3A_273 = arith.constant 24 : i32
      %dma_start3A_274 = arith.constant 0 : i32
      %dma_start3A_275 = tpu.memref_slice %arg9[%dma_start3A_273, %dma_start3A_274] : memref<28x128xi32, #tpu.memory_space<vmem>> -> memref<1x128xi32, #tpu.memory_space<vmem>>
      %dma_start3A_276 = tpu.memref_squeeze %dma_start3A_275 : memref<1x128xi32, #tpu.memory_space<vmem>> -> memref<128xi32, #tpu.memory_space<vmem>>
      %dma_start3A_277 = arith.constant 0 : i32
      %dma_start3A_278 = arith.constant 0 : i32
      %dma_start3A_279 = tpu.memref_slice %arg7[%dma_start3A_277, %dma_start3A_278] : memref<50048x32xf32, #tpu.memory_space<vmem_shared>> -> memref<50048x32xf32, #tpu.memory_space<vmem_shared>>
      tpu.enqueue_indirect_dma source(%arg10 : memref<128x32xf32, #tpu.memory_space<vmem>>) target(%dma_start3A_279 : memref<50048x32xf32, #tpu.memory_space<vmem_shared>>) offsets(%dma_start3A_276 : memref<128xi32, #tpu.memory_space<vmem>>) semaphore(%arg19 : memref<!tpu.dma_semaphore, #tpu.memory_space<semaphore_mem>>) {add = true}
      %dma_wait3A_280 = arith.constant 3200 : i32
      %dma_wait3A_281 = tpu.memref_slice %arg8[%dma_wait3A_280] : memref<3584xi32, #tpu.memory_space<vmem>> -> memref<128xi32, #tpu.memory_space<vmem>>
      %dma_wait3A_282 = arith.constant 0 : i32
      %dma_wait3A_283 = tpu.memref_slice %arg2[%mul3A_110, %dma_wait3A_282] : memref<400000x32xf32, #tpu.memory_space<hbm>> -> memref<50000x32xf32, #tpu.memory_space<hbm>>
      %dma_wait3A_284 = arith.constant 0 : i32
      %dma_wait3A_285 = arith.constant 0 : i32
      %dma_wait3A_286 = tpu.memref_slice %dma_wait3A_283[%dma_wait3A_284, %dma_wait3A_285] : memref<50000x32xf32, #tpu.memory_space<hbm>> -> memref<50000x32xf32, #tpu.memory_space<hbm>>
      tpu.wait_indirect_dma semaphore(%arg16 : memref<!tpu.dma_semaphore, #tpu.memory_space<semaphore_mem>>) src(%dma_wait3A_286 : memref<50000x32xf32, #tpu.memory_space<hbm>>) dst(%arg11 : memref<128x32xf32, #tpu.memory_space<vmem>>)
      %dma_start3A_287 = arith.constant 25 : i32
      %dma_start3A_288 = arith.constant 0 : i32
      %dma_start3A_289 = tpu.memref_slice %arg9[%dma_start3A_287, %dma_start3A_288] : memref<28x128xi32, #tpu.memory_space<vmem>> -> memref<1x128xi32, #tpu.memory_space<vmem>>
      %dma_start3A_290 = tpu.memref_squeeze %dma_start3A_289 : memref<1x128xi32, #tpu.memory_space<vmem>> -> memref<128xi32, #tpu.memory_space<vmem>>
      %dma_start3A_291 = arith.constant 0 : i32
      %dma_start3A_292 = arith.constant 0 : i32
      %dma_start3A_293 = tpu.memref_slice %arg7[%dma_start3A_291, %dma_start3A_292] : memref<50048x32xf32, #tpu.memory_space<vmem_shared>> -> memref<50048x32xf32, #tpu.memory_space<vmem_shared>>
      tpu.enqueue_indirect_dma source(%arg11 : memref<128x32xf32, #tpu.memory_space<vmem>>) target(%dma_start3A_293 : memref<50048x32xf32, #tpu.memory_space<vmem_shared>>) offsets(%dma_start3A_290 : memref<128xi32, #tpu.memory_space<vmem>>) semaphore(%arg20 : memref<!tpu.dma_semaphore, #tpu.memory_space<semaphore_mem>>) {add = true}
      %dma_wait3A_294 = arith.constant 3328 : i32
      %dma_wait3A_295 = tpu.memref_slice %arg8[%dma_wait3A_294] : memref<3584xi32, #tpu.memory_space<vmem>> -> memref<128xi32, #tpu.memory_space<vmem>>
      %dma_wait3A_296 = arith.constant 0 : i32
      %dma_wait3A_297 = tpu.memref_slice %arg2[%mul3A_110, %dma_wait3A_296] : memref<400000x32xf32, #tpu.memory_space<hbm>> -> memref<50000x32xf32, #tpu.memory_space<hbm>>
      %dma_wait3A_298 = arith.constant 0 : i32
      %dma_wait3A_299 = arith.constant 0 : i32
      %dma_wait3A_300 = tpu.memref_slice %dma_wait3A_297[%dma_wait3A_298, %dma_wait3A_299] : memref<50000x32xf32, #tpu.memory_space<hbm>> -> memref<50000x32xf32, #tpu.memory_space<hbm>>
      tpu.wait_indirect_dma semaphore(%arg17 : memref<!tpu.dma_semaphore, #tpu.memory_space<semaphore_mem>>) src(%dma_wait3A_300 : memref<50000x32xf32, #tpu.memory_space<hbm>>) dst(%arg12 : memref<128x32xf32, #tpu.memory_space<vmem>>)
      %dma_start3A_301 = arith.constant 26 : i32
      %dma_start3A_302 = arith.constant 0 : i32
      %dma_start3A_303 = tpu.memref_slice %arg9[%dma_start3A_301, %dma_start3A_302] : memref<28x128xi32, #tpu.memory_space<vmem>> -> memref<1x128xi32, #tpu.memory_space<vmem>>
      %dma_start3A_304 = tpu.memref_squeeze %dma_start3A_303 : memref<1x128xi32, #tpu.memory_space<vmem>> -> memref<128xi32, #tpu.memory_space<vmem>>
      %dma_start3A_305 = arith.constant 0 : i32
      %dma_start3A_306 = arith.constant 0 : i32
      %dma_start3A_307 = tpu.memref_slice %arg7[%dma_start3A_305, %dma_start3A_306] : memref<50048x32xf32, #tpu.memory_space<vmem_shared>> -> memref<50048x32xf32, #tpu.memory_space<vmem_shared>>
      tpu.enqueue_indirect_dma source(%arg12 : memref<128x32xf32, #tpu.memory_space<vmem>>) target(%dma_start3A_307 : memref<50048x32xf32, #tpu.memory_space<vmem_shared>>) offsets(%dma_start3A_304 : memref<128xi32, #tpu.memory_space<vmem>>) semaphore(%arg21 : memref<!tpu.dma_semaphore, #tpu.memory_space<semaphore_mem>>) {add = true}
      %dma_wait3A_308 = arith.constant 3456 : i32
      %dma_wait3A_309 = tpu.memref_slice %arg8[%dma_wait3A_308] : memref<3584xi32, #tpu.memory_space<vmem>> -> memref<128xi32, #tpu.memory_space<vmem>>
      %dma_wait3A_310 = arith.constant 0 : i32
      %dma_wait3A_311 = tpu.memref_slice %arg2[%mul3A_110, %dma_wait3A_310] : memref<400000x32xf32, #tpu.memory_space<hbm>> -> memref<50000x32xf32, #tpu.memory_space<hbm>>
      %dma_wait3A_312 = arith.constant 0 : i32
      %dma_wait3A_313 = arith.constant 0 : i32
      %dma_wait3A_314 = tpu.memref_slice %dma_wait3A_311[%dma_wait3A_312, %dma_wait3A_313] : memref<50000x32xf32, #tpu.memory_space<hbm>> -> memref<50000x32xf32, #tpu.memory_space<hbm>>
      tpu.wait_indirect_dma semaphore(%arg18 : memref<!tpu.dma_semaphore, #tpu.memory_space<semaphore_mem>>) src(%dma_wait3A_314 : memref<50000x32xf32, #tpu.memory_space<hbm>>) dst(%arg13 : memref<128x32xf32, #tpu.memory_space<vmem>>)
      %dma_start3A_315 = arith.constant 27 : i32
      %dma_start3A_316 = arith.constant 0 : i32
      %dma_start3A_317 = tpu.memref_slice %arg9[%dma_start3A_315, %dma_start3A_316] : memref<28x128xi32, #tpu.memory_space<vmem>> -> memref<1x128xi32, #tpu.memory_space<vmem>>
      %dma_start3A_318 = tpu.memref_squeeze %dma_start3A_317 : memref<1x128xi32, #tpu.memory_space<vmem>> -> memref<128xi32, #tpu.memory_space<vmem>>
      %dma_start3A_319 = arith.constant 0 : i32
      %dma_start3A_320 = arith.constant 0 : i32
      %dma_start3A_321 = tpu.memref_slice %arg7[%dma_start3A_319, %dma_start3A_320] : memref<50048x32xf32, #tpu.memory_space<vmem_shared>> -> memref<50048x32xf32, #tpu.memory_space<vmem_shared>>
      tpu.enqueue_indirect_dma source(%arg13 : memref<128x32xf32, #tpu.memory_space<vmem>>) target(%dma_start3A_321 : memref<50048x32xf32, #tpu.memory_space<vmem_shared>>) offsets(%dma_start3A_318 : memref<128xi32, #tpu.memory_space<vmem>>) semaphore(%arg22 : memref<!tpu.dma_semaphore, #tpu.memory_space<semaphore_mem>>) {add = true}
      %dma_wait3A_322 = arith.constant 0 : i32
      %dma_wait3A_323 = arith.constant 0 : i32
      %dma_wait3A_324 = tpu.memref_slice %arg9[%dma_wait3A_322, %dma_wait3A_323] : memref<28x128xi32, #tpu.memory_space<vmem>> -> memref<1x128xi32, #tpu.memory_space<vmem>>
      %dma_wait3A_325 = tpu.memref_squeeze %dma_wait3A_324 : memref<1x128xi32, #tpu.memory_space<vmem>> -> memref<128xi32, #tpu.memory_space<vmem>>
      %dma_wait3A_326 = arith.constant 0 : i32
      %dma_wait3A_327 = arith.constant 0 : i32
      %dma_wait3A_328 = tpu.memref_slice %arg7[%dma_wait3A_326, %dma_wait3A_327] : memref<50048x32xf32, #tpu.memory_space<vmem_shared>> -> memref<50048x32xf32, #tpu.memory_space<vmem_shared>>
      tpu.wait_indirect_dma semaphore(%arg19 : memref<!tpu.dma_semaphore, #tpu.memory_space<semaphore_mem>>) src(%arg10 : memref<128x32xf32, #tpu.memory_space<vmem>>) dst(%dma_wait3A_328 : memref<50048x32xf32, #tpu.memory_space<vmem_shared>>)
      %dma_wait3A_329 = arith.constant 0 : i32
      %dma_wait3A_330 = arith.constant 0 : i32
      %dma_wait3A_331 = tpu.memref_slice %arg9[%dma_wait3A_329, %dma_wait3A_330] : memref<28x128xi32, #tpu.memory_space<vmem>> -> memref<1x128xi32, #tpu.memory_space<vmem>>
      %dma_wait3A_332 = tpu.memref_squeeze %dma_wait3A_331 : memref<1x128xi32, #tpu.memory_space<vmem>> -> memref<128xi32, #tpu.memory_space<vmem>>
      %dma_wait3A_333 = arith.constant 0 : i32
      %dma_wait3A_334 = arith.constant 0 : i32
      %dma_wait3A_335 = tpu.memref_slice %arg7[%dma_wait3A_333, %dma_wait3A_334] : memref<50048x32xf32, #tpu.memory_space<vmem_shared>> -> memref<50048x32xf32, #tpu.memory_space<vmem_shared>>
      tpu.wait_indirect_dma semaphore(%arg20 : memref<!tpu.dma_semaphore, #tpu.memory_space<semaphore_mem>>) src(%arg11 : memref<128x32xf32, #tpu.memory_space<vmem>>) dst(%dma_wait3A_335 : memref<50048x32xf32, #tpu.memory_space<vmem_shared>>)
      %dma_wait3A_336 = arith.constant 0 : i32
      %dma_wait3A_337 = arith.constant 0 : i32
      %dma_wait3A_338 = tpu.memref_slice %arg9[%dma_wait3A_336, %dma_wait3A_337] : memref<28x128xi32, #tpu.memory_space<vmem>> -> memref<1x128xi32, #tpu.memory_space<vmem>>
      %dma_wait3A_339 = tpu.memref_squeeze %dma_wait3A_338 : memref<1x128xi32, #tpu.memory_space<vmem>> -> memref<128xi32, #tpu.memory_space<vmem>>
      %dma_wait3A_340 = arith.constant 0 : i32
      %dma_wait3A_341 = arith.constant 0 : i32
      %dma_wait3A_342 = tpu.memref_slice %arg7[%dma_wait3A_340, %dma_wait3A_341] : memref<50048x32xf32, #tpu.memory_space<vmem_shared>> -> memref<50048x32xf32, #tpu.memory_space<vmem_shared>>
      tpu.wait_indirect_dma semaphore(%arg21 : memref<!tpu.dma_semaphore, #tpu.memory_space<semaphore_mem>>) src(%arg12 : memref<128x32xf32, #tpu.memory_space<vmem>>) dst(%dma_wait3A_342 : memref<50048x32xf32, #tpu.memory_space<vmem_shared>>)
      %dma_wait3A_343 = arith.constant 0 : i32
      %dma_wait3A_344 = arith.constant 0 : i32
      %dma_wait3A_345 = tpu.memref_slice %arg9[%dma_wait3A_343, %dma_wait3A_344] : memref<28x128xi32, #tpu.memory_space<vmem>> -> memref<1x128xi32, #tpu.memory_space<vmem>>
      %dma_wait3A_346 = tpu.memref_squeeze %dma_wait3A_345 : memref<1x128xi32, #tpu.memory_space<vmem>> -> memref<128xi32, #tpu.memory_space<vmem>>
      %dma_wait3A_347 = arith.constant 0 : i32
      %dma_wait3A_348 = arith.constant 0 : i32
      %dma_wait3A_349 = tpu.memref_slice %arg7[%dma_wait3A_347, %dma_wait3A_348] : memref<50048x32xf32, #tpu.memory_space<vmem_shared>> -> memref<50048x32xf32, #tpu.memory_space<vmem_shared>>
      tpu.wait_indirect_dma semaphore(%arg22 : memref<!tpu.dma_semaphore, #tpu.memory_space<semaphore_mem>>) src(%arg13 : memref<128x32xf32, #tpu.memory_space<vmem>>) dst(%dma_wait3A_349 : memref<50048x32xf32, #tpu.memory_space<vmem_shared>>)
      %scan3A_350 = arith.constant 0 : i32
      scf.yield %scan3A_350 : i32
    }
    %scan3A_134 = arith.constant 14 : i32
    %barrier3A_135 = arith.constant 0 : index
    tpu.barrier barrier_id(%barrier3A_135)
    %scan3A_136 = arith.constant 0 : i32
    %scan3A_137 = arith.constant 0 : i32
    %scan3A_138 = arith.constant 12 : i32
    %scan3A_139 = arith.addi %scan3A_137, %scan3A_138 : i32
    %scan3A_140 = arith.constant 1 : i32
    %scan3A_141 = scf.for %scan3A_211 = %scan3A_137 to %scan3A_139 step %scan3A_140 iter_args(%scan3A_212 = %scan3A_136) -> (i32)  : i32 {
      %mul3A_213 = arith.constant 2 : i32
      %mul3A_214 = arith.muli %mul3A_213, %scan3A_211 : i32
      %add3A_215 = arith.constant 0 : i32
      %add3A_216 = arith.addi %mul3A_214, %add3A_215 : i32
      %mul3A_217 = arith.constant 128 : i32
      %mul3A_218 = arith.muli %add3A_216, %mul3A_217 : i32
      %add3A_219 = arith.addi %mul3A_2, %mul3A_218 : i32
      %gt3A = arith.constant 0 : i32
      %gt3A_220 = arith.cmpi sgt, %scan3A_211, %gt3A : i32
      %convert_element_type3A = arith.extui %gt3A_220 : i1 to i32
      %cond3A = arith.constant 0 : i32
      %cond3A_221 = arith.cmpi ne, %convert_element_type3A, %cond3A : i32
      scf.if %cond3A_221 {
        %sub3A = arith.constant 256 : i32
        %sub3A_276 = arith.subi %add3A_219, %sub3A : i32
        %dma_wait3A_277 = arith.constant 0 : i32
        %dma_wait3A_278 = tpu.memref_slice %arg6[%add3A_108, %sub3A_276, %dma_wait3A_277] : memref<8x50048x32xf32, #tpu.memory_space<hbm>> -> memref<1x128x32xf32, #tpu.memory_space<hbm>>
        %dma_wait3A_279 = tpu.memref_squeeze %dma_wait3A_278 : memref<1x128x32xf32, #tpu.memory_space<hbm>> -> memref<128x32xf32, #tpu.memory_space<hbm>>
        %dma_wait3A_280 = arith.constant 0 : i32
        %dma_wait3A_281 = tpu.memref_slice %arg6[%add3A_108, %sub3A_276, %dma_wait3A_280] : memref<8x50048x32xf32, #tpu.memory_space<hbm>> -> memref<1x128x32xf32, #tpu.memory_space<hbm>>
        %dma_wait3A_282 = tpu.memref_squeeze %dma_wait3A_281 : memref<1x128x32xf32, #tpu.memory_space<hbm>> -> memref<128x32xf32, #tpu.memory_space<hbm>>
        tpu.wait_dma2 semaphore(%arg19 : memref<!tpu.dma_semaphore, #tpu.memory_space<semaphore_mem>>) src(%arg10 : memref<128x32xf32, #tpu.memory_space<vmem>>) dst(%dma_wait3A_282 : memref<128x32xf32, #tpu.memory_space<hbm>>)
      } else {
      }
      %dma_start3A = arith.constant 0 : i32
      %dma_start3A_222 = tpu.memref_slice %arg7[%add3A_219, %dma_start3A] : memref<50048x32xf32, #tpu.memory_space<vmem_shared>> -> memref<128x32xf32, #tpu.memory_space<vmem_shared>>
      %dma_start3A_223 = arith.constant 0 : i32
      %dma_start3A_224 = tpu.memref_slice %arg7[%add3A_219, %dma_start3A_223] : memref<50048x32xf32, #tpu.memory_space<vmem_shared>> -> memref<128x32xf32, #tpu.memory_space<vmem_shared>>
      tpu.enqueue_dma source(%dma_start3A_224 : memref<128x32xf32, #tpu.memory_space<vmem_shared>>) target(%arg10 : memref<128x32xf32, #tpu.memory_space<vmem>>) target_semaphore(%arg15 : memref<!tpu.dma_semaphore, #tpu.memory_space<semaphore_mem>>)
      %mul3A_225 = arith.constant 2 : i32
      %mul3A_226 = arith.muli %mul3A_225, %scan3A_211 : i32
      %add3A_227 = arith.constant 1 : i32
      %add3A_228 = arith.addi %mul3A_226, %add3A_227 : i32
      %mul3A_229 = arith.constant 128 : i32
      %mul3A_230 = arith.muli %add3A_228, %mul3A_229 : i32
      %add3A_231 = arith.addi %mul3A_2, %mul3A_230 : i32
      %gt3A_232 = arith.constant 0 : i32
      %gt3A_233 = arith.cmpi sgt, %scan3A_211, %gt3A_232 : i32
      %convert_element_type3A_234 = arith.extui %gt3A_233 : i1 to i32
      %cond3A_235 = arith.constant 0 : i32
      %cond3A_236 = arith.cmpi ne, %convert_element_type3A_234, %cond3A_235 : i32
      scf.if %cond3A_236 {
        %sub3A = arith.constant 256 : i32
        %sub3A_276 = arith.subi %add3A_231, %sub3A : i32
        %dma_wait3A_277 = arith.constant 0 : i32
        %dma_wait3A_278 = tpu.memref_slice %arg6[%add3A_108, %sub3A_276, %dma_wait3A_277] : memref<8x50048x32xf32, #tpu.memory_space<hbm>> -> memref<1x128x32xf32, #tpu.memory_space<hbm>>
        %dma_wait3A_279 = tpu.memref_squeeze %dma_wait3A_278 : memref<1x128x32xf32, #tpu.memory_space<hbm>> -> memref<128x32xf32, #tpu.memory_space<hbm>>
        %dma_wait3A_280 = arith.constant 0 : i32
        %dma_wait3A_281 = tpu.memref_slice %arg6[%add3A_108, %sub3A_276, %dma_wait3A_280] : memref<8x50048x32xf32, #tpu.memory_space<hbm>> -> memref<1x128x32xf32, #tpu.memory_space<hbm>>
        %dma_wait3A_282 = tpu.memref_squeeze %dma_wait3A_281 : memref<1x128x32xf32, #tpu.memory_space<hbm>> -> memref<128x32xf32, #tpu.memory_space<hbm>>
        tpu.wait_dma2 semaphore(%arg20 : memref<!tpu.dma_semaphore, #tpu.memory_space<semaphore_mem>>) src(%arg11 : memref<128x32xf32, #tpu.memory_space<vmem>>) dst(%dma_wait3A_282 : memref<128x32xf32, #tpu.memory_space<hbm>>)
      } else {
      }
      %dma_start3A_237 = arith.constant 0 : i32
      %dma_start3A_238 = tpu.memref_slice %arg7[%add3A_231, %dma_start3A_237] : memref<50048x32xf32, #tpu.memory_space<vmem_shared>> -> memref<128x32xf32, #tpu.memory_space<vmem_shared>>
      %dma_start3A_239 = arith.constant 0 : i32
      %dma_start3A_240 = tpu.memref_slice %arg7[%add3A_231, %dma_start3A_239] : memref<50048x32xf32, #tpu.memory_space<vmem_shared>> -> memref<128x32xf32, #tpu.memory_space<vmem_shared>>
      tpu.enqueue_dma source(%dma_start3A_240 : memref<128x32xf32, #tpu.memory_space<vmem_shared>>) target(%arg11 : memref<128x32xf32, #tpu.memory_space<vmem>>) target_semaphore(%arg16 : memref<!tpu.dma_semaphore, #tpu.memory_space<semaphore_mem>>)
      %mul3A_241 = arith.constant 2 : i32
      %mul3A_242 = arith.muli %mul3A_241, %scan3A_211 : i32
      %add3A_243 = arith.constant 0 : i32
      %add3A_244 = arith.addi %mul3A_242, %add3A_243 : i32
      %mul3A_245 = arith.constant 128 : i32
      %mul3A_246 = arith.muli %add3A_244, %mul3A_245 : i32
      %add3A_247 = arith.addi %mul3A_2, %mul3A_246 : i32
      %dma_wait3A_248 = arith.constant 0 : i32
      %dma_wait3A_249 = tpu.memref_slice %arg7[%add3A_247, %dma_wait3A_248] : memref<50048x32xf32, #tpu.memory_space<vmem_shared>> -> memref<128x32xf32, #tpu.memory_space<vmem_shared>>
      %dma_wait3A_250 = arith.constant 0 : i32
      %dma_wait3A_251 = tpu.memref_slice %arg7[%add3A_247, %dma_wait3A_250] : memref<50048x32xf32, #tpu.memory_space<vmem_shared>> -> memref<128x32xf32, #tpu.memory_space<vmem_shared>>
      tpu.wait_dma2 semaphore(%arg15 : memref<!tpu.dma_semaphore, #tpu.memory_space<semaphore_mem>>) src(%dma_wait3A_251 : memref<128x32xf32, #tpu.memory_space<vmem_shared>>) dst(%arg10 : memref<128x32xf32, #tpu.memory_space<vmem>>)
      %dma_start3A_252 = arith.constant 0 : i32
      %dma_start3A_253 = tpu.memref_slice %arg6[%add3A_108, %add3A_247, %dma_start3A_252] : memref<8x50048x32xf32, #tpu.memory_space<hbm>> -> memref<1x128x32xf32, #tpu.memory_space<hbm>>
      %dma_start3A_254 = tpu.memref_squeeze %dma_start3A_253 : memref<1x128x32xf32, #tpu.memory_space<hbm>> -> memref<128x32xf32, #tpu.memory_space<hbm>>
      %dma_start3A_255 = arith.constant 0 : i32
      %dma_start3A_256 = tpu.memref_slice %arg6[%add3A_108, %add3A_247, %dma_start3A_255] : memref<8x50048x32xf32, #tpu.memory_space<hbm>> -> memref<1x128x32xf32, #tpu.memory_space<hbm>>
      %dma_start3A_257 = tpu.memref_squeeze %dma_start3A_256 : memref<1x128x32xf32, #tpu.memory_space<hbm>> -> memref<128x32xf32, #tpu.memory_space<hbm>>
      tpu.enqueue_dma source(%arg10 : memref<128x32xf32, #tpu.memory_space<vmem>>) target(%dma_start3A_257 : memref<128x32xf32, #tpu.memory_space<hbm>>) target_semaphore(%arg19 : memref<!tpu.dma_semaphore, #tpu.memory_space<semaphore_mem>>)
      %mul3A_258 = arith.constant 2 : i32
      %mul3A_259 = arith.muli %mul3A_258, %scan3A_211 : i32
      %add3A_260 = arith.constant 1 : i32
      %add3A_261 = arith.addi %mul3A_259, %add3A_260 : i32
      %mul3A_262 = arith.constant 128 : i32
      %mul3A_263 = arith.muli %add3A_261, %mul3A_262 : i32
      %add3A_264 = arith.addi %mul3A_2, %mul3A_263 : i32
      %dma_wait3A_265 = arith.constant 0 : i32
      %dma_wait3A_266 = tpu.memref_slice %arg7[%add3A_264, %dma_wait3A_265] : memref<50048x32xf32, #tpu.memory_space<vmem_shared>> -> memref<128x32xf32, #tpu.memory_space<vmem_shared>>
      %dma_wait3A_267 = arith.constant 0 : i32
      %dma_wait3A_268 = tpu.memref_slice %arg7[%add3A_264, %dma_wait3A_267] : memref<50048x32xf32, #tpu.memory_space<vmem_shared>> -> memref<128x32xf32, #tpu.memory_space<vmem_shared>>
      tpu.wait_dma2 semaphore(%arg16 : memref<!tpu.dma_semaphore, #tpu.memory_space<semaphore_mem>>) src(%dma_wait3A_268 : memref<128x32xf32, #tpu.memory_space<vmem_shared>>) dst(%arg11 : memref<128x32xf32, #tpu.memory_space<vmem>>)
      %dma_start3A_269 = arith.constant 0 : i32
      %dma_start3A_270 = tpu.memref_slice %arg6[%add3A_108, %add3A_264, %dma_start3A_269] : memref<8x50048x32xf32, #tpu.memory_space<hbm>> -> memref<1x128x32xf32, #tpu.memory_space<hbm>>
      %dma_start3A_271 = tpu.memref_squeeze %dma_start3A_270 : memref<1x128x32xf32, #tpu.memory_space<hbm>> -> memref<128x32xf32, #tpu.memory_space<hbm>>
      %dma_start3A_272 = arith.constant 0 : i32
      %dma_start3A_273 = tpu.memref_slice %arg6[%add3A_108, %add3A_264, %dma_start3A_272] : memref<8x50048x32xf32, #tpu.memory_space<hbm>> -> memref<1x128x32xf32, #tpu.memory_space<hbm>>
      %dma_start3A_274 = tpu.memref_squeeze %dma_start3A_273 : memref<1x128x32xf32, #tpu.memory_space<hbm>> -> memref<128x32xf32, #tpu.memory_space<hbm>>
      tpu.enqueue_dma source(%arg11 : memref<128x32xf32, #tpu.memory_space<vmem>>) target(%dma_start3A_274 : memref<128x32xf32, #tpu.memory_space<hbm>>) target_semaphore(%arg20 : memref<!tpu.dma_semaphore, #tpu.memory_space<semaphore_mem>>)
      %scan3A_275 = arith.constant 0 : i32
      scf.yield %scan3A_275 : i32
    }
    %scan3A_142 = arith.constant 12 : i32
    %add3A_143 = arith.constant 3072 : i32
    %add3A_144 = arith.addi %mul3A_2, %add3A_143 : i32
    "tpu.region"() ({
      %run_scoped3A = tpu.sem_alloc : memref<!tpu.dma_semaphore, #tpu.memory_space<semaphore_mem>>
      %dma_start3A = arith.constant 0 : i32
      %dma_start3A_211 = arith.constant 0 : i32
      %dma_start3A_212 = tpu.memref_slice %arg14[%dma_start3A, %dma_start3A_211] : memref<128x32xf32, #tpu.memory_space<vmem>> -> memref<56x32xf32, #tpu.memory_space<vmem>>
      %dma_start3A_213 = arith.constant 0 : i32
      %dma_start3A_214 = tpu.memref_slice %arg7[%add3A_144, %dma_start3A_213] : memref<50048x32xf32, #tpu.memory_space<vmem_shared>> -> memref<56x32xf32, #tpu.memory_space<vmem_shared>>
      %dma_start3A_215 = arith.constant 0 : i32
      %dma_start3A_216 = arith.constant 0 : i32
      %dma_start3A_217 = tpu.memref_slice %arg14[%dma_start3A_215, %dma_start3A_216] : memref<128x32xf32, #tpu.memory_space<vmem>> -> memref<56x32xf32, #tpu.memory_space<vmem>>
      %dma_start3A_218 = arith.constant 0 : i32
      %dma_start3A_219 = tpu.memref_slice %arg7[%add3A_144, %dma_start3A_218] : memref<50048x32xf32, #tpu.memory_space<vmem_shared>> -> memref<56x32xf32, #tpu.memory_space<vmem_shared>>
      tpu.enqueue_dma source(%dma_start3A_219 : memref<56x32xf32, #tpu.memory_space<vmem_shared>>) target(%dma_start3A_217 : memref<56x32xf32, #tpu.memory_space<vmem>>) target_semaphore(%run_scoped3A : memref<!tpu.dma_semaphore, #tpu.memory_space<semaphore_mem>>)
      %dma_wait3A_220 = arith.constant 0 : i32
      %dma_wait3A_221 = arith.constant 0 : i32
      %dma_wait3A_222 = tpu.memref_slice %arg14[%dma_wait3A_220, %dma_wait3A_221] : memref<128x32xf32, #tpu.memory_space<vmem>> -> memref<56x32xf32, #tpu.memory_space<vmem>>
      %dma_wait3A_223 = arith.constant 0 : i32
      %dma_wait3A_224 = tpu.memref_slice %arg7[%add3A_144, %dma_wait3A_223] : memref<50048x32xf32, #tpu.memory_space<vmem_shared>> -> memref<56x32xf32, #tpu.memory_space<vmem_shared>>
      %dma_wait3A_225 = arith.constant 0 : i32
      %dma_wait3A_226 = arith.constant 0 : i32
      %dma_wait3A_227 = tpu.memref_slice %arg14[%dma_wait3A_225, %dma_wait3A_226] : memref<128x32xf32, #tpu.memory_space<vmem>> -> memref<56x32xf32, #tpu.memory_space<vmem>>
      %dma_wait3A_228 = arith.constant 0 : i32
      %dma_wait3A_229 = tpu.memref_slice %arg7[%add3A_144, %dma_wait3A_228] : memref<50048x32xf32, #tpu.memory_space<vmem_shared>> -> memref<56x32xf32, #tpu.memory_space<vmem_shared>>
      tpu.wait_dma2 semaphore(%run_scoped3A : memref<!tpu.dma_semaphore, #tpu.memory_space<semaphore_mem>>) src(%dma_wait3A_229 : memref<56x32xf32, #tpu.memory_space<vmem_shared>>) dst(%dma_wait3A_227 : memref<56x32xf32, #tpu.memory_space<vmem>>)
      tpu.yield
    }) : () -> ()
    "tpu.region"() ({
      %run_scoped3A = tpu.sem_alloc : memref<!tpu.dma_semaphore, #tpu.memory_space<semaphore_mem>>
      %dma_start3A = arith.constant 0 : i32
      %dma_start3A_211 = arith.constant 0 : i32
      %dma_start3A_212 = tpu.memref_slice %arg14[%dma_start3A, %dma_start3A_211] : memref<128x32xf32, #tpu.memory_space<vmem>> -> memref<56x32xf32, #tpu.memory_space<vmem>>
      %dma_start3A_213 = arith.constant 0 : i32
      %dma_start3A_214 = tpu.memref_slice %arg6[%add3A_108, %add3A_144, %dma_start3A_213] : memref<8x50048x32xf32, #tpu.memory_space<hbm>> -> memref<1x56x32xf32, #tpu.memory_space<hbm>>
      %dma_start3A_215 = tpu.memref_squeeze %dma_start3A_214 : memref<1x56x32xf32, #tpu.memory_space<hbm>> -> memref<56x32xf32, #tpu.memory_space<hbm>>
      %dma_start3A_216 = arith.constant 0 : i32
      %dma_start3A_217 = tpu.memref_slice %arg6[%add3A_108, %add3A_144, %dma_start3A_216] : memref<8x50048x32xf32, #tpu.memory_space<hbm>> -> memref<1x56x32xf32, #tpu.memory_space<hbm>>
      %dma_start3A_218 = tpu.memref_squeeze %dma_start3A_217 : memref<1x56x32xf32, #tpu.memory_space<hbm>> -> memref<56x32xf32, #tpu.memory_space<hbm>>
      %dma_start3A_219 = arith.constant 0 : i32
      %dma_start3A_220 = arith.constant 0 : i32
      %dma_start3A_221 = tpu.memref_slice %arg14[%dma_start3A_219, %dma_start3A_220] : memref<128x32xf32, #tpu.memory_space<vmem>> -> memref<56x32xf32, #tpu.memory_space<vmem>>
      tpu.enqueue_dma source(%dma_start3A_221 : memref<56x32xf32, #tpu.memory_space<vmem>>) target(%dma_start3A_218 : memref<56x32xf32, #tpu.memory_space<hbm>>) target_semaphore(%run_scoped3A : memref<!tpu.dma_semaphore, #tpu.memory_space<semaphore_mem>>)
      %dma_wait3A_222 = arith.constant 0 : i32
      %dma_wait3A_223 = arith.constant 0 : i32
      %dma_wait3A_224 = tpu.memref_slice %arg14[%dma_wait3A_222, %dma_wait3A_223] : memref<128x32xf32, #tpu.memory_space<vmem>> -> memref<56x32xf32, #tpu.memory_space<vmem>>
      %dma_wait3A_225 = arith.constant 0 : i32
      %dma_wait3A_226 = tpu.memref_slice %arg6[%add3A_108, %add3A_144, %dma_wait3A_225] : memref<8x50048x32xf32, #tpu.memory_space<hbm>> -> memref<1x56x32xf32, #tpu.memory_space<hbm>>
      %dma_wait3A_227 = tpu.memref_squeeze %dma_wait3A_226 : memref<1x56x32xf32, #tpu.memory_space<hbm>> -> memref<56x32xf32, #tpu.memory_space<hbm>>
      %dma_wait3A_228 = arith.constant 0 : i32
      %dma_wait3A_229 = tpu.memref_slice %arg6[%add3A_108, %add3A_144, %dma_wait3A_228] : memref<8x50048x32xf32, #tpu.memory_space<hbm>> -> memref<1x56x32xf32, #tpu.memory_space<hbm>>
      %dma_wait3A_230 = tpu.memref_squeeze %dma_wait3A_229 : memref<1x56x32xf32, #tpu.memory_space<hbm>> -> memref<56x32xf32, #tpu.memory_space<hbm>>
      %dma_wait3A_231 = arith.constant 0 : i32
      %dma_wait3A_232 = arith.constant 0 : i32
      %dma_wait3A_233 = tpu.memref_slice %arg14[%dma_wait3A_231, %dma_wait3A_232] : memref<128x32xf32, #tpu.memory_space<vmem>> -> memref<56x32xf32, #tpu.memory_space<vmem>>
      tpu.wait_dma2 semaphore(%run_scoped3A : memref<!tpu.dma_semaphore, #tpu.memory_space<semaphore_mem>>) src(%dma_wait3A_233 : memref<56x32xf32, #tpu.memory_space<vmem>>) dst(%dma_wait3A_230 : memref<56x32xf32, #tpu.memory_space<hbm>>)
      tpu.yield
    }) : () -> ()
    %dma_wait3A_145 = arith.constant 0 : i32
    %dma_wait3A_146 = tpu.memref_slice %arg6[%add3A_108, %mul3A_2, %dma_wait3A_145] : memref<8x50048x32xf32, #tpu.memory_space<hbm>> -> memref<1x128x32xf32, #tpu.memory_space<hbm>>
    %dma_wait3A_147 = tpu.memref_squeeze %dma_wait3A_146 : memref<1x128x32xf32, #tpu.memory_space<hbm>> -> memref<128x32xf32, #tpu.memory_space<hbm>>
    %dma_wait3A_148 = arith.constant 0 : i32
    %dma_wait3A_149 = tpu.memref_slice %arg6[%add3A_108, %mul3A_2, %dma_wait3A_148] : memref<8x50048x32xf32, #tpu.memory_space<hbm>> -> memref<1x128x32xf32, #tpu.memory_space<hbm>>
    %dma_wait3A_150 = tpu.memref_squeeze %dma_wait3A_149 : memref<1x128x32xf32, #tpu.memory_space<hbm>> -> memref<128x32xf32, #tpu.memory_space<hbm>>
    tpu.wait_dma2 semaphore(%arg19 : memref<!tpu.dma_semaphore, #tpu.memory_space<semaphore_mem>>) src(%arg10 : memref<128x32xf32, #tpu.memory_space<vmem>>) dst(%dma_wait3A_150 : memref<128x32xf32, #tpu.memory_space<hbm>>)
    %dma_wait3A_151 = arith.constant 0 : i32
    %dma_wait3A_152 = tpu.memref_slice %arg6[%add3A_108, %mul3A_2, %dma_wait3A_151] : memref<8x50048x32xf32, #tpu.memory_space<hbm>> -> memref<1x128x32xf32, #tpu.memory_space<hbm>>
    %dma_wait3A_153 = tpu.memref_squeeze %dma_wait3A_152 : memref<1x128x32xf32, #tpu.memory_space<hbm>> -> memref<128x32xf32, #tpu.memory_space<hbm>>
    %dma_wait3A_154 = arith.constant 0 : i32
    %dma_wait3A_155 = tpu.memref_slice %arg6[%add3A_108, %mul3A_2, %dma_wait3A_154] : memref<8x50048x32xf32, #tpu.memory_space<hbm>> -> memref<1x128x32xf32, #tpu.memory_space<hbm>>
    %dma_wait3A_156 = tpu.memref_squeeze %dma_wait3A_155 : memref<1x128x32xf32, #tpu.memory_space<hbm>> -> memref<128x32xf32, #tpu.memory_space<hbm>>
    tpu.wait_dma2 semaphore(%arg20 : memref<!tpu.dma_semaphore, #tpu.memory_space<semaphore_mem>>) src(%arg11 : memref<128x32xf32, #tpu.memory_space<vmem>>) dst(%dma_wait3A_156 : memref<128x32xf32, #tpu.memory_space<hbm>>)
    %barrier3A_157 = arith.constant 0 : index
    tpu.barrier barrier_id(%barrier3A_157)
    %mul3A_158 = arith.constant 4 : i32
    %mul3A_159 = arith.muli %arg0, %mul3A_158 : i32
    %add3A_160 = arith.constant 3 : i32
    %add3A_161 = arith.addi %mul3A_159, %add3A_160 : i32
    %mul3A_162 = arith.constant 50000 : i32
    %mul3A_163 = arith.muli %add3A_161, %mul3A_162 : i32
    "tpu.region"() ({
      %run_scoped3A = tpu.sem_alloc : memref<!tpu.dma_semaphore, #tpu.memory_space<semaphore_mem>>
      tpu.enqueue_dma source(%arg5 : memref<128x32xf32, #tpu.memory_space<hbm>>) target(%arg14 : memref<128x32xf32, #tpu.memory_space<vmem>>) target_semaphore(%run_scoped3A : memref<!tpu.dma_semaphore, #tpu.memory_space<semaphore_mem>>)
      tpu.wait_dma2 semaphore(%run_scoped3A : memref<!tpu.dma_semaphore, #tpu.memory_space<semaphore_mem>>) src(%arg5 : memref<128x32xf32, #tpu.memory_space<hbm>>) dst(%arg14 : memref<128x32xf32, #tpu.memory_space<vmem>>)
      tpu.yield
    }) : () -> ()
    %scan3A_164 = arith.constant 0 : i32
    %scan3A_165 = arith.constant 0 : i32
    %scan3A_166 = arith.constant 24 : i32
    %scan3A_167 = arith.addi %scan3A_165, %scan3A_166 : i32
    %scan3A_168 = arith.constant 1 : i32
    %scan3A_169 = scf.for %scan3A_211 = %scan3A_165 to %scan3A_167 step %scan3A_168 iter_args(%scan3A_212 = %scan3A_164) -> (i32)  : i32 {
      %mul3A_213 = arith.constant 128 : i32
      %mul3A_214 = arith.muli %scan3A_211, %mul3A_213 : i32
      %add3A_215 = arith.addi %mul3A_2, %mul3A_214 : i32
      %dma_start3A = arith.constant 0 : i32
      %dma_start3A_216 = tpu.memref_slice %arg7[%add3A_215, %dma_start3A] : memref<50048x32xf32, #tpu.memory_space<vmem_shared>> -> memref<128x32xf32, #tpu.memory_space<vmem_shared>>
      %dma_start3A_217 = arith.constant 0 : i32
      %dma_start3A_218 = tpu.memref_slice %arg7[%add3A_215, %dma_start3A_217] : memref<50048x32xf32, #tpu.memory_space<vmem_shared>> -> memref<128x32xf32, #tpu.memory_space<vmem_shared>>
      tpu.enqueue_dma source(%arg14 : memref<128x32xf32, #tpu.memory_space<vmem>>) target(%dma_start3A_218 : memref<128x32xf32, #tpu.memory_space<vmem_shared>>) target_semaphore(%arg23 : memref<!tpu.dma_semaphore, #tpu.memory_space<semaphore_mem>>)
      %scan3A_219 = arith.constant 0 : i32
      scf.yield %scan3A_219 : i32
    }
    %scan3A_170 = arith.constant 24 : i32
    %add3A_171 = arith.constant 3072 : i32
    %add3A_172 = arith.addi %mul3A_2, %add3A_171 : i32
    "tpu.region"() ({
      %run_scoped3A = tpu.sem_alloc : memref<!tpu.dma_semaphore, #tpu.memory_space<semaphore_mem>>
      %dma_start3A = arith.constant 0 : i32
      %dma_start3A_211 = arith.constant 0 : i32
      %dma_start3A_212 = tpu.memref_slice %arg14[%dma_start3A, %dma_start3A_211] : memref<128x32xf32, #tpu.memory_space<vmem>> -> memref<56x32xf32, #tpu.memory_space<vmem>>
      %dma_start3A_213 = arith.constant 0 : i32
      %dma_start3A_214 = tpu.memref_slice %arg7[%add3A_172, %dma_start3A_213] : memref<50048x32xf32, #tpu.memory_space<vmem_shared>> -> memref<56x32xf32, #tpu.memory_space<vmem_shared>>
      %dma_start3A_215 = arith.constant 0 : i32
      %dma_start3A_216 = tpu.memref_slice %arg7[%add3A_172, %dma_start3A_215] : memref<50048x32xf32, #tpu.memory_space<vmem_shared>> -> memref<56x32xf32, #tpu.memory_space<vmem_shared>>
      %dma_start3A_217 = arith.constant 0 : i32
      %dma_start3A_218 = arith.constant 0 : i32
      %dma_start3A_219 = tpu.memref_slice %arg14[%dma_start3A_217, %dma_start3A_218] : memref<128x32xf32, #tpu.memory_space<vmem>> -> memref<56x32xf32, #tpu.memory_space<vmem>>
      tpu.enqueue_dma source(%dma_start3A_219 : memref<56x32xf32, #tpu.memory_space<vmem>>) target(%dma_start3A_216 : memref<56x32xf32, #tpu.memory_space<vmem_shared>>) target_semaphore(%run_scoped3A : memref<!tpu.dma_semaphore, #tpu.memory_space<semaphore_mem>>)
      %dma_wait3A_220 = arith.constant 0 : i32
      %dma_wait3A_221 = arith.constant 0 : i32
      %dma_wait3A_222 = tpu.memref_slice %arg14[%dma_wait3A_220, %dma_wait3A_221] : memref<128x32xf32, #tpu.memory_space<vmem>> -> memref<56x32xf32, #tpu.memory_space<vmem>>
      %dma_wait3A_223 = arith.constant 0 : i32
      %dma_wait3A_224 = tpu.memref_slice %arg7[%add3A_172, %dma_wait3A_223] : memref<50048x32xf32, #tpu.memory_space<vmem_shared>> -> memref<56x32xf32, #tpu.memory_space<vmem_shared>>
      %dma_wait3A_225 = arith.constant 0 : i32
      %dma_wait3A_226 = tpu.memref_slice %arg7[%add3A_172, %dma_wait3A_225] : memref<50048x32xf32, #tpu.memory_space<vmem_shared>> -> memref<56x32xf32, #tpu.memory_space<vmem_shared>>
      %dma_wait3A_227 = arith.constant 0 : i32
      %dma_wait3A_228 = arith.constant 0 : i32
      %dma_wait3A_229 = tpu.memref_slice %arg14[%dma_wait3A_227, %dma_wait3A_228] : memref<128x32xf32, #tpu.memory_space<vmem>> -> memref<56x32xf32, #tpu.memory_space<vmem>>
      tpu.wait_dma2 semaphore(%run_scoped3A : memref<!tpu.dma_semaphore, #tpu.memory_space<semaphore_mem>>) src(%dma_wait3A_229 : memref<56x32xf32, #tpu.memory_space<vmem>>) dst(%dma_wait3A_226 : memref<56x32xf32, #tpu.memory_space<vmem_shared>>)
      tpu.yield
    }) : () -> ()
    %scan3A_173 = arith.constant 0 : i32
    %scan3A_174 = arith.constant 0 : i32
    %scan3A_175 = arith.constant 24 : i32
    %scan3A_176 = arith.addi %scan3A_174, %scan3A_175 : i32
    %scan3A_177 = arith.constant 1 : i32
    %scan3A_178 = scf.for %scan3A_211 = %scan3A_174 to %scan3A_176 step %scan3A_177 iter_args(%scan3A_212 = %scan3A_173) -> (i32)  : i32 {
      %mul3A_213 = arith.constant 128 : i32
      %mul3A_214 = arith.muli %scan3A_211, %mul3A_213 : i32
      %add3A_215 = arith.addi %mul3A_2, %mul3A_214 : i32
      %dma_wait3A_216 = arith.constant 0 : i32
      %dma_wait3A_217 = tpu.memref_slice %arg7[%add3A_215, %dma_wait3A_216] : memref<50048x32xf32, #tpu.memory_space<vmem_shared>> -> memref<128x32xf32, #tpu.memory_space<vmem_shared>>
      %dma_wait3A_218 = arith.constant 0 : i32
      %dma_wait3A_219 = tpu.memref_slice %arg7[%add3A_215, %dma_wait3A_218] : memref<50048x32xf32, #tpu.memory_space<vmem_shared>> -> memref<128x32xf32, #tpu.memory_space<vmem_shared>>
      tpu.wait_dma2 semaphore(%arg23 : memref<!tpu.dma_semaphore, #tpu.memory_space<semaphore_mem>>) src(%arg14 : memref<128x32xf32, #tpu.memory_space<vmem>>) dst(%dma_wait3A_219 : memref<128x32xf32, #tpu.memory_space<vmem_shared>>)
      %scan3A_220 = arith.constant 0 : i32
      scf.yield %scan3A_220 : i32
    }
    %scan3A_179 = arith.constant 24 : i32
    %barrier3A_180 = arith.constant 0 : index
    tpu.barrier barrier_id(%barrier3A_180)
    %scan3A_181 = arith.constant 0 : i32
    %scan3A_182 = arith.constant 0 : i32
    %scan3A_183 = arith.constant 14 : i32
    %scan3A_184 = arith.addi %scan3A_182, %scan3A_183 : i32
    %scan3A_185 = arith.constant 1 : i32
    %scan3A_186 = scf.for %scan3A_211 = %scan3A_182 to %scan3A_184 step %scan3A_185 iter_args(%scan3A_212 = %scan3A_181) -> (i32)  : i32 {
      %mul3A_213 = arith.constant 3584 : i32
      %mul3A_214 = arith.muli %scan3A_211, %mul3A_213 : i32
      %add3A_215 = arith.addi %mul3A_0, %mul3A_214 : i32
      "tpu.region"() ({
        %run_scoped3A = tpu.sem_alloc : memref<!tpu.dma_semaphore, #tpu.memory_space<semaphore_mem>>
        %dma_start3A_351 = tpu.memref_slice %arg3[%add3A_215] : memref<802816xi32, #tpu.memory_space<hbm>> -> memref<3584xi32, #tpu.memory_space<hbm>>
        %dma_start3A_352 = tpu.memref_slice %arg3[%add3A_215] : memref<802816xi32, #tpu.memory_space<hbm>> -> memref<3584xi32, #tpu.memory_space<hbm>>
        tpu.enqueue_dma source(%dma_start3A_352 : memref<3584xi32, #tpu.memory_space<hbm>>) target(%arg8 : memref<3584xi32, #tpu.memory_space<vmem>>) target_semaphore(%run_scoped3A : memref<!tpu.dma_semaphore, #tpu.memory_space<semaphore_mem>>)
        %dma_wait3A_353 = tpu.memref_slice %arg3[%add3A_215] : memref<802816xi32, #tpu.memory_space<hbm>> -> memref<3584xi32, #tpu.memory_space<hbm>>
        %dma_wait3A_354 = tpu.memref_slice %arg3[%add3A_215] : memref<802816xi32, #tpu.memory_space<hbm>> -> memref<3584xi32, #tpu.memory_space<hbm>>
        tpu.wait_dma2 semaphore(%run_scoped3A : memref<!tpu.dma_semaphore, #tpu.memory_space<semaphore_mem>>) src(%dma_wait3A_354 : memref<3584xi32, #tpu.memory_space<hbm>>) dst(%arg8 : memref<3584xi32, #tpu.memory_space<vmem>>)
        tpu.yield
      }) : () -> ()
      %jit3A = arith.constant 128 : i32
      %div3A = arith.divsi %add3A_215, %jit3A : i32
      %sign3A = arith.constant 0 : i32
      %sign3A_216 = arith.cmpi sgt, %add3A_215, %sign3A : i32
      %sign3A_217 = arith.extui %sign3A_216 : i1 to i32
      %sign3A_218 = arith.constant 0 : i32
      %sign3A_219 = arith.cmpi slt, %add3A_215, %sign3A_218 : i32
      %sign3A_220 = arith.extui %sign3A_219 : i1 to i32
      %sign3A_221 = arith.subi %sign3A_217, %sign3A_220 : i32
      %sign3A_222 = arith.constant 0 : i32
      %sign3A_223 = arith.cmpi sgt, %jit3A, %sign3A_222 : i32
      %sign3A_224 = arith.extui %sign3A_223 : i1 to i32
      %sign3A_225 = arith.constant 0 : i32
      %sign3A_226 = arith.cmpi slt, %jit3A, %sign3A_225 : i32
      %sign3A_227 = arith.extui %sign3A_226 : i1 to i32
      %sign3A_228 = arith.subi %sign3A_224, %sign3A_227 : i32
      %ne3A = arith.cmpi ne, %sign3A_221, %sign3A_228 : i32
      %rem3A = arith.remsi %add3A_215, %jit3A : i32
      %ne3A_229 = arith.constant 0 : i32
      %ne3A_230 = arith.cmpi ne, %rem3A, %ne3A_229 : i32
      %and3A = arith.andi %ne3A, %ne3A_230 : i1
      %sub3A = arith.constant 1 : i32
      %sub3A_231 = arith.subi %div3A, %sub3A : i32
      %select_n3A = arith.select %and3A, %sub3A_231, %div3A : i32
      "tpu.region"() ({
        %run_scoped3A = tpu.sem_alloc : memref<!tpu.dma_semaphore, #tpu.memory_space<semaphore_mem>>
        %dma_start3A_351 = arith.constant 0 : i32
        %dma_start3A_352 = tpu.memref_slice %arg4[%select_n3A, %dma_start3A_351] : memref<6272x128xi32, #tpu.memory_space<hbm>> -> memref<28x128xi32, #tpu.memory_space<hbm>>
        %dma_start3A_353 = arith.constant 0 : i32
        %dma_start3A_354 = tpu.memref_slice %arg4[%select_n3A, %dma_start3A_353] : memref<6272x128xi32, #tpu.memory_space<hbm>> -> memref<28x128xi32, #tpu.memory_space<hbm>>
        tpu.enqueue_dma source(%dma_start3A_354 : memref<28x128xi32, #tpu.memory_space<hbm>>) target(%arg9 : memref<28x128xi32, #tpu.memory_space<vmem>>) target_semaphore(%run_scoped3A : memref<!tpu.dma_semaphore, #tpu.memory_space<semaphore_mem>>)
        %dma_wait3A_355 = arith.constant 0 : i32
        %dma_wait3A_356 = tpu.memref_slice %arg4[%select_n3A, %dma_wait3A_355] : memref<6272x128xi32, #tpu.memory_space<hbm>> -> memref<28x128xi32, #tpu.memory_space<hbm>>
        %dma_wait3A_357 = arith.constant 0 : i32
        %dma_wait3A_358 = tpu.memref_slice %arg4[%select_n3A, %dma_wait3A_357] : memref<6272x128xi32, #tpu.memory_space<hbm>> -> memref<28x128xi32, #tpu.memory_space<hbm>>
        tpu.wait_dma2 semaphore(%run_scoped3A : memref<!tpu.dma_semaphore, #tpu.memory_space<semaphore_mem>>) src(%dma_wait3A_358 : memref<28x128xi32, #tpu.memory_space<hbm>>) dst(%arg9 : memref<28x128xi32, #tpu.memory_space<vmem>>)
        tpu.yield
      }) : () -> ()
      %dma_start3A = arith.constant 0 : i32
      %dma_start3A_232 = tpu.memref_slice %arg8[%dma_start3A] : memref<3584xi32, #tpu.memory_space<vmem>> -> memref<128xi32, #tpu.memory_space<vmem>>
      %dma_start3A_233 = arith.constant 0 : i32
      %dma_start3A_234 = tpu.memref_slice %arg2[%mul3A_163, %dma_start3A_233] : memref<400000x32xf32, #tpu.memory_space<hbm>> -> memref<50000x32xf32, #tpu.memory_space<hbm>>
      %dma_start3A_235 = arith.constant 0 : i32
      %dma_start3A_236 = arith.constant 0 : i32
      %dma_start3A_237 = tpu.memref_slice %dma_start3A_234[%dma_start3A_235, %dma_start3A_236] : memref<50000x32xf32, #tpu.memory_space<hbm>> -> memref<50000x32xf32, #tpu.memory_space<hbm>>
      tpu.enqueue_indirect_dma source(%dma_start3A_237 : memref<50000x32xf32, #tpu.memory_space<hbm>>) target(%arg10 : memref<128x32xf32, #tpu.memory_space<vmem>>) offsets(%dma_start3A_232 : memref<128xi32, #tpu.memory_space<vmem>>) semaphore(%arg15 : memref<!tpu.dma_semaphore, #tpu.memory_space<semaphore_mem>>)
      %dma_start3A_238 = arith.constant 128 : i32
      %dma_start3A_239 = tpu.memref_slice %arg8[%dma_start3A_238] : memref<3584xi32, #tpu.memory_space<vmem>> -> memref<128xi32, #tpu.memory_space<vmem>>
      %dma_start3A_240 = arith.constant 0 : i32
      %dma_start3A_241 = tpu.memref_slice %arg2[%mul3A_163, %dma_start3A_240] : memref<400000x32xf32, #tpu.memory_space<hbm>> -> memref<50000x32xf32, #tpu.memory_space<hbm>>
      %dma_start3A_242 = arith.constant 0 : i32
      %dma_start3A_243 = arith.constant 0 : i32
      %dma_start3A_244 = tpu.memref_slice %dma_start3A_241[%dma_start3A_242, %dma_start3A_243] : memref<50000x32xf32, #tpu.memory_space<hbm>> -> memref<50000x32xf32, #tpu.memory_space<hbm>>
      tpu.enqueue_indirect_dma source(%dma_start3A_244 : memref<50000x32xf32, #tpu.memory_space<hbm>>) target(%arg11 : memref<128x32xf32, #tpu.memory_space<vmem>>) offsets(%dma_start3A_239 : memref<128xi32, #tpu.memory_space<vmem>>) semaphore(%arg16 : memref<!tpu.dma_semaphore, #tpu.memory_space<semaphore_mem>>)
      %dma_start3A_245 = arith.constant 256 : i32
      %dma_start3A_246 = tpu.memref_slice %arg8[%dma_start3A_245] : memref<3584xi32, #tpu.memory_space<vmem>> -> memref<128xi32, #tpu.memory_space<vmem>>
      %dma_start3A_247 = arith.constant 0 : i32
      %dma_start3A_248 = tpu.memref_slice %arg2[%mul3A_163, %dma_start3A_247] : memref<400000x32xf32, #tpu.memory_space<hbm>> -> memref<50000x32xf32, #tpu.memory_space<hbm>>
      %dma_start3A_249 = arith.constant 0 : i32
      %dma_start3A_250 = arith.constant 0 : i32
      %dma_start3A_251 = tpu.memref_slice %dma_start3A_248[%dma_start3A_249, %dma_start3A_250] : memref<50000x32xf32, #tpu.memory_space<hbm>> -> memref<50000x32xf32, #tpu.memory_space<hbm>>
      tpu.enqueue_indirect_dma source(%dma_start3A_251 : memref<50000x32xf32, #tpu.memory_space<hbm>>) target(%arg12 : memref<128x32xf32, #tpu.memory_space<vmem>>) offsets(%dma_start3A_246 : memref<128xi32, #tpu.memory_space<vmem>>) semaphore(%arg17 : memref<!tpu.dma_semaphore, #tpu.memory_space<semaphore_mem>>)
      %dma_start3A_252 = arith.constant 384 : i32
      %dma_start3A_253 = tpu.memref_slice %arg8[%dma_start3A_252] : memref<3584xi32, #tpu.memory_space<vmem>> -> memref<128xi32, #tpu.memory_space<vmem>>
      %dma_start3A_254 = arith.constant 0 : i32
      %dma_start3A_255 = tpu.memref_slice %arg2[%mul3A_163, %dma_start3A_254] : memref<400000x32xf32, #tpu.memory_space<hbm>> -> memref<50000x32xf32, #tpu.memory_space<hbm>>
      %dma_start3A_256 = arith.constant 0 : i32
      %dma_start3A_257 = arith.constant 0 : i32
      %dma_start3A_258 = tpu.memref_slice %dma_start3A_255[%dma_start3A_256, %dma_start3A_257] : memref<50000x32xf32, #tpu.memory_space<hbm>> -> memref<50000x32xf32, #tpu.memory_space<hbm>>
      tpu.enqueue_indirect_dma source(%dma_start3A_258 : memref<50000x32xf32, #tpu.memory_space<hbm>>) target(%arg13 : memref<128x32xf32, #tpu.memory_space<vmem>>) offsets(%dma_start3A_253 : memref<128xi32, #tpu.memory_space<vmem>>) semaphore(%arg18 : memref<!tpu.dma_semaphore, #tpu.memory_space<semaphore_mem>>)
      %scan3A_259 = arith.constant 0 : i32
      %scan3A_260 = arith.constant 0 : i32
      %scan3A_261 = arith.constant 6 : i32
      %scan3A_262 = arith.addi %scan3A_260, %scan3A_261 : i32
      %scan3A_263 = arith.constant 1 : i32
      %scan3A_264 = scf.for %scan3A_351 = %scan3A_260 to %scan3A_262 step %scan3A_263 iter_args(%scan3A_352 = %scan3A_259) -> (i32)  : i32 {
        %mul3A_353 = arith.constant 4 : i32
        %mul3A_354 = arith.muli %mul3A_353, %scan3A_351 : i32
        %add3A_355 = arith.constant 0 : i32
        %add3A_356 = arith.addi %mul3A_354, %add3A_355 : i32
        %mul3A_357 = arith.constant 128 : i32
        %mul3A_358 = arith.muli %add3A_356, %mul3A_357 : i32
        %dma_wait3A_359 = tpu.memref_slice %arg8[%mul3A_358] : memref<3584xi32, #tpu.memory_space<vmem>> -> memref<128xi32, #tpu.memory_space<vmem>>
        %dma_wait3A_360 = arith.constant 0 : i32
        %dma_wait3A_361 = tpu.memref_slice %arg2[%mul3A_163, %dma_wait3A_360] : memref<400000x32xf32, #tpu.memory_space<hbm>> -> memref<50000x32xf32, #tpu.memory_space<hbm>>
        %dma_wait3A_362 = arith.constant 0 : i32
        %dma_wait3A_363 = arith.constant 0 : i32
        %dma_wait3A_364 = tpu.memref_slice %dma_wait3A_361[%dma_wait3A_362, %dma_wait3A_363] : memref<50000x32xf32, #tpu.memory_space<hbm>> -> memref<50000x32xf32, #tpu.memory_space<hbm>>
        tpu.wait_indirect_dma semaphore(%arg15 : memref<!tpu.dma_semaphore, #tpu.memory_space<semaphore_mem>>) src(%dma_wait3A_364 : memref<50000x32xf32, #tpu.memory_space<hbm>>) dst(%arg10 : memref<128x32xf32, #tpu.memory_space<vmem>>)
        %dma_start3A_365 = arith.constant 0 : i32
        %dma_start3A_366 = tpu.memref_slice %arg9[%add3A_356, %dma_start3A_365] : memref<28x128xi32, #tpu.memory_space<vmem>> -> memref<1x128xi32, #tpu.memory_space<vmem>>
        %dma_start3A_367 = tpu.memref_squeeze %dma_start3A_366 : memref<1x128xi32, #tpu.memory_space<vmem>> -> memref<128xi32, #tpu.memory_space<vmem>>
        %dma_start3A_368 = arith.constant 0 : i32
        %dma_start3A_369 = arith.constant 0 : i32
        %dma_start3A_370 = tpu.memref_slice %arg7[%dma_start3A_368, %dma_start3A_369] : memref<50048x32xf32, #tpu.memory_space<vmem_shared>> -> memref<50048x32xf32, #tpu.memory_space<vmem_shared>>
        tpu.enqueue_indirect_dma source(%arg10 : memref<128x32xf32, #tpu.memory_space<vmem>>) target(%dma_start3A_370 : memref<50048x32xf32, #tpu.memory_space<vmem_shared>>) offsets(%dma_start3A_367 : memref<128xi32, #tpu.memory_space<vmem>>) semaphore(%arg19 : memref<!tpu.dma_semaphore, #tpu.memory_space<semaphore_mem>>) {add = true}
        %mul3A_371 = arith.constant 4 : i32
        %mul3A_372 = arith.muli %mul3A_371, %scan3A_351 : i32
        %add3A_373 = arith.constant 1 : i32
        %add3A_374 = arith.addi %mul3A_372, %add3A_373 : i32
        %mul3A_375 = arith.constant 128 : i32
        %mul3A_376 = arith.muli %add3A_374, %mul3A_375 : i32
        %dma_wait3A_377 = tpu.memref_slice %arg8[%mul3A_376] : memref<3584xi32, #tpu.memory_space<vmem>> -> memref<128xi32, #tpu.memory_space<vmem>>
        %dma_wait3A_378 = arith.constant 0 : i32
        %dma_wait3A_379 = tpu.memref_slice %arg2[%mul3A_163, %dma_wait3A_378] : memref<400000x32xf32, #tpu.memory_space<hbm>> -> memref<50000x32xf32, #tpu.memory_space<hbm>>
        %dma_wait3A_380 = arith.constant 0 : i32
        %dma_wait3A_381 = arith.constant 0 : i32
        %dma_wait3A_382 = tpu.memref_slice %dma_wait3A_379[%dma_wait3A_380, %dma_wait3A_381] : memref<50000x32xf32, #tpu.memory_space<hbm>> -> memref<50000x32xf32, #tpu.memory_space<hbm>>
        tpu.wait_indirect_dma semaphore(%arg16 : memref<!tpu.dma_semaphore, #tpu.memory_space<semaphore_mem>>) src(%dma_wait3A_382 : memref<50000x32xf32, #tpu.memory_space<hbm>>) dst(%arg11 : memref<128x32xf32, #tpu.memory_space<vmem>>)
        %dma_start3A_383 = arith.constant 0 : i32
        %dma_start3A_384 = tpu.memref_slice %arg9[%add3A_374, %dma_start3A_383] : memref<28x128xi32, #tpu.memory_space<vmem>> -> memref<1x128xi32, #tpu.memory_space<vmem>>
        %dma_start3A_385 = tpu.memref_squeeze %dma_start3A_384 : memref<1x128xi32, #tpu.memory_space<vmem>> -> memref<128xi32, #tpu.memory_space<vmem>>
        %dma_start3A_386 = arith.constant 0 : i32
        %dma_start3A_387 = arith.constant 0 : i32
        %dma_start3A_388 = tpu.memref_slice %arg7[%dma_start3A_386, %dma_start3A_387] : memref<50048x32xf32, #tpu.memory_space<vmem_shared>> -> memref<50048x32xf32, #tpu.memory_space<vmem_shared>>
        tpu.enqueue_indirect_dma source(%arg11 : memref<128x32xf32, #tpu.memory_space<vmem>>) target(%dma_start3A_388 : memref<50048x32xf32, #tpu.memory_space<vmem_shared>>) offsets(%dma_start3A_385 : memref<128xi32, #tpu.memory_space<vmem>>) semaphore(%arg20 : memref<!tpu.dma_semaphore, #tpu.memory_space<semaphore_mem>>) {add = true}
        %mul3A_389 = arith.constant 4 : i32
        %mul3A_390 = arith.muli %mul3A_389, %scan3A_351 : i32
        %add3A_391 = arith.constant 2 : i32
        %add3A_392 = arith.addi %mul3A_390, %add3A_391 : i32
        %mul3A_393 = arith.constant 128 : i32
        %mul3A_394 = arith.muli %add3A_392, %mul3A_393 : i32
        %dma_wait3A_395 = tpu.memref_slice %arg8[%mul3A_394] : memref<3584xi32, #tpu.memory_space<vmem>> -> memref<128xi32, #tpu.memory_space<vmem>>
        %dma_wait3A_396 = arith.constant 0 : i32
        %dma_wait3A_397 = tpu.memref_slice %arg2[%mul3A_163, %dma_wait3A_396] : memref<400000x32xf32, #tpu.memory_space<hbm>> -> memref<50000x32xf32, #tpu.memory_space<hbm>>
        %dma_wait3A_398 = arith.constant 0 : i32
        %dma_wait3A_399 = arith.constant 0 : i32
        %dma_wait3A_400 = tpu.memref_slice %dma_wait3A_397[%dma_wait3A_398, %dma_wait3A_399] : memref<50000x32xf32, #tpu.memory_space<hbm>> -> memref<50000x32xf32, #tpu.memory_space<hbm>>
        tpu.wait_indirect_dma semaphore(%arg17 : memref<!tpu.dma_semaphore, #tpu.memory_space<semaphore_mem>>) src(%dma_wait3A_400 : memref<50000x32xf32, #tpu.memory_space<hbm>>) dst(%arg12 : memref<128x32xf32, #tpu.memory_space<vmem>>)
        %dma_start3A_401 = arith.constant 0 : i32
        %dma_start3A_402 = tpu.memref_slice %arg9[%add3A_392, %dma_start3A_401] : memref<28x128xi32, #tpu.memory_space<vmem>> -> memref<1x128xi32, #tpu.memory_space<vmem>>
        %dma_start3A_403 = tpu.memref_squeeze %dma_start3A_402 : memref<1x128xi32, #tpu.memory_space<vmem>> -> memref<128xi32, #tpu.memory_space<vmem>>
        %dma_start3A_404 = arith.constant 0 : i32
        %dma_start3A_405 = arith.constant 0 : i32
        %dma_start3A_406 = tpu.memref_slice %arg7[%dma_start3A_404, %dma_start3A_405] : memref<50048x32xf32, #tpu.memory_space<vmem_shared>> -> memref<50048x32xf32, #tpu.memory_space<vmem_shared>>
        tpu.enqueue_indirect_dma source(%arg12 : memref<128x32xf32, #tpu.memory_space<vmem>>) target(%dma_start3A_406 : memref<50048x32xf32, #tpu.memory_space<vmem_shared>>) offsets(%dma_start3A_403 : memref<128xi32, #tpu.memory_space<vmem>>) semaphore(%arg21 : memref<!tpu.dma_semaphore, #tpu.memory_space<semaphore_mem>>) {add = true}
        %mul3A_407 = arith.constant 4 : i32
        %mul3A_408 = arith.muli %mul3A_407, %scan3A_351 : i32
        %add3A_409 = arith.constant 3 : i32
        %add3A_410 = arith.addi %mul3A_408, %add3A_409 : i32
        %mul3A_411 = arith.constant 128 : i32
        %mul3A_412 = arith.muli %add3A_410, %mul3A_411 : i32
        %dma_wait3A_413 = tpu.memref_slice %arg8[%mul3A_412] : memref<3584xi32, #tpu.memory_space<vmem>> -> memref<128xi32, #tpu.memory_space<vmem>>
        %dma_wait3A_414 = arith.constant 0 : i32
        %dma_wait3A_415 = tpu.memref_slice %arg2[%mul3A_163, %dma_wait3A_414] : memref<400000x32xf32, #tpu.memory_space<hbm>> -> memref<50000x32xf32, #tpu.memory_space<hbm>>
        %dma_wait3A_416 = arith.constant 0 : i32
        %dma_wait3A_417 = arith.constant 0 : i32
        %dma_wait3A_418 = tpu.memref_slice %dma_wait3A_415[%dma_wait3A_416, %dma_wait3A_417] : memref<50000x32xf32, #tpu.memory_space<hbm>> -> memref<50000x32xf32, #tpu.memory_space<hbm>>
        tpu.wait_indirect_dma semaphore(%arg18 : memref<!tpu.dma_semaphore, #tpu.memory_space<semaphore_mem>>) src(%dma_wait3A_418 : memref<50000x32xf32, #tpu.memory_space<hbm>>) dst(%arg13 : memref<128x32xf32, #tpu.memory_space<vmem>>)
        %dma_start3A_419 = arith.constant 0 : i32
        %dma_start3A_420 = tpu.memref_slice %arg9[%add3A_410, %dma_start3A_419] : memref<28x128xi32, #tpu.memory_space<vmem>> -> memref<1x128xi32, #tpu.memory_space<vmem>>
        %dma_start3A_421 = tpu.memref_squeeze %dma_start3A_420 : memref<1x128xi32, #tpu.memory_space<vmem>> -> memref<128xi32, #tpu.memory_space<vmem>>
        %dma_start3A_422 = arith.constant 0 : i32
        %dma_start3A_423 = arith.constant 0 : i32
        %dma_start3A_424 = tpu.memref_slice %arg7[%dma_start3A_422, %dma_start3A_423] : memref<50048x32xf32, #tpu.memory_space<vmem_shared>> -> memref<50048x32xf32, #tpu.memory_space<vmem_shared>>
        tpu.enqueue_indirect_dma source(%arg13 : memref<128x32xf32, #tpu.memory_space<vmem>>) target(%dma_start3A_424 : memref<50048x32xf32, #tpu.memory_space<vmem_shared>>) offsets(%dma_start3A_421 : memref<128xi32, #tpu.memory_space<vmem>>) semaphore(%arg22 : memref<!tpu.dma_semaphore, #tpu.memory_space<semaphore_mem>>) {add = true}
        %add3A_425 = arith.constant 1 : i32
        %add3A_426 = arith.addi %scan3A_351, %add3A_425 : i32
        %mul3A_427 = arith.constant 4 : i32
        %mul3A_428 = arith.muli %mul3A_427, %add3A_426 : i32
        %add3A_429 = arith.constant 0 : i32
        %add3A_430 = arith.addi %mul3A_428, %add3A_429 : i32
        %dma_wait3A_431 = arith.constant 0 : i32
        %dma_wait3A_432 = tpu.memref_slice %arg9[%add3A_430, %dma_wait3A_431] : memref<28x128xi32, #tpu.memory_space<vmem>> -> memref<1x128xi32, #tpu.memory_space<vmem>>
        %dma_wait3A_433 = tpu.memref_squeeze %dma_wait3A_432 : memref<1x128xi32, #tpu.memory_space<vmem>> -> memref<128xi32, #tpu.memory_space<vmem>>
        %dma_wait3A_434 = arith.constant 0 : i32
        %dma_wait3A_435 = arith.constant 0 : i32
        %dma_wait3A_436 = tpu.memref_slice %arg7[%dma_wait3A_434, %dma_wait3A_435] : memref<50048x32xf32, #tpu.memory_space<vmem_shared>> -> memref<50048x32xf32, #tpu.memory_space<vmem_shared>>
        tpu.wait_indirect_dma semaphore(%arg19 : memref<!tpu.dma_semaphore, #tpu.memory_space<semaphore_mem>>) src(%arg10 : memref<128x32xf32, #tpu.memory_space<vmem>>) dst(%dma_wait3A_436 : memref<50048x32xf32, #tpu.memory_space<vmem_shared>>)
        %mul3A_437 = arith.constant 128 : i32
        %mul3A_438 = arith.muli %add3A_430, %mul3A_437 : i32
        %dma_start3A_439 = tpu.memref_slice %arg8[%mul3A_438] : memref<3584xi32, #tpu.memory_space<vmem>> -> memref<128xi32, #tpu.memory_space<vmem>>
        %dma_start3A_440 = arith.constant 0 : i32
        %dma_start3A_441 = tpu.memref_slice %arg2[%mul3A_163, %dma_start3A_440] : memref<400000x32xf32, #tpu.memory_space<hbm>> -> memref<50000x32xf32, #tpu.memory_space<hbm>>
        %dma_start3A_442 = arith.constant 0 : i32
        %dma_start3A_443 = arith.constant 0 : i32
        %dma_start3A_444 = tpu.memref_slice %dma_start3A_441[%dma_start3A_442, %dma_start3A_443] : memref<50000x32xf32, #tpu.memory_space<hbm>> -> memref<50000x32xf32, #tpu.memory_space<hbm>>
        tpu.enqueue_indirect_dma source(%dma_start3A_444 : memref<50000x32xf32, #tpu.memory_space<hbm>>) target(%arg10 : memref<128x32xf32, #tpu.memory_space<vmem>>) offsets(%dma_start3A_439 : memref<128xi32, #tpu.memory_space<vmem>>) semaphore(%arg15 : memref<!tpu.dma_semaphore, #tpu.memory_space<semaphore_mem>>)
        %add3A_445 = arith.constant 1 : i32
        %add3A_446 = arith.addi %scan3A_351, %add3A_445 : i32
        %mul3A_447 = arith.constant 4 : i32
        %mul3A_448 = arith.muli %mul3A_447, %add3A_446 : i32
        %add3A_449 = arith.constant 1 : i32
        %add3A_450 = arith.addi %mul3A_448, %add3A_449 : i32
        %dma_wait3A_451 = arith.constant 0 : i32
        %dma_wait3A_452 = tpu.memref_slice %arg9[%add3A_450, %dma_wait3A_451] : memref<28x128xi32, #tpu.memory_space<vmem>> -> memref<1x128xi32, #tpu.memory_space<vmem>>
        %dma_wait3A_453 = tpu.memref_squeeze %dma_wait3A_452 : memref<1x128xi32, #tpu.memory_space<vmem>> -> memref<128xi32, #tpu.memory_space<vmem>>
        %dma_wait3A_454 = arith.constant 0 : i32
        %dma_wait3A_455 = arith.constant 0 : i32
        %dma_wait3A_456 = tpu.memref_slice %arg7[%dma_wait3A_454, %dma_wait3A_455] : memref<50048x32xf32, #tpu.memory_space<vmem_shared>> -> memref<50048x32xf32, #tpu.memory_space<vmem_shared>>
        tpu.wait_indirect_dma semaphore(%arg20 : memref<!tpu.dma_semaphore, #tpu.memory_space<semaphore_mem>>) src(%arg11 : memref<128x32xf32, #tpu.memory_space<vmem>>) dst(%dma_wait3A_456 : memref<50048x32xf32, #tpu.memory_space<vmem_shared>>)
        %mul3A_457 = arith.constant 128 : i32
        %mul3A_458 = arith.muli %add3A_450, %mul3A_457 : i32
        %dma_start3A_459 = tpu.memref_slice %arg8[%mul3A_458] : memref<3584xi32, #tpu.memory_space<vmem>> -> memref<128xi32, #tpu.memory_space<vmem>>
        %dma_start3A_460 = arith.constant 0 : i32
        %dma_start3A_461 = tpu.memref_slice %arg2[%mul3A_163, %dma_start3A_460] : memref<400000x32xf32, #tpu.memory_space<hbm>> -> memref<50000x32xf32, #tpu.memory_space<hbm>>
        %dma_start3A_462 = arith.constant 0 : i32
        %dma_start3A_463 = arith.constant 0 : i32
        %dma_start3A_464 = tpu.memref_slice %dma_start3A_461[%dma_start3A_462, %dma_start3A_463] : memref<50000x32xf32, #tpu.memory_space<hbm>> -> memref<50000x32xf32, #tpu.memory_space<hbm>>
        tpu.enqueue_indirect_dma source(%dma_start3A_464 : memref<50000x32xf32, #tpu.memory_space<hbm>>) target(%arg11 : memref<128x32xf32, #tpu.memory_space<vmem>>) offsets(%dma_start3A_459 : memref<128xi32, #tpu.memory_space<vmem>>) semaphore(%arg16 : memref<!tpu.dma_semaphore, #tpu.memory_space<semaphore_mem>>)
        %add3A_465 = arith.constant 1 : i32
        %add3A_466 = arith.addi %scan3A_351, %add3A_465 : i32
        %mul3A_467 = arith.constant 4 : i32
        %mul3A_468 = arith.muli %mul3A_467, %add3A_466 : i32
        %add3A_469 = arith.constant 2 : i32
        %add3A_470 = arith.addi %mul3A_468, %add3A_469 : i32
        %dma_wait3A_471 = arith.constant 0 : i32
        %dma_wait3A_472 = tpu.memref_slice %arg9[%add3A_470, %dma_wait3A_471] : memref<28x128xi32, #tpu.memory_space<vmem>> -> memref<1x128xi32, #tpu.memory_space<vmem>>
        %dma_wait3A_473 = tpu.memref_squeeze %dma_wait3A_472 : memref<1x128xi32, #tpu.memory_space<vmem>> -> memref<128xi32, #tpu.memory_space<vmem>>
        %dma_wait3A_474 = arith.constant 0 : i32
        %dma_wait3A_475 = arith.constant 0 : i32
        %dma_wait3A_476 = tpu.memref_slice %arg7[%dma_wait3A_474, %dma_wait3A_475] : memref<50048x32xf32, #tpu.memory_space<vmem_shared>> -> memref<50048x32xf32, #tpu.memory_space<vmem_shared>>
        tpu.wait_indirect_dma semaphore(%arg21 : memref<!tpu.dma_semaphore, #tpu.memory_space<semaphore_mem>>) src(%arg12 : memref<128x32xf32, #tpu.memory_space<vmem>>) dst(%dma_wait3A_476 : memref<50048x32xf32, #tpu.memory_space<vmem_shared>>)
        %mul3A_477 = arith.constant 128 : i32
        %mul3A_478 = arith.muli %add3A_470, %mul3A_477 : i32
        %dma_start3A_479 = tpu.memref_slice %arg8[%mul3A_478] : memref<3584xi32, #tpu.memory_space<vmem>> -> memref<128xi32, #tpu.memory_space<vmem>>
        %dma_start3A_480 = arith.constant 0 : i32
        %dma_start3A_481 = tpu.memref_slice %arg2[%mul3A_163, %dma_start3A_480] : memref<400000x32xf32, #tpu.memory_space<hbm>> -> memref<50000x32xf32, #tpu.memory_space<hbm>>
        %dma_start3A_482 = arith.constant 0 : i32
        %dma_start3A_483 = arith.constant 0 : i32
        %dma_start3A_484 = tpu.memref_slice %dma_start3A_481[%dma_start3A_482, %dma_start3A_483] : memref<50000x32xf32, #tpu.memory_space<hbm>> -> memref<50000x32xf32, #tpu.memory_space<hbm>>
        tpu.enqueue_indirect_dma source(%dma_start3A_484 : memref<50000x32xf32, #tpu.memory_space<hbm>>) target(%arg12 : memref<128x32xf32, #tpu.memory_space<vmem>>) offsets(%dma_start3A_479 : memref<128xi32, #tpu.memory_space<vmem>>) semaphore(%arg17 : memref<!tpu.dma_semaphore, #tpu.memory_space<semaphore_mem>>)
        %add3A_485 = arith.constant 1 : i32
        %add3A_486 = arith.addi %scan3A_351, %add3A_485 : i32
        %mul3A_487 = arith.constant 4 : i32
        %mul3A_488 = arith.muli %mul3A_487, %add3A_486 : i32
        %add3A_489 = arith.constant 3 : i32
        %add3A_490 = arith.addi %mul3A_488, %add3A_489 : i32
        %dma_wait3A_491 = arith.constant 0 : i32
        %dma_wait3A_492 = tpu.memref_slice %arg9[%add3A_490, %dma_wait3A_491] : memref<28x128xi32, #tpu.memory_space<vmem>> -> memref<1x128xi32, #tpu.memory_space<vmem>>
        %dma_wait3A_493 = tpu.memref_squeeze %dma_wait3A_492 : memref<1x128xi32, #tpu.memory_space<vmem>> -> memref<128xi32, #tpu.memory_space<vmem>>
        %dma_wait3A_494 = arith.constant 0 : i32
        %dma_wait3A_495 = arith.constant 0 : i32
        %dma_wait3A_496 = tpu.memref_slice %arg7[%dma_wait3A_494, %dma_wait3A_495] : memref<50048x32xf32, #tpu.memory_space<vmem_shared>> -> memref<50048x32xf32, #tpu.memory_space<vmem_shared>>
        tpu.wait_indirect_dma semaphore(%arg22 : memref<!tpu.dma_semaphore, #tpu.memory_space<semaphore_mem>>) src(%arg13 : memref<128x32xf32, #tpu.memory_space<vmem>>) dst(%dma_wait3A_496 : memref<50048x32xf32, #tpu.memory_space<vmem_shared>>)
        %mul3A_497 = arith.constant 128 : i32
        %mul3A_498 = arith.muli %add3A_490, %mul3A_497 : i32
        %dma_start3A_499 = tpu.memref_slice %arg8[%mul3A_498] : memref<3584xi32, #tpu.memory_space<vmem>> -> memref<128xi32, #tpu.memory_space<vmem>>
        %dma_start3A_500 = arith.constant 0 : i32
        %dma_start3A_501 = tpu.memref_slice %arg2[%mul3A_163, %dma_start3A_500] : memref<400000x32xf32, #tpu.memory_space<hbm>> -> memref<50000x32xf32, #tpu.memory_space<hbm>>
        %dma_start3A_502 = arith.constant 0 : i32
        %dma_start3A_503 = arith.constant 0 : i32
        %dma_start3A_504 = tpu.memref_slice %dma_start3A_501[%dma_start3A_502, %dma_start3A_503] : memref<50000x32xf32, #tpu.memory_space<hbm>> -> memref<50000x32xf32, #tpu.memory_space<hbm>>
        tpu.enqueue_indirect_dma source(%dma_start3A_504 : memref<50000x32xf32, #tpu.memory_space<hbm>>) target(%arg13 : memref<128x32xf32, #tpu.memory_space<vmem>>) offsets(%dma_start3A_499 : memref<128xi32, #tpu.memory_space<vmem>>) semaphore(%arg18 : memref<!tpu.dma_semaphore, #tpu.memory_space<semaphore_mem>>)
        %scan3A_505 = arith.constant 0 : i32
        scf.yield %scan3A_505 : i32
      }
      %scan3A_265 = arith.constant 6 : i32
      %dma_wait3A_266 = arith.constant 3072 : i32
      %dma_wait3A_267 = tpu.memref_slice %arg8[%dma_wait3A_266] : memref<3584xi32, #tpu.memory_space<vmem>> -> memref<128xi32, #tpu.memory_space<vmem>>
      %dma_wait3A_268 = arith.constant 0 : i32
      %dma_wait3A_269 = tpu.memref_slice %arg2[%mul3A_163, %dma_wait3A_268] : memref<400000x32xf32, #tpu.memory_space<hbm>> -> memref<50000x32xf32, #tpu.memory_space<hbm>>
      %dma_wait3A_270 = arith.constant 0 : i32
      %dma_wait3A_271 = arith.constant 0 : i32
      %dma_wait3A_272 = tpu.memref_slice %dma_wait3A_269[%dma_wait3A_270, %dma_wait3A_271] : memref<50000x32xf32, #tpu.memory_space<hbm>> -> memref<50000x32xf32, #tpu.memory_space<hbm>>
      tpu.wait_indirect_dma semaphore(%arg15 : memref<!tpu.dma_semaphore, #tpu.memory_space<semaphore_mem>>) src(%dma_wait3A_272 : memref<50000x32xf32, #tpu.memory_space<hbm>>) dst(%arg10 : memref<128x32xf32, #tpu.memory_space<vmem>>)
      %dma_start3A_273 = arith.constant 24 : i32
      %dma_start3A_274 = arith.constant 0 : i32
      %dma_start3A_275 = tpu.memref_slice %arg9[%dma_start3A_273, %dma_start3A_274] : memref<28x128xi32, #tpu.memory_space<vmem>> -> memref<1x128xi32, #tpu.memory_space<vmem>>
      %dma_start3A_276 = tpu.memref_squeeze %dma_start3A_275 : memref<1x128xi32, #tpu.memory_space<vmem>> -> memref<128xi32, #tpu.memory_space<vmem>>
      %dma_start3A_277 = arith.constant 0 : i32
      %dma_start3A_278 = arith.constant 0 : i32
      %dma_start3A_279 = tpu.memref_slice %arg7[%dma_start3A_277, %dma_start3A_278] : memref<50048x32xf32, #tpu.memory_space<vmem_shared>> -> memref<50048x32xf32, #tpu.memory_space<vmem_shared>>
      tpu.enqueue_indirect_dma source(%arg10 : memref<128x32xf32, #tpu.memory_space<vmem>>) target(%dma_start3A_279 : memref<50048x32xf32, #tpu.memory_space<vmem_shared>>) offsets(%dma_start3A_276 : memref<128xi32, #tpu.memory_space<vmem>>) semaphore(%arg19 : memref<!tpu.dma_semaphore, #tpu.memory_space<semaphore_mem>>) {add = true}
      %dma_wait3A_280 = arith.constant 3200 : i32
      %dma_wait3A_281 = tpu.memref_slice %arg8[%dma_wait3A_280] : memref<3584xi32, #tpu.memory_space<vmem>> -> memref<128xi32, #tpu.memory_space<vmem>>
      %dma_wait3A_282 = arith.constant 0 : i32
      %dma_wait3A_283 = tpu.memref_slice %arg2[%mul3A_163, %dma_wait3A_282] : memref<400000x32xf32, #tpu.memory_space<hbm>> -> memref<50000x32xf32, #tpu.memory_space<hbm>>
      %dma_wait3A_284 = arith.constant 0 : i32
      %dma_wait3A_285 = arith.constant 0 : i32
      %dma_wait3A_286 = tpu.memref_slice %dma_wait3A_283[%dma_wait3A_284, %dma_wait3A_285] : memref<50000x32xf32, #tpu.memory_space<hbm>> -> memref<50000x32xf32, #tpu.memory_space<hbm>>
      tpu.wait_indirect_dma semaphore(%arg16 : memref<!tpu.dma_semaphore, #tpu.memory_space<semaphore_mem>>) src(%dma_wait3A_286 : memref<50000x32xf32, #tpu.memory_space<hbm>>) dst(%arg11 : memref<128x32xf32, #tpu.memory_space<vmem>>)
      %dma_start3A_287 = arith.constant 25 : i32
      %dma_start3A_288 = arith.constant 0 : i32
      %dma_start3A_289 = tpu.memref_slice %arg9[%dma_start3A_287, %dma_start3A_288] : memref<28x128xi32, #tpu.memory_space<vmem>> -> memref<1x128xi32, #tpu.memory_space<vmem>>
      %dma_start3A_290 = tpu.memref_squeeze %dma_start3A_289 : memref<1x128xi32, #tpu.memory_space<vmem>> -> memref<128xi32, #tpu.memory_space<vmem>>
      %dma_start3A_291 = arith.constant 0 : i32
      %dma_start3A_292 = arith.constant 0 : i32
      %dma_start3A_293 = tpu.memref_slice %arg7[%dma_start3A_291, %dma_start3A_292] : memref<50048x32xf32, #tpu.memory_space<vmem_shared>> -> memref<50048x32xf32, #tpu.memory_space<vmem_shared>>
      tpu.enqueue_indirect_dma source(%arg11 : memref<128x32xf32, #tpu.memory_space<vmem>>) target(%dma_start3A_293 : memref<50048x32xf32, #tpu.memory_space<vmem_shared>>) offsets(%dma_start3A_290 : memref<128xi32, #tpu.memory_space<vmem>>) semaphore(%arg20 : memref<!tpu.dma_semaphore, #tpu.memory_space<semaphore_mem>>) {add = true}
      %dma_wait3A_294 = arith.constant 3328 : i32
      %dma_wait3A_295 = tpu.memref_slice %arg8[%dma_wait3A_294] : memref<3584xi32, #tpu.memory_space<vmem>> -> memref<128xi32, #tpu.memory_space<vmem>>
      %dma_wait3A_296 = arith.constant 0 : i32
      %dma_wait3A_297 = tpu.memref_slice %arg2[%mul3A_163, %dma_wait3A_296] : memref<400000x32xf32, #tpu.memory_space<hbm>> -> memref<50000x32xf32, #tpu.memory_space<hbm>>
      %dma_wait3A_298 = arith.constant 0 : i32
      %dma_wait3A_299 = arith.constant 0 : i32
      %dma_wait3A_300 = tpu.memref_slice %dma_wait3A_297[%dma_wait3A_298, %dma_wait3A_299] : memref<50000x32xf32, #tpu.memory_space<hbm>> -> memref<50000x32xf32, #tpu.memory_space<hbm>>
      tpu.wait_indirect_dma semaphore(%arg17 : memref<!tpu.dma_semaphore, #tpu.memory_space<semaphore_mem>>) src(%dma_wait3A_300 : memref<50000x32xf32, #tpu.memory_space<hbm>>) dst(%arg12 : memref<128x32xf32, #tpu.memory_space<vmem>>)
      %dma_start3A_301 = arith.constant 26 : i32
      %dma_start3A_302 = arith.constant 0 : i32
      %dma_start3A_303 = tpu.memref_slice %arg9[%dma_start3A_301, %dma_start3A_302] : memref<28x128xi32, #tpu.memory_space<vmem>> -> memref<1x128xi32, #tpu.memory_space<vmem>>
      %dma_start3A_304 = tpu.memref_squeeze %dma_start3A_303 : memref<1x128xi32, #tpu.memory_space<vmem>> -> memref<128xi32, #tpu.memory_space<vmem>>
      %dma_start3A_305 = arith.constant 0 : i32
      %dma_start3A_306 = arith.constant 0 : i32
      %dma_start3A_307 = tpu.memref_slice %arg7[%dma_start3A_305, %dma_start3A_306] : memref<50048x32xf32, #tpu.memory_space<vmem_shared>> -> memref<50048x32xf32, #tpu.memory_space<vmem_shared>>
      tpu.enqueue_indirect_dma source(%arg12 : memref<128x32xf32, #tpu.memory_space<vmem>>) target(%dma_start3A_307 : memref<50048x32xf32, #tpu.memory_space<vmem_shared>>) offsets(%dma_start3A_304 : memref<128xi32, #tpu.memory_space<vmem>>) semaphore(%arg21 : memref<!tpu.dma_semaphore, #tpu.memory_space<semaphore_mem>>) {add = true}
      %dma_wait3A_308 = arith.constant 3456 : i32
      %dma_wait3A_309 = tpu.memref_slice %arg8[%dma_wait3A_308] : memref<3584xi32, #tpu.memory_space<vmem>> -> memref<128xi32, #tpu.memory_space<vmem>>
      %dma_wait3A_310 = arith.constant 0 : i32
      %dma_wait3A_311 = tpu.memref_slice %arg2[%mul3A_163, %dma_wait3A_310] : memref<400000x32xf32, #tpu.memory_space<hbm>> -> memref<50000x32xf32, #tpu.memory_space<hbm>>
      %dma_wait3A_312 = arith.constant 0 : i32
      %dma_wait3A_313 = arith.constant 0 : i32
      %dma_wait3A_314 = tpu.memref_slice %dma_wait3A_311[%dma_wait3A_312, %dma_wait3A_313] : memref<50000x32xf32, #tpu.memory_space<hbm>> -> memref<50000x32xf32, #tpu.memory_space<hbm>>
      tpu.wait_indirect_dma semaphore(%arg18 : memref<!tpu.dma_semaphore, #tpu.memory_space<semaphore_mem>>) src(%dma_wait3A_314 : memref<50000x32xf32, #tpu.memory_space<hbm>>) dst(%arg13 : memref<128x32xf32, #tpu.memory_space<vmem>>)
      %dma_start3A_315 = arith.constant 27 : i32
      %dma_start3A_316 = arith.constant 0 : i32
      %dma_start3A_317 = tpu.memref_slice %arg9[%dma_start3A_315, %dma_start3A_316] : memref<28x128xi32, #tpu.memory_space<vmem>> -> memref<1x128xi32, #tpu.memory_space<vmem>>
      %dma_start3A_318 = tpu.memref_squeeze %dma_start3A_317 : memref<1x128xi32, #tpu.memory_space<vmem>> -> memref<128xi32, #tpu.memory_space<vmem>>
      %dma_start3A_319 = arith.constant 0 : i32
      %dma_start3A_320 = arith.constant 0 : i32
      %dma_start3A_321 = tpu.memref_slice %arg7[%dma_start3A_319, %dma_start3A_320] : memref<50048x32xf32, #tpu.memory_space<vmem_shared>> -> memref<50048x32xf32, #tpu.memory_space<vmem_shared>>
      tpu.enqueue_indirect_dma source(%arg13 : memref<128x32xf32, #tpu.memory_space<vmem>>) target(%dma_start3A_321 : memref<50048x32xf32, #tpu.memory_space<vmem_shared>>) offsets(%dma_start3A_318 : memref<128xi32, #tpu.memory_space<vmem>>) semaphore(%arg22 : memref<!tpu.dma_semaphore, #tpu.memory_space<semaphore_mem>>) {add = true}
      %dma_wait3A_322 = arith.constant 0 : i32
      %dma_wait3A_323 = arith.constant 0 : i32
      %dma_wait3A_324 = tpu.memref_slice %arg9[%dma_wait3A_322, %dma_wait3A_323] : memref<28x128xi32, #tpu.memory_space<vmem>> -> memref<1x128xi32, #tpu.memory_space<vmem>>
      %dma_wait3A_325 = tpu.memref_squeeze %dma_wait3A_324 : memref<1x128xi32, #tpu.memory_space<vmem>> -> memref<128xi32, #tpu.memory_space<vmem>>
      %dma_wait3A_326 = arith.constant 0 : i32
      %dma_wait3A_327 = arith.constant 0 : i32
      %dma_wait3A_328 = tpu.memref_slice %arg7[%dma_wait3A_326, %dma_wait3A_327] : memref<50048x32xf32, #tpu.memory_space<vmem_shared>> -> memref<50048x32xf32, #tpu.memory_space<vmem_shared>>
      tpu.wait_indirect_dma semaphore(%arg19 : memref<!tpu.dma_semaphore, #tpu.memory_space<semaphore_mem>>) src(%arg10 : memref<128x32xf32, #tpu.memory_space<vmem>>) dst(%dma_wait3A_328 : memref<50048x32xf32, #tpu.memory_space<vmem_shared>>)
      %dma_wait3A_329 = arith.constant 0 : i32
      %dma_wait3A_330 = arith.constant 0 : i32
      %dma_wait3A_331 = tpu.memref_slice %arg9[%dma_wait3A_329, %dma_wait3A_330] : memref<28x128xi32, #tpu.memory_space<vmem>> -> memref<1x128xi32, #tpu.memory_space<vmem>>
      %dma_wait3A_332 = tpu.memref_squeeze %dma_wait3A_331 : memref<1x128xi32, #tpu.memory_space<vmem>> -> memref<128xi32, #tpu.memory_space<vmem>>
      %dma_wait3A_333 = arith.constant 0 : i32
      %dma_wait3A_334 = arith.constant 0 : i32
      %dma_wait3A_335 = tpu.memref_slice %arg7[%dma_wait3A_333, %dma_wait3A_334] : memref<50048x32xf32, #tpu.memory_space<vmem_shared>> -> memref<50048x32xf32, #tpu.memory_space<vmem_shared>>
      tpu.wait_indirect_dma semaphore(%arg20 : memref<!tpu.dma_semaphore, #tpu.memory_space<semaphore_mem>>) src(%arg11 : memref<128x32xf32, #tpu.memory_space<vmem>>) dst(%dma_wait3A_335 : memref<50048x32xf32, #tpu.memory_space<vmem_shared>>)
      %dma_wait3A_336 = arith.constant 0 : i32
      %dma_wait3A_337 = arith.constant 0 : i32
      %dma_wait3A_338 = tpu.memref_slice %arg9[%dma_wait3A_336, %dma_wait3A_337] : memref<28x128xi32, #tpu.memory_space<vmem>> -> memref<1x128xi32, #tpu.memory_space<vmem>>
      %dma_wait3A_339 = tpu.memref_squeeze %dma_wait3A_338 : memref<1x128xi32, #tpu.memory_space<vmem>> -> memref<128xi32, #tpu.memory_space<vmem>>
      %dma_wait3A_340 = arith.constant 0 : i32
      %dma_wait3A_341 = arith.constant 0 : i32
      %dma_wait3A_342 = tpu.memref_slice %arg7[%dma_wait3A_340, %dma_wait3A_341] : memref<50048x32xf32, #tpu.memory_space<vmem_shared>> -> memref<50048x32xf32, #tpu.memory_space<vmem_shared>>
      tpu.wait_indirect_dma semaphore(%arg21 : memref<!tpu.dma_semaphore, #tpu.memory_space<semaphore_mem>>) src(%arg12 : memref<128x32xf32, #tpu.memory_space<vmem>>) dst(%dma_wait3A_342 : memref<50048x32xf32, #tpu.memory_space<vmem_shared>>)
      %dma_wait3A_343 = arith.constant 0 : i32
      %dma_wait3A_344 = arith.constant 0 : i32
      %dma_wait3A_345 = tpu.memref_slice %arg9[%dma_wait3A_343, %dma_wait3A_344] : memref<28x128xi32, #tpu.memory_space<vmem>> -> memref<1x128xi32, #tpu.memory_space<vmem>>
      %dma_wait3A_346 = tpu.memref_squeeze %dma_wait3A_345 : memref<1x128xi32, #tpu.memory_space<vmem>> -> memref<128xi32, #tpu.memory_space<vmem>>
      %dma_wait3A_347 = arith.constant 0 : i32
      %dma_wait3A_348 = arith.constant 0 : i32
      %dma_wait3A_349 = tpu.memref_slice %arg7[%dma_wait3A_347, %dma_wait3A_348] : memref<50048x32xf32, #tpu.memory_space<vmem_shared>> -> memref<50048x32xf32, #tpu.memory_space<vmem_shared>>
      tpu.wait_indirect_dma semaphore(%arg22 : memref<!tpu.dma_semaphore, #tpu.memory_space<semaphore_mem>>) src(%arg13 : memref<128x32xf32, #tpu.memory_space<vmem>>) dst(%dma_wait3A_349 : memref<50048x32xf32, #tpu.memory_space<vmem_shared>>)
      %scan3A_350 = arith.constant 0 : i32
      scf.yield %scan3A_350 : i32
    }
    %scan3A_187 = arith.constant 14 : i32
    %barrier3A_188 = arith.constant 0 : index
    tpu.barrier barrier_id(%barrier3A_188)
    %scan3A_189 = arith.constant 0 : i32
    %scan3A_190 = arith.constant 0 : i32
    %scan3A_191 = arith.constant 12 : i32
    %scan3A_192 = arith.addi %scan3A_190, %scan3A_191 : i32
    %scan3A_193 = arith.constant 1 : i32
    %scan3A_194 = scf.for %scan3A_211 = %scan3A_190 to %scan3A_192 step %scan3A_193 iter_args(%scan3A_212 = %scan3A_189) -> (i32)  : i32 {
      %mul3A_213 = arith.constant 2 : i32
      %mul3A_214 = arith.muli %mul3A_213, %scan3A_211 : i32
      %add3A_215 = arith.constant 0 : i32
      %add3A_216 = arith.addi %mul3A_214, %add3A_215 : i32
      %mul3A_217 = arith.constant 128 : i32
      %mul3A_218 = arith.muli %add3A_216, %mul3A_217 : i32
      %add3A_219 = arith.addi %mul3A_2, %mul3A_218 : i32
      %gt3A = arith.constant 0 : i32
      %gt3A_220 = arith.cmpi sgt, %scan3A_211, %gt3A : i32
      %convert_element_type3A = arith.extui %gt3A_220 : i1 to i32
      %cond3A = arith.constant 0 : i32
      %cond3A_221 = arith.cmpi ne, %convert_element_type3A, %cond3A : i32
      scf.if %cond3A_221 {
        %sub3A = arith.constant 256 : i32
        %sub3A_276 = arith.subi %add3A_219, %sub3A : i32
        %dma_wait3A_277 = arith.constant 0 : i32
        %dma_wait3A_278 = tpu.memref_slice %arg6[%add3A_161, %sub3A_276, %dma_wait3A_277] : memref<8x50048x32xf32, #tpu.memory_space<hbm>> -> memref<1x128x32xf32, #tpu.memory_space<hbm>>
        %dma_wait3A_279 = tpu.memref_squeeze %dma_wait3A_278 : memref<1x128x32xf32, #tpu.memory_space<hbm>> -> memref<128x32xf32, #tpu.memory_space<hbm>>
        %dma_wait3A_280 = arith.constant 0 : i32
        %dma_wait3A_281 = tpu.memref_slice %arg6[%add3A_161, %sub3A_276, %dma_wait3A_280] : memref<8x50048x32xf32, #tpu.memory_space<hbm>> -> memref<1x128x32xf32, #tpu.memory_space<hbm>>
        %dma_wait3A_282 = tpu.memref_squeeze %dma_wait3A_281 : memref<1x128x32xf32, #tpu.memory_space<hbm>> -> memref<128x32xf32, #tpu.memory_space<hbm>>
        tpu.wait_dma2 semaphore(%arg19 : memref<!tpu.dma_semaphore, #tpu.memory_space<semaphore_mem>>) src(%arg10 : memref<128x32xf32, #tpu.memory_space<vmem>>) dst(%dma_wait3A_282 : memref<128x32xf32, #tpu.memory_space<hbm>>)
      } else {
      }
      %dma_start3A = arith.constant 0 : i32
      %dma_start3A_222 = tpu.memref_slice %arg7[%add3A_219, %dma_start3A] : memref<50048x32xf32, #tpu.memory_space<vmem_shared>> -> memref<128x32xf32, #tpu.memory_space<vmem_shared>>
      %dma_start3A_223 = arith.constant 0 : i32
      %dma_start3A_224 = tpu.memref_slice %arg7[%add3A_219, %dma_start3A_223] : memref<50048x32xf32, #tpu.memory_space<vmem_shared>> -> memref<128x32xf32, #tpu.memory_space<vmem_shared>>
      tpu.enqueue_dma source(%dma_start3A_224 : memref<128x32xf32, #tpu.memory_space<vmem_shared>>) target(%arg10 : memref<128x32xf32, #tpu.memory_space<vmem>>) target_semaphore(%arg15 : memref<!tpu.dma_semaphore, #tpu.memory_space<semaphore_mem>>)
      %mul3A_225 = arith.constant 2 : i32
      %mul3A_226 = arith.muli %mul3A_225, %scan3A_211 : i32
      %add3A_227 = arith.constant 1 : i32
      %add3A_228 = arith.addi %mul3A_226, %add3A_227 : i32
      %mul3A_229 = arith.constant 128 : i32
      %mul3A_230 = arith.muli %add3A_228, %mul3A_229 : i32
      %add3A_231 = arith.addi %mul3A_2, %mul3A_230 : i32
      %gt3A_232 = arith.constant 0 : i32
      %gt3A_233 = arith.cmpi sgt, %scan3A_211, %gt3A_232 : i32
      %convert_element_type3A_234 = arith.extui %gt3A_233 : i1 to i32
      %cond3A_235 = arith.constant 0 : i32
      %cond3A_236 = arith.cmpi ne, %convert_element_type3A_234, %cond3A_235 : i32
      scf.if %cond3A_236 {
        %sub3A = arith.constant 256 : i32
        %sub3A_276 = arith.subi %add3A_231, %sub3A : i32
        %dma_wait3A_277 = arith.constant 0 : i32
        %dma_wait3A_278 = tpu.memref_slice %arg6[%add3A_161, %sub3A_276, %dma_wait3A_277] : memref<8x50048x32xf32, #tpu.memory_space<hbm>> -> memref<1x128x32xf32, #tpu.memory_space<hbm>>
        %dma_wait3A_279 = tpu.memref_squeeze %dma_wait3A_278 : memref<1x128x32xf32, #tpu.memory_space<hbm>> -> memref<128x32xf32, #tpu.memory_space<hbm>>
        %dma_wait3A_280 = arith.constant 0 : i32
        %dma_wait3A_281 = tpu.memref_slice %arg6[%add3A_161, %sub3A_276, %dma_wait3A_280] : memref<8x50048x32xf32, #tpu.memory_space<hbm>> -> memref<1x128x32xf32, #tpu.memory_space<hbm>>
        %dma_wait3A_282 = tpu.memref_squeeze %dma_wait3A_281 : memref<1x128x32xf32, #tpu.memory_space<hbm>> -> memref<128x32xf32, #tpu.memory_space<hbm>>
        tpu.wait_dma2 semaphore(%arg20 : memref<!tpu.dma_semaphore, #tpu.memory_space<semaphore_mem>>) src(%arg11 : memref<128x32xf32, #tpu.memory_space<vmem>>) dst(%dma_wait3A_282 : memref<128x32xf32, #tpu.memory_space<hbm>>)
      } else {
      }
      %dma_start3A_237 = arith.constant 0 : i32
      %dma_start3A_238 = tpu.memref_slice %arg7[%add3A_231, %dma_start3A_237] : memref<50048x32xf32, #tpu.memory_space<vmem_shared>> -> memref<128x32xf32, #tpu.memory_space<vmem_shared>>
      %dma_start3A_239 = arith.constant 0 : i32
      %dma_start3A_240 = tpu.memref_slice %arg7[%add3A_231, %dma_start3A_239] : memref<50048x32xf32, #tpu.memory_space<vmem_shared>> -> memref<128x32xf32, #tpu.memory_space<vmem_shared>>
      tpu.enqueue_dma source(%dma_start3A_240 : memref<128x32xf32, #tpu.memory_space<vmem_shared>>) target(%arg11 : memref<128x32xf32, #tpu.memory_space<vmem>>) target_semaphore(%arg16 : memref<!tpu.dma_semaphore, #tpu.memory_space<semaphore_mem>>)
      %mul3A_241 = arith.constant 2 : i32
      %mul3A_242 = arith.muli %mul3A_241, %scan3A_211 : i32
      %add3A_243 = arith.constant 0 : i32
      %add3A_244 = arith.addi %mul3A_242, %add3A_243 : i32
      %mul3A_245 = arith.constant 128 : i32
      %mul3A_246 = arith.muli %add3A_244, %mul3A_245 : i32
      %add3A_247 = arith.addi %mul3A_2, %mul3A_246 : i32
      %dma_wait3A_248 = arith.constant 0 : i32
      %dma_wait3A_249 = tpu.memref_slice %arg7[%add3A_247, %dma_wait3A_248] : memref<50048x32xf32, #tpu.memory_space<vmem_shared>> -> memref<128x32xf32, #tpu.memory_space<vmem_shared>>
      %dma_wait3A_250 = arith.constant 0 : i32
      %dma_wait3A_251 = tpu.memref_slice %arg7[%add3A_247, %dma_wait3A_250] : memref<50048x32xf32, #tpu.memory_space<vmem_shared>> -> memref<128x32xf32, #tpu.memory_space<vmem_shared>>
      tpu.wait_dma2 semaphore(%arg15 : memref<!tpu.dma_semaphore, #tpu.memory_space<semaphore_mem>>) src(%dma_wait3A_251 : memref<128x32xf32, #tpu.memory_space<vmem_shared>>) dst(%arg10 : memref<128x32xf32, #tpu.memory_space<vmem>>)
      %dma_start3A_252 = arith.constant 0 : i32
      %dma_start3A_253 = tpu.memref_slice %arg6[%add3A_161, %add3A_247, %dma_start3A_252] : memref<8x50048x32xf32, #tpu.memory_space<hbm>> -> memref<1x128x32xf32, #tpu.memory_space<hbm>>
      %dma_start3A_254 = tpu.memref_squeeze %dma_start3A_253 : memref<1x128x32xf32, #tpu.memory_space<hbm>> -> memref<128x32xf32, #tpu.memory_space<hbm>>
      %dma_start3A_255 = arith.constant 0 : i32
      %dma_start3A_256 = tpu.memref_slice %arg6[%add3A_161, %add3A_247, %dma_start3A_255] : memref<8x50048x32xf32, #tpu.memory_space<hbm>> -> memref<1x128x32xf32, #tpu.memory_space<hbm>>
      %dma_start3A_257 = tpu.memref_squeeze %dma_start3A_256 : memref<1x128x32xf32, #tpu.memory_space<hbm>> -> memref<128x32xf32, #tpu.memory_space<hbm>>
      tpu.enqueue_dma source(%arg10 : memref<128x32xf32, #tpu.memory_space<vmem>>) target(%dma_start3A_257 : memref<128x32xf32, #tpu.memory_space<hbm>>) target_semaphore(%arg19 : memref<!tpu.dma_semaphore, #tpu.memory_space<semaphore_mem>>)
      %mul3A_258 = arith.constant 2 : i32
      %mul3A_259 = arith.muli %mul3A_258, %scan3A_211 : i32
      %add3A_260 = arith.constant 1 : i32
      %add3A_261 = arith.addi %mul3A_259, %add3A_260 : i32
      %mul3A_262 = arith.constant 128 : i32
      %mul3A_263 = arith.muli %add3A_261, %mul3A_262 : i32
      %add3A_264 = arith.addi %mul3A_2, %mul3A_263 : i32
      %dma_wait3A_265 = arith.constant 0 : i32
      %dma_wait3A_266 = tpu.memref_slice %arg7[%add3A_264, %dma_wait3A_265] : memref<50048x32xf32, #tpu.memory_space<vmem_shared>> -> memref<128x32xf32, #tpu.memory_space<vmem_shared>>
      %dma_wait3A_267 = arith.constant 0 : i32
      %dma_wait3A_268 = tpu.memref_slice %arg7[%add3A_264, %dma_wait3A_267] : memref<50048x32xf32, #tpu.memory_space<vmem_shared>> -> memref<128x32xf32, #tpu.memory_space<vmem_shared>>
      tpu.wait_dma2 semaphore(%arg16 : memref<!tpu.dma_semaphore, #tpu.memory_space<semaphore_mem>>) src(%dma_wait3A_268 : memref<128x32xf32, #tpu.memory_space<vmem_shared>>) dst(%arg11 : memref<128x32xf32, #tpu.memory_space<vmem>>)
      %dma_start3A_269 = arith.constant 0 : i32
      %dma_start3A_270 = tpu.memref_slice %arg6[%add3A_161, %add3A_264, %dma_start3A_269] : memref<8x50048x32xf32, #tpu.memory_space<hbm>> -> memref<1x128x32xf32, #tpu.memory_space<hbm>>
      %dma_start3A_271 = tpu.memref_squeeze %dma_start3A_270 : memref<1x128x32xf32, #tpu.memory_space<hbm>> -> memref<128x32xf32, #tpu.memory_space<hbm>>
      %dma_start3A_272 = arith.constant 0 : i32
      %dma_start3A_273 = tpu.memref_slice %arg6[%add3A_161, %add3A_264, %dma_start3A_272] : memref<8x50048x32xf32, #tpu.memory_space<hbm>> -> memref<1x128x32xf32, #tpu.memory_space<hbm>>
      %dma_start3A_274 = tpu.memref_squeeze %dma_start3A_273 : memref<1x128x32xf32, #tpu.memory_space<hbm>> -> memref<128x32xf32, #tpu.memory_space<hbm>>
      tpu.enqueue_dma source(%arg11 : memref<128x32xf32, #tpu.memory_space<vmem>>) target(%dma_start3A_274 : memref<128x32xf32, #tpu.memory_space<hbm>>) target_semaphore(%arg20 : memref<!tpu.dma_semaphore, #tpu.memory_space<semaphore_mem>>)
      %scan3A_275 = arith.constant 0 : i32
      scf.yield %scan3A_275 : i32
    }
    %scan3A_195 = arith.constant 12 : i32
    %add3A_196 = arith.constant 3072 : i32
    %add3A_197 = arith.addi %mul3A_2, %add3A_196 : i32
    "tpu.region"() ({
      %run_scoped3A = tpu.sem_alloc : memref<!tpu.dma_semaphore, #tpu.memory_space<semaphore_mem>>
      %dma_start3A = arith.constant 0 : i32
      %dma_start3A_211 = arith.constant 0 : i32
      %dma_start3A_212 = tpu.memref_slice %arg14[%dma_start3A, %dma_start3A_211] : memref<128x32xf32, #tpu.memory_space<vmem>> -> memref<56x32xf32, #tpu.memory_space<vmem>>
      %dma_start3A_213 = arith.constant 0 : i32
      %dma_start3A_214 = tpu.memref_slice %arg7[%add3A_197, %dma_start3A_213] : memref<50048x32xf32, #tpu.memory_space<vmem_shared>> -> memref<56x32xf32, #tpu.memory_space<vmem_shared>>
      %dma_start3A_215 = arith.constant 0 : i32
      %dma_start3A_216 = arith.constant 0 : i32
      %dma_start3A_217 = tpu.memref_slice %arg14[%dma_start3A_215, %dma_start3A_216] : memref<128x32xf32, #tpu.memory_space<vmem>> -> memref<56x32xf32, #tpu.memory_space<vmem>>
      %dma_start3A_218 = arith.constant 0 : i32
      %dma_start3A_219 = tpu.memref_slice %arg7[%add3A_197, %dma_start3A_218] : memref<50048x32xf32, #tpu.memory_space<vmem_shared>> -> memref<56x32xf32, #tpu.memory_space<vmem_shared>>
      tpu.enqueue_dma source(%dma_start3A_219 : memref<56x32xf32, #tpu.memory_space<vmem_shared>>) target(%dma_start3A_217 : memref<56x32xf32, #tpu.memory_space<vmem>>) target_semaphore(%run_scoped3A : memref<!tpu.dma_semaphore, #tpu.memory_space<semaphore_mem>>)
      %dma_wait3A_220 = arith.constant 0 : i32
      %dma_wait3A_221 = arith.constant 0 : i32
      %dma_wait3A_222 = tpu.memref_slice %arg14[%dma_wait3A_220, %dma_wait3A_221] : memref<128x32xf32, #tpu.memory_space<vmem>> -> memref<56x32xf32, #tpu.memory_space<vmem>>
      %dma_wait3A_223 = arith.constant 0 : i32
      %dma_wait3A_224 = tpu.memref_slice %arg7[%add3A_197, %dma_wait3A_223] : memref<50048x32xf32, #tpu.memory_space<vmem_shared>> -> memref<56x32xf32, #tpu.memory_space<vmem_shared>>
      %dma_wait3A_225 = arith.constant 0 : i32
      %dma_wait3A_226 = arith.constant 0 : i32
      %dma_wait3A_227 = tpu.memref_slice %arg14[%dma_wait3A_225, %dma_wait3A_226] : memref<128x32xf32, #tpu.memory_space<vmem>> -> memref<56x32xf32, #tpu.memory_space<vmem>>
      %dma_wait3A_228 = arith.constant 0 : i32
      %dma_wait3A_229 = tpu.memref_slice %arg7[%add3A_197, %dma_wait3A_228] : memref<50048x32xf32, #tpu.memory_space<vmem_shared>> -> memref<56x32xf32, #tpu.memory_space<vmem_shared>>
      tpu.wait_dma2 semaphore(%run_scoped3A : memref<!tpu.dma_semaphore, #tpu.memory_space<semaphore_mem>>) src(%dma_wait3A_229 : memref<56x32xf32, #tpu.memory_space<vmem_shared>>) dst(%dma_wait3A_227 : memref<56x32xf32, #tpu.memory_space<vmem>>)
      tpu.yield
    }) : () -> ()
    "tpu.region"() ({
      %run_scoped3A = tpu.sem_alloc : memref<!tpu.dma_semaphore, #tpu.memory_space<semaphore_mem>>
      %dma_start3A = arith.constant 0 : i32
      %dma_start3A_211 = arith.constant 0 : i32
      %dma_start3A_212 = tpu.memref_slice %arg14[%dma_start3A, %dma_start3A_211] : memref<128x32xf32, #tpu.memory_space<vmem>> -> memref<56x32xf32, #tpu.memory_space<vmem>>
      %dma_start3A_213 = arith.constant 0 : i32
      %dma_start3A_214 = tpu.memref_slice %arg6[%add3A_161, %add3A_197, %dma_start3A_213] : memref<8x50048x32xf32, #tpu.memory_space<hbm>> -> memref<1x56x32xf32, #tpu.memory_space<hbm>>
      %dma_start3A_215 = tpu.memref_squeeze %dma_start3A_214 : memref<1x56x32xf32, #tpu.memory_space<hbm>> -> memref<56x32xf32, #tpu.memory_space<hbm>>
      %dma_start3A_216 = arith.constant 0 : i32
      %dma_start3A_217 = tpu.memref_slice %arg6[%add3A_161, %add3A_197, %dma_start3A_216] : memref<8x50048x32xf32, #tpu.memory_space<hbm>> -> memref<1x56x32xf32, #tpu.memory_space<hbm>>
      %dma_start3A_218 = tpu.memref_squeeze %dma_start3A_217 : memref<1x56x32xf32, #tpu.memory_space<hbm>> -> memref<56x32xf32, #tpu.memory_space<hbm>>
      %dma_start3A_219 = arith.constant 0 : i32
      %dma_start3A_220 = arith.constant 0 : i32
      %dma_start3A_221 = tpu.memref_slice %arg14[%dma_start3A_219, %dma_start3A_220] : memref<128x32xf32, #tpu.memory_space<vmem>> -> memref<56x32xf32, #tpu.memory_space<vmem>>
      tpu.enqueue_dma source(%dma_start3A_221 : memref<56x32xf32, #tpu.memory_space<vmem>>) target(%dma_start3A_218 : memref<56x32xf32, #tpu.memory_space<hbm>>) target_semaphore(%run_scoped3A : memref<!tpu.dma_semaphore, #tpu.memory_space<semaphore_mem>>)
      %dma_wait3A_222 = arith.constant 0 : i32
      %dma_wait3A_223 = arith.constant 0 : i32
      %dma_wait3A_224 = tpu.memref_slice %arg14[%dma_wait3A_222, %dma_wait3A_223] : memref<128x32xf32, #tpu.memory_space<vmem>> -> memref<56x32xf32, #tpu.memory_space<vmem>>
      %dma_wait3A_225 = arith.constant 0 : i32
      %dma_wait3A_226 = tpu.memref_slice %arg6[%add3A_161, %add3A_197, %dma_wait3A_225] : memref<8x50048x32xf32, #tpu.memory_space<hbm>> -> memref<1x56x32xf32, #tpu.memory_space<hbm>>
      %dma_wait3A_227 = tpu.memref_squeeze %dma_wait3A_226 : memref<1x56x32xf32, #tpu.memory_space<hbm>> -> memref<56x32xf32, #tpu.memory_space<hbm>>
      %dma_wait3A_228 = arith.constant 0 : i32
      %dma_wait3A_229 = tpu.memref_slice %arg6[%add3A_161, %add3A_197, %dma_wait3A_228] : memref<8x50048x32xf32, #tpu.memory_space<hbm>> -> memref<1x56x32xf32, #tpu.memory_space<hbm>>
      %dma_wait3A_230 = tpu.memref_squeeze %dma_wait3A_229 : memref<1x56x32xf32, #tpu.memory_space<hbm>> -> memref<56x32xf32, #tpu.memory_space<hbm>>
      %dma_wait3A_231 = arith.constant 0 : i32
      %dma_wait3A_232 = arith.constant 0 : i32
      %dma_wait3A_233 = tpu.memref_slice %arg14[%dma_wait3A_231, %dma_wait3A_232] : memref<128x32xf32, #tpu.memory_space<vmem>> -> memref<56x32xf32, #tpu.memory_space<vmem>>
      tpu.wait_dma2 semaphore(%run_scoped3A : memref<!tpu.dma_semaphore, #tpu.memory_space<semaphore_mem>>) src(%dma_wait3A_233 : memref<56x32xf32, #tpu.memory_space<vmem>>) dst(%dma_wait3A_230 : memref<56x32xf32, #tpu.memory_space<hbm>>)
      tpu.yield
    }) : () -> ()
    %dma_wait3A_198 = arith.constant 0 : i32
    %dma_wait3A_199 = tpu.memref_slice %arg6[%add3A_161, %mul3A_2, %dma_wait3A_198] : memref<8x50048x32xf32, #tpu.memory_space<hbm>> -> memref<1x128x32xf32, #tpu.memory_space<hbm>>
    %dma_wait3A_200 = tpu.memref_squeeze %dma_wait3A_199 : memref<1x128x32xf32, #tpu.memory_space<hbm>> -> memref<128x32xf32, #tpu.memory_space<hbm>>
    %dma_wait3A_201 = arith.constant 0 : i32
    %dma_wait3A_202 = tpu.memref_slice %arg6[%add3A_161, %mul3A_2, %dma_wait3A_201] : memref<8x50048x32xf32, #tpu.memory_space<hbm>> -> memref<1x128x32xf32, #tpu.memory_space<hbm>>
    %dma_wait3A_203 = tpu.memref_squeeze %dma_wait3A_202 : memref<1x128x32xf32, #tpu.memory_space<hbm>> -> memref<128x32xf32, #tpu.memory_space<hbm>>
    tpu.wait_dma2 semaphore(%arg19 : memref<!tpu.dma_semaphore, #tpu.memory_space<semaphore_mem>>) src(%arg10 : memref<128x32xf32, #tpu.memory_space<vmem>>) dst(%dma_wait3A_203 : memref<128x32xf32, #tpu.memory_space<hbm>>)
    %dma_wait3A_204 = arith.constant 0 : i32
    %dma_wait3A_205 = tpu.memref_slice %arg6[%add3A_161, %mul3A_2, %dma_wait3A_204] : memref<8x50048x32xf32, #tpu.memory_space<hbm>> -> memref<1x128x32xf32, #tpu.memory_space<hbm>>
    %dma_wait3A_206 = tpu.memref_squeeze %dma_wait3A_205 : memref<1x128x32xf32, #tpu.memory_space<hbm>> -> memref<128x32xf32, #tpu.memory_space<hbm>>
    %dma_wait3A_207 = arith.constant 0 : i32
    %dma_wait3A_208 = tpu.memref_slice %arg6[%add3A_161, %mul3A_2, %dma_wait3A_207] : memref<8x50048x32xf32, #tpu.memory_space<hbm>> -> memref<1x128x32xf32, #tpu.memory_space<hbm>>
    %dma_wait3A_209 = tpu.memref_squeeze %dma_wait3A_208 : memref<1x128x32xf32, #tpu.memory_space<hbm>> -> memref<128x32xf32, #tpu.memory_space<hbm>>
    tpu.wait_dma2 semaphore(%arg20 : memref<!tpu.dma_semaphore, #tpu.memory_space<semaphore_mem>>) src(%arg11 : memref<128x32xf32, #tpu.memory_space<vmem>>) dst(%dma_wait3A_209 : memref<128x32xf32, #tpu.memory_space<hbm>>)
    %barrier3A_210 = arith.constant 0 : index
    tpu.barrier barrier_id(%barrier3A_210)
    return
  }
}

#map = affine_map<(d0, d1) -> (0, 0)>
#map1 = affine_map<(d0, d1) -> (0)>
#map2 = affine_map<(d0, d1) -> (0, 0, 0)>
module attributes {stable_mosaic.version = 14 : i64} {
  func.func @_sc_segsum16_body(%arg0: i32, %arg1: i32, %arg2: memref<50000x16xf32, #tpu.memory_space<hbm>>, %arg3: memref<802816xi32, #tpu.memory_space<hbm>>, %arg4: memref<6272x128xi32, #tpu.memory_space<hbm>>, %arg5: memref<128x16xf32, #tpu.memory_space<hbm>>, %arg6: memref<2x50048x16xf32, #tpu.memory_space<hbm>>, %arg7: memref<50048x16xf32, #tpu.memory_space<vmem_shared>>, %arg8: memref<3584xi32, #tpu.memory_space<vmem>>, %arg9: memref<28x128xi32, #tpu.memory_space<vmem>>, %arg10: memref<128x16xf32, #tpu.memory_space<vmem>>, %arg11: memref<128x16xf32, #tpu.memory_space<vmem>>, %arg12: memref<128x16xf32, #tpu.memory_space<vmem>>, %arg13: memref<128x16xf32, #tpu.memory_space<vmem>>, %arg14: memref<128x16xf32, #tpu.memory_space<vmem>>, %arg15: memref<!tpu.dma_semaphore, #tpu.memory_space<semaphore_mem>>, %arg16: memref<!tpu.dma_semaphore, #tpu.memory_space<semaphore_mem>>, %arg17: memref<!tpu.dma_semaphore, #tpu.memory_space<semaphore_mem>>, %arg18: memref<!tpu.dma_semaphore, #tpu.memory_space<semaphore_mem>>, %arg19: memref<!tpu.dma_semaphore, #tpu.memory_space<semaphore_mem>>, %arg20: memref<!tpu.dma_semaphore, #tpu.memory_space<semaphore_mem>>, %arg21: memref<!tpu.dma_semaphore, #tpu.memory_space<semaphore_mem>>, %arg22: memref<!tpu.dma_semaphore, #tpu.memory_space<semaphore_mem>>) attributes {dimension_semantics = [#tpu.dimension_semantics<core_parallel>, #tpu.dimension_semantics<subcore_parallel>], iteration_bounds = array<i64: 2, 16>, scalar_prefetch = 0 : i64, scratch_operands = 16 : i64, tpu.core_type = #tpu.core_type<sc_vector_subcore>, window_params = [{transform_indices = #map}, {transform_indices = #map1}, {transform_indices = #map}, {transform_indices = #map}, {transform_indices = #map2}]} {
    %mul3A = arith.constant 16 : i32
    %mul3A_0 = arith.muli %arg0, %mul3A : i32
    %add3A = arith.addi %mul3A_0, %arg1 : i32
    %mul3A_1 = arith.constant 25088 : i32
    %mul3A_2 = arith.muli %add3A, %mul3A_1 : i32
    "tpu.region"() ({
      %run_scoped3A = tpu.sem_alloc : memref<!tpu.dma_semaphore, #tpu.memory_space<semaphore_mem>>
      tpu.enqueue_dma source(%arg5 : memref<128x16xf32, #tpu.memory_space<hbm>>) target(%arg14 : memref<128x16xf32, #tpu.memory_space<vmem>>) target_semaphore(%run_scoped3A : memref<!tpu.dma_semaphore, #tpu.memory_space<semaphore_mem>>)
      tpu.wait_dma2 semaphore(%run_scoped3A : memref<!tpu.dma_semaphore, #tpu.memory_space<semaphore_mem>>) src(%arg5 : memref<128x16xf32, #tpu.memory_space<hbm>>) dst(%arg14 : memref<128x16xf32, #tpu.memory_space<vmem>>)
      tpu.yield
    }) : () -> ()
    %mul3A_3 = arith.constant 3128 : i32
    %mul3A_4 = arith.muli %arg1, %mul3A_3 : i32
    %scan3A = arith.constant 0 : i32
    %scan3A_5 = arith.constant 0 : i32
    %scan3A_6 = arith.constant 24 : i32
    %scan3A_7 = arith.addi %scan3A_5, %scan3A_6 : i32
    %scan3A_8 = arith.constant 1 : i32
    %scan3A_9 = scf.for %scan3A_30 = %scan3A_5 to %scan3A_7 step %scan3A_8 iter_args(%scan3A_31 = %scan3A) -> (i32)  : i32 {
      %mul3A_32 = arith.constant 128 : i32
      %mul3A_33 = arith.muli %scan3A_30, %mul3A_32 : i32
      %add3A_34 = arith.addi %mul3A_4, %mul3A_33 : i32
      "tpu.region"() ({
        %run_scoped3A = tpu.sem_alloc : memref<!tpu.dma_semaphore, #tpu.memory_space<semaphore_mem>>
        %dma_start3A = arith.constant 0 : i32
        %dma_start3A_36 = tpu.memref_slice %arg7[%add3A_34, %dma_start3A] : memref<50048x16xf32, #tpu.memory_space<vmem_shared>> -> memref<128x16xf32, #tpu.memory_space<vmem_shared>>
        %dma_start3A_37 = arith.constant 0 : i32
        %dma_start3A_38 = tpu.memref_slice %arg7[%add3A_34, %dma_start3A_37] : memref<50048x16xf32, #tpu.memory_space<vmem_shared>> -> memref<128x16xf32, #tpu.memory_space<vmem_shared>>
        tpu.enqueue_dma source(%arg14 : memref<128x16xf32, #tpu.memory_space<vmem>>) target(%dma_start3A_38 : memref<128x16xf32, #tpu.memory_space<vmem_shared>>) target_semaphore(%run_scoped3A : memref<!tpu.dma_semaphore, #tpu.memory_space<semaphore_mem>>)
        %dma_wait3A = arith.constant 0 : i32
        %dma_wait3A_39 = tpu.memref_slice %arg7[%add3A_34, %dma_wait3A] : memref<50048x16xf32, #tpu.memory_space<vmem_shared>> -> memref<128x16xf32, #tpu.memory_space<vmem_shared>>
        %dma_wait3A_40 = arith.constant 0 : i32
        %dma_wait3A_41 = tpu.memref_slice %arg7[%add3A_34, %dma_wait3A_40] : memref<50048x16xf32, #tpu.memory_space<vmem_shared>> -> memref<128x16xf32, #tpu.memory_space<vmem_shared>>
        tpu.wait_dma2 semaphore(%run_scoped3A : memref<!tpu.dma_semaphore, #tpu.memory_space<semaphore_mem>>) src(%arg14 : memref<128x16xf32, #tpu.memory_space<vmem>>) dst(%dma_wait3A_41 : memref<128x16xf32, #tpu.memory_space<vmem_shared>>)
        tpu.yield
      }) : () -> ()
      %scan3A_35 = arith.constant 0 : i32
      scf.yield %scan3A_35 : i32
    }
    %scan3A_10 = arith.constant 24 : i32
    %add3A_11 = arith.constant 3072 : i32
    %add3A_12 = arith.addi %mul3A_4, %add3A_11 : i32
    "tpu.region"() ({
      %run_scoped3A = tpu.sem_alloc : memref<!tpu.dma_semaphore, #tpu.memory_space<semaphore_mem>>
      %dma_start3A = arith.constant 0 : i32
      %dma_start3A_30 = arith.constant 0 : i32
      %dma_start3A_31 = tpu.memref_slice %arg14[%dma_start3A, %dma_start3A_30] : memref<128x16xf32, #tpu.memory_space<vmem>> -> memref<56x16xf32, #tpu.memory_space<vmem>>
      %dma_start3A_32 = arith.constant 0 : i32
      %dma_start3A_33 = tpu.memref_slice %arg7[%add3A_12, %dma_start3A_32] : memref<50048x16xf32, #tpu.memory_space<vmem_shared>> -> memref<56x16xf32, #tpu.memory_space<vmem_shared>>
      %dma_start3A_34 = arith.constant 0 : i32
      %dma_start3A_35 = tpu.memref_slice %arg7[%add3A_12, %dma_start3A_34] : memref<50048x16xf32, #tpu.memory_space<vmem_shared>> -> memref<56x16xf32, #tpu.memory_space<vmem_shared>>
      %dma_start3A_36 = arith.constant 0 : i32
      %dma_start3A_37 = arith.constant 0 : i32
      %dma_start3A_38 = tpu.memref_slice %arg14[%dma_start3A_36, %dma_start3A_37] : memref<128x16xf32, #tpu.memory_space<vmem>> -> memref<56x16xf32, #tpu.memory_space<vmem>>
      tpu.enqueue_dma source(%dma_start3A_38 : memref<56x16xf32, #tpu.memory_space<vmem>>) target(%dma_start3A_35 : memref<56x16xf32, #tpu.memory_space<vmem_shared>>) target_semaphore(%run_scoped3A : memref<!tpu.dma_semaphore, #tpu.memory_space<semaphore_mem>>)
      %dma_wait3A = arith.constant 0 : i32
      %dma_wait3A_39 = arith.constant 0 : i32
      %dma_wait3A_40 = tpu.memref_slice %arg14[%dma_wait3A, %dma_wait3A_39] : memref<128x16xf32, #tpu.memory_space<vmem>> -> memref<56x16xf32, #tpu.memory_space<vmem>>
      %dma_wait3A_41 = arith.constant 0 : i32
      %dma_wait3A_42 = tpu.memref_slice %arg7[%add3A_12, %dma_wait3A_41] : memref<50048x16xf32, #tpu.memory_space<vmem_shared>> -> memref<56x16xf32, #tpu.memory_space<vmem_shared>>
      %dma_wait3A_43 = arith.constant 0 : i32
      %dma_wait3A_44 = tpu.memref_slice %arg7[%add3A_12, %dma_wait3A_43] : memref<50048x16xf32, #tpu.memory_space<vmem_shared>> -> memref<56x16xf32, #tpu.memory_space<vmem_shared>>
      %dma_wait3A_45 = arith.constant 0 : i32
      %dma_wait3A_46 = arith.constant 0 : i32
      %dma_wait3A_47 = tpu.memref_slice %arg14[%dma_wait3A_45, %dma_wait3A_46] : memref<128x16xf32, #tpu.memory_space<vmem>> -> memref<56x16xf32, #tpu.memory_space<vmem>>
      tpu.wait_dma2 semaphore(%run_scoped3A : memref<!tpu.dma_semaphore, #tpu.memory_space<semaphore_mem>>) src(%dma_wait3A_47 : memref<56x16xf32, #tpu.memory_space<vmem>>) dst(%dma_wait3A_44 : memref<56x16xf32, #tpu.memory_space<vmem_shared>>)
      tpu.yield
    }) : () -> ()
    %barrier3A = arith.constant 0 : index
    tpu.barrier barrier_id(%barrier3A)
    %scan3A_13 = arith.constant 0 : i32
    %scan3A_14 = arith.constant 0 : i32
    %scan3A_15 = arith.constant 7 : i32
    %scan3A_16 = arith.addi %scan3A_14, %scan3A_15 : i32
    %scan3A_17 = arith.constant 1 : i32
    %scan3A_18 = scf.for %scan3A_30 = %scan3A_14 to %scan3A_16 step %scan3A_17 iter_args(%scan3A_31 = %scan3A_13) -> (i32)  : i32 {
      %mul3A_32 = arith.constant 3584 : i32
      %mul3A_33 = arith.muli %scan3A_30, %mul3A_32 : i32
      %add3A_34 = arith.addi %mul3A_2, %mul3A_33 : i32
      "tpu.region"() ({
        %run_scoped3A = tpu.sem_alloc : memref<!tpu.dma_semaphore, #tpu.memory_space<semaphore_mem>>
        %dma_start3A_153 = tpu.memref_slice %arg3[%add3A_34] : memref<802816xi32, #tpu.memory_space<hbm>> -> memref<3584xi32, #tpu.memory_space<hbm>>
        %dma_start3A_154 = tpu.memref_slice %arg3[%add3A_34] : memref<802816xi32, #tpu.memory_space<hbm>> -> memref<3584xi32, #tpu.memory_space<hbm>>
        tpu.enqueue_dma source(%dma_start3A_154 : memref<3584xi32, #tpu.memory_space<hbm>>) target(%arg8 : memref<3584xi32, #tpu.memory_space<vmem>>) target_semaphore(%run_scoped3A : memref<!tpu.dma_semaphore, #tpu.memory_space<semaphore_mem>>)
        %dma_wait3A_155 = tpu.memref_slice %arg3[%add3A_34] : memref<802816xi32, #tpu.memory_space<hbm>> -> memref<3584xi32, #tpu.memory_space<hbm>>
        %dma_wait3A_156 = tpu.memref_slice %arg3[%add3A_34] : memref<802816xi32, #tpu.memory_space<hbm>> -> memref<3584xi32, #tpu.memory_space<hbm>>
        tpu.wait_dma2 semaphore(%run_scoped3A : memref<!tpu.dma_semaphore, #tpu.memory_space<semaphore_mem>>) src(%dma_wait3A_156 : memref<3584xi32, #tpu.memory_space<hbm>>) dst(%arg8 : memref<3584xi32, #tpu.memory_space<vmem>>)
        tpu.yield
      }) : () -> ()
      %jit3A = arith.constant 128 : i32
      %div3A = arith.divsi %add3A_34, %jit3A : i32
      %sign3A = arith.constant 0 : i32
      %sign3A_35 = arith.cmpi sgt, %add3A_34, %sign3A : i32
      %sign3A_36 = arith.extui %sign3A_35 : i1 to i32
      %sign3A_37 = arith.constant 0 : i32
      %sign3A_38 = arith.cmpi slt, %add3A_34, %sign3A_37 : i32
      %sign3A_39 = arith.extui %sign3A_38 : i1 to i32
      %sign3A_40 = arith.subi %sign3A_36, %sign3A_39 : i32
      %sign3A_41 = arith.constant 0 : i32
      %sign3A_42 = arith.cmpi sgt, %jit3A, %sign3A_41 : i32
      %sign3A_43 = arith.extui %sign3A_42 : i1 to i32
      %sign3A_44 = arith.constant 0 : i32
      %sign3A_45 = arith.cmpi slt, %jit3A, %sign3A_44 : i32
      %sign3A_46 = arith.extui %sign3A_45 : i1 to i32
      %sign3A_47 = arith.subi %sign3A_43, %sign3A_46 : i32
      %ne3A = arith.cmpi ne, %sign3A_40, %sign3A_47 : i32
      %rem3A = arith.remsi %add3A_34, %jit3A : i32
      %ne3A_48 = arith.constant 0 : i32
      %ne3A_49 = arith.cmpi ne, %rem3A, %ne3A_48 : i32
      %and3A = arith.andi %ne3A, %ne3A_49 : i1
      %sub3A = arith.constant 1 : i32
      %sub3A_50 = arith.subi %div3A, %sub3A : i32
      %select_n3A = arith.select %and3A, %sub3A_50, %div3A : i32
      "tpu.region"() ({
        %run_scoped3A = tpu.sem_alloc : memref<!tpu.dma_semaphore, #tpu.memory_space<semaphore_mem>>
        %dma_start3A_153 = arith.constant 0 : i32
        %dma_start3A_154 = tpu.memref_slice %arg4[%select_n3A, %dma_start3A_153] : memref<6272x128xi32, #tpu.memory_space<hbm>> -> memref<28x128xi32, #tpu.memory_space<hbm>>
        %dma_start3A_155 = arith.constant 0 : i32
        %dma_start3A_156 = tpu.memref_slice %arg4[%select_n3A, %dma_start3A_155] : memref<6272x128xi32, #tpu.memory_space<hbm>> -> memref<28x128xi32, #tpu.memory_space<hbm>>
        tpu.enqueue_dma source(%dma_start3A_156 : memref<28x128xi32, #tpu.memory_space<hbm>>) target(%arg9 : memref<28x128xi32, #tpu.memory_space<vmem>>) target_semaphore(%run_scoped3A : memref<!tpu.dma_semaphore, #tpu.memory_space<semaphore_mem>>)
        %dma_wait3A_157 = arith.constant 0 : i32
        %dma_wait3A_158 = tpu.memref_slice %arg4[%select_n3A, %dma_wait3A_157] : memref<6272x128xi32, #tpu.memory_space<hbm>> -> memref<28x128xi32, #tpu.memory_space<hbm>>
        %dma_wait3A_159 = arith.constant 0 : i32
        %dma_wait3A_160 = tpu.memref_slice %arg4[%select_n3A, %dma_wait3A_159] : memref<6272x128xi32, #tpu.memory_space<hbm>> -> memref<28x128xi32, #tpu.memory_space<hbm>>
        tpu.wait_dma2 semaphore(%run_scoped3A : memref<!tpu.dma_semaphore, #tpu.memory_space<semaphore_mem>>) src(%dma_wait3A_160 : memref<28x128xi32, #tpu.memory_space<hbm>>) dst(%arg9 : memref<28x128xi32, #tpu.memory_space<vmem>>)
        tpu.yield
      }) : () -> ()
      %dma_start3A = arith.constant 0 : i32
      %dma_start3A_51 = tpu.memref_slice %arg8[%dma_start3A] : memref<3584xi32, #tpu.memory_space<vmem>> -> memref<128xi32, #tpu.memory_space<vmem>>
      %dma_start3A_52 = arith.constant 0 : i32
      %dma_start3A_53 = arith.constant 0 : i32
      %dma_start3A_54 = tpu.memref_slice %arg2[%dma_start3A_52, %dma_start3A_53] : memref<50000x16xf32, #tpu.memory_space<hbm>> -> memref<50000x16xf32, #tpu.memory_space<hbm>>
      tpu.enqueue_indirect_dma source(%dma_start3A_54 : memref<50000x16xf32, #tpu.memory_space<hbm>>) target(%arg10 : memref<128x16xf32, #tpu.memory_space<vmem>>) offsets(%dma_start3A_51 : memref<128xi32, #tpu.memory_space<vmem>>) semaphore(%arg15 : memref<!tpu.dma_semaphore, #tpu.memory_space<semaphore_mem>>)
      %dma_start3A_55 = arith.constant 128 : i32
      %dma_start3A_56 = tpu.memref_slice %arg8[%dma_start3A_55] : memref<3584xi32, #tpu.memory_space<vmem>> -> memref<128xi32, #tpu.memory_space<vmem>>
      %dma_start3A_57 = arith.constant 0 : i32
      %dma_start3A_58 = arith.constant 0 : i32
      %dma_start3A_59 = tpu.memref_slice %arg2[%dma_start3A_57, %dma_start3A_58] : memref<50000x16xf32, #tpu.memory_space<hbm>> -> memref<50000x16xf32, #tpu.memory_space<hbm>>
      tpu.enqueue_indirect_dma source(%dma_start3A_59 : memref<50000x16xf32, #tpu.memory_space<hbm>>) target(%arg11 : memref<128x16xf32, #tpu.memory_space<vmem>>) offsets(%dma_start3A_56 : memref<128xi32, #tpu.memory_space<vmem>>) semaphore(%arg16 : memref<!tpu.dma_semaphore, #tpu.memory_space<semaphore_mem>>)
      %dma_start3A_60 = arith.constant 256 : i32
      %dma_start3A_61 = tpu.memref_slice %arg8[%dma_start3A_60] : memref<3584xi32, #tpu.memory_space<vmem>> -> memref<128xi32, #tpu.memory_space<vmem>>
      %dma_start3A_62 = arith.constant 0 : i32
      %dma_start3A_63 = arith.constant 0 : i32
      %dma_start3A_64 = tpu.memref_slice %arg2[%dma_start3A_62, %dma_start3A_63] : memref<50000x16xf32, #tpu.memory_space<hbm>> -> memref<50000x16xf32, #tpu.memory_space<hbm>>
      tpu.enqueue_indirect_dma source(%dma_start3A_64 : memref<50000x16xf32, #tpu.memory_space<hbm>>) target(%arg12 : memref<128x16xf32, #tpu.memory_space<vmem>>) offsets(%dma_start3A_61 : memref<128xi32, #tpu.memory_space<vmem>>) semaphore(%arg17 : memref<!tpu.dma_semaphore, #tpu.memory_space<semaphore_mem>>)
      %dma_start3A_65 = arith.constant 384 : i32
      %dma_start3A_66 = tpu.memref_slice %arg8[%dma_start3A_65] : memref<3584xi32, #tpu.memory_space<vmem>> -> memref<128xi32, #tpu.memory_space<vmem>>
      %dma_start3A_67 = arith.constant 0 : i32
      %dma_start3A_68 = arith.constant 0 : i32
      %dma_start3A_69 = tpu.memref_slice %arg2[%dma_start3A_67, %dma_start3A_68] : memref<50000x16xf32, #tpu.memory_space<hbm>> -> memref<50000x16xf32, #tpu.memory_space<hbm>>
      tpu.enqueue_indirect_dma source(%dma_start3A_69 : memref<50000x16xf32, #tpu.memory_space<hbm>>) target(%arg13 : memref<128x16xf32, #tpu.memory_space<vmem>>) offsets(%dma_start3A_66 : memref<128xi32, #tpu.memory_space<vmem>>) semaphore(%arg18 : memref<!tpu.dma_semaphore, #tpu.memory_space<semaphore_mem>>)
      %scan3A_70 = arith.constant 0 : i32
      %scan3A_71 = arith.constant 0 : i32
      %scan3A_72 = arith.constant 6 : i32
      %scan3A_73 = arith.addi %scan3A_71, %scan3A_72 : i32
      %scan3A_74 = arith.constant 1 : i32
      %scan3A_75 = scf.for %scan3A_153 = %scan3A_71 to %scan3A_73 step %scan3A_74 iter_args(%scan3A_154 = %scan3A_70) -> (i32)  : i32 {
        %mul3A_155 = arith.constant 4 : i32
        %mul3A_156 = arith.muli %mul3A_155, %scan3A_153 : i32
        %add3A_157 = arith.constant 0 : i32
        %add3A_158 = arith.addi %mul3A_156, %add3A_157 : i32
        %mul3A_159 = arith.constant 128 : i32
        %mul3A_160 = arith.muli %add3A_158, %mul3A_159 : i32
        %dma_wait3A_161 = tpu.memref_slice %arg8[%mul3A_160] : memref<3584xi32, #tpu.memory_space<vmem>> -> memref<128xi32, #tpu.memory_space<vmem>>
        %dma_wait3A_162 = arith.constant 0 : i32
        %dma_wait3A_163 = arith.constant 0 : i32
        %dma_wait3A_164 = tpu.memref_slice %arg2[%dma_wait3A_162, %dma_wait3A_163] : memref<50000x16xf32, #tpu.memory_space<hbm>> -> memref<50000x16xf32, #tpu.memory_space<hbm>>
        tpu.wait_indirect_dma semaphore(%arg15 : memref<!tpu.dma_semaphore, #tpu.memory_space<semaphore_mem>>) src(%dma_wait3A_164 : memref<50000x16xf32, #tpu.memory_space<hbm>>) dst(%arg10 : memref<128x16xf32, #tpu.memory_space<vmem>>)
        %dma_start3A_165 = arith.constant 0 : i32
        %dma_start3A_166 = tpu.memref_slice %arg9[%add3A_158, %dma_start3A_165] : memref<28x128xi32, #tpu.memory_space<vmem>> -> memref<1x128xi32, #tpu.memory_space<vmem>>
        %dma_start3A_167 = tpu.memref_squeeze %dma_start3A_166 : memref<1x128xi32, #tpu.memory_space<vmem>> -> memref<128xi32, #tpu.memory_space<vmem>>
        %dma_start3A_168 = arith.constant 0 : i32
        %dma_start3A_169 = arith.constant 0 : i32
        %dma_start3A_170 = tpu.memref_slice %arg7[%dma_start3A_168, %dma_start3A_169] : memref<50048x16xf32, #tpu.memory_space<vmem_shared>> -> memref<50048x16xf32, #tpu.memory_space<vmem_shared>>
        tpu.enqueue_indirect_dma source(%arg10 : memref<128x16xf32, #tpu.memory_space<vmem>>) target(%dma_start3A_170 : memref<50048x16xf32, #tpu.memory_space<vmem_shared>>) offsets(%dma_start3A_167 : memref<128xi32, #tpu.memory_space<vmem>>) semaphore(%arg19 : memref<!tpu.dma_semaphore, #tpu.memory_space<semaphore_mem>>) {add = true}
        %mul3A_171 = arith.constant 4 : i32
        %mul3A_172 = arith.muli %mul3A_171, %scan3A_153 : i32
        %add3A_173 = arith.constant 1 : i32
        %add3A_174 = arith.addi %mul3A_172, %add3A_173 : i32
        %mul3A_175 = arith.constant 128 : i32
        %mul3A_176 = arith.muli %add3A_174, %mul3A_175 : i32
        %dma_wait3A_177 = tpu.memref_slice %arg8[%mul3A_176] : memref<3584xi32, #tpu.memory_space<vmem>> -> memref<128xi32, #tpu.memory_space<vmem>>
        %dma_wait3A_178 = arith.constant 0 : i32
        %dma_wait3A_179 = arith.constant 0 : i32
        %dma_wait3A_180 = tpu.memref_slice %arg2[%dma_wait3A_178, %dma_wait3A_179] : memref<50000x16xf32, #tpu.memory_space<hbm>> -> memref<50000x16xf32, #tpu.memory_space<hbm>>
        tpu.wait_indirect_dma semaphore(%arg16 : memref<!tpu.dma_semaphore, #tpu.memory_space<semaphore_mem>>) src(%dma_wait3A_180 : memref<50000x16xf32, #tpu.memory_space<hbm>>) dst(%arg11 : memref<128x16xf32, #tpu.memory_space<vmem>>)
        %dma_start3A_181 = arith.constant 0 : i32
        %dma_start3A_182 = tpu.memref_slice %arg9[%add3A_174, %dma_start3A_181] : memref<28x128xi32, #tpu.memory_space<vmem>> -> memref<1x128xi32, #tpu.memory_space<vmem>>
        %dma_start3A_183 = tpu.memref_squeeze %dma_start3A_182 : memref<1x128xi32, #tpu.memory_space<vmem>> -> memref<128xi32, #tpu.memory_space<vmem>>
        %dma_start3A_184 = arith.constant 0 : i32
        %dma_start3A_185 = arith.constant 0 : i32
        %dma_start3A_186 = tpu.memref_slice %arg7[%dma_start3A_184, %dma_start3A_185] : memref<50048x16xf32, #tpu.memory_space<vmem_shared>> -> memref<50048x16xf32, #tpu.memory_space<vmem_shared>>
        tpu.enqueue_indirect_dma source(%arg11 : memref<128x16xf32, #tpu.memory_space<vmem>>) target(%dma_start3A_186 : memref<50048x16xf32, #tpu.memory_space<vmem_shared>>) offsets(%dma_start3A_183 : memref<128xi32, #tpu.memory_space<vmem>>) semaphore(%arg20 : memref<!tpu.dma_semaphore, #tpu.memory_space<semaphore_mem>>) {add = true}
        %mul3A_187 = arith.constant 4 : i32
        %mul3A_188 = arith.muli %mul3A_187, %scan3A_153 : i32
        %add3A_189 = arith.constant 2 : i32
        %add3A_190 = arith.addi %mul3A_188, %add3A_189 : i32
        %mul3A_191 = arith.constant 128 : i32
        %mul3A_192 = arith.muli %add3A_190, %mul3A_191 : i32
        %dma_wait3A_193 = tpu.memref_slice %arg8[%mul3A_192] : memref<3584xi32, #tpu.memory_space<vmem>> -> memref<128xi32, #tpu.memory_space<vmem>>
        %dma_wait3A_194 = arith.constant 0 : i32
        %dma_wait3A_195 = arith.constant 0 : i32
        %dma_wait3A_196 = tpu.memref_slice %arg2[%dma_wait3A_194, %dma_wait3A_195] : memref<50000x16xf32, #tpu.memory_space<hbm>> -> memref<50000x16xf32, #tpu.memory_space<hbm>>
        tpu.wait_indirect_dma semaphore(%arg17 : memref<!tpu.dma_semaphore, #tpu.memory_space<semaphore_mem>>) src(%dma_wait3A_196 : memref<50000x16xf32, #tpu.memory_space<hbm>>) dst(%arg12 : memref<128x16xf32, #tpu.memory_space<vmem>>)
        %dma_start3A_197 = arith.constant 0 : i32
        %dma_start3A_198 = tpu.memref_slice %arg9[%add3A_190, %dma_start3A_197] : memref<28x128xi32, #tpu.memory_space<vmem>> -> memref<1x128xi32, #tpu.memory_space<vmem>>
        %dma_start3A_199 = tpu.memref_squeeze %dma_start3A_198 : memref<1x128xi32, #tpu.memory_space<vmem>> -> memref<128xi32, #tpu.memory_space<vmem>>
        %dma_start3A_200 = arith.constant 0 : i32
        %dma_start3A_201 = arith.constant 0 : i32
        %dma_start3A_202 = tpu.memref_slice %arg7[%dma_start3A_200, %dma_start3A_201] : memref<50048x16xf32, #tpu.memory_space<vmem_shared>> -> memref<50048x16xf32, #tpu.memory_space<vmem_shared>>
        tpu.enqueue_indirect_dma source(%arg12 : memref<128x16xf32, #tpu.memory_space<vmem>>) target(%dma_start3A_202 : memref<50048x16xf32, #tpu.memory_space<vmem_shared>>) offsets(%dma_start3A_199 : memref<128xi32, #tpu.memory_space<vmem>>) semaphore(%arg21 : memref<!tpu.dma_semaphore, #tpu.memory_space<semaphore_mem>>) {add = true}
        %mul3A_203 = arith.constant 4 : i32
        %mul3A_204 = arith.muli %mul3A_203, %scan3A_153 : i32
        %add3A_205 = arith.constant 3 : i32
        %add3A_206 = arith.addi %mul3A_204, %add3A_205 : i32
        %mul3A_207 = arith.constant 128 : i32
        %mul3A_208 = arith.muli %add3A_206, %mul3A_207 : i32
        %dma_wait3A_209 = tpu.memref_slice %arg8[%mul3A_208] : memref<3584xi32, #tpu.memory_space<vmem>> -> memref<128xi32, #tpu.memory_space<vmem>>
        %dma_wait3A_210 = arith.constant 0 : i32
        %dma_wait3A_211 = arith.constant 0 : i32
        %dma_wait3A_212 = tpu.memref_slice %arg2[%dma_wait3A_210, %dma_wait3A_211] : memref<50000x16xf32, #tpu.memory_space<hbm>> -> memref<50000x16xf32, #tpu.memory_space<hbm>>
        tpu.wait_indirect_dma semaphore(%arg18 : memref<!tpu.dma_semaphore, #tpu.memory_space<semaphore_mem>>) src(%dma_wait3A_212 : memref<50000x16xf32, #tpu.memory_space<hbm>>) dst(%arg13 : memref<128x16xf32, #tpu.memory_space<vmem>>)
        %dma_start3A_213 = arith.constant 0 : i32
        %dma_start3A_214 = tpu.memref_slice %arg9[%add3A_206, %dma_start3A_213] : memref<28x128xi32, #tpu.memory_space<vmem>> -> memref<1x128xi32, #tpu.memory_space<vmem>>
        %dma_start3A_215 = tpu.memref_squeeze %dma_start3A_214 : memref<1x128xi32, #tpu.memory_space<vmem>> -> memref<128xi32, #tpu.memory_space<vmem>>
        %dma_start3A_216 = arith.constant 0 : i32
        %dma_start3A_217 = arith.constant 0 : i32
        %dma_start3A_218 = tpu.memref_slice %arg7[%dma_start3A_216, %dma_start3A_217] : memref<50048x16xf32, #tpu.memory_space<vmem_shared>> -> memref<50048x16xf32, #tpu.memory_space<vmem_shared>>
        tpu.enqueue_indirect_dma source(%arg13 : memref<128x16xf32, #tpu.memory_space<vmem>>) target(%dma_start3A_218 : memref<50048x16xf32, #tpu.memory_space<vmem_shared>>) offsets(%dma_start3A_215 : memref<128xi32, #tpu.memory_space<vmem>>) semaphore(%arg22 : memref<!tpu.dma_semaphore, #tpu.memory_space<semaphore_mem>>) {add = true}
        %add3A_219 = arith.constant 1 : i32
        %add3A_220 = arith.addi %scan3A_153, %add3A_219 : i32
        %mul3A_221 = arith.constant 4 : i32
        %mul3A_222 = arith.muli %mul3A_221, %add3A_220 : i32
        %add3A_223 = arith.constant 0 : i32
        %add3A_224 = arith.addi %mul3A_222, %add3A_223 : i32
        %dma_wait3A_225 = arith.constant 0 : i32
        %dma_wait3A_226 = tpu.memref_slice %arg9[%add3A_224, %dma_wait3A_225] : memref<28x128xi32, #tpu.memory_space<vmem>> -> memref<1x128xi32, #tpu.memory_space<vmem>>
        %dma_wait3A_227 = tpu.memref_squeeze %dma_wait3A_226 : memref<1x128xi32, #tpu.memory_space<vmem>> -> memref<128xi32, #tpu.memory_space<vmem>>
        %dma_wait3A_228 = arith.constant 0 : i32
        %dma_wait3A_229 = arith.constant 0 : i32
        %dma_wait3A_230 = tpu.memref_slice %arg7[%dma_wait3A_228, %dma_wait3A_229] : memref<50048x16xf32, #tpu.memory_space<vmem_shared>> -> memref<50048x16xf32, #tpu.memory_space<vmem_shared>>
        tpu.wait_indirect_dma semaphore(%arg19 : memref<!tpu.dma_semaphore, #tpu.memory_space<semaphore_mem>>) src(%arg10 : memref<128x16xf32, #tpu.memory_space<vmem>>) dst(%dma_wait3A_230 : memref<50048x16xf32, #tpu.memory_space<vmem_shared>>)
        %mul3A_231 = arith.constant 128 : i32
        %mul3A_232 = arith.muli %add3A_224, %mul3A_231 : i32
        %dma_start3A_233 = tpu.memref_slice %arg8[%mul3A_232] : memref<3584xi32, #tpu.memory_space<vmem>> -> memref<128xi32, #tpu.memory_space<vmem>>
        %dma_start3A_234 = arith.constant 0 : i32
        %dma_start3A_235 = arith.constant 0 : i32
        %dma_start3A_236 = tpu.memref_slice %arg2[%dma_start3A_234, %dma_start3A_235] : memref<50000x16xf32, #tpu.memory_space<hbm>> -> memref<50000x16xf32, #tpu.memory_space<hbm>>
        tpu.enqueue_indirect_dma source(%dma_start3A_236 : memref<50000x16xf32, #tpu.memory_space<hbm>>) target(%arg10 : memref<128x16xf32, #tpu.memory_space<vmem>>) offsets(%dma_start3A_233 : memref<128xi32, #tpu.memory_space<vmem>>) semaphore(%arg15 : memref<!tpu.dma_semaphore, #tpu.memory_space<semaphore_mem>>)
        %add3A_237 = arith.constant 1 : i32
        %add3A_238 = arith.addi %scan3A_153, %add3A_237 : i32
        %mul3A_239 = arith.constant 4 : i32
        %mul3A_240 = arith.muli %mul3A_239, %add3A_238 : i32
        %add3A_241 = arith.constant 1 : i32
        %add3A_242 = arith.addi %mul3A_240, %add3A_241 : i32
        %dma_wait3A_243 = arith.constant 0 : i32
        %dma_wait3A_244 = tpu.memref_slice %arg9[%add3A_242, %dma_wait3A_243] : memref<28x128xi32, #tpu.memory_space<vmem>> -> memref<1x128xi32, #tpu.memory_space<vmem>>
        %dma_wait3A_245 = tpu.memref_squeeze %dma_wait3A_244 : memref<1x128xi32, #tpu.memory_space<vmem>> -> memref<128xi32, #tpu.memory_space<vmem>>
        %dma_wait3A_246 = arith.constant 0 : i32
        %dma_wait3A_247 = arith.constant 0 : i32
        %dma_wait3A_248 = tpu.memref_slice %arg7[%dma_wait3A_246, %dma_wait3A_247] : memref<50048x16xf32, #tpu.memory_space<vmem_shared>> -> memref<50048x16xf32, #tpu.memory_space<vmem_shared>>
        tpu.wait_indirect_dma semaphore(%arg20 : memref<!tpu.dma_semaphore, #tpu.memory_space<semaphore_mem>>) src(%arg11 : memref<128x16xf32, #tpu.memory_space<vmem>>) dst(%dma_wait3A_248 : memref<50048x16xf32, #tpu.memory_space<vmem_shared>>)
        %mul3A_249 = arith.constant 128 : i32
        %mul3A_250 = arith.muli %add3A_242, %mul3A_249 : i32
        %dma_start3A_251 = tpu.memref_slice %arg8[%mul3A_250] : memref<3584xi32, #tpu.memory_space<vmem>> -> memref<128xi32, #tpu.memory_space<vmem>>
        %dma_start3A_252 = arith.constant 0 : i32
        %dma_start3A_253 = arith.constant 0 : i32
        %dma_start3A_254 = tpu.memref_slice %arg2[%dma_start3A_252, %dma_start3A_253] : memref<50000x16xf32, #tpu.memory_space<hbm>> -> memref<50000x16xf32, #tpu.memory_space<hbm>>
        tpu.enqueue_indirect_dma source(%dma_start3A_254 : memref<50000x16xf32, #tpu.memory_space<hbm>>) target(%arg11 : memref<128x16xf32, #tpu.memory_space<vmem>>) offsets(%dma_start3A_251 : memref<128xi32, #tpu.memory_space<vmem>>) semaphore(%arg16 : memref<!tpu.dma_semaphore, #tpu.memory_space<semaphore_mem>>)
        %add3A_255 = arith.constant 1 : i32
        %add3A_256 = arith.addi %scan3A_153, %add3A_255 : i32
        %mul3A_257 = arith.constant 4 : i32
        %mul3A_258 = arith.muli %mul3A_257, %add3A_256 : i32
        %add3A_259 = arith.constant 2 : i32
        %add3A_260 = arith.addi %mul3A_258, %add3A_259 : i32
        %dma_wait3A_261 = arith.constant 0 : i32
        %dma_wait3A_262 = tpu.memref_slice %arg9[%add3A_260, %dma_wait3A_261] : memref<28x128xi32, #tpu.memory_space<vmem>> -> memref<1x128xi32, #tpu.memory_space<vmem>>
        %dma_wait3A_263 = tpu.memref_squeeze %dma_wait3A_262 : memref<1x128xi32, #tpu.memory_space<vmem>> -> memref<128xi32, #tpu.memory_space<vmem>>
        %dma_wait3A_264 = arith.constant 0 : i32
        %dma_wait3A_265 = arith.constant 0 : i32
        %dma_wait3A_266 = tpu.memref_slice %arg7[%dma_wait3A_264, %dma_wait3A_265] : memref<50048x16xf32, #tpu.memory_space<vmem_shared>> -> memref<50048x16xf32, #tpu.memory_space<vmem_shared>>
        tpu.wait_indirect_dma semaphore(%arg21 : memref<!tpu.dma_semaphore, #tpu.memory_space<semaphore_mem>>) src(%arg12 : memref<128x16xf32, #tpu.memory_space<vmem>>) dst(%dma_wait3A_266 : memref<50048x16xf32, #tpu.memory_space<vmem_shared>>)
        %mul3A_267 = arith.constant 128 : i32
        %mul3A_268 = arith.muli %add3A_260, %mul3A_267 : i32
        %dma_start3A_269 = tpu.memref_slice %arg8[%mul3A_268] : memref<3584xi32, #tpu.memory_space<vmem>> -> memref<128xi32, #tpu.memory_space<vmem>>
        %dma_start3A_270 = arith.constant 0 : i32
        %dma_start3A_271 = arith.constant 0 : i32
        %dma_start3A_272 = tpu.memref_slice %arg2[%dma_start3A_270, %dma_start3A_271] : memref<50000x16xf32, #tpu.memory_space<hbm>> -> memref<50000x16xf32, #tpu.memory_space<hbm>>
        tpu.enqueue_indirect_dma source(%dma_start3A_272 : memref<50000x16xf32, #tpu.memory_space<hbm>>) target(%arg12 : memref<128x16xf32, #tpu.memory_space<vmem>>) offsets(%dma_start3A_269 : memref<128xi32, #tpu.memory_space<vmem>>) semaphore(%arg17 : memref<!tpu.dma_semaphore, #tpu.memory_space<semaphore_mem>>)
        %add3A_273 = arith.constant 1 : i32
        %add3A_274 = arith.addi %scan3A_153, %add3A_273 : i32
        %mul3A_275 = arith.constant 4 : i32
        %mul3A_276 = arith.muli %mul3A_275, %add3A_274 : i32
        %add3A_277 = arith.constant 3 : i32
        %add3A_278 = arith.addi %mul3A_276, %add3A_277 : i32
        %dma_wait3A_279 = arith.constant 0 : i32
        %dma_wait3A_280 = tpu.memref_slice %arg9[%add3A_278, %dma_wait3A_279] : memref<28x128xi32, #tpu.memory_space<vmem>> -> memref<1x128xi32, #tpu.memory_space<vmem>>
        %dma_wait3A_281 = tpu.memref_squeeze %dma_wait3A_280 : memref<1x128xi32, #tpu.memory_space<vmem>> -> memref<128xi32, #tpu.memory_space<vmem>>
        %dma_wait3A_282 = arith.constant 0 : i32
        %dma_wait3A_283 = arith.constant 0 : i32
        %dma_wait3A_284 = tpu.memref_slice %arg7[%dma_wait3A_282, %dma_wait3A_283] : memref<50048x16xf32, #tpu.memory_space<vmem_shared>> -> memref<50048x16xf32, #tpu.memory_space<vmem_shared>>
        tpu.wait_indirect_dma semaphore(%arg22 : memref<!tpu.dma_semaphore, #tpu.memory_space<semaphore_mem>>) src(%arg13 : memref<128x16xf32, #tpu.memory_space<vmem>>) dst(%dma_wait3A_284 : memref<50048x16xf32, #tpu.memory_space<vmem_shared>>)
        %mul3A_285 = arith.constant 128 : i32
        %mul3A_286 = arith.muli %add3A_278, %mul3A_285 : i32
        %dma_start3A_287 = tpu.memref_slice %arg8[%mul3A_286] : memref<3584xi32, #tpu.memory_space<vmem>> -> memref<128xi32, #tpu.memory_space<vmem>>
        %dma_start3A_288 = arith.constant 0 : i32
        %dma_start3A_289 = arith.constant 0 : i32
        %dma_start3A_290 = tpu.memref_slice %arg2[%dma_start3A_288, %dma_start3A_289] : memref<50000x16xf32, #tpu.memory_space<hbm>> -> memref<50000x16xf32, #tpu.memory_space<hbm>>
        tpu.enqueue_indirect_dma source(%dma_start3A_290 : memref<50000x16xf32, #tpu.memory_space<hbm>>) target(%arg13 : memref<128x16xf32, #tpu.memory_space<vmem>>) offsets(%dma_start3A_287 : memref<128xi32, #tpu.memory_space<vmem>>) semaphore(%arg18 : memref<!tpu.dma_semaphore, #tpu.memory_space<semaphore_mem>>)
        %scan3A_291 = arith.constant 0 : i32
        scf.yield %scan3A_291 : i32
      }
      %scan3A_76 = arith.constant 6 : i32
      %dma_wait3A = arith.constant 3072 : i32
      %dma_wait3A_77 = tpu.memref_slice %arg8[%dma_wait3A] : memref<3584xi32, #tpu.memory_space<vmem>> -> memref<128xi32, #tpu.memory_space<vmem>>
      %dma_wait3A_78 = arith.constant 0 : i32
      %dma_wait3A_79 = arith.constant 0 : i32
      %dma_wait3A_80 = tpu.memref_slice %arg2[%dma_wait3A_78, %dma_wait3A_79] : memref<50000x16xf32, #tpu.memory_space<hbm>> -> memref<50000x16xf32, #tpu.memory_space<hbm>>
      tpu.wait_indirect_dma semaphore(%arg15 : memref<!tpu.dma_semaphore, #tpu.memory_space<semaphore_mem>>) src(%dma_wait3A_80 : memref<50000x16xf32, #tpu.memory_space<hbm>>) dst(%arg10 : memref<128x16xf32, #tpu.memory_space<vmem>>)
      %dma_start3A_81 = arith.constant 24 : i32
      %dma_start3A_82 = arith.constant 0 : i32
      %dma_start3A_83 = tpu.memref_slice %arg9[%dma_start3A_81, %dma_start3A_82] : memref<28x128xi32, #tpu.memory_space<vmem>> -> memref<1x128xi32, #tpu.memory_space<vmem>>
      %dma_start3A_84 = tpu.memref_squeeze %dma_start3A_83 : memref<1x128xi32, #tpu.memory_space<vmem>> -> memref<128xi32, #tpu.memory_space<vmem>>
      %dma_start3A_85 = arith.constant 0 : i32
      %dma_start3A_86 = arith.constant 0 : i32
      %dma_start3A_87 = tpu.memref_slice %arg7[%dma_start3A_85, %dma_start3A_86] : memref<50048x16xf32, #tpu.memory_space<vmem_shared>> -> memref<50048x16xf32, #tpu.memory_space<vmem_shared>>
      tpu.enqueue_indirect_dma source(%arg10 : memref<128x16xf32, #tpu.memory_space<vmem>>) target(%dma_start3A_87 : memref<50048x16xf32, #tpu.memory_space<vmem_shared>>) offsets(%dma_start3A_84 : memref<128xi32, #tpu.memory_space<vmem>>) semaphore(%arg19 : memref<!tpu.dma_semaphore, #tpu.memory_space<semaphore_mem>>) {add = true}
      %dma_wait3A_88 = arith.constant 3200 : i32
      %dma_wait3A_89 = tpu.memref_slice %arg8[%dma_wait3A_88] : memref<3584xi32, #tpu.memory_space<vmem>> -> memref<128xi32, #tpu.memory_space<vmem>>
      %dma_wait3A_90 = arith.constant 0 : i32
      %dma_wait3A_91 = arith.constant 0 : i32
      %dma_wait3A_92 = tpu.memref_slice %arg2[%dma_wait3A_90, %dma_wait3A_91] : memref<50000x16xf32, #tpu.memory_space<hbm>> -> memref<50000x16xf32, #tpu.memory_space<hbm>>
      tpu.wait_indirect_dma semaphore(%arg16 : memref<!tpu.dma_semaphore, #tpu.memory_space<semaphore_mem>>) src(%dma_wait3A_92 : memref<50000x16xf32, #tpu.memory_space<hbm>>) dst(%arg11 : memref<128x16xf32, #tpu.memory_space<vmem>>)
      %dma_start3A_93 = arith.constant 25 : i32
      %dma_start3A_94 = arith.constant 0 : i32
      %dma_start3A_95 = tpu.memref_slice %arg9[%dma_start3A_93, %dma_start3A_94] : memref<28x128xi32, #tpu.memory_space<vmem>> -> memref<1x128xi32, #tpu.memory_space<vmem>>
      %dma_start3A_96 = tpu.memref_squeeze %dma_start3A_95 : memref<1x128xi32, #tpu.memory_space<vmem>> -> memref<128xi32, #tpu.memory_space<vmem>>
      %dma_start3A_97 = arith.constant 0 : i32
      %dma_start3A_98 = arith.constant 0 : i32
      %dma_start3A_99 = tpu.memref_slice %arg7[%dma_start3A_97, %dma_start3A_98] : memref<50048x16xf32, #tpu.memory_space<vmem_shared>> -> memref<50048x16xf32, #tpu.memory_space<vmem_shared>>
      tpu.enqueue_indirect_dma source(%arg11 : memref<128x16xf32, #tpu.memory_space<vmem>>) target(%dma_start3A_99 : memref<50048x16xf32, #tpu.memory_space<vmem_shared>>) offsets(%dma_start3A_96 : memref<128xi32, #tpu.memory_space<vmem>>) semaphore(%arg20 : memref<!tpu.dma_semaphore, #tpu.memory_space<semaphore_mem>>) {add = true}
      %dma_wait3A_100 = arith.constant 3328 : i32
      %dma_wait3A_101 = tpu.memref_slice %arg8[%dma_wait3A_100] : memref<3584xi32, #tpu.memory_space<vmem>> -> memref<128xi32, #tpu.memory_space<vmem>>
      %dma_wait3A_102 = arith.constant 0 : i32
      %dma_wait3A_103 = arith.constant 0 : i32
      %dma_wait3A_104 = tpu.memref_slice %arg2[%dma_wait3A_102, %dma_wait3A_103] : memref<50000x16xf32, #tpu.memory_space<hbm>> -> memref<50000x16xf32, #tpu.memory_space<hbm>>
      tpu.wait_indirect_dma semaphore(%arg17 : memref<!tpu.dma_semaphore, #tpu.memory_space<semaphore_mem>>) src(%dma_wait3A_104 : memref<50000x16xf32, #tpu.memory_space<hbm>>) dst(%arg12 : memref<128x16xf32, #tpu.memory_space<vmem>>)
      %dma_start3A_105 = arith.constant 26 : i32
      %dma_start3A_106 = arith.constant 0 : i32
      %dma_start3A_107 = tpu.memref_slice %arg9[%dma_start3A_105, %dma_start3A_106] : memref<28x128xi32, #tpu.memory_space<vmem>> -> memref<1x128xi32, #tpu.memory_space<vmem>>
      %dma_start3A_108 = tpu.memref_squeeze %dma_start3A_107 : memref<1x128xi32, #tpu.memory_space<vmem>> -> memref<128xi32, #tpu.memory_space<vmem>>
      %dma_start3A_109 = arith.constant 0 : i32
      %dma_start3A_110 = arith.constant 0 : i32
      %dma_start3A_111 = tpu.memref_slice %arg7[%dma_start3A_109, %dma_start3A_110] : memref<50048x16xf32, #tpu.memory_space<vmem_shared>> -> memref<50048x16xf32, #tpu.memory_space<vmem_shared>>
      tpu.enqueue_indirect_dma source(%arg12 : memref<128x16xf32, #tpu.memory_space<vmem>>) target(%dma_start3A_111 : memref<50048x16xf32, #tpu.memory_space<vmem_shared>>) offsets(%dma_start3A_108 : memref<128xi32, #tpu.memory_space<vmem>>) semaphore(%arg21 : memref<!tpu.dma_semaphore, #tpu.memory_space<semaphore_mem>>) {add = true}
      %dma_wait3A_112 = arith.constant 3456 : i32
      %dma_wait3A_113 = tpu.memref_slice %arg8[%dma_wait3A_112] : memref<3584xi32, #tpu.memory_space<vmem>> -> memref<128xi32, #tpu.memory_space<vmem>>
      %dma_wait3A_114 = arith.constant 0 : i32
      %dma_wait3A_115 = arith.constant 0 : i32
      %dma_wait3A_116 = tpu.memref_slice %arg2[%dma_wait3A_114, %dma_wait3A_115] : memref<50000x16xf32, #tpu.memory_space<hbm>> -> memref<50000x16xf32, #tpu.memory_space<hbm>>
      tpu.wait_indirect_dma semaphore(%arg18 : memref<!tpu.dma_semaphore, #tpu.memory_space<semaphore_mem>>) src(%dma_wait3A_116 : memref<50000x16xf32, #tpu.memory_space<hbm>>) dst(%arg13 : memref<128x16xf32, #tpu.memory_space<vmem>>)
      %dma_start3A_117 = arith.constant 27 : i32
      %dma_start3A_118 = arith.constant 0 : i32
      %dma_start3A_119 = tpu.memref_slice %arg9[%dma_start3A_117, %dma_start3A_118] : memref<28x128xi32, #tpu.memory_space<vmem>> -> memref<1x128xi32, #tpu.memory_space<vmem>>
      %dma_start3A_120 = tpu.memref_squeeze %dma_start3A_119 : memref<1x128xi32, #tpu.memory_space<vmem>> -> memref<128xi32, #tpu.memory_space<vmem>>
      %dma_start3A_121 = arith.constant 0 : i32
      %dma_start3A_122 = arith.constant 0 : i32
      %dma_start3A_123 = tpu.memref_slice %arg7[%dma_start3A_121, %dma_start3A_122] : memref<50048x16xf32, #tpu.memory_space<vmem_shared>> -> memref<50048x16xf32, #tpu.memory_space<vmem_shared>>
      tpu.enqueue_indirect_dma source(%arg13 : memref<128x16xf32, #tpu.memory_space<vmem>>) target(%dma_start3A_123 : memref<50048x16xf32, #tpu.memory_space<vmem_shared>>) offsets(%dma_start3A_120 : memref<128xi32, #tpu.memory_space<vmem>>) semaphore(%arg22 : memref<!tpu.dma_semaphore, #tpu.memory_space<semaphore_mem>>) {add = true}
      %dma_wait3A_124 = arith.constant 0 : i32
      %dma_wait3A_125 = arith.constant 0 : i32
      %dma_wait3A_126 = tpu.memref_slice %arg9[%dma_wait3A_124, %dma_wait3A_125] : memref<28x128xi32, #tpu.memory_space<vmem>> -> memref<1x128xi32, #tpu.memory_space<vmem>>
      %dma_wait3A_127 = tpu.memref_squeeze %dma_wait3A_126 : memref<1x128xi32, #tpu.memory_space<vmem>> -> memref<128xi32, #tpu.memory_space<vmem>>
      %dma_wait3A_128 = arith.constant 0 : i32
      %dma_wait3A_129 = arith.constant 0 : i32
      %dma_wait3A_130 = tpu.memref_slice %arg7[%dma_wait3A_128, %dma_wait3A_129] : memref<50048x16xf32, #tpu.memory_space<vmem_shared>> -> memref<50048x16xf32, #tpu.memory_space<vmem_shared>>
      tpu.wait_indirect_dma semaphore(%arg19 : memref<!tpu.dma_semaphore, #tpu.memory_space<semaphore_mem>>) src(%arg10 : memref<128x16xf32, #tpu.memory_space<vmem>>) dst(%dma_wait3A_130 : memref<50048x16xf32, #tpu.memory_space<vmem_shared>>)
      %dma_wait3A_131 = arith.constant 0 : i32
      %dma_wait3A_132 = arith.constant 0 : i32
      %dma_wait3A_133 = tpu.memref_slice %arg9[%dma_wait3A_131, %dma_wait3A_132] : memref<28x128xi32, #tpu.memory_space<vmem>> -> memref<1x128xi32, #tpu.memory_space<vmem>>
      %dma_wait3A_134 = tpu.memref_squeeze %dma_wait3A_133 : memref<1x128xi32, #tpu.memory_space<vmem>> -> memref<128xi32, #tpu.memory_space<vmem>>
      %dma_wait3A_135 = arith.constant 0 : i32
      %dma_wait3A_136 = arith.constant 0 : i32
      %dma_wait3A_137 = tpu.memref_slice %arg7[%dma_wait3A_135, %dma_wait3A_136] : memref<50048x16xf32, #tpu.memory_space<vmem_shared>> -> memref<50048x16xf32, #tpu.memory_space<vmem_shared>>
      tpu.wait_indirect_dma semaphore(%arg20 : memref<!tpu.dma_semaphore, #tpu.memory_space<semaphore_mem>>) src(%arg11 : memref<128x16xf32, #tpu.memory_space<vmem>>) dst(%dma_wait3A_137 : memref<50048x16xf32, #tpu.memory_space<vmem_shared>>)
      %dma_wait3A_138 = arith.constant 0 : i32
      %dma_wait3A_139 = arith.constant 0 : i32
      %dma_wait3A_140 = tpu.memref_slice %arg9[%dma_wait3A_138, %dma_wait3A_139] : memref<28x128xi32, #tpu.memory_space<vmem>> -> memref<1x128xi32, #tpu.memory_space<vmem>>
      %dma_wait3A_141 = tpu.memref_squeeze %dma_wait3A_140 : memref<1x128xi32, #tpu.memory_space<vmem>> -> memref<128xi32, #tpu.memory_space<vmem>>
      %dma_wait3A_142 = arith.constant 0 : i32
      %dma_wait3A_143 = arith.constant 0 : i32
      %dma_wait3A_144 = tpu.memref_slice %arg7[%dma_wait3A_142, %dma_wait3A_143] : memref<50048x16xf32, #tpu.memory_space<vmem_shared>> -> memref<50048x16xf32, #tpu.memory_space<vmem_shared>>
      tpu.wait_indirect_dma semaphore(%arg21 : memref<!tpu.dma_semaphore, #tpu.memory_space<semaphore_mem>>) src(%arg12 : memref<128x16xf32, #tpu.memory_space<vmem>>) dst(%dma_wait3A_144 : memref<50048x16xf32, #tpu.memory_space<vmem_shared>>)
      %dma_wait3A_145 = arith.constant 0 : i32
      %dma_wait3A_146 = arith.constant 0 : i32
      %dma_wait3A_147 = tpu.memref_slice %arg9[%dma_wait3A_145, %dma_wait3A_146] : memref<28x128xi32, #tpu.memory_space<vmem>> -> memref<1x128xi32, #tpu.memory_space<vmem>>
      %dma_wait3A_148 = tpu.memref_squeeze %dma_wait3A_147 : memref<1x128xi32, #tpu.memory_space<vmem>> -> memref<128xi32, #tpu.memory_space<vmem>>
      %dma_wait3A_149 = arith.constant 0 : i32
      %dma_wait3A_150 = arith.constant 0 : i32
      %dma_wait3A_151 = tpu.memref_slice %arg7[%dma_wait3A_149, %dma_wait3A_150] : memref<50048x16xf32, #tpu.memory_space<vmem_shared>> -> memref<50048x16xf32, #tpu.memory_space<vmem_shared>>
      tpu.wait_indirect_dma semaphore(%arg22 : memref<!tpu.dma_semaphore, #tpu.memory_space<semaphore_mem>>) src(%arg13 : memref<128x16xf32, #tpu.memory_space<vmem>>) dst(%dma_wait3A_151 : memref<50048x16xf32, #tpu.memory_space<vmem_shared>>)
      %scan3A_152 = arith.constant 0 : i32
      scf.yield %scan3A_152 : i32
    }
    %scan3A_19 = arith.constant 7 : i32
    %barrier3A_20 = arith.constant 0 : index
    tpu.barrier barrier_id(%barrier3A_20)
    %scan3A_21 = arith.constant 0 : i32
    %scan3A_22 = arith.constant 0 : i32
    %scan3A_23 = arith.constant 24 : i32
    %scan3A_24 = arith.addi %scan3A_22, %scan3A_23 : i32
    %scan3A_25 = arith.constant 1 : i32
    %scan3A_26 = scf.for %scan3A_30 = %scan3A_22 to %scan3A_24 step %scan3A_25 iter_args(%scan3A_31 = %scan3A_21) -> (i32)  : i32 {
      %mul3A_32 = arith.constant 128 : i32
      %mul3A_33 = arith.muli %scan3A_30, %mul3A_32 : i32
      %add3A_34 = arith.addi %mul3A_4, %mul3A_33 : i32
      "tpu.region"() ({
        %run_scoped3A = tpu.sem_alloc : memref<!tpu.dma_semaphore, #tpu.memory_space<semaphore_mem>>
        %dma_start3A = arith.constant 0 : i32
        %dma_start3A_36 = tpu.memref_slice %arg7[%add3A_34, %dma_start3A] : memref<50048x16xf32, #tpu.memory_space<vmem_shared>> -> memref<128x16xf32, #tpu.memory_space<vmem_shared>>
        %dma_start3A_37 = arith.constant 0 : i32
        %dma_start3A_38 = tpu.memref_slice %arg7[%add3A_34, %dma_start3A_37] : memref<50048x16xf32, #tpu.memory_space<vmem_shared>> -> memref<128x16xf32, #tpu.memory_space<vmem_shared>>
        tpu.enqueue_dma source(%dma_start3A_38 : memref<128x16xf32, #tpu.memory_space<vmem_shared>>) target(%arg14 : memref<128x16xf32, #tpu.memory_space<vmem>>) target_semaphore(%run_scoped3A : memref<!tpu.dma_semaphore, #tpu.memory_space<semaphore_mem>>)
        %dma_wait3A = arith.constant 0 : i32
        %dma_wait3A_39 = tpu.memref_slice %arg7[%add3A_34, %dma_wait3A] : memref<50048x16xf32, #tpu.memory_space<vmem_shared>> -> memref<128x16xf32, #tpu.memory_space<vmem_shared>>
        %dma_wait3A_40 = arith.constant 0 : i32
        %dma_wait3A_41 = tpu.memref_slice %arg7[%add3A_34, %dma_wait3A_40] : memref<50048x16xf32, #tpu.memory_space<vmem_shared>> -> memref<128x16xf32, #tpu.memory_space<vmem_shared>>
        tpu.wait_dma2 semaphore(%run_scoped3A : memref<!tpu.dma_semaphore, #tpu.memory_space<semaphore_mem>>) src(%dma_wait3A_41 : memref<128x16xf32, #tpu.memory_space<vmem_shared>>) dst(%arg14 : memref<128x16xf32, #tpu.memory_space<vmem>>)
        tpu.yield
      }) : () -> ()
      "tpu.region"() ({
        %run_scoped3A = tpu.sem_alloc : memref<!tpu.dma_semaphore, #tpu.memory_space<semaphore_mem>>
        %dma_start3A = arith.constant 0 : i32
        %dma_start3A_36 = tpu.memref_slice %arg6[%arg0, %add3A_34, %dma_start3A] : memref<2x50048x16xf32, #tpu.memory_space<hbm>> -> memref<1x128x16xf32, #tpu.memory_space<hbm>>
        %dma_start3A_37 = tpu.memref_squeeze %dma_start3A_36 : memref<1x128x16xf32, #tpu.memory_space<hbm>> -> memref<128x16xf32, #tpu.memory_space<hbm>>
        %dma_start3A_38 = arith.constant 0 : i32
        %dma_start3A_39 = tpu.memref_slice %arg6[%arg0, %add3A_34, %dma_start3A_38] : memref<2x50048x16xf32, #tpu.memory_space<hbm>> -> memref<1x128x16xf32, #tpu.memory_space<hbm>>
        %dma_start3A_40 = tpu.memref_squeeze %dma_start3A_39 : memref<1x128x16xf32, #tpu.memory_space<hbm>> -> memref<128x16xf32, #tpu.memory_space<hbm>>
        tpu.enqueue_dma source(%arg14 : memref<128x16xf32, #tpu.memory_space<vmem>>) target(%dma_start3A_40 : memref<128x16xf32, #tpu.memory_space<hbm>>) target_semaphore(%run_scoped3A : memref<!tpu.dma_semaphore, #tpu.memory_space<semaphore_mem>>)
        %dma_wait3A = arith.constant 0 : i32
        %dma_wait3A_41 = tpu.memref_slice %arg6[%arg0, %add3A_34, %dma_wait3A] : memref<2x50048x16xf32, #tpu.memory_space<hbm>> -> memref<1x128x16xf32, #tpu.memory_space<hbm>>
        %dma_wait3A_42 = tpu.memref_squeeze %dma_wait3A_41 : memref<1x128x16xf32, #tpu.memory_space<hbm>> -> memref<128x16xf32, #tpu.memory_space<hbm>>
        %dma_wait3A_43 = arith.constant 0 : i32
        %dma_wait3A_44 = tpu.memref_slice %arg6[%arg0, %add3A_34, %dma_wait3A_43] : memref<2x50048x16xf32, #tpu.memory_space<hbm>> -> memref<1x128x16xf32, #tpu.memory_space<hbm>>
        %dma_wait3A_45 = tpu.memref_squeeze %dma_wait3A_44 : memref<1x128x16xf32, #tpu.memory_space<hbm>> -> memref<128x16xf32, #tpu.memory_space<hbm>>
        tpu.wait_dma2 semaphore(%run_scoped3A : memref<!tpu.dma_semaphore, #tpu.memory_space<semaphore_mem>>) src(%arg14 : memref<128x16xf32, #tpu.memory_space<vmem>>) dst(%dma_wait3A_45 : memref<128x16xf32, #tpu.memory_space<hbm>>)
        tpu.yield
      }) : () -> ()
      %scan3A_35 = arith.constant 0 : i32
      scf.yield %scan3A_35 : i32
    }
    %scan3A_27 = arith.constant 24 : i32
    %add3A_28 = arith.constant 3072 : i32
    %add3A_29 = arith.addi %mul3A_4, %add3A_28 : i32
    "tpu.region"() ({
      %run_scoped3A = tpu.sem_alloc : memref<!tpu.dma_semaphore, #tpu.memory_space<semaphore_mem>>
      %dma_start3A = arith.constant 0 : i32
      %dma_start3A_30 = arith.constant 0 : i32
      %dma_start3A_31 = tpu.memref_slice %arg14[%dma_start3A, %dma_start3A_30] : memref<128x16xf32, #tpu.memory_space<vmem>> -> memref<56x16xf32, #tpu.memory_space<vmem>>
      %dma_start3A_32 = arith.constant 0 : i32
      %dma_start3A_33 = tpu.memref_slice %arg7[%add3A_29, %dma_start3A_32] : memref<50048x16xf32, #tpu.memory_space<vmem_shared>> -> memref<56x16xf32, #tpu.memory_space<vmem_shared>>
      %dma_start3A_34 = arith.constant 0 : i32
      %dma_start3A_35 = arith.constant 0 : i32
      %dma_start3A_36 = tpu.memref_slice %arg14[%dma_start3A_34, %dma_start3A_35] : memref<128x16xf32, #tpu.memory_space<vmem>> -> memref<56x16xf32, #tpu.memory_space<vmem>>
      %dma_start3A_37 = arith.constant 0 : i32
      %dma_start3A_38 = tpu.memref_slice %arg7[%add3A_29, %dma_start3A_37] : memref<50048x16xf32, #tpu.memory_space<vmem_shared>> -> memref<56x16xf32, #tpu.memory_space<vmem_shared>>
      tpu.enqueue_dma source(%dma_start3A_38 : memref<56x16xf32, #tpu.memory_space<vmem_shared>>) target(%dma_start3A_36 : memref<56x16xf32, #tpu.memory_space<vmem>>) target_semaphore(%run_scoped3A : memref<!tpu.dma_semaphore, #tpu.memory_space<semaphore_mem>>)
      %dma_wait3A = arith.constant 0 : i32
      %dma_wait3A_39 = arith.constant 0 : i32
      %dma_wait3A_40 = tpu.memref_slice %arg14[%dma_wait3A, %dma_wait3A_39] : memref<128x16xf32, #tpu.memory_space<vmem>> -> memref<56x16xf32, #tpu.memory_space<vmem>>
      %dma_wait3A_41 = arith.constant 0 : i32
      %dma_wait3A_42 = tpu.memref_slice %arg7[%add3A_29, %dma_wait3A_41] : memref<50048x16xf32, #tpu.memory_space<vmem_shared>> -> memref<56x16xf32, #tpu.memory_space<vmem_shared>>
      %dma_wait3A_43 = arith.constant 0 : i32
      %dma_wait3A_44 = arith.constant 0 : i32
      %dma_wait3A_45 = tpu.memref_slice %arg14[%dma_wait3A_43, %dma_wait3A_44] : memref<128x16xf32, #tpu.memory_space<vmem>> -> memref<56x16xf32, #tpu.memory_space<vmem>>
      %dma_wait3A_46 = arith.constant 0 : i32
      %dma_wait3A_47 = tpu.memref_slice %arg7[%add3A_29, %dma_wait3A_46] : memref<50048x16xf32, #tpu.memory_space<vmem_shared>> -> memref<56x16xf32, #tpu.memory_space<vmem_shared>>
      tpu.wait_dma2 semaphore(%run_scoped3A : memref<!tpu.dma_semaphore, #tpu.memory_space<semaphore_mem>>) src(%dma_wait3A_47 : memref<56x16xf32, #tpu.memory_space<vmem_shared>>) dst(%dma_wait3A_45 : memref<56x16xf32, #tpu.memory_space<vmem>>)
      tpu.yield
    }) : () -> ()
    "tpu.region"() ({
      %run_scoped3A = tpu.sem_alloc : memref<!tpu.dma_semaphore, #tpu.memory_space<semaphore_mem>>
      %dma_start3A = arith.constant 0 : i32
      %dma_start3A_30 = arith.constant 0 : i32
      %dma_start3A_31 = tpu.memref_slice %arg14[%dma_start3A, %dma_start3A_30] : memref<128x16xf32, #tpu.memory_space<vmem>> -> memref<56x16xf32, #tpu.memory_space<vmem>>
      %dma_start3A_32 = arith.constant 0 : i32
      %dma_start3A_33 = tpu.memref_slice %arg6[%arg0, %add3A_29, %dma_start3A_32] : memref<2x50048x16xf32, #tpu.memory_space<hbm>> -> memref<1x56x16xf32, #tpu.memory_space<hbm>>
      %dma_start3A_34 = tpu.memref_squeeze %dma_start3A_33 : memref<1x56x16xf32, #tpu.memory_space<hbm>> -> memref<56x16xf32, #tpu.memory_space<hbm>>
      %dma_start3A_35 = arith.constant 0 : i32
      %dma_start3A_36 = tpu.memref_slice %arg6[%arg0, %add3A_29, %dma_start3A_35] : memref<2x50048x16xf32, #tpu.memory_space<hbm>> -> memref<1x56x16xf32, #tpu.memory_space<hbm>>
      %dma_start3A_37 = tpu.memref_squeeze %dma_start3A_36 : memref<1x56x16xf32, #tpu.memory_space<hbm>> -> memref<56x16xf32, #tpu.memory_space<hbm>>
      %dma_start3A_38 = arith.constant 0 : i32
      %dma_start3A_39 = arith.constant 0 : i32
      %dma_start3A_40 = tpu.memref_slice %arg14[%dma_start3A_38, %dma_start3A_39] : memref<128x16xf32, #tpu.memory_space<vmem>> -> memref<56x16xf32, #tpu.memory_space<vmem>>
      tpu.enqueue_dma source(%dma_start3A_40 : memref<56x16xf32, #tpu.memory_space<vmem>>) target(%dma_start3A_37 : memref<56x16xf32, #tpu.memory_space<hbm>>) target_semaphore(%run_scoped3A : memref<!tpu.dma_semaphore, #tpu.memory_space<semaphore_mem>>)
      %dma_wait3A = arith.constant 0 : i32
      %dma_wait3A_41 = arith.constant 0 : i32
      %dma_wait3A_42 = tpu.memref_slice %arg14[%dma_wait3A, %dma_wait3A_41] : memref<128x16xf32, #tpu.memory_space<vmem>> -> memref<56x16xf32, #tpu.memory_space<vmem>>
      %dma_wait3A_43 = arith.constant 0 : i32
      %dma_wait3A_44 = tpu.memref_slice %arg6[%arg0, %add3A_29, %dma_wait3A_43] : memref<2x50048x16xf32, #tpu.memory_space<hbm>> -> memref<1x56x16xf32, #tpu.memory_space<hbm>>
      %dma_wait3A_45 = tpu.memref_squeeze %dma_wait3A_44 : memref<1x56x16xf32, #tpu.memory_space<hbm>> -> memref<56x16xf32, #tpu.memory_space<hbm>>
      %dma_wait3A_46 = arith.constant 0 : i32
      %dma_wait3A_47 = tpu.memref_slice %arg6[%arg0, %add3A_29, %dma_wait3A_46] : memref<2x50048x16xf32, #tpu.memory_space<hbm>> -> memref<1x56x16xf32, #tpu.memory_space<hbm>>
      %dma_wait3A_48 = tpu.memref_squeeze %dma_wait3A_47 : memref<1x56x16xf32, #tpu.memory_space<hbm>> -> memref<56x16xf32, #tpu.memory_space<hbm>>
      %dma_wait3A_49 = arith.constant 0 : i32
      %dma_wait3A_50 = arith.constant 0 : i32
      %dma_wait3A_51 = tpu.memref_slice %arg14[%dma_wait3A_49, %dma_wait3A_50] : memref<128x16xf32, #tpu.memory_space<vmem>> -> memref<56x16xf32, #tpu.memory_space<vmem>>
      tpu.wait_dma2 semaphore(%run_scoped3A : memref<!tpu.dma_semaphore, #tpu.memory_space<semaphore_mem>>) src(%dma_wait3A_51 : memref<56x16xf32, #tpu.memory_space<vmem>>) dst(%dma_wait3A_48 : memref<56x16xf32, #tpu.memory_space<hbm>>)
      tpu.yield
    }) : () -> ()
    return
  }
}

module attributes {stable_mosaic.version = 14 : i64} {
  func.func @_tc_dense_body(%arg0: i32, %arg1: memref<2x1000x16xf32, #tpu.memory_space<vmem>>, %arg2: memref<1000x14xf32, #tpu.memory_space<vmem>>, %arg3: memref<16x256xf32, #tpu.memory_space<vmem>>, %arg4: memref<14x256xf32, #tpu.memory_space<vmem>>, %arg5: memref<1x256xf32, #tpu.memory_space<vmem>>, %arg6: memref<256x256xf32, #tpu.memory_space<vmem>>, %arg7: memref<256x256xf32, #tpu.memory_space<vmem>>, %arg8: memref<1x256xf32, #tpu.memory_space<vmem>>, %arg9: memref<8x1000x32xf32, #tpu.memory_space<vmem>>, %arg10: memref<1000x256xf32, #tpu.memory_space<vmem>>) attributes {dimension_semantics = [#tpu.dimension_semantics<arbitrary>], iteration_bounds = array<i64: 50>, scalar_prefetch = 0 : i64, scratch_operands = 0 : i64, tpu.core_type = #tpu.core_type<tc>, window_params = [{transform_indices = @transform_0, window_bounds = array<i64: 2, 1000, 16>}, {transform_indices = @transform_1, window_bounds = array<i64: 1000, 14>}, {pipeline_mode = #tpu.pipeline_mode<synchronous>, transform_indices = @transform_2, window_bounds = array<i64: 16, 256>}, {pipeline_mode = #tpu.pipeline_mode<synchronous>, transform_indices = @transform_3, window_bounds = array<i64: 14, 256>}, {pipeline_mode = #tpu.pipeline_mode<synchronous>, transform_indices = @transform_4, window_bounds = array<i64: 1, 256>}, {pipeline_mode = #tpu.pipeline_mode<synchronous>, transform_indices = @transform_5, window_bounds = array<i64: 256, 256>}, {pipeline_mode = #tpu.pipeline_mode<synchronous>, transform_indices = @transform_6, window_bounds = array<i64: 256, 256>}, {pipeline_mode = #tpu.pipeline_mode<synchronous>, transform_indices = @transform_7, window_bounds = array<i64: 1, 256>}, {transform_indices = @transform_8, window_bounds = array<i64: 8, 1000, 32>}, {transform_indices = @transform_9, window_bounds = array<i64: 1000, 256>}]} {
    %get3A = arith.constant 0 : index
    %get3A_0 = arith.constant 0 : index
    %get3A_1 = arith.constant 0 : index
    %get3A_2 = vector.load %arg1[%get3A, %get3A_0, %get3A_1] : memref<2x1000x16xf32, #tpu.memory_space<vmem>>, vector<1x1000x16xf32>
    %get3A_3 = vector.shape_cast %get3A_2 : vector<1x1000x16xf32> to vector<1000x16xf32>
    %get3A_4 = arith.constant 1 : index
    %get3A_5 = arith.constant 0 : index
    %get3A_6 = arith.constant 0 : index
    %get3A_7 = vector.load %arg1[%get3A_4, %get3A_5, %get3A_6] : memref<2x1000x16xf32, #tpu.memory_space<vmem>>, vector<1x1000x16xf32>
    %get3A_8 = vector.shape_cast %get3A_7 : vector<1x1000x16xf32> to vector<1000x16xf32>
    %add3A = arith.addf %get3A_3, %get3A_8 : vector<1000x16xf32>
    %get3A_9 = arith.constant 0 : index
    %get3A_10 = arith.constant 0 : index
    %get3A_11 = vector.load %arg3[%get3A_9, %get3A_10] : memref<16x256xf32, #tpu.memory_space<vmem>>, vector<16x256xf32>
    %dot_general3A = arith.constant dense<0.000000e+00> : vector<1000x256xf32>
    %dot_general3A_12 = tpu.matmul %add3A, %get3A_11, %dot_general3A {dimension_numbers = #tpu.dot_dimension_numbers<[1], [0], [0], [1], [0, 0, 1, 1], [], []>, transpose_lhs_hint = false} : vector<1000x16xf32>, vector<16x256xf32>, vector<1000x256xf32> -> vector<1000x256xf32>
    %get3A_13 = arith.constant 0 : index
    %get3A_14 = arith.constant 0 : index
    %get3A_15 = vector.load %arg2[%get3A_13, %get3A_14] : memref<1000x14xf32, #tpu.memory_space<vmem>>, vector<1000x14xf32>
    %get3A_16 = arith.constant 0 : index
    %get3A_17 = arith.constant 0 : index
    %get3A_18 = vector.load %arg4[%get3A_16, %get3A_17] : memref<14x256xf32, #tpu.memory_space<vmem>>, vector<14x256xf32>
    %dot_general3A_19 = arith.constant dense<0.000000e+00> : vector<1000x256xf32>
    %dot_general3A_20 = tpu.matmul %get3A_15, %get3A_18, %dot_general3A_19 {dimension_numbers = #tpu.dot_dimension_numbers<[1], [0], [0], [1], [0, 0, 1, 1], [], []>, transpose_lhs_hint = false} : vector<1000x14xf32>, vector<14x256xf32>, vector<1000x256xf32> -> vector<1000x256xf32>
    %add3A_21 = arith.addf %dot_general3A_12, %dot_general3A_20 : vector<1000x256xf32>
    %get3A_22 = arith.constant 0 : index
    %get3A_23 = arith.constant 0 : index
    %get3A_24 = vector.load %arg5[%get3A_22, %get3A_23] : memref<1x256xf32, #tpu.memory_space<vmem>>, vector<1x256xf32>
    %add3A_25 = vector.broadcast %get3A_24 : vector<1x256xf32> to vector<1000x256xf32>
    %add3A_26 = arith.addf %add3A_21, %add3A_25 : vector<1000x256xf32>
    %gt3A = arith.constant 0.000000e+00 : f32
    %gt3A_27 = vector.broadcast %gt3A : f32 to vector<1000x256xf32>
    %gt3A_28 = arith.cmpf ogt, %add3A_26, %gt3A_27 : vector<1000x256xf32>
    %exp3A = math.exp %add3A_26 : vector<1000x256xf32>
    %sub3A = arith.constant 1.000000e+00 : f32
    %sub3A_29 = vector.broadcast %sub3A : f32 to vector<1000x256xf32>
    %sub3A_30 = arith.subf %exp3A, %sub3A_29 : vector<1000x256xf32>
    %mul3A = arith.constant 1.67326319 : f32
    %mul3A_31 = vector.broadcast %mul3A : f32 to vector<1000x256xf32>
    %mul3A_32 = arith.mulf %mul3A_31, %sub3A_30 : vector<1000x256xf32>
    %select_n3A = arith.select %gt3A_28, %add3A_26, %mul3A_32 : vector<1000x256xi1>, vector<1000x256xf32>
    %mul3A_33 = arith.constant 1.05070102 : f32
    %mul3A_34 = vector.broadcast %mul3A_33 : f32 to vector<1000x256xf32>
    %mul3A_35 = arith.mulf %mul3A_34, %select_n3A : vector<1000x256xf32>
    %get3A_36 = arith.constant 0 : index
    %get3A_37 = arith.constant 0 : index
    %get3A_38 = vector.load %arg6[%get3A_36, %get3A_37] : memref<256x256xf32, #tpu.memory_space<vmem>>, vector<256x256xf32>
    %dot_general3A_39 = arith.constant dense<0.000000e+00> : vector<1000x256xf32>
    %dot_general3A_40 = tpu.matmul %mul3A_35, %get3A_38, %dot_general3A_39 {dimension_numbers = #tpu.dot_dimension_numbers<[1], [0], [0], [1], [0, 0, 1, 1], [], []>, transpose_lhs_hint = false} : vector<1000x256xf32>, vector<256x256xf32>, vector<1000x256xf32> -> vector<1000x256xf32>
    %get3A_41 = arith.constant 0 : index
    %get3A_42 = arith.constant 0 : index
    %get3A_43 = vector.load %arg7[%get3A_41, %get3A_42] : memref<256x256xf32, #tpu.memory_space<vmem>>, vector<256x256xf32>
    %dot_general3A_44 = arith.constant dense<0.000000e+00> : vector<1000x256xf32>
    %dot_general3A_45 = tpu.matmul %mul3A_35, %get3A_43, %dot_general3A_44 {dimension_numbers = #tpu.dot_dimension_numbers<[1], [0], [0], [1], [0, 0, 1, 1], [], []>, transpose_lhs_hint = false} : vector<1000x256xf32>, vector<256x256xf32>, vector<1000x256xf32> -> vector<1000x256xf32>
    %get3A_46 = arith.constant 0 : index
    %get3A_47 = arith.constant 0 : index
    %get3A_48 = vector.load %arg8[%get3A_46, %get3A_47] : memref<1x256xf32, #tpu.memory_space<vmem>>, vector<1x256xf32>
    %add3A_49 = vector.broadcast %get3A_48 : vector<1x256xf32> to vector<1000x256xf32>
    %add3A_50 = arith.addf %dot_general3A_45, %add3A_49 : vector<1000x256xf32>
    %swap3A = arith.constant 0 : index
    %swap3A_51 = arith.constant 0 : index
    %swap3A_52 = vector.load %arg10[%swap3A, %swap3A_51] : memref<1000x256xf32, #tpu.memory_space<vmem>>, vector<1000x256xf32>
    tpu.vector_store %arg10[%swap3A, %swap3A_51], %add3A_50 {strides = array<i32>} : memref<1000x256xf32, #tpu.memory_space<vmem>>, vector<1000x256xf32>,
    %slice3A = vector.extract_strided_slice %dot_general3A_40 {offsets = [0, 0], sizes = [1000, 32], strides = [1, 1]} : vector<1000x256xf32> to vector<1000x32xf32>
    %swap3A_53 = arith.constant 0 : index
    %swap3A_54 = arith.constant 0 : index
    %swap3A_55 = arith.constant 0 : index
    %swap3A_56 = vector.load %arg9[%swap3A_53, %swap3A_54, %swap3A_55] : memref<8x1000x32xf32, #tpu.memory_space<vmem>>, vector<1x1000x32xf32>
    %swap3A_57 = vector.shape_cast %swap3A_56 : vector<1x1000x32xf32> to vector<1000x32xf32>
    %swap3A_58 = vector.shape_cast %slice3A : vector<1000x32xf32> to vector<1x1000x32xf32>
    tpu.vector_store %arg9[%swap3A_53, %swap3A_54, %swap3A_55], %swap3A_58 {strides = array<i32>} : memref<8x1000x32xf32, #tpu.memory_space<vmem>>, vector<1x1000x32xf32>,
    %slice3A_59 = vector.extract_strided_slice %dot_general3A_40 {offsets = [0, 32], sizes = [1000, 32], strides = [1, 1]} : vector<1000x256xf32> to vector<1000x32xf32>
    %swap3A_60 = arith.constant 1 : index
    %swap3A_61 = arith.constant 0 : index
    %swap3A_62 = arith.constant 0 : index
    %swap3A_63 = vector.load %arg9[%swap3A_60, %swap3A_61, %swap3A_62] : memref<8x1000x32xf32, #tpu.memory_space<vmem>>, vector<1x1000x32xf32>
    %swap3A_64 = vector.shape_cast %swap3A_63 : vector<1x1000x32xf32> to vector<1000x32xf32>
    %swap3A_65 = vector.shape_cast %slice3A_59 : vector<1000x32xf32> to vector<1x1000x32xf32>
    tpu.vector_store %arg9[%swap3A_60, %swap3A_61, %swap3A_62], %swap3A_65 {strides = array<i32>} : memref<8x1000x32xf32, #tpu.memory_space<vmem>>, vector<1x1000x32xf32>,
    %slice3A_66 = vector.extract_strided_slice %dot_general3A_40 {offsets = [0, 64], sizes = [1000, 32], strides = [1, 1]} : vector<1000x256xf32> to vector<1000x32xf32>
    %swap3A_67 = arith.constant 2 : index
    %swap3A_68 = arith.constant 0 : index
    %swap3A_69 = arith.constant 0 : index
    %swap3A_70 = vector.load %arg9[%swap3A_67, %swap3A_68, %swap3A_69] : memref<8x1000x32xf32, #tpu.memory_space<vmem>>, vector<1x1000x32xf32>
    %swap3A_71 = vector.shape_cast %swap3A_70 : vector<1x1000x32xf32> to vector<1000x32xf32>
    %swap3A_72 = vector.shape_cast %slice3A_66 : vector<1000x32xf32> to vector<1x1000x32xf32>
    tpu.vector_store %arg9[%swap3A_67, %swap3A_68, %swap3A_69], %swap3A_72 {strides = array<i32>} : memref<8x1000x32xf32, #tpu.memory_space<vmem>>, vector<1x1000x32xf32>,
    %slice3A_73 = vector.extract_strided_slice %dot_general3A_40 {offsets = [0, 96], sizes = [1000, 32], strides = [1, 1]} : vector<1000x256xf32> to vector<1000x32xf32>
    %swap3A_74 = arith.constant 3 : index
    %swap3A_75 = arith.constant 0 : index
    %swap3A_76 = arith.constant 0 : index
    %swap3A_77 = vector.load %arg9[%swap3A_74, %swap3A_75, %swap3A_76] : memref<8x1000x32xf32, #tpu.memory_space<vmem>>, vector<1x1000x32xf32>
    %swap3A_78 = vector.shape_cast %swap3A_77 : vector<1x1000x32xf32> to vector<1000x32xf32>
    %swap3A_79 = vector.shape_cast %slice3A_73 : vector<1000x32xf32> to vector<1x1000x32xf32>
    tpu.vector_store %arg9[%swap3A_74, %swap3A_75, %swap3A_76], %swap3A_79 {strides = array<i32>} : memref<8x1000x32xf32, #tpu.memory_space<vmem>>, vector<1x1000x32xf32>,
    %slice3A_80 = vector.extract_strided_slice %dot_general3A_40 {offsets = [0, 128], sizes = [1000, 32], strides = [1, 1]} : vector<1000x256xf32> to vector<1000x32xf32>
    %swap3A_81 = arith.constant 4 : index
    %swap3A_82 = arith.constant 0 : index
    %swap3A_83 = arith.constant 0 : index
    %swap3A_84 = vector.load %arg9[%swap3A_81, %swap3A_82, %swap3A_83] : memref<8x1000x32xf32, #tpu.memory_space<vmem>>, vector<1x1000x32xf32>
    %swap3A_85 = vector.shape_cast %swap3A_84 : vector<1x1000x32xf32> to vector<1000x32xf32>
    %swap3A_86 = vector.shape_cast %slice3A_80 : vector<1000x32xf32> to vector<1x1000x32xf32>
    tpu.vector_store %arg9[%swap3A_81, %swap3A_82, %swap3A_83], %swap3A_86 {strides = array<i32>} : memref<8x1000x32xf32, #tpu.memory_space<vmem>>, vector<1x1000x32xf32>,
    %slice3A_87 = vector.extract_strided_slice %dot_general3A_40 {offsets = [0, 160], sizes = [1000, 32], strides = [1, 1]} : vector<1000x256xf32> to vector<1000x32xf32>
    %swap3A_88 = arith.constant 5 : index
    %swap3A_89 = arith.constant 0 : index
    %swap3A_90 = arith.constant 0 : index
    %swap3A_91 = vector.load %arg9[%swap3A_88, %swap3A_89, %swap3A_90] : memref<8x1000x32xf32, #tpu.memory_space<vmem>>, vector<1x1000x32xf32>
    %swap3A_92 = vector.shape_cast %swap3A_91 : vector<1x1000x32xf32> to vector<1000x32xf32>
    %swap3A_93 = vector.shape_cast %slice3A_87 : vector<1000x32xf32> to vector<1x1000x32xf32>
    tpu.vector_store %arg9[%swap3A_88, %swap3A_89, %swap3A_90], %swap3A_93 {strides = array<i32>} : memref<8x1000x32xf32, #tpu.memory_space<vmem>>, vector<1x1000x32xf32>,
    %slice3A_94 = vector.extract_strided_slice %dot_general3A_40 {offsets = [0, 192], sizes = [1000, 32], strides = [1, 1]} : vector<1000x256xf32> to vector<1000x32xf32>
    %swap3A_95 = arith.constant 6 : index
    %swap3A_96 = arith.constant 0 : index
    %swap3A_97 = arith.constant 0 : index
    %swap3A_98 = vector.load %arg9[%swap3A_95, %swap3A_96, %swap3A_97] : memref<8x1000x32xf32, #tpu.memory_space<vmem>>, vector<1x1000x32xf32>
    %swap3A_99 = vector.shape_cast %swap3A_98 : vector<1x1000x32xf32> to vector<1000x32xf32>
    %swap3A_100 = vector.shape_cast %slice3A_94 : vector<1000x32xf32> to vector<1x1000x32xf32>
    tpu.vector_store %arg9[%swap3A_95, %swap3A_96, %swap3A_97], %swap3A_100 {strides = array<i32>} : memref<8x1000x32xf32, #tpu.memory_space<vmem>>, vector<1x1000x32xf32>,
    %slice3A_101 = vector.extract_strided_slice %dot_general3A_40 {offsets = [0, 224], sizes = [1000, 32], strides = [1, 1]} : vector<1000x256xf32> to vector<1000x32xf32>
    %swap3A_102 = arith.constant 7 : index
    %swap3A_103 = arith.constant 0 : index
    %swap3A_104 = arith.constant 0 : index
    %swap3A_105 = vector.load %arg9[%swap3A_102, %swap3A_103, %swap3A_104] : memref<8x1000x32xf32, #tpu.memory_space<vmem>>, vector<1x1000x32xf32>
    %swap3A_106 = vector.shape_cast %swap3A_105 : vector<1x1000x32xf32> to vector<1000x32xf32>
    %swap3A_107 = vector.shape_cast %slice3A_101 : vector<1000x32xf32> to vector<1x1000x32xf32>
    tpu.vector_store %arg9[%swap3A_102, %swap3A_103, %swap3A_104], %swap3A_107 {strides = array<i32>} : memref<8x1000x32xf32, #tpu.memory_space<vmem>>, vector<1x1000x32xf32>,
    return
  }
  func.func @transform_0(%arg0: i32) -> (i32, i32, i32) {
    %c0_i32 = arith.constant 0 : i32
    %c0_i32_0 = arith.constant 0 : i32
    %c0_i32_1 = arith.constant 0 : i32
    return %c0_i32, %arg0, %c0_i32_0 : i32, i32, i32
  }
  func.func @transform_1(%arg0: i32) -> (i32, i32) {
    %c0_i32 = arith.constant 0 : i32
    %c0_i32_0 = arith.constant 0 : i32
    return %arg0, %c0_i32 : i32, i32
  }
  func.func @transform_2(%arg0: i32) -> (i32, i32) {
    %c0_i32 = arith.constant 0 : i32
    %c0_i32_0 = arith.constant 0 : i32
    %c0_i32_1 = arith.constant 0 : i32
    return %c0_i32, %c0_i32_0 : i32, i32
  }
  func.func @transform_3(%arg0: i32) -> (i32, i32) {
    %c0_i32 = arith.constant 0 : i32
    %c0_i32_0 = arith.constant 0 : i32
    %c0_i32_1 = arith.constant 0 : i32
    return %c0_i32, %c0_i32_0 : i32, i32
  }
  func.func @transform_4(%arg0: i32) -> (i32, i32) {
    %c0_i32 = arith.constant 0 : i32
    %c0_i32_0 = arith.constant 0 : i32
    %c0_i32_1 = arith.constant 0 : i32
    return %c0_i32, %c0_i32_0 : i32, i32
  }
  func.func @transform_5(%arg0: i32) -> (i32, i32) {
    %c0_i32 = arith.constant 0 : i32
    %c0_i32_0 = arith.constant 0 : i32
    %c0_i32_1 = arith.constant 0 : i32
    return %c0_i32, %c0_i32_0 : i32, i32
  }
  func.func @transform_6(%arg0: i32) -> (i32, i32) {
    %c0_i32 = arith.constant 0 : i32
    %c0_i32_0 = arith.constant 0 : i32
    %c0_i32_1 = arith.constant 0 : i32
    return %c0_i32, %c0_i32_0 : i32, i32
  }
  func.func @transform_7(%arg0: i32) -> (i32, i32) {
    %c0_i32 = arith.constant 0 : i32
    %c0_i32_0 = arith.constant 0 : i32
    %c0_i32_1 = arith.constant 0 : i32
    return %c0_i32, %c0_i32_0 : i32, i32
  }
  func.func @transform_8(%arg0: i32) -> (i32, i32, i32) {
    %c0_i32 = arith.constant 0 : i32
    %c0_i32_0 = arith.constant 0 : i32
    %c0_i32_1 = arith.constant 0 : i32
    return %c0_i32, %arg0, %c0_i32_0 : i32, i32, i32
  }
  func.func @transform_9(%arg0: i32) -> (i32, i32) {
    %c0_i32 = arith.constant 0 : i32
    %c0_i32_0 = arith.constant 0 : i32
    return %arg0, %c0_i32 : i32, i32
  }
}

module attributes {stable_mosaic.version = 14 : i64} {
  func.func @_tc_final_body(%arg0: i32, %arg1: memref<8x1000x32xf32, #tpu.memory_space<vmem>>, %arg2: memref<1000x256xf32, #tpu.memory_space<vmem>>, %arg3: memref<1000x256xf32, #tpu.memory_space<vmem>>) attributes {dimension_semantics = [#tpu.dimension_semantics<arbitrary>], iteration_bounds = array<i64: 50>, scalar_prefetch = 0 : i64, scratch_operands = 0 : i64, tpu.core_type = #tpu.core_type<tc>, window_params = [{transform_indices = @transform_0, window_bounds = array<i64: 8, 1000, 32>}, {transform_indices = @transform_1, window_bounds = array<i64: 1000, 256>}, {transform_indices = @transform_2, window_bounds = array<i64: 1000, 256>}]} {
    %get3A = arith.constant 0 : index
    %get3A_0 = arith.constant 0 : index
    %get3A_1 = arith.constant 0 : index
    %get3A_2 = vector.load %arg1[%get3A, %get3A_0, %get3A_1] : memref<8x1000x32xf32, #tpu.memory_space<vmem>>, vector<1x1000x32xf32>
    %get3A_3 = vector.shape_cast %get3A_2 : vector<1x1000x32xf32> to vector<1000x32xf32>
    %get3A_4 = arith.constant 1 : index
    %get3A_5 = arith.constant 0 : index
    %get3A_6 = arith.constant 0 : index
    %get3A_7 = vector.load %arg1[%get3A_4, %get3A_5, %get3A_6] : memref<8x1000x32xf32, #tpu.memory_space<vmem>>, vector<1x1000x32xf32>
    %get3A_8 = vector.shape_cast %get3A_7 : vector<1x1000x32xf32> to vector<1000x32xf32>
    %get3A_9 = arith.constant 2 : index
    %get3A_10 = arith.constant 0 : index
    %get3A_11 = arith.constant 0 : index
    %get3A_12 = vector.load %arg1[%get3A_9, %get3A_10, %get3A_11] : memref<8x1000x32xf32, #tpu.memory_space<vmem>>, vector<1x1000x32xf32>
    %get3A_13 = vector.shape_cast %get3A_12 : vector<1x1000x32xf32> to vector<1000x32xf32>
    %get3A_14 = arith.constant 3 : index
    %get3A_15 = arith.constant 0 : index
    %get3A_16 = arith.constant 0 : index
    %get3A_17 = vector.load %arg1[%get3A_14, %get3A_15, %get3A_16] : memref<8x1000x32xf32, #tpu.memory_space<vmem>>, vector<1x1000x32xf32>
    %get3A_18 = vector.shape_cast %get3A_17 : vector<1x1000x32xf32> to vector<1000x32xf32>
    %get3A_19 = arith.constant 4 : index
    %get3A_20 = arith.constant 0 : index
    %get3A_21 = arith.constant 0 : index
    %get3A_22 = vector.load %arg1[%get3A_19, %get3A_20, %get3A_21] : memref<8x1000x32xf32, #tpu.memory_space<vmem>>, vector<1x1000x32xf32>
    %get3A_23 = vector.shape_cast %get3A_22 : vector<1x1000x32xf32> to vector<1000x32xf32>
    %get3A_24 = arith.constant 5 : index
    %get3A_25 = arith.constant 0 : index
    %get3A_26 = arith.constant 0 : index
    %get3A_27 = vector.load %arg1[%get3A_24, %get3A_25, %get3A_26] : memref<8x1000x32xf32, #tpu.memory_space<vmem>>, vector<1x1000x32xf32>
    %get3A_28 = vector.shape_cast %get3A_27 : vector<1x1000x32xf32> to vector<1000x32xf32>
    %get3A_29 = arith.constant 6 : index
    %get3A_30 = arith.constant 0 : index
    %get3A_31 = arith.constant 0 : index
    %get3A_32 = vector.load %arg1[%get3A_29, %get3A_30, %get3A_31] : memref<8x1000x32xf32, #tpu.memory_space<vmem>>, vector<1x1000x32xf32>
    %get3A_33 = vector.shape_cast %get3A_32 : vector<1x1000x32xf32> to vector<1000x32xf32>
    %get3A_34 = arith.constant 7 : index
    %get3A_35 = arith.constant 0 : index
    %get3A_36 = arith.constant 0 : index
    %get3A_37 = vector.load %arg1[%get3A_34, %get3A_35, %get3A_36] : memref<8x1000x32xf32, #tpu.memory_space<vmem>>, vector<1x1000x32xf32>
    %get3A_38 = vector.shape_cast %get3A_37 : vector<1x1000x32xf32> to vector<1000x32xf32>
    %concatenate3A = tpu.concatenate %get3A_3, %get3A_8, %get3A_13, %get3A_18, %get3A_23, %get3A_28, %get3A_33, %get3A_38 in 1 : vector<1000x32xf32>, vector<1000x32xf32>, vector<1000x32xf32>, vector<1000x32xf32>, vector<1000x32xf32>, vector<1000x32xf32>, vector<1000x32xf32>, vector<1000x32xf32> -> vector<1000x256xf32>
    %get3A_39 = arith.constant 0 : index
    %get3A_40 = arith.constant 0 : index
    %get3A_41 = vector.load %arg2[%get3A_39, %get3A_40] : memref<1000x256xf32, #tpu.memory_space<vmem>>, vector<1000x256xf32>
    %add3A = arith.addf %concatenate3A, %get3A_41 : vector<1000x256xf32>
    %gt3A = arith.constant 0.000000e+00 : f32
    %gt3A_42 = vector.broadcast %gt3A : f32 to vector<1000x256xf32>
    %gt3A_43 = arith.cmpf ogt, %add3A, %gt3A_42 : vector<1000x256xf32>
    %exp3A = math.exp %add3A : vector<1000x256xf32>
    %sub3A = arith.constant 1.000000e+00 : f32
    %sub3A_44 = vector.broadcast %sub3A : f32 to vector<1000x256xf32>
    %sub3A_45 = arith.subf %exp3A, %sub3A_44 : vector<1000x256xf32>
    %mul3A = arith.constant 1.67326319 : f32
    %mul3A_46 = vector.broadcast %mul3A : f32 to vector<1000x256xf32>
    %mul3A_47 = arith.mulf %mul3A_46, %sub3A_45 : vector<1000x256xf32>
    %select_n3A = arith.select %gt3A_43, %add3A, %mul3A_47 : vector<1000x256xi1>, vector<1000x256xf32>
    %mul3A_48 = arith.constant 1.05070102 : f32
    %mul3A_49 = vector.broadcast %mul3A_48 : f32 to vector<1000x256xf32>
    %mul3A_50 = arith.mulf %mul3A_49, %select_n3A : vector<1000x256xf32>
    %swap3A = arith.constant 0 : index
    %swap3A_51 = arith.constant 0 : index
    %swap3A_52 = vector.load %arg3[%swap3A, %swap3A_51] : memref<1000x256xf32, #tpu.memory_space<vmem>>, vector<1000x256xf32>
    tpu.vector_store %arg3[%swap3A, %swap3A_51], %mul3A_50 {strides = array<i32>} : memref<1000x256xf32, #tpu.memory_space<vmem>>, vector<1000x256xf32>,
    return
  }
  func.func @transform_0(%arg0: i32) -> (i32, i32, i32) {
    %c0_i32 = arith.constant 0 : i32
    %c0_i32_0 = arith.constant 0 : i32
    %c0_i32_1 = arith.constant 0 : i32
    return %c0_i32, %arg0, %c0_i32_0 : i32, i32, i32
  }
  func.func @transform_1(%arg0: i32) -> (i32, i32) {
    %c0_i32 = arith.constant 0 : i32
    %c0_i32_0 = arith.constant 0 : i32
    return %arg0, %c0_i32 : i32, i32
  }
  func.func @transform_2(%arg0: i32) -> (i32, i32) {
    %c0_i32 = arith.constant 0 : i32
    %c0_i32_0 = arith.constant 0 : i32
    return %arg0, %c0_i32 : i32, i32
  }
}

</mosaic_0001>

<sc_bundles>
// kernel: kernel.6.cloned.1.call-start
scs
__scs_entry_jumppad:
0x0: {  	(pc) =	sbr.rel $0x88, $3  }
0x1: {  	(tag) =	ssettag $0x0;
	lr =	simm.s32 $0x1  }
0x2: {  	[smem:$0x3F99] =	sst lr;
	_ =	strace $0xD0000000  }
0x3: {  	_ = 	snop  }
0x4: {  	_ = 	snop  }
0x5: {  	_ = 	snop  }
0x6: {  	_ = 	snop  }
0x7: {  	_ = 	snop  }
__scs_overlays_trampoline_lowered:
0x8: {  	[smem:$0x3FA8] =	sst s0  }
0x9: {  	[smem:$0x3FA9] =	sst s1  }
0xa: {  	[smem:$0x3FAA] =	sst s2  }
0xb: {  	[smem:$0x3FAB] =	sst s3  }
0xc: {  	[smem:$0x3FAC] =	sst s4  }
0xd: {  	[smem:$0x3FAD] =	sst s5  }
0xe: {  	[smem:$0x3FAE] =	sst s6  }
0xf: {  	[smem:$0x3FAF] =	sst s7  }
0x10: {  	[smem:$0x3FB0] =	sst s8  }
0x11: {  	[smem:$0x3FB1] =	sst s9;
	s0 =	simm.s32 @!p0 $0x0  }
0x12: {  	s1 =	sld [smem:$0x3F97];
	s0 =	simm.s32 @p0 $0x1  }
0x13: {  	[smem:$0x3FB2] =	sst s0;
	s0 =	simm.s32 @!p1 $0x0  }
0x14: {  	s2 =	sld [smem:$0x3F96];
	s0 =	simm.s32 @p1 $0x1  }
0x15: {  	[smem:$0x3FB3] =	sst s0;
	s0 =	simm.s32 @!p2 $0x0  }
0x16: {  	s3 =	sld [smem:$0x3FDB];
	s0 =	simm.s32 @p2 $0x1  }
0x17: {  	s4 =	simm.s32 $0x1BF5;
	[smem:$0x3FB5] =	sst s0  }
0x18: {  	s0 =	sld [smem:$0x3F98];
	_ =	swait.ge [sflag:s4], $0x0  }
0x19: {  	s7 =	sld [smem:$0x3F99]  }
0x1a: {  	s8 =	sadd.s32 $0xFFFFE003, lr  }
0x1b: {  	s9 =	sadd.s32 $0xFFFFFEF7, lr;
	s5 =	simm.s32 $0xFFFFFFFF;
	p2 =	slt.u32 s8, $0xFFFFF086  }
0x1c: {  	p1 =	slt.u32 s9, $0xF7A;
	s5 =	simm.s32 @!p2 $0x0  }
0x1d: {  	s5 =	simm.s32 @p1 $0x1;
	p0 =	seq.s32 s7, s2  }
0x1e: {  	s7 =	smul.u32 @!p0 $0xF7A, s2;
	p2 =	seq.s32 @!p0 s5, $0x0  }
0x1f: {  	s9 =	smul.u32 $0xF7A, s1;
	s8 =	simm.s32 @!p0 $0x1BF5;
	p2 =	por !p2, p0  }
0x20: {  	[sflag:s8] =	ssyncset.s32 @!p0 $0xFFFFF086;
	s6 =	sadd.s32 @!p0 s3, s7;
	s7 =	simm.s32 @!p0 $0x108  }
0x21: {  	s3 =	sadd.s32 s3, s9;
	s6 =	sadd.s32 @!p0 $0x88, s6;
	s7 =	simm.s32 @p2 $0x1082  }
0x22: {  	[simem:s7], [sflag:s8] =	dma.local @!p0 [hbm:s6], $0xF7A  }
0x23: {  	s9 =	sor.u32 $0xD0000000, s2;
	s6 =	simm.s32 $0x108;
	_ =	swait.ge @!p0 [sflag:s8], $0x0  }
0x24: {  	s3 =	sadd.s32 $0x88, s3;
	s6 =	simm.s32 @!p1 $0x1082;
	[sflag:s4] =	ssyncset.s32 $0xFFFFF086  }
0x25: {  	[simem:s6], [sflag:s4] =	dma.local [hbm:s3], $0xF7A  }
0x26: {  	[smem:$0x3F99] =	sst s1;
	(tag) =	ssettag s2;
	_ =	strace s9  }
0x27: {  	s1 =	sld [smem:$0x3FA9]  }
0x28: {  	s2 =	sld [smem:$0x3FAA]  }
0x29: {  	s4 =	sld [smem:$0x3FAC]  }
0x2a: {  	p0 =	seq.s32 s5, $0x0;
	s5 =	sld [smem:$0x3FAD]  }
0x2b: {  	s6 =	sld [smem:$0x3FAE]  }
0x2c: {  	s7 =	sld [smem:$0x3FAF]  }
0x2d: {  	s3 =	simm.s32 $0x108;
	s8 =	sld [smem:$0x3FB0]  }
0x2e: {  	s3 =	simm.s32 @!p0 $0x1082;
	s9 =	sld [smem:$0x3FB1]  }
0x2f: {  	lr =	sadd.s32 s0, s3;
	s0 =	sld [smem:$0x3FA8]  }
0x30: {  	s3 =	sld [smem:$0x3FAB]  }
0x31: {  	[smem:$0x3FB4] =	sst s10  }
0x32: {  	s10 =	sld [smem:$0x3FB2];
	_ =	sdelay $0x3  }
0x33: {  	p0 =	seq.s32 s10, $0x1;
	s10 =	sld [smem:$0x3FB4];
	_ =	sdelay $0x3  }
0x34: {  	[smem:$0x3FB4] =	sst s10  }
0x35: {  	s10 =	sld [smem:$0x3FB3];
	_ =	sdelay $0x3  }
0x36: {  	p1 =	seq.s32 s10, $0x1;
	s10 =	sld [smem:$0x3FB4];
	_ =	sdelay $0x3  }
0x37: {  	[smem:$0x3FB4] =	sst s10  }
0x38: {  	s10 =	sld [smem:$0x3FB5]  }
0x39: {  	_ = 	snop;
	(pc) =	sbr.ind lr, $3  }
0x3a: {  	_ = 	snop  }
0x3b: {  	_ = 	snop  }
0x3c: {  	p2 =	seq.s32 s10, $0x1;
	s10 =	sld [smem:$0x3FB4]  }
0x3d: {  	_ =	shalt  }
0x3e: {  	_ =	shalt  }
0x3f: {  	_ =	shalt  }
0x40: {  	_ =	shalt  }
0x41: {  	_ =	shalt  }
0x42: {  	_ =	shalt  }
0x43: {  	_ =	shalt  }
0x44: {  	_ =	shalt  }
0x45: {  	_ =	shalt  }
0x46: {  	_ =	shalt  }
0x47: {  	_ =	shalt  }
0x48: {  	_ =	shalt  }
0x49: {  	_ =	shalt  }
0x4a: {  	_ =	shalt  }
0x4b: {  	_ =	shalt  }
0x4c: {  	_ =	shalt  }
0x4d: {  	_ =	shalt  }
0x4e: {  	_ =	shalt  }
0x4f: {  	_ =	shalt  }
0x50: {  	_ =	shalt  }
0x51: {  	_ =	shalt  }
0x52: {  	_ =	shalt  }
0x53: {  	_ =	shalt  }
0x54: {  	_ =	shalt  }
0x55: {  	_ =	shalt  }
0x56: {  	_ =	shalt  }
0x57: {  	_ =	shalt  }
0x58: {  	_ =	shalt  }
0x59: {  	_ =	shalt  }
0x5a: {  	_ =	shalt  }
0x5b: {  	_ =	shalt  }
0x5c: {  	_ =	shalt  }
0x5d: {  	_ =	shalt  }
0x5e: {  	_ =	shalt  }
0x5f: {  	_ =	shalt  }
0x60: {  	_ =	shalt  }
0x61: {  	_ =	shalt  }
0x62: {  	_ =	shalt  }
0x63: {  	_ =	shalt  }
0x64: {  	_ =	shalt  }
0x65: {  	_ =	shalt  }
0x66: {  	_ =	shalt  }
0x67: {  	_ =	shalt  }
0x68: {  	_ =	shalt  }
0x69: {  	_ =	shalt  }
0x6a: {  	_ =	shalt  }
0x6b: {  	_ =	shalt  }
0x6c: {  	_ =	shalt  }
0x6d: {  	_ =	shalt  }
0x6e: {  	_ =	shalt  }
0x6f: {  	_ =	shalt  }
0x70: {  	_ =	shalt  }
0x71: {  	_ =	shalt  }
0x72: {  	_ =	shalt  }
0x73: {  	_ =	shalt  }
0x74: {  	_ =	shalt  }
0x75: {  	_ =	shalt  }
0x76: {  	_ =	shalt  }
0x77: {  	_ =	shalt  }
0x78: {  	_ =	shalt  }
0x79: {  	_ =	shalt  }
0x7a: {  	_ =	shalt  }
0x7b: {  	_ =	shalt  }
0x7c: {  	_ =	shalt  }
0x7d: {  	_ =	shalt  }
0x7e: {  	_ =	shalt  }
0x7f: {  	_ =	shalt  }
0x80: {  	_ =	shalt  }
0x81: {  	_ =	shalt  }
0x82: {  	_ =	shalt  }
0x83: {  	_ =	shalt  }
0x84: {  	_ =	shalt  }
0x85: {  	_ =	shalt  }
0x86: {  	_ =	shalt  }
0x87: {  	_ =	shalt  }
.Lfunc_end0:
.L_simem_size_0:
called_computation_lowered:
.L_overlay_start_0:
0x88: {  	s2 =	sld [smem:$0x3FD9]  }
0x89: {  	s3 =	sld [smem:$0x3FFE];
	_ =	sdelay $0x1  }
0x8a: {  	s1 =	srdreg.scid  }
0x8b: {  	s0 =	sand.u32 $0x1, s1  }
0x8c: {  	s17 =	sshll.u32 s0, $0xA;
	s2 =	sadd.s32 s3, s2  }
0x8d: {  	s2 =	sadd.s32 s2, s17  }
0x8e: {  	[smem:$0x3FC0] =	sst s2  }
0x8f: {  	_ = 	snop  }
0x90: {  	s2 =	sld [smem:$0x3FD0];
	(tm) =	ssettm $0x1  }
0x91: {  	s18 =	sld [smem:$0x3FFB];
	_ =	sdelay $0x3  }
0x92: {  	_ =	strace s18  }
0x93: {  	s3 =	sld [smem:$0x3FFC];
	_ =	sdelay $0x3  }
0x94: {  	_ =	strace s3  }
0x95: {  	s3 =	sld [smem:$0x3FFD];
	_ =	sdelay $0x3  }
0x96: {  	_ =	strace s3  }
0x97: {  	_ =	strace $0x8FFFFFFF  }
0x98: {  	s19 =	sld [smem:$0x3FDB];
	_ =	sdelay $0x1  }
0x99: {  	s4 =	simm.s32 $_scs_section_size  }
0x9a: {  	s5 =	simm.s32 $_size__tile_overlayer_lowered;
	s6 =	simm.s32 $_tile_overlayer_lowered  }
0x9b: {  	s22 =	simm.s32 $0x1BFF;
	s21 =	sshll.u32 s6, $0x1;
	s3 =	sadd.s32 s4, s19  }
0x9c: {  	s7 =	simm.s32 $0x0;
	s20 =	sshll.u32 s5, $0x1;
	s5 =	sadd.s32 s21, s3  }
0x9d: {  	[timem:s7], [sflag:s22] =	dma.local [hbm:s5], s20  }
0x9e: {  	_ =	swait.ge [sflag:s22], s20  }
0x9f: {  	s4 =	ssub.s32 $0x0, s20;
	[sflag:s22] =	ssyncset.done $0x0  }
0xa0: {  	[sflag:s22] =	ssyncadd.s32 s4;
	_ =	sdelay $0x1  }
0xa1: {  	s23 =	simm.s32 $0x1B8B  }
0xa2: {  	_ =	swait.ge [sflag:s23], $0x1  }
0xa3: {  	[sflag:s23] =	ssyncset.done $0x0  }
0xa4: {  	s25 =	simm.s32 $0x1B8E;
	s24 =	sld [smem:$0x3FFE];
	[sflag:s23] =	ssyncadd.s32 $0xFFFFFFFF  }
0xa5: {  	s26 =	simm.s32 $execute0_lowered;
	[smem:$0x3FD2] =	sst s25  }
0xa6: {  	s5 =	sshll.u32 s26, $0x1;
	_ =	strace $0x80000046;
	[dreg:$0x1] =	wrdreg $0xFFFFFFFF  }
0xa7: {  	s28 =	simm.s32 $_size_execute0_lowered;
	s3 =	sadd.s32 s3, s5;
	[dreg:$0x0] =	wrdreg $0x0  }
0xa8: {  	s5 =	sshll.u32 s28, $0x1;
	[dreg:$0x2] =	wrdreg s3  }
0xa9: {  	[dreg:$0x3] =	wrdreg s5  }
0xaa: {  	[dreg:$0x4] =	wrdreg $0xC0  }
0xab: {  	_ =	task [dreg:s7], $0x5FFFF  }
0xac: {  	[dreg:$0x1] =	wrdreg $0xFFFFFFFF  }
0xad: {  	[dreg:$0x0] =	wrdreg $0x60  }
0xae: {  	[dreg:$0x2] =	wrdreg s24  }
0xaf: {  	[dreg:$0x3] =	wrdreg s2  }
0xb0: {  	[dreg:$0x4] =	wrdreg $0x0  }
0xb1: {  	[dreg:$0x5] =	wrdreg $0x9  }
0xb2: {  	_ =	task.clear_ibuf [dreg:s7], $0x6FFFF;
	_ =	strace $0x90000046  }
0xb3: {  	s29 =	simm.s32 $0x9;
	_ =	strace $0x80000048  }
0xb4: {  	_ =	swait.ge [sflag:s29], $0x1  }
0xb5: {  	[sflag:s29] =	ssyncadd.s32 $0xFFFFFFFF  }
0xb6: {  	_ =	strace $0x90000048  }
0xb7: {  	_ =	sfence  }
0xb8: {  	s30 =	sld [smem:$0x0];
	_ =	sdelay $0x2  }
0xb9: {  	s31 =	sshll.u32 s1, $0xD;
	s1 =	sshrl.u32 s1, $0x2  }
0xba: {  	s3 =	sand.u32 $0x4000, s31;
	s1 =	sadd.s32 s1, s30  }
0xbb: {  	s0 =	sor.u32 s3, s0;
	s1 =	sshll.u32 s1, $0x11  }
0xbc: {  	s0 =	sor.u32 s1, s0  }
0xbd: {  	s0 =	sadd.s32 $0x8F2B, s0  }
0xbe: {  	[sflag:s0] =	ssyncadd.remote.s32 $0x1  }
0xbf: {  	_ =	sfence.sel $0xFFFF  }
0xc0: {  	[dreg:$0x0] =	wrdreg $0xFFFFFFFF;
	(pc) =	sbr.abs _section_cstart, $3  }
0xc1: {  	[dreg:$0x1] =	wrdreg $0xFFFFFFFF  }
0xc2: {  	_ =	task.clear_ibuf [dreg:s7], $0x2FFFF;
	_ =	strace $0x9FFFFFFF  }
0xc3: {  	(tm) =	ssettm $0x7FFFFFFF  }
tec
execute0_lowered:
.L_overlay_start_1:
0x0: {  	(tag) =	ssettag $0x1  }
0x1: {  	s0 =	rddreg [dreg:$0x0]  }
0x2: {  	s3 =	rddreg [dreg:$0x1]  }
0x3: {  	s1 =	rddreg [dreg:$0x2];
	s2 =	simm.s32 $0x0;
	s6 =	srdreg.scid  }
0x4: {  	s12 =	stileid.u32;
	[smem:$0x7FF] =	sst s2  }
0x5: {  	s4 =	sadd.s32 $0xC4600, s0;
	s5 =	sadd.s32 $0xF5600, s0;
	s8 =	smul.u32 $0x30E00, s12  }
0x6: {  	s7 =	sand.u32 $0x1, s6;
	s6 =	sadd.s32 $0xDCE00, s0;
	s10 =	smul.u32 $0xC380, s12  }
0x7: {  	s0 =	sadd.s32 $0x10DE00, s0;
	_ =	strace $0x80000047;
	s9 =	ssub.s32 $0x2, s7  }
0x8: {  	[dreg:$0x4] =	wrdreg s0;
	s25 =	sshrl.u32 s9, $0x1;
	s14 =	sshrl.u32 s8, $0x2  }
0x9: {  	s26 =	sadd.s32 $0xC000, s10;
	s0 =	ssub.s32 s9, s25;
	s25 =	sadd.s32 s14, s1  }
0xa: {  	s20 =	sadd.s32 s26, s1;
	[dreg:$0x5] =	wrdreg s25  }
0xb: {  	s0 =	smax.u32 s0, $0x1;
	[dreg:$0x6] =	wrdreg s20  }
0xc: {  	s16 =	sadd.s32 $0x800, s25;
	[dreg:$0x8] =	wrdreg s0  }
0xd: {  	s17 =	sadd.s32 $0x1000, s25;
	[dreg:$0x9] =	wrdreg s16  }
0xe: {  	s18 =	sadd.s32 $0x1800, s25;
	[dreg:$0xa] =	wrdreg s17  }
0xf: {  	s19 =	sadd.s32 $0x2000, s25;
	[dreg:$0xb] =	wrdreg s18  }
0x10: {  	s21 =	sadd.s32 $0x2800, s25;
	[dreg:$0xc] =	wrdreg s19  }
0x11: {  	s28 =	simm.s32 $0x1;
	s22 =	sadd.s32 $0x3000, s25;
	[dreg:$0xd] =	wrdreg s21  }
0x12: {  	s11 =	smul.u32 $0xC3800, s7;
	s23 =	sadd.s32 $0x3800, s25;
	[dreg:$0xe] =	wrdreg s22  }
0x13: {  	s29 =	simm.s32 $0x2;
	s24 =	sadd.s32 $0x4000, s25;
	[dreg:$0xf] =	wrdreg s23  }
0x14: {  	s13 =	sadd.s32 s11, s26;
	s9 =	sadd.s32 $0x4800, s25;
	[dreg:$0x10] =	wrdreg s24  }
0x15: {  	s26 =	sadd.s32 s10, s11;
	s10 =	sadd.s32 $0x5000, s25;
	[dreg:$0x11] =	wrdreg s9  }
0x16: {  	s7 =	sshll.u32 s7, $0x4;
	s11 =	sadd.s32 $0x5800, s25;
	[dreg:$0x12] =	wrdreg s10  }
0x17: {  	s7 =	sor.u32 s12, s7;
	s12 =	sadd.s32 $0x6000, s25;
	[dreg:$0x13] =	wrdreg s11  }
0x18: {  	s15 =	sshrl.u32 s13, $0x3;
	s13 =	sadd.s32 $0x6800, s25;
	[dreg:$0x14] =	wrdreg s12  }
0x19: {  	s30 =	simm.s32 $0x3;
	s14 =	sadd.s32 $0x7000, s25;
	[dreg:$0x15] =	wrdreg s13  }
0x1a: {  	s8 =	smul.u32 $0x6200, s7;
	s7 =	sadd.s32 s3, s15;
	[dreg:$0x16] =	wrdreg s14  }
0x1b: {  	s31 =	simm.s32 $0x4;
	s15 =	sadd.s32 $0x7800, s25;
	[dreg:$0x7] =	wrdreg s7  }
0x1c: {  	s0 =	sshrl.u32 s26, $0x3;
	s16 =	sadd.s32 $0x8000, s25;
	[dreg:$0x17] =	wrdreg s15  }
0x1d: {  	s17 =	sadd.s32 $0x8800, s25;
	s18 =	sadd.s32 $0x9000, s25;
	[dreg:$0x18] =	wrdreg s16  }
0x1e: {  	s19 =	sadd.s32 $0x9800, s25;
	s21 =	sadd.s32 $0xA000, s25;
	[dreg:$0x19] =	wrdreg s17  }
0x1f: {  	s22 =	sadd.s32 $0xA800, s25;
	s23 =	sadd.s32 $0xB000, s25;
	[dreg:$0x1a] =	wrdreg s18  }
0x20: {  	s26 =	sadd.s32 $0xB800, s25;
	s14 =	simm.s32 $0xFF80;
	[dreg:$0x1b] =	wrdreg s19  }
0x21: {  	s11 =	simm.s32 $0x8;
	s12 =	simm.s32 $0xDD80;
	[dreg:$0x1c] =	wrdreg s21  }
0x22: {  	s13 =	simm.s32 $0xDE00;
	s10 =	simm.s32 $0xDE80;
	[dreg:$0x1d] =	wrdreg s22  }
0x23: {  	s9 =	simm.s32 $0xDF00;
	s24 =	sadd.s32 s0, s3;
	[dreg:$0x1e] =	wrdreg s23  }
0x24: {  	[dreg:$0x1f] =	wrdreg s26;
	s15 =	simm.s32 $0x9;
	s16 =	simm.s32 $0xC380  }
0x25: {  	s18 =	simm.s32 $0x80;
	s19 =	simm.s32 $0xDF80;
	s21 =	simm.s32 $0xE780  }
0x26: {  	s23 =	simm.s32 $0xEF80;
	s26 =	simm.s32 $0xF780;
	s0 =	simm.s32 $0x5  }
0x27: {  	s3 =	simm.s32 $0x6;
	s7 =	simm.s32 $0x7;
	s22 =	simm.s32 $0x0  }
.LBB2_1:
0x28: {  	[smem:$0x7FD] =	sst s22  }
0x29: {  	s17 =	rddreg [dreg:$0x4]  }
0x2a: {  	[tilespmem:s14], [sflag:$0x9] =	stream.linear.gather [hbm4b:s17+s2], $0x800, $0x38;
	[tilespmem:$0x10780] =	vst v63  }
0x2b: {  	_ =	swait.ge [sflag:s15], $0x800  }
0x2c: {  	[sflag:s15] =	ssyncset.done $0x0  }
0x2d: {  	[sflag:s15] =	ssyncadd.s32 $0xFFFFF800  }
0x2e: {  	[spmem:s25] =	stream.linear.scatter [tilespmem:s14], [sflag:$0x9], $0x800, $0x38;
	[tilespmem:$0x10780] =	vst v63  }
0x2f: {  	_ =	swait.ge [sflag:s15], $0x800  }
0x30: {  	[sflag:s15] =	ssyncset.done $0x0  }
0x31: {  	s25 =	rddreg [dreg:$0x9];
	[sflag:s15] =	ssyncadd.s32 $0xFFFFF800  }
0x32: {  	[spmem:s25] =	stream.linear.scatter [tilespmem:s14], [sflag:$0x9], $0x800, $0x38;
	[tilespmem:$0x10780] =	vst v63  }
0x33: {  	_ =	swait.ge [sflag:s15], $0x800  }
0x34: {  	[sflag:s15] =	ssyncset.done $0x0  }
0x35: {  	s22 =	rddreg [dreg:$0xa];
	[sflag:s15] =	ssyncadd.s32 $0xFFFFF800  }
0x36: {  	[spmem:s22] =	stream.linear.scatter [tilespmem:s14], [sflag:$0x9], $0x800, $0x38;
	[tilespmem:$0x10780] =	vst v63  }
0x37: {  	_ =	swait.ge [sflag:s15], $0x800  }
0x38: {  	[sflag:s15] =	ssyncset.done $0x0  }
0x39: {  	s25 =	rddreg [dreg:$0xb];
	[sflag:s15] =	ssyncadd.s32 $0xFFFFF800  }
0x3a: {  	[spmem:s25] =	stream.linear.scatter [tilespmem:s14], [sflag:$0x9], $0x800, $0x38;
	[tilespmem:$0x10780] =	vst v63  }
0x3b: {  	_ =	swait.ge [sflag:s15], $0x800  }
0x3c: {  	[sflag:s15] =	ssyncset.done $0x0  }
0x3d: {  	s22 =	rddreg [dreg:$0xc];
	[sflag:s15] =	ssyncadd.s32 $0xFFFFF800  }
0x3e: {  	[spmem:s22] =	stream.linear.scatter [tilespmem:s14], [sflag:$0x9], $0x800, $0x38;
	[tilespmem:$0x10780] =	vst v63  }
0x3f: {  	_ =	swait.ge [sflag:s15], $0x800  }
0x40: {  	[sflag:s15] =	ssyncset.done $0x0  }
0x41: {  	s25 =	rddreg [dreg:$0xd];
	[sflag:s15] =	ssyncadd.s32 $0xFFFFF800  }
0x42: {  	[spmem:s25] =	stream.linear.scatter [tilespmem:s14], [sflag:$0x9], $0x800, $0x38;
	[tilespmem:$0x10780] =	vst v63  }
0x43: {  	_ =	swait.ge [sflag:s15], $0x800  }
0x44: {  	[sflag:s15] =	ssyncset.done $0x0  }
0x45: {  	s22 =	rddreg [dreg:$0xe];
	[sflag:s15] =	ssyncadd.s32 $0xFFFFF800  }
0x46: {  	[spmem:s22] =	stream.linear.scatter [tilespmem:s14], [sflag:$0x9], $0x800, $0x38;
	[tilespmem:$0x10780] =	vst v63  }
0x47: {  	_ =	swait.ge [sflag:s15], $0x800  }
0x48: {  	[sflag:s15] =	ssyncset.done $0x0  }
0x49: {  	s25 =	rddreg [dreg:$0xf];
	[sflag:s15] =	ssyncadd.s32 $0xFFFFF800  }
0x4a: {  	[spmem:s25] =	stream.linear.scatter [tilespmem:s14], [sflag:$0x9], $0x800, $0x38;
	[tilespmem:$0x10780] =	vst v63  }
0x4b: {  	_ =	swait.ge [sflag:s15], $0x800  }
0x4c: {  	[sflag:s15] =	ssyncset.done $0x0  }
0x4d: {  	s22 =	rddreg [dreg:$0x10];
	[sflag:s15] =	ssyncadd.s32 $0xFFFFF800  }
0x4e: {  	[spmem:s22] =	stream.linear.scatter [tilespmem:s14], [sflag:$0x9], $0x800, $0x38;
	[tilespmem:$0x10780] =	vst v63  }
0x4f: {  	_ =	swait.ge [sflag:s15], $0x800  }
0x50: {  	[sflag:s15] =	ssyncset.done $0x0  }
0x51: {  	s25 =	rddreg [dreg:$0x11];
	[sflag:s15] =	ssyncadd.s32 $0xFFFFF800  }
0x52: {  	[spmem:s25] =	stream.linear.scatter [tilespmem:s14], [sflag:$0x9], $0x800, $0x38;
	[tilespmem:$0x10780] =	vst v63  }
0x53: {  	_ =	swait.ge [sflag:s15], $0x800  }
0x54: {  	[sflag:s15] =	ssyncset.done $0x0  }
0x55: {  	s22 =	rddreg [dreg:$0x12];
	[sflag:s15] =	ssyncadd.s32 $0xFFFFF800  }
0x56: {  	[spmem:s22] =	stream.linear.scatter [tilespmem:s14], [sflag:$0x9], $0x800, $0x38;
	[tilespmem:$0x10780] =	vst v63  }
0x57: {  	_ =	swait.ge [sflag:s15], $0x800  }
0x58: {  	[sflag:s15] =	ssyncset.done $0x0  }
0x59: {  	s25 =	rddreg [dreg:$0x13];
	[sflag:s15] =	ssyncadd.s32 $0xFFFFF800  }
0x5a: {  	[spmem:s25] =	stream.linear.scatter [tilespmem:s14], [sflag:$0x9], $0x800, $0x38;
	[tilespmem:$0x10780] =	vst v63  }
0x5b: {  	_ =	swait.ge [sflag:s15], $0x800  }
0x5c: {  	[sflag:s15] =	ssyncset.done $0x0  }
0x5d: {  	s22 =	rddreg [dreg:$0x14];
	[sflag:s15] =	ssyncadd.s32 $0xFFFFF800  }
0x5e: {  	[spmem:s22] =	stream.linear.scatter [tilespmem:s14], [sflag:$0x9], $0x800, $0x38;
	[tilespmem:$0x10780] =	vst v63  }
0x5f: {  	_ =	swait.ge [sflag:s15], $0x800  }
0x60: {  	[sflag:s15] =	ssyncset.done $0x0  }
0x61: {  	s25 =	rddreg [dreg:$0x15];
	[sflag:s15] =	ssyncadd.s32 $0xFFFFF800  }
0x62: {  	[spmem:s25] =	stream.linear.scatter [tilespmem:s14], [sflag:$0x9], $0x800, $0x38;
	[tilespmem:$0x10780] =	vst v63  }
0x63: {  	_ =	swait.ge [sflag:s15], $0x800  }
0x64: {  	[sflag:s15] =	ssyncset.done $0x0  }
0x65: {  	s22 =	rddreg [dreg:$0x16];
	[sflag:s15] =	ssyncadd.s32 $0xFFFFF800  }
0x66: {  	[spmem:s22] =	stream.linear.scatter [tilespmem:s14], [sflag:$0x9], $0x800, $0x38;
	[tilespmem:$0x10780] =	vst v63  }
0x67: {  	_ =	swait.ge [sflag:s15], $0x800  }
0x68: {  	[sflag:s15] =	ssyncset.done $0x0  }
0x69: {  	s25 =	rddreg [dreg:$0x17];
	[sflag:s15] =	ssyncadd.s32 $0xFFFFF800  }
0x6a: {  	[spmem:s25] =	stream.linear.scatter [tilespmem:s14], [sflag:$0x9], $0x800, $0x38;
	[tilespmem:$0x10780] =	vst v63  }
0x6b: {  	_ =	swait.ge [sflag:s15], $0x800  }
0x6c: {  	[sflag:s15] =	ssyncset.done $0x0  }
0x6d: {  	s22 =	rddreg [dreg:$0x18];
	[sflag:s15] =	ssyncadd.s32 $0xFFFFF800  }
0x6e: {  	[spmem:s22] =	stream.linear.scatter [tilespmem:s14], [sflag:$0x9], $0x800, $0x38;
	[tilespmem:$0x10780] =	vst v63  }
0x6f: {  	_ =	swait.ge [sflag:s15], $0x800  }
0x70: {  	[sflag:s15] =	ssyncset.done $0x0  }
0x71: {  	s25 =	rddreg [dreg:$0x19];
	[sflag:s15] =	ssyncadd.s32 $0xFFFFF800  }
0x72: {  	[spmem:s25] =	stream.linear.scatter [tilespmem:s14], [sflag:$0x9], $0x800, $0x38;
	[tilespmem:$0x10780] =	vst v63  }
0x73: {  	_ =	swait.ge [sflag:s15], $0x800  }
0x74: {  	[sflag:s15] =	ssyncset.done $0x0  }
0x75: {  	s22 =	rddreg [dreg:$0x1a];
	[sflag:s15] =	ssyncadd.s32 $0xFFFFF800  }
0x76: {  	[spmem:s22] =	stream.linear.scatter [tilespmem:s14], [sflag:$0x9], $0x800, $0x38;
	[tilespmem:$0x10780] =	vst v63  }
0x77: {  	_ =	swait.ge [sflag:s15], $0x800  }
0x78: {  	[sflag:s15] =	ssyncset.done $0x0  }
0x79: {  	s25 =	rddreg [dreg:$0x1b];
	[sflag:s15] =	ssyncadd.s32 $0xFFFFF800  }
0x7a: {  	[spmem:s25] =	stream.linear.scatter [tilespmem:s14], [sflag:$0x9], $0x800, $0x38;
	[tilespmem:$0x10780] =	vst v63  }
0x7b: {  	_ =	swait.ge [sflag:s15], $0x800  }
0x7c: {  	[sflag:s15] =	ssyncset.done $0x0  }
0x7d: {  	s22 =	rddreg [dreg:$0x1c];
	[sflag:s15] =	ssyncadd.s32 $0xFFFFF800  }
0x7e: {  	[spmem:s22] =	stream.linear.scatter [tilespmem:s14], [sflag:$0x9], $0x800, $0x38;
	[tilespmem:$0x10780] =	vst v63  }
0x7f: {  	_ =	swait.ge [sflag:s15], $0x800  }
0x80: {  	[sflag:s15] =	ssyncset.done $0x0  }
0x81: {  	s25 =	rddreg [dreg:$0x1d];
	[sflag:s15] =	ssyncadd.s32 $0xFFFFF800  }
0x82: {  	[spmem:s25] =	stream.linear.scatter [tilespmem:s14], [sflag:$0x9], $0x800, $0x38;
	[tilespmem:$0x10780] =	vst v63  }
0x83: {  	_ =	swait.ge [sflag:s15], $0x800  }
0x84: {  	[sflag:s15] =	ssyncset.done $0x0  }
0x85: {  	s22 =	rddreg [dreg:$0x1e];
	[sflag:s15] =	ssyncadd.s32 $0xFFFFF800  }
0x86: {  	[spmem:s22] =	stream.linear.scatter [tilespmem:s14], [sflag:$0x9], $0x800, $0x38;
	[tilespmem:$0x10780] =	vst v63  }
0x87: {  	_ =	swait.ge [sflag:s15], $0x800  }
0x88: {  	[sflag:s15] =	ssyncset.done $0x0  }
0x89: {  	s25 =	rddreg [dreg:$0x1f];
	[sflag:s15] =	ssyncadd.s32 $0xFFFFF800  }
0x8a: {  	[spmem:s25] =	stream.linear.scatter [tilespmem:s14], [sflag:$0x9], $0x800, $0x38;
	[tilespmem:$0x10780] =	vst v63  }
0x8b: {  	_ =	swait.ge [sflag:s15], $0x800  }
0x8c: {  	[sflag:s15] =	ssyncset.done $0x0  }
0x8d: {  	[sflag:s15] =	ssyncadd.s32 $0xFFFFF800  }
0x8e: {  	[spmem:s20] =	stream.linear.scatter [tilespmem:s14], [sflag:$0x9], $0x380, $0x38;
	[tilespmem:$0x10780] =	vst v63  }
0x8f: {  	_ =	swait.ge [sflag:s15], $0x380  }
0x90: {  	[sflag:s15] =	ssyncset.done $0x0  }
0x91: {  	[sflag:s15] =	ssyncadd.s32 $0xFFFFFC80  }
0x92: {  	s17 =	simm.s32 $0x0;
	[bflag:$0x0] =	sbarrier.arrive $0xFFFF  }
.LBB2_2:
0x93: {  	s20 =	smul.u32 $0xE00, s17;
	_ =	sdelay $0x1  }
0x94: {  	s20 =	sadd.s32 s8, s20  }
0x95: {  	s20 =	sshrl.u32 s20, $0x3  }
0x96: {  	s25 =	simm.s32 $0x0;
	s22 =	sadd.s32 s5, s20  }
0x97: {  	[tilespmem:s16], [sflag:$0x9] =	stream.linear.gather [hbm4b:s22+s25], $0xE00, $0x38;
	[tilespmem:$0x10780] =	vst v63  }
0x98: {  	_ =	swait.ge [sflag:s15], $0xE00  }
0x99: {  	[sflag:s15] =	ssyncset.done $0x0  }
0x9a: {  	s20 =	sadd.s32 s6, s20;
	s22 =	simm.s32 $0xD180;
	[sflag:s15] =	ssyncadd.s32 $0xFFFFF200  }
0x9b: {  	[tilespmem:s22], [sflag:$0x9] =	stream.linear.gather [hbm4b:s20+s25], $0xE00, $0x38;
	[tilespmem:$0x10780] =	vst v63  }
0x9c: {  	_ =	swait.ge [sflag:s15], $0xE00  }
0x9d: {  	[sflag:s15] =	ssyncset.done $0x0  }
0x9e: {  	[sflag:s15] =	ssyncadd.s32 $0xFFFFF200  }
0x9f: {  	[tilespmem:s19], [sflag:$0x1] =	stream.indirect.gather [hbm4b:s4+s18], $0x10, s16, s18, $0xb8;
	[tilespmem:$0x10780] =	vst v63  }
0xa0: {  	s22 =	simm.s32 $0xC400  }
0xa1: {  	[tilespmem:s21], [sflag:$0x2] =	stream.indirect.gather [hbm4b:s4+s18], $0x10, s22, s18, $0xb8;
	[tilespmem:$0x10780] =	vst v63  }
0xa2: {  	s25 =	simm.s32 $0xC480  }
0xa3: {  	[tilespmem:s23], [sflag:$0x3] =	stream.indirect.gather [hbm4b:s4+s18], $0x10, s25, s18, $0xb8;
	[tilespmem:$0x10780] =	vst v63  }
0xa4: {  	s22 =	simm.s32 $0xC500  }
0xa5: {  	[tilespmem:s26], [sflag:$0x4] =	stream.indirect.gather [hbm4b:s4+s18], $0x10, s22, s18, $0xb8;
	[tilespmem:$0x10780] =	vst v63  }
0xa6: {  	_ =	swait.ge [sflag:s28], $0x800  }
0xa7: {  	[sflag:s28] =	ssyncset.done $0x0  }
0xa8: {  	s25 =	simm.s32 $0xD180;
	[sflag:s28] =	ssyncadd.s32 $0xFFFFF800  }
0xa9: {  	[spmem:s1] =	stream.indirect.scatter.add.f32 [tilespmem:s19], [sflag:$0x5], $0x10, s25, s18, $0xb8;
	[tilespmem:$0x10780] =	vst v63  }
0xaa: {  	_ =	swait.ge [sflag:s29], $0x800  }
0xab: {  	[sflag:s29] =	ssyncset.done $0x0  }
0xac: {  	s22 =	simm.s32 $0xD200;
	[sflag:s29] =	ssyncadd.s32 $0xFFFFF800  }
0xad: {  	[spmem:s1] =	stream.indirect.scatter.add.f32 [tilespmem:s21], [sflag:$0x6], $0x10, s22, s18, $0xb8;
	[tilespmem:$0x10780] =	vst v63  }
0xae: {  	_ =	swait.ge [sflag:s30], $0x800  }
0xaf: {  	[sflag:s30] =	ssyncset.done $0x0  }
0xb0: {  	s25 =	simm.s32 $0xD280;
	[sflag:s30] =	ssyncadd.s32 $0xFFFFF800  }
0xb1: {  	[spmem:s1] =	stream.indirect.scatter.add.f32 [tilespmem:s23], [sflag:$0x7], $0x10, s25, s18, $0xb8;
	[tilespmem:$0x10780] =	vst v63  }
0xb2: {  	_ =	swait.ge [sflag:s31], $0x800  }
0xb3: {  	[sflag:s31] =	ssyncset.done $0x0  }
0xb4: {  	s22 =	simm.s32 $0xD300;
	[sflag:s31] =	ssyncadd.s32 $0xFFFFF800  }
0xb5: {  	[spmem:s1] =	stream.indirect.scatter.add.f32 [tilespmem:s26], [sflag:$0x8], $0x10, s22, s18, $0xb8;
	[tilespmem:$0x10780] =	vst v63  }
0xb6: {  	_ =	swait.ge [sflag:s0], $0x800  }
0xb7: {  	[sflag:s0] =	ssyncset.done $0x0  }
0xb8: {  	s25 =	simm.s32 $0xC580;
	[sflag:s0] =	ssyncadd.s32 $0xFFFFF800  }
0xb9: {  	[tilespmem:s19], [sflag:$0x1] =	stream.indirect.gather [hbm4b:s4+s18], $0x10, s25, s18, $0xb8;
	[tilespmem:$0x10780] =	vst v63  }
0xba: {  	_ =	swait.ge [sflag:s3], $0x800  }
0xbb: {  	[sflag:s3] =	ssyncset.done $0x0  }
0xbc: {  	s22 =	simm.s32 $0xC600;
	[sflag:s3] =	ssyncadd.s32 $0xFFFFF800  }
0xbd: {  	[tilespmem:s21], [sflag:$0x2] =	stream.indirect.gather [hbm4b:s4+s18], $0x10, s22, s18, $0xb8;
	[tilespmem:$0x10780] =	vst v63  }
0xbe: {  	_ =	swait.ge [sflag:s7], $0x800  }
0xbf: {  	[sflag:s7] =	ssyncset.done $0x0  }
0xc0: {  	s25 =	simm.s32 $0xC680;
	[sflag:s7] =	ssyncadd.s32 $0xFFFFF800  }
0xc1: {  	[tilespmem:s23], [sflag:$0x3] =	stream.indirect.gather [hbm4b:s4+s18], $0x10, s25, s18, $0xb8;
	[tilespmem:$0x10780] =	vst v63  }
0xc2: {  	_ =	swait.ge [sflag:s11], $0x800  }
0xc3: {  	[sflag:s11] =	ssyncset.done $0x0  }
0xc4: {  	s20 =	simm.s32 $0x800;
	s22 =	simm.s32 $0xC700;
	[sflag:s11] =	ssyncadd.s32 $0xFFFFF800  }
.LBB2_3:
0xc5: {  	[tilespmem:s26], [sflag:$0x4] =	stream.indirect.gather [hbm4b:s4+s18], $0x10, s22, s18, $0xb8;
	[tilespmem:$0x10780] =	vst v63  }
0xc6: {  	s22 =	smov.u32 s20  }
0xc7: {  	p0 =	sne.s32 s20, $0x2800;
	s20 =	sadd.s32 $0x800, s20;
	_ =	swait.ge [sflag:s28], $0x800  }
0xc8: {  	s22 =	sshra.s32 s22, $0x2;
	[sflag:s28] =	ssyncset.done $0x0  }
0xc9: {  	s25 =	sadd.s32 $0xD180, s22;
	[sflag:s28] =	ssyncadd.s32 $0xFFFFF800  }
0xca: {  	[spmem:s1] =	stream.indirect.scatter.add.f32 [tilespmem:s19], [sflag:$0x5], $0x10, s25, s18, $0xb8;
	[tilespmem:$0x10780] =	vst v63  }
0xcb: {  	_ =	swait.ge [sflag:s29], $0x800  }
0xcc: {  	[sflag:s29] =	ssyncset.done $0x0  }
0xcd: {  	s25 =	sadd.s32 $0xD200, s22;
	[sflag:s29] =	ssyncadd.s32 $0xFFFFF800  }
0xce: {  	[spmem:s1] =	stream.indirect.scatter.add.f32 [tilespmem:s21], [sflag:$0x6], $0x10, s25, s18, $0xb8;
	[tilespmem:$0x10780] =	vst v63  }
0xcf: {  	_ =	swait.ge [sflag:s30], $0x800  }
0xd0: {  	[sflag:s30] =	ssyncset.done $0x0  }
0xd1: {  	s25 =	sadd.s32 $0xD280, s22;
	[sflag:s30] =	ssyncadd.s32 $0xFFFFF800  }
0xd2: {  	[spmem:s1] =	stream.indirect.scatter.add.f32 [tilespmem:s23], [sflag:$0x7], $0x10, s25, s18, $0xb8;
	[tilespmem:$0x10780] =	vst v63  }
0xd3: {  	_ =	swait.ge [sflag:s31], $0x800  }
0xd4: {  	[sflag:s31] =	ssyncset.done $0x0  }
0xd5: {  	s25 =	sadd.s32 $0xD300, s22;
	[sflag:s31] =	ssyncadd.s32 $0xFFFFF800  }
0xd6: {  	[spmem:s1] =	stream.indirect.scatter.add.f32 [tilespmem:s26], [sflag:$0x8], $0x10, s25, s18, $0xb8;
	[tilespmem:$0x10780] =	vst v63  }
0xd7: {  	_ =	swait.ge [sflag:s0], $0x800  }
0xd8: {  	[sflag:s0] =	ssyncset.done $0x0  }
0xd9: {  	s25 =	sadd.s32 $0xC580, s22;
	[sflag:s0] =	ssyncadd.s32 $0xFFFFF800  }
0xda: {  	[tilespmem:s19], [sflag:$0x1] =	stream.indirect.gather [hbm4b:s4+s18], $0x10, s25, s18, $0xb8;
	[tilespmem:$0x10780] =	vst v63  }
0xdb: {  	_ =	swait.ge [sflag:s3], $0x800  }
0xdc: {  	[sflag:s3] =	ssyncset.done $0x0  }
0xdd: {  	s25 =	sadd.s32 $0xC600, s22;
	[sflag:s3] =	ssyncadd.s32 $0xFFFFF800  }
0xde: {  	[tilespmem:s21], [sflag:$0x2] =	stream.indirect.gather [hbm4b:s4+s18], $0x10, s25, s18, $0xb8;
	[tilespmem:$0x10780] =	vst v63  }
0xdf: {  	_ =	swait.ge [sflag:s7], $0x800  }
0xe0: {  	[sflag:s7] =	ssyncset.done $0x0  }
.Ltmp0:
0xe1: {  	s25 =	sadd.s32 $0xC680, s22;
	[sflag:s7] =	ssyncadd.s32 $0xFFFFF800;
	(pc) =	sbr.rel @p0 .LBB2_3-.Ltmp0, $4  }
0xe2: {  	[tilespmem:s23], [sflag:$0x3] =	stream.indirect.gather [hbm4b:s4+s18], $0x10, s25, s18, $0xb8;
	[tilespmem:$0x10780] =	vst v63  }
0xe3: {  	_ =	swait.ge [sflag:s11], $0x800  }
0xe4: {  	[sflag:s11] =	ssyncset.done $0x0  }
0xe5: {  	s22 =	sadd.s32 $0xC700, s22;
	[sflag:s11] =	ssyncadd.s32 $0xFFFFF800  }
0xe6: {  	[tilespmem:s26], [sflag:$0x4] =	stream.indirect.gather [hbm4b:s4+s18], $0x10, s22, s18, $0xb8;
	[tilespmem:$0x10780] =	vst v63  }
0xe7: {  	_ =	swait.ge [sflag:s28], $0x800  }
0xe8: {  	[sflag:s28] =	ssyncset.done $0x0  }
0xe9: {  	[sflag:s28] =	ssyncadd.s32 $0xFFFFF800  }
0xea: {  	[spmem:s1] =	stream.indirect.scatter.add.f32 [tilespmem:s19], [sflag:$0x5], $0x10, s12, s18, $0xb8;
	[tilespmem:$0x10780] =	vst v63  }
0xeb: {  	_ =	swait.ge [sflag:s29], $0x800  }
0xec: {  	[sflag:s29] =	ssyncset.done $0x0  }
0xed: {  	[sflag:s29] =	ssyncadd.s32 $0xFFFFF800  }
0xee: {  	[spmem:s1] =	stream.indirect.scatter.add.f32 [tilespmem:s21], [sflag:$0x6], $0x10, s13, s18, $0xb8;
	[tilespmem:$0x10780] =	vst v63  }
0xef: {  	_ =	swait.ge [sflag:s30], $0x800  }
0xf0: {  	[sflag:s30] =	ssyncset.done $0x0  }
0xf1: {  	[sflag:s30] =	ssyncadd.s32 $0xFFFFF800  }
0xf2: {  	[spmem:s1] =	stream.indirect.scatter.add.f32 [tilespmem:s23], [sflag:$0x7], $0x10, s10, s18, $0xb8;
	[tilespmem:$0x10780] =	vst v63  }
0xf3: {  	_ =	swait.ge [sflag:s31], $0x800  }
0xf4: {  	[sflag:s31] =	ssyncset.done $0x0  }
0xf5: {  	[sflag:s31] =	ssyncadd.s32 $0xFFFFF800  }
0xf6: {  	[spmem:s1] =	stream.indirect.scatter.add.f32 [tilespmem:s26], [sflag:$0x8], $0x10, s9, s18, $0xb8;
	[tilespmem:$0x10780] =	vst v63  }
0xf7: {  	_ =	swait.ge [sflag:s0], $0x800  }
0xf8: {  	[sflag:s0] =	ssyncset.done $0x0  }
0xf9: {  	[sflag:s0] =	ssyncadd.s32 $0xFFFFF800  }
0xfa: {  	_ =	swait.ge [sflag:s3], $0x800  }
0xfb: {  	[sflag:s3] =	ssyncset.done $0x0  }
0xfc: {  	s17 =	sadd.s32 $0x1, s17;
	[sflag:s3] =	ssyncadd.s32 $0xFFFFF800  }
0xfd: {  	p0 =	sne.s32 s17, $0x7;
	_ =	swait.ge [sflag:s7], $0x800  }
.Ltmp1:
0xfe: {  	[sflag:s7] =	ssyncset.done $0x0;
	(pc) =	sbr.rel @p0 .LBB2_2-.Ltmp1, $4  }
0xff: {  	[sflag:s7] =	ssyncadd.s32 $0xFFFFF800  }
0x100: {  	_ =	swait.ge [sflag:s11], $0x800  }
0x101: {  	[sflag:s11] =	ssyncset.done $0x0  }
0x102: {  	[sflag:s11] =	ssyncadd.s32 $0xFFFFF800  }
0x103: {  	[bflag:$0x0] =	sbarrier.arrive $0xFFFF  }
0x104: {  	s25 =	rddreg [dreg:$0x5]  }
0x105: {  	[tilespmem:s14], [sflag:$0x9] =	stream.linear.gather [spmem:s25], $0x800, $0x38;
	[tilespmem:$0x10780] =	vst v63  }
0x106: {  	_ =	swait.ge [sflag:s15], $0x800  }
0x107: {  	[sflag:s15] =	ssyncset.done $0x0  }
0x108: {  	s17 =	sadd.s32 $0x0, s24;
	[sflag:s15] =	ssyncadd.s32 $0xFFFFF800  }
0x109: {  	[hbm4b:s17+s2] =	stream.linear.scatter [tilespmem:s14], [sflag:$0x9], $0x800, $0x38;
	[tilespmem:$0x10780] =	vst v63  }
0x10a: {  	_ =	swait.ge [sflag:s15], $0x800  }
0x10b: {  	s20 =	smov.u32 s25;
	s17 =	simm.s32 $0x100;
	[sflag:s15] =	ssyncset.done $0x0  }
.LBB2_6:
0x10c: {  	p0 =	sne.s32 s17, $0x1700;
	[sflag:s15] =	ssyncadd.s32 $0xFFFFF800;
	s20 =	sadd.s32 $0x800, s20  }
0x10d: {  	[tilespmem:s14], [sflag:$0x9] =	stream.linear.gather [spmem:s20], $0x800, $0x38;
	[tilespmem:$0x10780] =	vst v63  }
0x10e: {  	s22 =	smov.u32 s17;
	s17 =	sadd.s32 $0x100, s17;
	_ =	swait.ge [sflag:s15], $0x800  }
.Ltmp2:
0x10f: {  	[sflag:s15] =	ssyncset.done $0x0;
	(pc) =	sbr.rel @p0 .LBB2_6-.Ltmp2, $4  }
0x110: {  	s22 =	sadd.s32 s22, s24;
	[sflag:s15] =	ssyncadd.s32 $0xFFFFF800  }
0x111: {  	[hbm4b:s22+s2] =	stream.linear.scatter [tilespmem:s14], [sflag:$0x9], $0x800, $0x38;
	[tilespmem:$0x10780] =	vst v63  }
0x112: {  	_ =	swait.ge [sflag:s15], $0x800  }
0x113: {  	[sflag:s15] =	ssyncset.done $0x0  }
0x114: {  	[sflag:s15] =	ssyncadd.s32 $0xFFFFF800;
	s20 =	rddreg [dreg:$0x6]  }
0x115: {  	[tilespmem:s14], [sflag:$0x9] =	stream.linear.gather [spmem:s20], $0x380, $0x38;
	[tilespmem:$0x10780] =	vst v63  }
0x116: {  	_ =	swait.ge [sflag:s15], $0x380  }
0x117: {  	[sflag:s15] =	ssyncset.done $0x0  }
0x118: {  	s17 =	rddreg [dreg:$0x7];
	[sflag:s15] =	ssyncadd.s32 $0xFFFFFC80  }
0x119: {  	[hbm4b:s17+s2] =	stream.linear.scatter [tilespmem:s14], [sflag:$0x9], $0x380, $0x38;
	[tilespmem:$0x10780] =	vst v63  }
0x11a: {  	_ =	swait.ge [sflag:s15], $0x380  }
0x11b: {  	s22 =	sld [smem:$0x7FD];
	_ =	sdelay $0x2  }
0x11c: {  	s17 =	rddreg [dreg:$0x8];
	s22 =	sadd.s32 $0x1, s22  }
0x11d: {  	p0 =	sne.s32 s22, s17  }
.Ltmp3:
0x11e: {  	_ = 	snop;
	(pc) =	sbr.rel @p0 .LBB2_1-.Ltmp3, $3  }
0x11f: {  	_ =	sdelay $0x1  }
0x120: {  	[sflag:s15] =	ssyncset.done $0x0  }
0x121: {  	[sflag:s15] =	ssyncadd.s32 $0xFFFFFC80  }
0x122: {  	_ =	sfence.sel $0x180000  }
0x123: {  	[bflag:$0x0] =	sbarrier.arrive $0xFFFF  }
0x124: {  	_ =	strace $0x90000047  }
0x125: {  	s0 =	stileid.u32;
	[bflag:$0x2] =	sbarrier.arrive $0xFFFF  }
0x126: {  	p0 =	sne.s32 s0, $0x0;
	s0 =	rddreg [dreg:$0x3]  }
0x127: {  	s0 =	sadd.s32 @!p0 $0x100000, s0  }
0x128: {  	[sflag:s0] =	ssyncadd.tile.s32 @!p0 $0x1;
	_ =	shalt  }
.Lfunc_end2:
_tile_overlayer_lowered:
.L_overlay_start_2:
0x129: {  	(tag) =	ssettag $0x2  }
0x12a: {  	s0 =	rddreg [dreg:$0x0];
	s2 =	stileid.u32  }
0x12b: {  	s1 =	rddreg [dreg:$0x1];
	p0 =	sne.s32 s2, $0x0  }
0x12c: {  	s3 =	rddreg [dreg:$0x2];
	[bflag:$0x3] =	sbarrier.arrive $0xFFFF;
	s2 =	simm.s32 @!p0 $0x1C09  }
0x12d: {  	[timem:s3], [sflag:s2] =	dma.local @!p0 [hbm:s0], s1  }
0x12e: {  	s0 =	simm.s32 @!p0 $0x9  }
0x12f: {  	_ =	swait.ge @!p0 [sflag:s0], s1  }
0x130: {  	s1 =	ssub.s32 @!p0 $0x0, s1;
	[sflag:s0] =	ssyncset.done @!p0 $0x0  }
0x131: {  	[sflag:s0] =	ssyncadd.s32 @!p0 s1  }
0x132: {  	[bflag:$0x3] =	sbarrier.arrive $0xFFFF  }
0x133: {  	_ =	shalt  }

// kernel: kernel.9.cloned.1.call-start
scs
__scs_entry_jumppad:
0x0: {  	(pc) =	sbr.rel $0x88, $3  }
0x1: {  	(tag) =	ssettag $0x0;
	lr =	simm.s32 $0x1  }
0x2: {  	[smem:$0x3F99] =	sst lr;
	_ =	strace $0xD0000000  }
0x3: {  	_ = 	snop  }
0x4: {  	_ = 	snop  }
0x5: {  	_ = 	snop  }
0x6: {  	_ = 	snop  }
0x7: {  	_ = 	snop  }
__scs_overlays_trampoline_lowered:
0x8: {  	[smem:$0x3FA8] =	sst s0  }
0x9: {  	[smem:$0x3FA9] =	sst s1  }
0xa: {  	[smem:$0x3FAA] =	sst s2  }
0xb: {  	[smem:$0x3FAB] =	sst s3  }
0xc: {  	[smem:$0x3FAC] =	sst s4  }
0xd: {  	[smem:$0x3FAD] =	sst s5  }
0xe: {  	[smem:$0x3FAE] =	sst s6  }
0xf: {  	[smem:$0x3FAF] =	sst s7  }
0x10: {  	[smem:$0x3FB0] =	sst s8  }
0x11: {  	[smem:$0x3FB1] =	sst s9;
	s0 =	simm.s32 @!p0 $0x0  }
0x12: {  	s1 =	sld [smem:$0x3F97];
	s0 =	simm.s32 @p0 $0x1  }
0x13: {  	[smem:$0x3FB2] =	sst s0;
	s0 =	simm.s32 @!p1 $0x0  }
0x14: {  	s2 =	sld [smem:$0x3F96];
	s0 =	simm.s32 @p1 $0x1  }
0x15: {  	[smem:$0x3FB3] =	sst s0;
	s0 =	simm.s32 @!p2 $0x0  }
0x16: {  	s3 =	sld [smem:$0x3FDB];
	s0 =	simm.s32 @p2 $0x1  }
0x17: {  	s4 =	simm.s32 $0x1BF5;
	[smem:$0x3FB5] =	sst s0  }
0x18: {  	s0 =	sld [smem:$0x3F98];
	_ =	swait.ge [sflag:s4], $0x0  }
0x19: {  	s7 =	sld [smem:$0x3F99]  }
0x1a: {  	s8 =	sadd.s32 $0xFFFFE003, lr  }
0x1b: {  	s9 =	sadd.s32 $0xFFFFFEF7, lr;
	s5 =	simm.s32 $0xFFFFFFFF;
	p2 =	slt.u32 s8, $0xFFFFF086  }
0x1c: {  	p1 =	slt.u32 s9, $0xF7A;
	s5 =	simm.s32 @!p2 $0x0  }
0x1d: {  	s5 =	simm.s32 @p1 $0x1;
	p0 =	seq.s32 s7, s2  }
0x1e: {  	s7 =	smul.u32 @!p0 $0xF7A, s2;
	p2 =	seq.s32 @!p0 s5, $0x0  }
0x1f: {  	s9 =	smul.u32 $0xF7A, s1;
	s8 =	simm.s32 @!p0 $0x1BF5;
	p2 =	por !p2, p0  }
0x20: {  	[sflag:s8] =	ssyncset.s32 @!p0 $0xFFFFF086;
	s6 =	sadd.s32 @!p0 s3, s7;
	s7 =	simm.s32 @!p0 $0x108  }
0x21: {  	s3 =	sadd.s32 s3, s9;
	s6 =	sadd.s32 @!p0 $0x88, s6;
	s7 =	simm.s32 @p2 $0x1082  }
0x22: {  	[simem:s7], [sflag:s8] =	dma.local @!p0 [hbm:s6], $0xF7A  }
0x23: {  	s9 =	sor.u32 $0xD0000000, s2;
	s6 =	simm.s32 $0x108;
	_ =	swait.ge @!p0 [sflag:s8], $0x0  }
0x24: {  	s3 =	sadd.s32 $0x88, s3;
	s6 =	simm.s32 @!p1 $0x1082;
	[sflag:s4] =	ssyncset.s32 $0xFFFFF086  }
0x25: {  	[simem:s6], [sflag:s4] =	dma.local [hbm:s3], $0xF7A  }
0x26: {  	[smem:$0x3F99] =	sst s1;
	(tag) =	ssettag s2;
	_ =	strace s9  }
0x27: {  	s1 =	sld [smem:$0x3FA9]  }
0x28: {  	s2 =	sld [smem:$0x3FAA]  }
0x29: {  	s4 =	sld [smem:$0x3FAC]  }
0x2a: {  	p0 =	seq.s32 s5, $0x0;
	s5 =	sld [smem:$0x3FAD]  }
0x2b: {  	s6 =	sld [smem:$0x3FAE]  }
0x2c: {  	s7 =	sld [smem:$0x3FAF]  }
0x2d: {  	s3 =	simm.s32 $0x108;
	s8 =	sld [smem:$0x3FB0]  }
0x2e: {  	s3 =	simm.s32 @!p0 $0x1082;
	s9 =	sld [smem:$0x3FB1]  }
0x2f: {  	lr =	sadd.s32 s0, s3;
	s0 =	sld [smem:$0x3FA8]  }
0x30: {  	s3 =	sld [smem:$0x3FAB]  }
0x31: {  	[smem:$0x3FB4] =	sst s10  }
0x32: {  	s10 =	sld [smem:$0x3FB2];
	_ =	sdelay $0x3  }
0x33: {  	p0 =	seq.s32 s10, $0x1;
	s10 =	sld [smem:$0x3FB4];
	_ =	sdelay $0x3  }
0x34: {  	[smem:$0x3FB4] =	sst s10  }
0x35: {  	s10 =	sld [smem:$0x3FB3];
	_ =	sdelay $0x3  }
0x36: {  	p1 =	seq.s32 s10, $0x1;
	s10 =	sld [smem:$0x3FB4];
	_ =	sdelay $0x3  }
0x37: {  	[smem:$0x3FB4] =	sst s10  }
0x38: {  	s10 =	sld [smem:$0x3FB5]  }
0x39: {  	_ = 	snop;
	(pc) =	sbr.ind lr, $3  }
0x3a: {  	_ = 	snop  }
0x3b: {  	_ = 	snop  }
0x3c: {  	p2 =	seq.s32 s10, $0x1;
	s10 =	sld [smem:$0x3FB4]  }
0x3d: {  	_ =	shalt  }
0x3e: {  	_ =	shalt  }
0x3f: {  	_ =	shalt  }
0x40: {  	_ =	shalt  }
0x41: {  	_ =	shalt  }
0x42: {  	_ =	shalt  }
0x43: {  	_ =	shalt  }
0x44: {  	_ =	shalt  }
0x45: {  	_ =	shalt  }
0x46: {  	_ =	shalt  }
0x47: {  	_ =	shalt  }
0x48: {  	_ =	shalt  }
0x49: {  	_ =	shalt  }
0x4a: {  	_ =	shalt  }
0x4b: {  	_ =	shalt  }
0x4c: {  	_ =	shalt  }
0x4d: {  	_ =	shalt  }
0x4e: {  	_ =	shalt  }
0x4f: {  	_ =	shalt  }
0x50: {  	_ =	shalt  }
0x51: {  	_ =	shalt  }
0x52: {  	_ =	shalt  }
0x53: {  	_ =	shalt  }
0x54: {  	_ =	shalt  }
0x55: {  	_ =	shalt  }
0x56: {  	_ =	shalt  }
0x57: {  	_ =	shalt  }
0x58: {  	_ =	shalt  }
0x59: {  	_ =	shalt  }
0x5a: {  	_ =	shalt  }
0x5b: {  	_ =	shalt  }
0x5c: {  	_ =	shalt  }
0x5d: {  	_ =	shalt  }
0x5e: {  	_ =	shalt  }
0x5f: {  	_ =	shalt  }
0x60: {  	_ =	shalt  }
0x61: {  	_ =	shalt  }
0x62: {  	_ =	shalt  }
0x63: {  	_ =	shalt  }
0x64: {  	_ =	shalt  }
0x65: {  	_ =	shalt  }
0x66: {  	_ =	shalt  }
0x67: {  	_ =	shalt  }
0x68: {  	_ =	shalt  }
0x69: {  	_ =	shalt  }
0x6a: {  	_ =	shalt  }
0x6b: {  	_ =	shalt  }
0x6c: {  	_ =	shalt  }
0x6d: {  	_ =	shalt  }
0x6e: {  	_ =	shalt  }
0x6f: {  	_ =	shalt  }
0x70: {  	_ =	shalt  }
0x71: {  	_ =	shalt  }
0x72: {  	_ =	shalt  }
0x73: {  	_ =	shalt  }
0x74: {  	_ =	shalt  }
0x75: {  	_ =	shalt  }
0x76: {  	_ =	shalt  }
0x77: {  	_ =	shalt  }
0x78: {  	_ =	shalt  }
0x79: {  	_ =	shalt  }
0x7a: {  	_ =	shalt  }
0x7b: {  	_ =	shalt  }
0x7c: {  	_ =	shalt  }
0x7d: {  	_ =	shalt  }
0x7e: {  	_ =	shalt  }
0x7f: {  	_ =	shalt  }
0x80: {  	_ =	shalt  }
0x81: {  	_ =	shalt  }
0x82: {  	_ =	shalt  }
0x83: {  	_ =	shalt  }
0x84: {  	_ =	shalt  }
0x85: {  	_ =	shalt  }
0x86: {  	_ =	shalt  }
0x87: {  	_ =	shalt  }
.Lfunc_end0:
.L_simem_size_0:
called_computation.1_lowered:
.L_overlay_start_0:
0x88: {  	s2 =	sld [smem:$0x3FD9]  }
0x89: {  	s3 =	sld [smem:$0x3FFE];
	_ =	sdelay $0x1  }
0x8a: {  	s1 =	srdreg.scid  }
0x8b: {  	s0 =	sand.u32 $0x1, s1  }
0x8c: {  	s17 =	sshll.u32 s0, $0xA;
	s2 =	sadd.s32 s3, s2  }
0x8d: {  	s2 =	sadd.s32 s2, s17  }
0x8e: {  	[smem:$0x3FC0] =	sst s2  }
0x8f: {  	_ = 	snop  }
0x90: {  	s2 =	sld [smem:$0x3FD0];
	(tm) =	ssettm $0x1  }
0x91: {  	s18 =	sld [smem:$0x3FFB];
	_ =	sdelay $0x3  }
0x92: {  	_ =	strace s18  }
0x93: {  	s3 =	sld [smem:$0x3FFC];
	_ =	sdelay $0x3  }
0x94: {  	_ =	strace s3  }
0x95: {  	s3 =	sld [smem:$0x3FFD];
	_ =	sdelay $0x3  }
0x96: {  	_ =	strace s3  }
0x97: {  	_ =	strace $0x8FFFFFFF  }
0x98: {  	s19 =	sld [smem:$0x3FDB];
	_ =	sdelay $0x1  }
0x99: {  	s4 =	simm.s32 $_scs_section_size  }
0x9a: {  	s5 =	simm.s32 $_size__tile_overlayer_lowered;
	s6 =	simm.s32 $_tile_overlayer_lowered  }
0x9b: {  	s22 =	simm.s32 $0x1BFF;
	s21 =	sshll.u32 s6, $0x1;
	s3 =	sadd.s32 s4, s19  }
0x9c: {  	s7 =	simm.s32 $0x0;
	s20 =	sshll.u32 s5, $0x1;
	s5 =	sadd.s32 s21, s3  }
0x9d: {  	[timem:s7], [sflag:s22] =	dma.local [hbm:s5], s20  }
0x9e: {  	_ =	swait.ge [sflag:s22], s20  }
0x9f: {  	s4 =	ssub.s32 $0x0, s20;
	[sflag:s22] =	ssyncset.done $0x0  }
0xa0: {  	[sflag:s22] =	ssyncadd.s32 s4;
	_ =	sdelay $0x1  }
0xa1: {  	s23 =	simm.s32 $0x1B8B  }
0xa2: {  	_ =	swait.ge [sflag:s23], $0x1  }
0xa3: {  	[sflag:s23] =	ssyncset.done $0x0  }
0xa4: {  	s25 =	simm.s32 $0x1B8E;
	s24 =	sld [smem:$0x3FFE];
	[sflag:s23] =	ssyncadd.s32 $0xFFFFFFFF  }
0xa5: {  	s26 =	simm.s32 $execute0_lowered;
	[smem:$0x3FD2] =	sst s25  }
0xa6: {  	s5 =	sshll.u32 s26, $0x1;
	_ =	strace $0x80000049;
	[dreg:$0x1] =	wrdreg $0xFFFFFFFF  }
0xa7: {  	s28 =	simm.s32 $_size_execute0_lowered;
	s3 =	sadd.s32 s3, s5;
	[dreg:$0x0] =	wrdreg $0x0  }
0xa8: {  	s5 =	sshll.u32 s28, $0x1;
	[dreg:$0x2] =	wrdreg s3  }
0xa9: {  	[dreg:$0x3] =	wrdreg s5  }
0xaa: {  	[dreg:$0x4] =	wrdreg $0xC0  }
0xab: {  	_ =	task [dreg:s7], $0x5FFFF  }
0xac: {  	[dreg:$0x1] =	wrdreg $0xFFFFFFFF  }
0xad: {  	[dreg:$0x0] =	wrdreg $0x60  }
0xae: {  	[dreg:$0x2] =	wrdreg s2  }
0xaf: {  	[dreg:$0x3] =	wrdreg s24  }
0xb0: {  	[dreg:$0x4] =	wrdreg $0x0  }
0xb1: {  	[dreg:$0x5] =	wrdreg $0x9  }
0xb2: {  	_ =	task.clear_ibuf [dreg:s7], $0x6FFFF;
	_ =	strace $0x90000049  }
0xb3: {  	s29 =	simm.s32 $0x9;
	_ =	strace $0x8000004B  }
0xb4: {  	_ =	swait.ge [sflag:s29], $0x1  }
0xb5: {  	[sflag:s29] =	ssyncadd.s32 $0xFFFFFFFF  }
0xb6: {  	_ =	strace $0x9000004B  }
0xb7: {  	_ =	sfence  }
0xb8: {  	s30 =	sld [smem:$0x0];
	_ =	sdelay $0x2  }
0xb9: {  	s31 =	sshll.u32 s1, $0xD;
	s1 =	sshrl.u32 s1, $0x2  }
0xba: {  	s3 =	sand.u32 $0x4000, s31;
	s1 =	sadd.s32 s1, s30  }
0xbb: {  	s0 =	sor.u32 s3, s0;
	s1 =	sshll.u32 s1, $0x11  }
0xbc: {  	s0 =	sor.u32 s1, s0  }
0xbd: {  	s0 =	sadd.s32 $0x8F2B, s0  }
0xbe: {  	[sflag:s0] =	ssyncadd.remote.s32 $0x1  }
0xbf: {  	_ =	sfence.sel $0xFFFF  }
0xc0: {  	[dreg:$0x0] =	wrdreg $0xFFFFFFFF;
	(pc) =	sbr.abs _section_cstart, $3  }
0xc1: {  	[dreg:$0x1] =	wrdreg $0xFFFFFFFF  }
0xc2: {  	_ =	task.clear_ibuf [dreg:s7], $0x2FFFF;
	_ =	strace $0x9FFFFFFF  }
0xc3: {  	(tm) =	ssettm $0x7FFFFFFF  }
tec
execute0_lowered:
.L_overlay_start_1:
0x0: {  	(tag) =	ssettag $0x1  }
0x1: {  	s0 =	rddreg [dreg:$0x0]  }
0x2: {  	s3 =	rddreg [dreg:$0x1]  }
0x3: {  	s1 =	rddreg [dreg:$0x2];
	s2 =	simm.s32 $0x0;
	s4 =	srdreg.scid  }
0x4: {  	s7 =	stileid.u32;
	s28 =	simm.s32 $0x80;
	s29 =	simm.s32 $0x1A300  }
0x5: {  	[smem:$0x7FF] =	sst s2;
	s5 =	sadd.s32 $0xF5600, s3;
	s4 =	sand.u32 $0x1, s4  }
0x6: {  	s14 =	sadd.s32 $0xDCE00, s3;
	s6 =	sadd.s32 $0x1000, s3;
	s8 =	smul.u32 $0x61C00, s7  }
0x7: {  	_ =	strace $0x8000004A;
	[dreg:$0x4] =	wrdreg s5;
	s5 =	smul.u32 $0x18700, s7  }
0x8: {  	s15 =	ssub.s32 $0x2, s4;
	[dreg:$0x6] =	wrdreg s6;
	s9 =	smul.u32 $0x61C000, s4  }
0x9: {  	s17 =	sshll.u32 s4, $0x2;
	s10 =	smul.u32 $0xC3500, s4;
	s4 =	sshllo.u32 s4, $0x2  }
0xa: {  	s12 =	sor.u32 $0x1, s17;
	s6 =	sor.u32 $0x2, s17;
	s17 =	smul.u32 $0x187000, s4  }
0xb: {  	s18 =	sadd.s32 $0x10DE00, s3;
	[dreg:$0x5] =	wrdreg s14;
	s4 =	smul.u32 $0x30D40, s4  }
0xc: {  	[dreg:$0x7] =	wrdreg s18;
	s16 =	sshrl.u32 s15, $0x1;
	s13 =	smul.u32 $0x187000, s12  }
0xd: {  	s8 =	sshrl.u32 s8, $0x2;
	s3 =	ssub.s32 s15, s16;
	s21 =	smul.u32 $0x30D40, s12  }
0xe: {  	s19 =	sadd.s32 s8, s1;
	s20 =	sadd.s32 $0x18000, s5;
	s15 =	smul.u32 $0x187000, s6  }
0xf: {  	s10 =	sadd.s32 s0, s10;
	s6 =	smul.u32 $0x30D40, s6;
	s31 =	sadd.s32 $0x1000, s5  }
0x10: {  	s22 =	sadd.s32 s20, s1;
	s11 =	sadd.s32 s9, s20;
	s8 =	sadd.s32 s20, s17  }
0x11: {  	s16 =	sadd.s32 s0, s4;
	s3 =	smax.u32 s3, $0x1;
	s4 =	sadd.s32 s9, s5  }
0x12: {  	[dreg:$0x8] =	wrdreg s19;
	s11 =	sshrl.u32 s11, $0x3;
	s14 =	sadd.s32 s20, s13  }
0x13: {  	s12 =	sadd.s32 s0, s21;
	s24 =	sadd.s32 s20, s15;
	s26 =	sshrl.u32 s8, $0x3  }
0x14: {  	[dreg:$0xe] =	wrdreg s3;
	s8 =	sadd.s32 s13, s5;
	s20 =	sadd.s32 s15, s31  }
0x15: {  	s21 =	sadd.s32 s5, s1;
	[dreg:$0x9] =	wrdreg s22;
	s11 =	sadd.s32 s18, s11  }
0x16: {  	s23 =	sshrl.u32 s14, $0x3;
	s14 =	sadd.s32 s0, s6;
	s30 =	sadd.s32 s18, s26  }
0x17: {  	s6 =	sadd.s32 s9, s31;
	s9 =	sadd.s32 s13, s31;
	[dreg:$0xf] =	wrdreg s21  }
0x18: {  	s0 =	sadd.s32 s31, s1;
	s26 =	sshrl.u32 s8, $0x3;
	[dreg:$0xa] =	wrdreg s11  }
0x19: {  	s21 =	sadd.s32 $0x189000, s4;
	s11 =	sadd.s32 s18, s23;
	[dreg:$0xd] =	wrdreg s30  }
0x1a: {  	s23 =	sadd.s32 s17, s31;
	[dreg:$0x10] =	wrdreg s0;
	s30 =	sadd.s32 s18, s26  }
0x1b: {  	s31 =	sshrl.u32 s9, $0x3;
	s26 =	sadd.s32 $0x498000, s4;
	[dreg:$0xb] =	wrdreg s11  }
0x1c: {  	s11 =	sshrl.u32 s24, $0x3;
	s24 =	sshrl.u32 s4, $0x3;
	[dreg:$0x13] =	wrdreg s30  }
0x1d: {  	s30 =	sadd.s32 $0x2000, s4;
	s25 =	sadd.s32 s18, s11;
	s11 =	sadd.s32 s15, s5  }
0x1e: {  	s5 =	sadd.s32 s17, s5;
	s0 =	sadd.s32 s18, s24;
	[dreg:$0x1b] =	wrdreg s30  }
0x1f: {  	s17 =	sadd.s32 $0x18A000, s4;
	s30 =	sadd.s32 $0x9000, s19;
	[dreg:$0xc] =	wrdreg s25  }
0x20: {  	[dreg:$0x11] =	wrdreg s0;
	s3 =	sshrl.u32 s11, $0x3;
	s11 =	sshrl.u32 s23, $0x3  }
0x21: {  	s23 =	sshrl.u32 s21, $0x3;
	s21 =	sadd.s32 $0x4000, s19;
	[smem:$0x7EF] =	sst s30  }
0x22: {  	s25 =	sshrl.u32 s6, $0x3;
	s30 =	sadd.s32 $0x17000, s19;
	[smem:$0x7EA] =	sst s21  }
0x23: {  	s6 =	sshrl.u32 s20, $0x3;
	s0 =	sadd.s32 s18, s25;
	[smem:$0x7FD] =	sst s30  }
0x24: {  	s9 =	sshrl.u32 s5, $0x3;
	s8 =	sadd.s32 s18, s6;
	[dreg:$0x12] =	wrdreg s0  }
0x25: {  	s6 =	sshrl.u32 s26, $0x3;
	s26 =	sadd.s32 $0x8000, s19;
	[dreg:$0x16] =	wrdreg s8  }
0x26: {  	s20 =	sshrl.u32 s17, $0x3;
	s21 =	sadd.s32 $0x12000, s19;
	[smem:$0x7EE] =	sst s26  }
0x27: {  	s25 =	sadd.s32 $0x310000, s4;
	s0 =	sadd.s32 s18, s31;
	[smem:$0x7F8] =	sst s21  }
0x28: {  	s31 =	sadd.s32 s20, s18;
	s20 =	sadd.s32 $0x3000, s19;
	[dreg:$0x14] =	wrdreg s0  }
0x29: {  	s5 =	sshrl.u32 s25, $0x3;
	s25 =	sadd.s32 $0x7000, s19;
	[dreg:$0x1f] =	wrdreg s20  }
0x2a: {  	s13 =	sadd.s32 $0x3000, s4;
	s8 =	sadd.s32 $0xD000, s19;
	[smem:$0x7ED] =	sst s25  }
0x2b: {  	s15 =	sshrl.u32 s13, $0x3;
	s26 =	sadd.s32 $0x16000, s19;
	[smem:$0x7F3] =	sst s8  }
0x2c: {  	s24 =	sadd.s32 $0x311000, s4;
	s4 =	sadd.s32 $0x497000, s4;
	[smem:$0x7FC] =	sst s26  }
0x2d: {  	s4 =	sshrl.u32 s4, $0x3;
	s0 =	sadd.s32 s18, s3;
	[dreg:$0x1a] =	wrdreg s31  }
0x2e: {  	s3 =	sshrl.u32 s24, $0x3;
	s24 =	sadd.s32 $0x6000, s19;
	[dreg:$0x15] =	wrdreg s0  }
0x2f: {  	s13 =	sadd.s32 s5, s18;
	s5 =	sadd.s32 $0xA000, s19;
	[smem:$0x7EC] =	sst s24  }
0x30: {  	s21 =	simm.s32 $0x2;
	s20 =	sadd.s32 $0x11000, s19;
	[smem:$0x7F0] =	sst s5  }
0x31: {  	s17 =	sadd.s32 s4, s18;
	s25 =	sadd.s32 $0x15000, s19;
	[smem:$0x7F7] =	sst s20  }
0x32: {  	s26 =	simm.s32 $0x3;
	s0 =	sadd.s32 s18, s9;
	[smem:$0x7FB] =	sst s25  }
0x33: {  	s9 =	smul.u32 $0xC400, s7;
	s7 =	sadd.s32 $0xC000, s19;
	[dreg:$0x17] =	wrdreg s0  }
0x34: {  	s8 =	simm.s32 $0x6;
	s24 =	sadd.s32 $0x14000, s19;
	[smem:$0x7F2] =	sst s7  }
0x35: {  	s4 =	simm.s32 $0x7;
	s0 =	sadd.s32 s18, s11;
	[smem:$0x7FA] =	sst s24  }
0x36: {  	s3 =	sadd.s32 s3, s18;
	s20 =	simm.s32 $0x1C300;
	[dreg:$0x18] =	wrdreg s0  }
0x37: {  	s5 =	simm.s32 $0x8;
	s11 =	sadd.s32 $0x1000, s19;
	[dreg:$0x1c] =	wrdreg s9  }
0x38: {  	s25 =	simm.s32 $0x0;
	s0 =	sadd.s32 s15, s18;
	[dreg:$0x1d] =	wrdreg s11  }
0x39: {  	s15 =	sadd.s32 s6, s18;
	s6 =	sadd.s32 $0xB000, s19;
	[dreg:$0x19] =	wrdreg s0  }
0x3a: {  	s24 =	simm.s32 $0xA;
	s9 =	sadd.s32 $0xE000, s19;
	[smem:$0x7F1] =	sst s6  }
0x3b: {  	s11 =	sadd.s32 $0xF000, s19;
	s0 =	sadd.s32 s23, s18;
	[smem:$0x7F4] =	sst s9  }
0x3c: {  	s18 =	sadd.s32 $0x2000, s19;
	s23 =	sadd.s32 $0x5000, s19;
	[smem:$0x7F5] =	sst s11  }
0x3d: {  	s6 =	simm.s32 $0x1B300;
	s9 =	simm.s32 $0x1D300;
	[dreg:$0x1e] =	wrdreg s18  }
0x3e: {  	s11 =	simm.s32 $0x4;
	[smem:$0x7EB] =	sst s23;
	s18 =	sadd.s32 $0x10000, s19  }
0x3f: {  	s23 =	sadd.s32 $0x13000, s19;
	s19 =	simm.s32 $0x5;
	[smem:$0x7F6] =	sst s18  }
0x40: {  	[smem:$0x7F9] =	sst s23;
	s18 =	simm.s32 $0x1E300;
	s23 =	simm.s32 $0x1  }
.LBB2_1:
0x41: {  	[smem:$0x7E9] =	sst s25  }
0x42: {  	s7 =	rddreg [dreg:$0x6]  }
0x43: {  	[tilespmem:s18], [sflag:$0xA] =	stream.linear.gather [hbm4b:s7+s2], $0x1000, $0x38;
	[tilespmem:$0x1F300] =	vst v63  }
0x44: {  	_ =	swait.ge [sflag:s24], $0x1000  }
0x45: {  	[sflag:s24] =	ssyncset.done $0x0;
	s31 =	rddreg [dreg:$0x8]  }
0x46: {  	s25 =	rddreg [dreg:$0x1d];
	[sflag:s24] =	ssyncadd.s32 $0xFFFFF000  }
0x47: {  	[spmem:s31] =	stream.linear.scatter [tilespmem:s18], [sflag:$0x9], $0x1000, $0x38;
	[tilespmem:$0x1F300] =	vst v63  }
0x48: {  	s30 =	rddreg [dreg:$0x1e]  }
0x49: {  	[spmem:s25] =	stream.linear.scatter [tilespmem:s18], [sflag:$0x9], $0x1000, $0x38;
	[tilespmem:$0x1F300] =	vst v63  }
0x4a: {  	s31 =	rddreg [dreg:$0x1f]  }
0x4b: {  	[spmem:s30] =	stream.linear.scatter [tilespmem:s18], [sflag:$0x9], $0x1000, $0x38;
	[tilespmem:$0x1F300] =	vst v63  }
0x4c: {  	s25 =	sld [smem:$0x7EA]  }
0x4d: {  	[spmem:s31] =	stream.linear.scatter [tilespmem:s18], [sflag:$0x9], $0x1000, $0x38;
	[tilespmem:$0x1F300] =	vst v63  }
0x4e: {  	s30 =	sld [smem:$0x7EB]  }
0x4f: {  	[spmem:s25] =	stream.linear.scatter [tilespmem:s18], [sflag:$0x9], $0x1000, $0x38;
	[tilespmem:$0x1F300] =	vst v63  }
0x50: {  	s31 =	sld [smem:$0x7EC]  }
0x51: {  	[spmem:s30] =	stream.linear.scatter [tilespmem:s18], [sflag:$0x9], $0x1000, $0x38;
	[tilespmem:$0x1F300] =	vst v63  }
0x52: {  	s25 =	sld [smem:$0x7ED]  }
0x53: {  	[spmem:s31] =	stream.linear.scatter [tilespmem:s18], [sflag:$0x9], $0x1000, $0x38;
	[tilespmem:$0x1F300] =	vst v63  }
0x54: {  	s30 =	sld [smem:$0x7EE]  }
0x55: {  	[spmem:s25] =	stream.linear.scatter [tilespmem:s18], [sflag:$0x9], $0x1000, $0x38;
	[tilespmem:$0x1F300] =	vst v63  }
0x56: {  	s31 =	sld [smem:$0x7EF]  }
0x57: {  	[spmem:s30] =	stream.linear.scatter [tilespmem:s18], [sflag:$0x9], $0x1000, $0x38;
	[tilespmem:$0x1F300] =	vst v63  }
0x58: {  	s25 =	sld [smem:$0x7F0]  }
0x59: {  	[spmem:s31] =	stream.linear.scatter [tilespmem:s18], [sflag:$0x9], $0x1000, $0x38;
	[tilespmem:$0x1F300] =	vst v63  }
0x5a: {  	s30 =	sld [smem:$0x7F1]  }
0x5b: {  	[spmem:s25] =	stream.linear.scatter [tilespmem:s18], [sflag:$0x9], $0x1000, $0x38;
	[tilespmem:$0x1F300] =	vst v63  }
0x5c: {  	s31 =	sld [smem:$0x7F2]  }
0x5d: {  	[spmem:s30] =	stream.linear.scatter [tilespmem:s18], [sflag:$0x9], $0x1000, $0x38;
	[tilespmem:$0x1F300] =	vst v63  }
0x5e: {  	s25 =	sld [smem:$0x7F3]  }
0x5f: {  	[spmem:s31] =	stream.linear.scatter [tilespmem:s18], [sflag:$0x9], $0x1000, $0x38;
	[tilespmem:$0x1F300] =	vst v63  }
0x60: {  	s30 =	sld [smem:$0x7F4]  }
0x61: {  	[spmem:s25] =	stream.linear.scatter [tilespmem:s18], [sflag:$0x9], $0x1000, $0x38;
	[tilespmem:$0x1F300] =	vst v63  }
0x62: {  	s31 =	sld [smem:$0x7F5]  }
0x63: {  	[spmem:s30] =	stream.linear.scatter [tilespmem:s18], [sflag:$0x9], $0x1000, $0x38;
	[tilespmem:$0x1F300] =	vst v63  }
0x64: {  	s25 =	sld [smem:$0x7F6]  }
0x65: {  	[spmem:s31] =	stream.linear.scatter [tilespmem:s18], [sflag:$0x9], $0x1000, $0x38;
	[tilespmem:$0x1F300] =	vst v63  }
0x66: {  	s30 =	sld [smem:$0x7F7]  }
0x67: {  	[spmem:s25] =	stream.linear.scatter [tilespmem:s18], [sflag:$0x9], $0x1000, $0x38;
	[tilespmem:$0x1F300] =	vst v63  }
0x68: {  	s31 =	sld [smem:$0x7F8]  }
0x69: {  	[spmem:s30] =	stream.linear.scatter [tilespmem:s18], [sflag:$0x9], $0x1000, $0x38;
	[tilespmem:$0x1F300] =	vst v63  }
0x6a: {  	s25 =	sld [smem:$0x7F9]  }
0x6b: {  	[spmem:s31] =	stream.linear.scatter [tilespmem:s18], [sflag:$0x9], $0x1000, $0x38;
	[tilespmem:$0x1F300] =	vst v63  }
0x6c: {  	s30 =	sld [smem:$0x7FA]  }
0x6d: {  	[spmem:s25] =	stream.linear.scatter [tilespmem:s18], [sflag:$0x9], $0x1000, $0x38;
	[tilespmem:$0x1F300] =	vst v63  }
0x6e: {  	s31 =	sld [smem:$0x7FB]  }
0x6f: {  	[spmem:s30] =	stream.linear.scatter [tilespmem:s18], [sflag:$0x9], $0x1000, $0x38;
	[tilespmem:$0x1F300] =	vst v63  }
0x70: {  	s25 =	sld [smem:$0x7FC]  }
0x71: {  	[spmem:s31] =	stream.linear.scatter [tilespmem:s18], [sflag:$0x9], $0x1000, $0x38;
	[tilespmem:$0x1F300] =	vst v63  }
0x72: {  	s30 =	sld [smem:$0x7FD]  }
0x73: {  	[spmem:s25] =	stream.linear.scatter [tilespmem:s18], [sflag:$0x9], $0x1000, $0x38;
	[tilespmem:$0x1F300] =	vst v63  }
0x74: {  	_ = 	snop  }
0x75: {  	[spmem:s30] =	stream.linear.scatter [tilespmem:s18], [sflag:$0x9], $0x1000, $0x38;
	[tilespmem:$0x1F300] =	vst v63  }
0x76: {  	_ = 	snop  }
0x77: {  	[spmem:s22] =	stream.linear.scatter [tilespmem:s18], [sflag:$0xA], $0x700, $0x38;
	[tilespmem:$0x1F300] =	vst v63  }
0x78: {  	_ =	swait.ge [sflag:s24], $0x700  }
0x79: {  	[sflag:s24] =	ssyncset.done $0x0  }
0x7a: {  	s31 =	simm.s32 $0x9;
	[sflag:s24] =	ssyncadd.s32 $0xFFFFF900  }
0x7b: {  	_ =	swait.ge [sflag:s31], $0x1000  }
0x7c: {  	[sflag:s31] =	ssyncset.done $0x0  }
0x7d: {  	[sflag:s31] =	ssyncadd.s32 $0xFFFFF000  }
0x7e: {  	_ =	swait.ge [sflag:s31], $0x1000  }
0x7f: {  	[sflag:s31] =	ssyncset.done $0x0  }
0x80: {  	[sflag:s31] =	ssyncadd.s32 $0xFFFFF000  }
0x81: {  	_ =	swait.ge [sflag:s31], $0x1000  }
0x82: {  	[sflag:s31] =	ssyncset.done $0x0  }
0x83: {  	[sflag:s31] =	ssyncadd.s32 $0xFFFFF000  }
0x84: {  	_ =	swait.ge [sflag:s31], $0x1000  }
0x85: {  	[sflag:s31] =	ssyncset.done $0x0  }
0x86: {  	[sflag:s31] =	ssyncadd.s32 $0xFFFFF000  }
0x87: {  	_ =	swait.ge [sflag:s31], $0x1000  }
0x88: {  	[sflag:s31] =	ssyncset.done $0x0  }
0x89: {  	[sflag:s31] =	ssyncadd.s32 $0xFFFFF000  }
0x8a: {  	_ =	swait.ge [sflag:s31], $0x1000  }
0x8b: {  	[sflag:s31] =	ssyncset.done $0x0  }
0x8c: {  	[sflag:s31] =	ssyncadd.s32 $0xFFFFF000  }
0x8d: {  	_ =	swait.ge [sflag:s31], $0x1000  }
0x8e: {  	[sflag:s31] =	ssyncset.done $0x0  }
0x8f: {  	[sflag:s31] =	ssyncadd.s32 $0xFFFFF000  }
0x90: {  	_ =	swait.ge [sflag:s31], $0x1000  }
0x91: {  	[sflag:s31] =	ssyncset.done $0x0  }
0x92: {  	[sflag:s31] =	ssyncadd.s32 $0xFFFFF000  }
0x93: {  	_ =	swait.ge [sflag:s31], $0x1000  }
0x94: {  	[sflag:s31] =	ssyncset.done $0x0  }
0x95: {  	[sflag:s31] =	ssyncadd.s32 $0xFFFFF000  }
0x96: {  	_ =	swait.ge [sflag:s31], $0x1000  }
0x97: {  	[sflag:s31] =	ssyncset.done $0x0  }
0x98: {  	[sflag:s31] =	ssyncadd.s32 $0xFFFFF000  }
0x99: {  	_ =	swait.ge [sflag:s31], $0x1000  }
0x9a: {  	[sflag:s31] =	ssyncset.done $0x0  }
0x9b: {  	[sflag:s31] =	ssyncadd.s32 $0xFFFFF000  }
0x9c: {  	_ =	swait.ge [sflag:s31], $0x1000  }
0x9d: {  	[sflag:s31] =	ssyncset.done $0x0  }
0x9e: {  	[sflag:s31] =	ssyncadd.s32 $0xFFFFF000  }
0x9f: {  	_ =	swait.ge [sflag:s31], $0x1000  }
0xa0: {  	[sflag:s31] =	ssyncset.done $0x0  }
0xa1: {  	[sflag:s31] =	ssyncadd.s32 $0xFFFFF000  }
0xa2: {  	_ =	swait.ge [sflag:s31], $0x1000  }
0xa3: {  	[sflag:s31] =	ssyncset.done $0x0  }
0xa4: {  	[sflag:s31] =	ssyncadd.s32 $0xFFFFF000  }
0xa5: {  	_ =	swait.ge [sflag:s31], $0x1000  }
0xa6: {  	[sflag:s31] =	ssyncset.done $0x0  }
0xa7: {  	[sflag:s31] =	ssyncadd.s32 $0xFFFFF000  }
0xa8: {  	_ =	swait.ge [sflag:s31], $0x1000  }
0xa9: {  	[sflag:s31] =	ssyncset.done $0x0  }
0xaa: {  	[sflag:s31] =	ssyncadd.s32 $0xFFFFF000  }
0xab: {  	_ =	swait.ge [sflag:s31], $0x1000  }
0xac: {  	[sflag:s31] =	ssyncset.done $0x0  }
0xad: {  	[sflag:s31] =	ssyncadd.s32 $0xFFFFF000  }
0xae: {  	_ =	swait.ge [sflag:s31], $0x1000  }
0xaf: {  	[sflag:s31] =	ssyncset.done $0x0  }
0xb0: {  	[sflag:s31] =	ssyncadd.s32 $0xFFFFF000  }
0xb1: {  	_ =	swait.ge [sflag:s31], $0x1000  }
0xb2: {  	[sflag:s31] =	ssyncset.done $0x0  }
0xb3: {  	[sflag:s31] =	ssyncadd.s32 $0xFFFFF000  }
0xb4: {  	_ =	swait.ge [sflag:s31], $0x1000  }
0xb5: {  	[sflag:s31] =	ssyncset.done $0x0  }
0xb6: {  	[sflag:s31] =	ssyncadd.s32 $0xFFFFF000  }
0xb7: {  	_ =	swait.ge [sflag:s31], $0x1000  }
0xb8: {  	[sflag:s31] =	ssyncset.done $0x0  }
0xb9: {  	[sflag:s31] =	ssyncadd.s32 $0xFFFFF000  }
0xba: {  	_ =	swait.ge [sflag:s31], $0x1000  }
0xbb: {  	[sflag:s31] =	ssyncset.done $0x0  }
0xbc: {  	[sflag:s31] =	ssyncadd.s32 $0xFFFFF000  }
0xbd: {  	_ =	swait.ge [sflag:s31], $0x1000  }
0xbe: {  	[sflag:s31] =	ssyncset.done $0x0  }
0xbf: {  	[sflag:s31] =	ssyncadd.s32 $0xFFFFF000  }
0xc0: {  	_ =	swait.ge [sflag:s31], $0x1000  }
0xc1: {  	[sflag:s31] =	ssyncset.done $0x0  }
0xc2: {  	[sflag:s31] =	ssyncadd.s32 $0xFFFFF000  }
0xc3: {  	s18 =	simm.s32 $0x0;
	[bflag:$0x0] =	sbarrier.arrive $0xFFFF  }
.LBB2_2:
0xc4: {  	s22 =	smul.u32 $0xE00, s18  }
0xc5: {  	s7 =	rddreg [dreg:$0x1c]  }
0xc6: {  	s22 =	sadd.s32 s7, s22  }
0xc7: {  	s30 =	rddreg [dreg:$0x4];
	s22 =	sshrl.u32 s22, $0x3  }
0xc8: {  	s25 =	simm.s32 $0x0;
	s24 =	sadd.s32 s30, s22;
	s30 =	simm.s32 $0x18700  }
0xc9: {  	[tilespmem:s30], [sflag:$0xA] =	stream.linear.gather [hbm4b:s24+s25], $0xE00, $0x38;
	[tilespmem:$0x1F300] =	vst v63  }
0xca: {  	s24 =	simm.s32 $0xA  }
0xcb: {  	_ =	swait.ge [sflag:s24], $0xE00  }
0xcc: {  	[sflag:s24] =	ssyncset.done $0x0;
	s31 =	rddreg [dreg:$0x5]  }
0xcd: {  	[sflag:s24] =	ssyncadd.s32 $0xFFFFF200;
	s22 =	sadd.s32 s31, s22;
	s31 =	simm.s32 $0x19500  }
0xce: {  	[tilespmem:s31], [sflag:$0xA] =	stream.linear.gather [hbm4b:s22+s25], $0xE00, $0x38;
	[tilespmem:$0x1F300] =	vst v63  }
0xcf: {  	_ =	swait.ge [sflag:s24], $0xE00  }
0xd0: {  	[sflag:s24] =	ssyncset.done $0x0  }
0xd1: {  	[sflag:s24] =	ssyncadd.s32 $0xFFFFF200  }
0xd2: {  	[tilespmem:s29], [sflag:$0x1] =	stream.indirect.gather [hbm4b:s10+s28], $0x20, s30, s28, $0xb8;
	[tilespmem:$0x1F300] =	vst v63  }
0xd3: {  	s22 =	simm.s32 $0x18780  }
0xd4: {  	[tilespmem:s6], [sflag:$0x2] =	stream.indirect.gather [hbm4b:s10+s28], $0x20, s22, s28, $0xb8;
	[tilespmem:$0x1F300] =	vst v63  }
0xd5: {  	s24 =	simm.s32 $0x18800  }
0xd6: {  	[tilespmem:s20], [sflag:$0x3] =	stream.indirect.gather [hbm4b:s10+s28], $0x20, s24, s28, $0xb8;
	[tilespmem:$0x1F300] =	vst v63  }
0xd7: {  	s25 =	simm.s32 $0x18880  }
0xd8: {  	[tilespmem:s9], [sflag:$0x4] =	stream.indirect.gather [hbm4b:s10+s28], $0x20, s25, s28, $0xb8;
	[tilespmem:$0x1F300] =	vst v63  }
0xd9: {  	_ =	swait.ge [sflag:s23], $0x1000  }
0xda: {  	[sflag:s23] =	ssyncset.done $0x0  }
0xdb: {  	s30 =	simm.s32 $0x19500;
	[sflag:s23] =	ssyncadd.s32 $0xFFFFF000  }
0xdc: {  	[spmem:s1] =	stream.indirect.scatter.add.f32 [tilespmem:s29], [sflag:$0x5], $0x20, s30, s28, $0xb8;
	[tilespmem:$0x1F300] =	vst v63  }
0xdd: {  	_ =	swait.ge [sflag:s21], $0x1000  }
0xde: {  	[sflag:s21] =	ssyncset.done $0x0  }
0xdf: {  	s31 =	simm.s32 $0x19580;
	[sflag:s21] =	ssyncadd.s32 $0xFFFFF000  }
0xe0: {  	[spmem:s1] =	stream.indirect.scatter.add.f32 [tilespmem:s6], [sflag:$0x6], $0x20, s31, s28, $0xb8;
	[tilespmem:$0x1F300] =	vst v63  }
0xe1: {  	_ =	swait.ge [sflag:s26], $0x1000  }
0xe2: {  	[sflag:s26] =	ssyncset.done $0x0  }
0xe3: {  	s7 =	simm.s32 $0x19600;
	[sflag:s26] =	ssyncadd.s32 $0xFFFFF000  }
0xe4: {  	[spmem:s1] =	stream.indirect.scatter.add.f32 [tilespmem:s20], [sflag:$0x7], $0x20, s7, s28, $0xb8;
	[tilespmem:$0x1F300] =	vst v63  }
0xe5: {  	_ =	swait.ge [sflag:s11], $0x1000  }
0xe6: {  	[sflag:s11] =	ssyncset.done $0x0  }
0xe7: {  	s24 =	simm.s32 $0x19680;
	[sflag:s11] =	ssyncadd.s32 $0xFFFFF000  }
0xe8: {  	[spmem:s1] =	stream.indirect.scatter.add.f32 [tilespmem:s9], [sflag:$0x8], $0x20, s24, s28, $0xb8;
	[tilespmem:$0x1F300] =	vst v63  }
0xe9: {  	_ =	swait.ge [sflag:s19], $0x1000  }
0xea: {  	[sflag:s19] =	ssyncset.done $0x0  }
0xeb: {  	s25 =	simm.s32 $0x18900;
	[sflag:s19] =	ssyncadd.s32 $0xFFFFF000  }
0xec: {  	[tilespmem:s29], [sflag:$0x1] =	stream.indirect.gather [hbm4b:s10+s28], $0x20, s25, s28, $0xb8;
	[tilespmem:$0x1F300] =	vst v63  }
0xed: {  	_ =	swait.ge [sflag:s8], $0x1000  }
0xee: {  	[sflag:s8] =	ssyncset.done $0x0  }
0xef: {  	s30 =	simm.s32 $0x18980;
	[sflag:s8] =	ssyncadd.s32 $0xFFFFF000  }
0xf0: {  	[tilespmem:s6], [sflag:$0x2] =	stream.indirect.gather [hbm4b:s10+s28], $0x20, s30, s28, $0xb8;
	[tilespmem:$0x1F300] =	vst v63  }
0xf1: {  	_ =	swait.ge [sflag:s4], $0x1000  }
0xf2: {  	[sflag:s4] =	ssyncset.done $0x0  }
0xf3: {  	s31 =	simm.s32 $0x18A00;
	[sflag:s4] =	ssyncadd.s32 $0xFFFFF000  }
0xf4: {  	[tilespmem:s20], [sflag:$0x3] =	stream.indirect.gather [hbm4b:s10+s28], $0x20, s31, s28, $0xb8;
	[tilespmem:$0x1F300] =	vst v63  }
0xf5: {  	_ =	swait.ge [sflag:s5], $0x1000  }
0xf6: {  	[sflag:s5] =	ssyncset.done $0x0  }
0xf7: {  	s22 =	simm.s32 $0x18A80;
	s25 =	simm.s32 $0x800;
	[sflag:s5] =	ssyncadd.s32 $0xFFFFF000  }
.LBB2_3:
0xf8: {  	[tilespmem:s9], [sflag:$0x4] =	stream.indirect.gather [hbm4b:s10+s28], $0x20, s22, s28, $0xb8;
	[tilespmem:$0x1F300] =	vst v63  }
0xf9: {  	s22 =	smov.u32 s25  }
0xfa: {  	p0 =	sne.s32 s25, $0x2800;
	s25 =	sadd.s32 $0x800, s25;
	_ =	swait.ge [sflag:s23], $0x1000  }
0xfb: {  	s24 =	sshra.s32 s22, $0x2;
	[sflag:s23] =	ssyncset.done $0x0  }
0xfc: {  	s22 =	sadd.s32 $0x19500, s24;
	[sflag:s23] =	ssyncadd.s32 $0xFFFFF000  }
0xfd: {  	[spmem:s1] =	stream.indirect.scatter.add.f32 [tilespmem:s29], [sflag:$0x5], $0x20, s22, s28, $0xb8;
	[tilespmem:$0x1F300] =	vst v63  }
0xfe: {  	_ =	swait.ge [sflag:s21], $0x1000  }
0xff: {  	[sflag:s21] =	ssyncset.done $0x0  }
0x100: {  	s22 =	sadd.s32 $0x19580, s24;
	[sflag:s21] =	ssyncadd.s32 $0xFFFFF000  }
0x101: {  	[spmem:s1] =	stream.indirect.scatter.add.f32 [tilespmem:s6], [sflag:$0x6], $0x20, s22, s28, $0xb8;
	[tilespmem:$0x1F300] =	vst v63  }
0x102: {  	_ =	swait.ge [sflag:s26], $0x1000  }
0x103: {  	[sflag:s26] =	ssyncset.done $0x0  }
0x104: {  	s22 =	sadd.s32 $0x19600, s24;
	[sflag:s26] =	ssyncadd.s32 $0xFFFFF000  }
0x105: {  	[spmem:s1] =	stream.indirect.scatter.add.f32 [tilespmem:s20], [sflag:$0x7], $0x20, s22, s28, $0xb8;
	[tilespmem:$0x1F300] =	vst v63  }
0x106: {  	_ =	swait.ge [sflag:s11], $0x1000  }
0x107: {  	[sflag:s11] =	ssyncset.done $0x0  }
0x108: {  	s22 =	sadd.s32 $0x19680, s24;
	[sflag:s11] =	ssyncadd.s32 $0xFFFFF000  }
0x109: {  	[spmem:s1] =	stream.indirect.scatter.add.f32 [tilespmem:s9], [sflag:$0x8], $0x20, s22, s28, $0xb8;
	[tilespmem:$0x1F300] =	vst v63  }
0x10a: {  	_ =	swait.ge [sflag:s19], $0x1000  }
0x10b: {  	[sflag:s19] =	ssyncset.done $0x0  }
0x10c: {  	s22 =	sadd.s32 $0x18900, s24;
	[sflag:s19] =	ssyncadd.s32 $0xFFFFF000  }
0x10d: {  	[tilespmem:s29], [sflag:$0x1] =	stream.indirect.gather [hbm4b:s10+s28], $0x20, s22, s28, $0xb8;
	[tilespmem:$0x1F300] =	vst v63  }
0x10e: {  	_ =	swait.ge [sflag:s8], $0x1000  }
0x10f: {  	[sflag:s8] =	ssyncset.done $0x0  }
0x110: {  	s22 =	sadd.s32 $0x18980, s24;
	[sflag:s8] =	ssyncadd.s32 $0xFFFFF000  }
0x111: {  	[tilespmem:s6], [sflag:$0x2] =	stream.indirect.gather [hbm4b:s10+s28], $0x20, s22, s28, $0xb8;
	[tilespmem:$0x1F300] =	vst v63  }
0x112: {  	_ =	swait.ge [sflag:s4], $0x1000  }
0x113: {  	[sflag:s4] =	ssyncset.done $0x0  }
.Ltmp0:
0x114: {  	s22 =	sadd.s32 $0x18A00, s24;
	[sflag:s4] =	ssyncadd.s32 $0xFFFFF000;
	(pc) =	sbr.rel @p0 .LBB2_3-.Ltmp0, $4  }
0x115: {  	[tilespmem:s20], [sflag:$0x3] =	stream.indirect.gather [hbm4b:s10+s28], $0x20, s22, s28, $0xb8;
	[tilespmem:$0x1F300] =	vst v63  }
0x116: {  	_ =	swait.ge [sflag:s5], $0x1000  }
0x117: {  	[sflag:s5] =	ssyncset.done $0x0  }
0x118: {  	s22 =	sadd.s32 $0x18A80, s24;
	[sflag:s5] =	ssyncadd.s32 $0xFFFFF000  }
0x119: {  	[tilespmem:s9], [sflag:$0x4] =	stream.indirect.gather [hbm4b:s10+s28], $0x20, s22, s28, $0xb8;
	[tilespmem:$0x1F300] =	vst v63  }
0x11a: {  	_ =	swait.ge [sflag:s23], $0x1000  }
0x11b: {  	[sflag:s23] =	ssyncset.done $0x0  }
0x11c: {  	s7 =	simm.s32 $0x1A100;
	[sflag:s23] =	ssyncadd.s32 $0xFFFFF000  }
0x11d: {  	[spmem:s1] =	stream.indirect.scatter.add.f32 [tilespmem:s29], [sflag:$0x5], $0x20, s7, s28, $0xb8;
	[tilespmem:$0x1F300] =	vst v63  }
0x11e: {  	_ =	swait.ge [sflag:s21], $0x1000  }
0x11f: {  	[sflag:s21] =	ssyncset.done $0x0  }
0x120: {  	s25 =	simm.s32 $0x1A180;
	[sflag:s21] =	ssyncadd.s32 $0xFFFFF000  }
0x121: {  	[spmem:s1] =	stream.indirect.scatter.add.f32 [tilespmem:s6], [sflag:$0x6], $0x20, s25, s28, $0xb8;
	[tilespmem:$0x1F300] =	vst v63  }
0x122: {  	_ =	swait.ge [sflag:s26], $0x1000  }
0x123: {  	[sflag:s26] =	ssyncset.done $0x0  }
0x124: {  	s30 =	simm.s32 $0x1A200;
	[sflag:s26] =	ssyncadd.s32 $0xFFFFF000  }
0x125: {  	[spmem:s1] =	stream.indirect.scatter.add.f32 [tilespmem:s20], [sflag:$0x7], $0x20, s30, s28, $0xb8;
	[tilespmem:$0x1F300] =	vst v63  }
0x126: {  	_ =	swait.ge [sflag:s11], $0x1000  }
0x127: {  	[sflag:s11] =	ssyncset.done $0x0  }
0x128: {  	s31 =	simm.s32 $0x1A280;
	[sflag:s11] =	ssyncadd.s32 $0xFFFFF000  }
0x129: {  	[spmem:s1] =	stream.indirect.scatter.add.f32 [tilespmem:s9], [sflag:$0x8], $0x20, s31, s28, $0xb8;
	[tilespmem:$0x1F300] =	vst v63  }
0x12a: {  	_ =	swait.ge [sflag:s19], $0x1000  }
0x12b: {  	[sflag:s19] =	ssyncset.done $0x0  }
0x12c: {  	[sflag:s19] =	ssyncadd.s32 $0xFFFFF000  }
0x12d: {  	_ =	swait.ge [sflag:s8], $0x1000  }
0x12e: {  	[sflag:s8] =	ssyncset.done $0x0  }
0x12f: {  	s18 =	sadd.s32 $0x1, s18;
	[sflag:s8] =	ssyncadd.s32 $0xFFFFF000  }
0x130: {  	p0 =	sne.s32 s18, $0xE;
	_ =	swait.ge [sflag:s4], $0x1000  }
.Ltmp1:
0x131: {  	[sflag:s4] =	ssyncset.done $0x0;
	(pc) =	sbr.rel @p0 .LBB2_2-.Ltmp1, $4  }
0x132: {  	[sflag:s4] =	ssyncadd.s32 $0xFFFFF000  }
0x133: {  	_ =	swait.ge [sflag:s5], $0x1000  }
0x134: {  	[sflag:s5] =	ssyncset.done $0x0  }
0x135: {  	[sflag:s5] =	ssyncadd.s32 $0xFFFFF000  }
0x136: {  	[bflag:$0x0] =	sbarrier.arrive $0xFFFF  }
0x137: {  	s7 =	rddreg [dreg:$0xf]  }
0x138: {  	[tilespmem:s29], [sflag:$0x1] =	stream.linear.gather [spmem:s7], $0x1000, $0x38;
	[tilespmem:$0x1F300] =	vst v63  }
0x139: {  	s22 =	rddreg [dreg:$0x10]  }
0x13a: {  	[tilespmem:s6], [sflag:$0x2] =	stream.linear.gather [spmem:s22], $0x1000, $0x38;
	[tilespmem:$0x1F300] =	vst v63  }
0x13b: {  	_ =	swait.ge [sflag:s23], $0x1000  }
0x13c: {  	[sflag:s23] =	ssyncset.done $0x0  }
0x13d: {  	s18 =	simm.s32 $0x0;
	s24 =	rddreg [dreg:$0x11];
	[sflag:s23] =	ssyncadd.s32 $0xFFFFF000  }
0x13e: {  	[hbm4b:s24+s18] =	stream.linear.scatter [tilespmem:s29], [sflag:$0x5], $0x1000, $0x38;
	[tilespmem:$0x1F300] =	vst v63  }
0x13f: {  	_ =	swait.ge [sflag:s21], $0x1000  }
0x140: {  	[sflag:s21] =	ssyncset.done $0x0  }
0x141: {  	s25 =	rddreg [dreg:$0x12];
	[sflag:s21] =	ssyncadd.s32 $0xFFFFF000  }
0x142: {  	[hbm4b:s25+s18] =	stream.linear.scatter [tilespmem:s6], [sflag:$0x6], $0x1000, $0x38;
	[tilespmem:$0x1F300] =	vst v63  }
0x143: {  	_ =	swait.ge [sflag:s19], $0x1000  }
0x144: {  	s25 =	rddreg [dreg:$0x1f]  }
0x145: {  	[sflag:s19] =	ssyncset.done $0x0;
	s18 =	sadd.s32 $0xFFFFF000, s25  }
0x146: {  	[sflag:s19] =	ssyncadd.s32 $0xFFFFF000;
	[smem:$0x7E8] =	sst s18  }
0x147: {  	[tilespmem:s29], [sflag:$0x1] =	stream.linear.gather [spmem:s18], $0x1000, $0x38;
	[tilespmem:$0x1F300] =	vst v63  }
0x148: {  	_ =	swait.ge [sflag:s8], $0x1000  }
0x149: {  	[sflag:s8] =	ssyncset.done $0x0  }
0x14a: {  	[sflag:s8] =	ssyncadd.s32 $0xFFFFF000  }
0x14b: {  	[tilespmem:s6], [sflag:$0x2] =	stream.linear.gather [spmem:s25], $0x1000, $0x38;
	[tilespmem:$0x1F300] =	vst v63  }
0x14c: {  	_ =	swait.ge [sflag:s23], $0x1000  }
0x14d: {  	s22 =	rddreg [dreg:$0x1b]  }
0x14e: {  	[sflag:s23] =	ssyncset.done $0x0;
	s30 =	rddreg [dreg:$0x7];
	s24 =	sshrl.u32 s22, $0x3  }
0x14f: {  	[sflag:s23] =	ssyncadd.s32 $0xFFFFF000;
	s18 =	sadd.s32 s30, s24  }
0x150: {  	[hbm4b:s18+s2] =	stream.linear.scatter [tilespmem:s29], [sflag:$0x5], $0x1000, $0x38;
	[tilespmem:$0x1F300] =	vst v63  }
0x151: {  	s25 =	sadd.s32 $0x2000, s25;
	_ =	swait.ge [sflag:s21], $0x1000  }
0x152: {  	s24 =	sadd.s32 $0x2000, s22;
	[sflag:s21] =	ssyncset.done $0x0;
	s31 =	rddreg [dreg:$0x19]  }
0x153: {  	s18 =	simm.s32 $0x400;
	[sflag:s21] =	ssyncadd.s32 $0xFFFFF000;
	s22 =	sadd.s32 $0x0, s31  }
.LBB2_6:
0x154: {  	[hbm4b:s22+s2] =	stream.linear.scatter [tilespmem:s6], [sflag:$0x6], $0x1000, $0x38;
	[tilespmem:$0x1F300] =	vst v63  }
0x155: {  	s22 =	smov.u32 s18  }
0x156: {  	p0 =	sne.s32 s18, $0x2800;
	s18 =	sadd.s32 $0x400, s18;
	_ =	swait.ge [sflag:s19], $0x1000  }
0x157: {  	[sflag:s19] =	ssyncset.done $0x0  }
0x158: {  	s7 =	sadd.s32 $0xFFFFF000, s25;
	[sflag:s19] =	ssyncadd.s32 $0xFFFFF000  }
0x159: {  	[tilespmem:s29], [sflag:$0x1] =	stream.linear.gather [spmem:s7], $0x1000, $0x38;
	[tilespmem:$0x1F300] =	vst v63  }
0x15a: {  	_ =	swait.ge [sflag:s8], $0x1000  }
0x15b: {  	[sflag:s8] =	ssyncset.done $0x0  }
0x15c: {  	[sflag:s8] =	ssyncadd.s32 $0xFFFFF000  }
0x15d: {  	[tilespmem:s6], [sflag:$0x2] =	stream.linear.gather [spmem:s25], $0x1000, $0x38;
	[tilespmem:$0x1F300] =	vst v63  }
0x15e: {  	_ =	swait.ge [sflag:s23], $0x1000  }
0x15f: {  	s7 =	sshrl.u32 s24, $0x3;
	[sflag:s23] =	ssyncset.done $0x0  }
.Ltmp2:
0x160: {  	s7 =	sadd.s32 s30, s7;
	[sflag:s23] =	ssyncadd.s32 $0xFFFFF000;
	(pc) =	sbr.rel @p0 .LBB2_6-.Ltmp2, $4  }
0x161: {  	[hbm4b:s7+s2] =	stream.linear.scatter [tilespmem:s29], [sflag:$0x5], $0x1000, $0x38;
	[tilespmem:$0x1F300] =	vst v63  }
0x162: {  	_ =	swait.ge [sflag:s21], $0x1000  }
0x163: {  	s24 =	sadd.s32 $0x2000, s24;
	[sflag:s21] =	ssyncset.done $0x0  }
0x164: {  	s22 =	sadd.s32 s22, s31;
	s25 =	sadd.s32 $0x2000, s25;
	[sflag:s21] =	ssyncadd.s32 $0xFFFFF000  }
0x165: {  	[hbm4b:s22+s2] =	stream.linear.scatter [tilespmem:s6], [sflag:$0x6], $0x1000, $0x38;
	[tilespmem:$0x1F300] =	vst v63  }
0x166: {  	s18 =	rddreg [dreg:$0x9];
	s22 =	simm.s32 $0x1E300;
	s24 =	simm.s32 $0xA  }
0x167: {  	[tilespmem:s22], [sflag:$0xA] =	stream.linear.gather [spmem:s18], $0x700, $0x38;
	[tilespmem:$0x1F300] =	vst v63  }
0x168: {  	_ =	swait.ge [sflag:s24], $0x700  }
0x169: {  	[sflag:s24] =	ssyncset.done $0x0  }
0x16a: {  	s25 =	simm.s32 $0x0;
	s7 =	rddreg [dreg:$0xa];
	[sflag:s24] =	ssyncadd.s32 $0xFFFFF900  }
0x16b: {  	[hbm4b:s7+s25] =	stream.linear.scatter [tilespmem:s22], [sflag:$0xA], $0x700, $0x38;
	[tilespmem:$0x1F300] =	vst v63  }
0x16c: {  	_ =	swait.ge [sflag:s24], $0x700  }
0x16d: {  	[sflag:s24] =	ssyncset.done $0x0  }
0x16e: {  	[sflag:s24] =	ssyncadd.s32 $0xFFFFF900  }
0x16f: {  	_ =	swait.ge [sflag:s19], $0x1000  }
0x170: {  	[sflag:s19] =	ssyncset.done $0x0  }
0x171: {  	[sflag:s19] =	ssyncadd.s32 $0xFFFFF000  }
0x172: {  	_ =	swait.ge [sflag:s8], $0x1000  }
0x173: {  	[sflag:s8] =	ssyncset.done $0x0  }
0x174: {  	[sflag:s8] =	ssyncadd.s32 $0xFFFFF000  }
0x175: {  	[bflag:$0x0] =	sbarrier.arrive $0xFFFF  }
0x176: {  	s30 =	rddreg [dreg:$0x6]  }
0x177: {  	[tilespmem:s22], [sflag:$0xA] =	stream.linear.gather [hbm4b:s30+s25], $0x1000, $0x38;
	[tilespmem:$0x1F300] =	vst v63  }
0x178: {  	_ =	swait.ge [sflag:s24], $0x1000  }
0x179: {  	[sflag:s24] =	ssyncset.done $0x0;
	s30 =	rddreg [dreg:$0x8]  }
0x17a: {  	s25 =	rddreg [dreg:$0x1d];
	[sflag:s24] =	ssyncadd.s32 $0xFFFFF000  }
0x17b: {  	[spmem:s30] =	stream.linear.scatter [tilespmem:s22], [sflag:$0x9], $0x1000, $0x38;
	[tilespmem:$0x1F300] =	vst v63  }
0x17c: {  	s30 =	rddreg [dreg:$0x1e]  }
0x17d: {  	[spmem:s25] =	stream.linear.scatter [tilespmem:s22], [sflag:$0x9], $0x1000, $0x38;
	[tilespmem:$0x1F300] =	vst v63  }
0x17e: {  	s25 =	rddreg [dreg:$0x1f]  }
0x17f: {  	[spmem:s30] =	stream.linear.scatter [tilespmem:s22], [sflag:$0x9], $0x1000, $0x38;
	[tilespmem:$0x1F300] =	vst v63  }
0x180: {  	s30 =	sld [smem:$0x7EA]  }
0x181: {  	[spmem:s25] =	stream.linear.scatter [tilespmem:s22], [sflag:$0x9], $0x1000, $0x38;
	[tilespmem:$0x1F300] =	vst v63  }
0x182: {  	s25 =	sld [smem:$0x7EB]  }
0x183: {  	[spmem:s30] =	stream.linear.scatter [tilespmem:s22], [sflag:$0x9], $0x1000, $0x38;
	[tilespmem:$0x1F300] =	vst v63  }
0x184: {  	s30 =	sld [smem:$0x7EC]  }
0x185: {  	[spmem:s25] =	stream.linear.scatter [tilespmem:s22], [sflag:$0x9], $0x1000, $0x38;
	[tilespmem:$0x1F300] =	vst v63  }
0x186: {  	s25 =	sld [smem:$0x7ED]  }
0x187: {  	[spmem:s30] =	stream.linear.scatter [tilespmem:s22], [sflag:$0x9], $0x1000, $0x38;
	[tilespmem:$0x1F300] =	vst v63  }
0x188: {  	s30 =	sld [smem:$0x7EE]  }
0x189: {  	[spmem:s25] =	stream.linear.scatter [tilespmem:s22], [sflag:$0x9], $0x1000, $0x38;
	[tilespmem:$0x1F300] =	vst v63  }
0x18a: {  	s25 =	sld [smem:$0x7EF]  }
0x18b: {  	[spmem:s30] =	stream.linear.scatter [tilespmem:s22], [sflag:$0x9], $0x1000, $0x38;
	[tilespmem:$0x1F300] =	vst v63  }
0x18c: {  	s30 =	sld [smem:$0x7F0]  }
0x18d: {  	[spmem:s25] =	stream.linear.scatter [tilespmem:s22], [sflag:$0x9], $0x1000, $0x38;
	[tilespmem:$0x1F300] =	vst v63  }
0x18e: {  	s25 =	sld [smem:$0x7F1]  }
0x18f: {  	[spmem:s30] =	stream.linear.scatter [tilespmem:s22], [sflag:$0x9], $0x1000, $0x38;
	[tilespmem:$0x1F300] =	vst v63  }
0x190: {  	s30 =	sld [smem:$0x7F2]  }
0x191: {  	[spmem:s25] =	stream.linear.scatter [tilespmem:s22], [sflag:$0x9], $0x1000, $0x38;
	[tilespmem:$0x1F300] =	vst v63  }
0x192: {  	s25 =	sld [smem:$0x7F3]  }
0x193: {  	[spmem:s30] =	stream.linear.scatter [tilespmem:s22], [sflag:$0x9], $0x1000, $0x38;
	[tilespmem:$0x1F300] =	vst v63  }
0x194: {  	s30 =	sld [smem:$0x7F4]  }
0x195: {  	[spmem:s25] =	stream.linear.scatter [tilespmem:s22], [sflag:$0x9], $0x1000, $0x38;
	[tilespmem:$0x1F300] =	vst v63  }
0x196: {  	s25 =	sld [smem:$0x7F5]  }
0x197: {  	[spmem:s30] =	stream.linear.scatter [tilespmem:s22], [sflag:$0x9], $0x1000, $0x38;
	[tilespmem:$0x1F300] =	vst v63  }
0x198: {  	s30 =	sld [smem:$0x7F6]  }
0x199: {  	[spmem:s25] =	stream.linear.scatter [tilespmem:s22], [sflag:$0x9], $0x1000, $0x38;
	[tilespmem:$0x1F300] =	vst v63  }
0x19a: {  	s25 =	sld [smem:$0x7F7]  }
0x19b: {  	[spmem:s30] =	stream.linear.scatter [tilespmem:s22], [sflag:$0x9], $0x1000, $0x38;
	[tilespmem:$0x1F300] =	vst v63  }
0x19c: {  	s30 =	sld [smem:$0x7F8]  }
0x19d: {  	[spmem:s25] =	stream.linear.scatter [tilespmem:s22], [sflag:$0x9], $0x1000, $0x38;
	[tilespmem:$0x1F300] =	vst v63  }
0x19e: {  	s25 =	sld [smem:$0x7F9]  }
0x19f: {  	[spmem:s30] =	stream.linear.scatter [tilespmem:s22], [sflag:$0x9], $0x1000, $0x38;
	[tilespmem:$0x1F300] =	vst v63  }
0x1a0: {  	s30 =	sld [smem:$0x7FA]  }
0x1a1: {  	[spmem:s25] =	stream.linear.scatter [tilespmem:s22], [sflag:$0x9], $0x1000, $0x38;
	[tilespmem:$0x1F300] =	vst v63  }
0x1a2: {  	s25 =	sld [smem:$0x7FB]  }
0x1a3: {  	[spmem:s30] =	stream.linear.scatter [tilespmem:s22], [sflag:$0x9], $0x1000, $0x38;
	[tilespmem:$0x1F300] =	vst v63  }
0x1a4: {  	s30 =	sld [smem:$0x7FC]  }
0x1a5: {  	[spmem:s25] =	stream.linear.scatter [tilespmem:s22], [sflag:$0x9], $0x1000, $0x38;
	[tilespmem:$0x1F300] =	vst v63  }
0x1a6: {  	s25 =	sld [smem:$0x7FD]  }
0x1a7: {  	[spmem:s30] =	stream.linear.scatter [tilespmem:s22], [sflag:$0x9], $0x1000, $0x38;
	[tilespmem:$0x1F300] =	vst v63  }
0x1a8: {  	_ = 	snop  }
0x1a9: {  	[spmem:s25] =	stream.linear.scatter [tilespmem:s22], [sflag:$0x9], $0x1000, $0x38;
	[tilespmem:$0x1F300] =	vst v63  }
0x1aa: {  	_ = 	snop  }
0x1ab: {  	[spmem:s18] =	stream.linear.scatter [tilespmem:s22], [sflag:$0xA], $0x700, $0x38;
	[tilespmem:$0x1F300] =	vst v63  }
0x1ac: {  	_ =	swait.ge [sflag:s24], $0x700  }
0x1ad: {  	[sflag:s24] =	ssyncset.done $0x0  }
0x1ae: {  	s30 =	simm.s32 $0x9;
	[sflag:s24] =	ssyncadd.s32 $0xFFFFF900  }
0x1af: {  	_ =	swait.ge [sflag:s30], $0x1000  }
0x1b0: {  	[sflag:s30] =	ssyncset.done $0x0  }
0x1b1: {  	[sflag:s30] =	ssyncadd.s32 $0xFFFFF000  }
0x1b2: {  	_ =	swait.ge [sflag:s30], $0x1000  }
0x1b3: {  	[sflag:s30] =	ssyncset.done $0x0  }
0x1b4: {  	[sflag:s30] =	ssyncadd.s32 $0xFFFFF000  }
0x1b5: {  	_ =	swait.ge [sflag:s30], $0x1000  }
0x1b6: {  	[sflag:s30] =	ssyncset.done $0x0  }
0x1b7: {  	[sflag:s30] =	ssyncadd.s32 $0xFFFFF000  }
0x1b8: {  	_ =	swait.ge [sflag:s30], $0x1000  }
0x1b9: {  	[sflag:s30] =	ssyncset.done $0x0  }
0x1ba: {  	[sflag:s30] =	ssyncadd.s32 $0xFFFFF000  }
0x1bb: {  	_ =	swait.ge [sflag:s30], $0x1000  }
0x1bc: {  	[sflag:s30] =	ssyncset.done $0x0  }
0x1bd: {  	[sflag:s30] =	ssyncadd.s32 $0xFFFFF000  }
0x1be: {  	_ =	swait.ge [sflag:s30], $0x1000  }
0x1bf: {  	[sflag:s30] =	ssyncset.done $0x0  }
0x1c0: {  	[sflag:s30] =	ssyncadd.s32 $0xFFFFF000  }
0x1c1: {  	_ =	swait.ge [sflag:s30], $0x1000  }
0x1c2: {  	[sflag:s30] =	ssyncset.done $0x0  }
0x1c3: {  	[sflag:s30] =	ssyncadd.s32 $0xFFFFF000  }
0x1c4: {  	_ =	swait.ge [sflag:s30], $0x1000  }
0x1c5: {  	[sflag:s30] =	ssyncset.done $0x0  }
0x1c6: {  	[sflag:s30] =	ssyncadd.s32 $0xFFFFF000  }
0x1c7: {  	_ =	swait.ge [sflag:s30], $0x1000  }
0x1c8: {  	[sflag:s30] =	ssyncset.done $0x0  }
0x1c9: {  	[sflag:s30] =	ssyncadd.s32 $0xFFFFF000  }
0x1ca: {  	_ =	swait.ge [sflag:s30], $0x1000  }
0x1cb: {  	[sflag:s30] =	ssyncset.done $0x0  }
0x1cc: {  	[sflag:s30] =	ssyncadd.s32 $0xFFFFF000  }
0x1cd: {  	_ =	swait.ge [sflag:s30], $0x1000  }
0x1ce: {  	[sflag:s30] =	ssyncset.done $0x0  }
0x1cf: {  	[sflag:s30] =	ssyncadd.s32 $0xFFFFF000  }
0x1d0: {  	_ =	swait.ge [sflag:s30], $0x1000  }
0x1d1: {  	[sflag:s30] =	ssyncset.done $0x0  }
0x1d2: {  	[sflag:s30] =	ssyncadd.s32 $0xFFFFF000  }
0x1d3: {  	_ =	swait.ge [sflag:s30], $0x1000  }
0x1d4: {  	[sflag:s30] =	ssyncset.done $0x0  }
0x1d5: {  	[sflag:s30] =	ssyncadd.s32 $0xFFFFF000  }
0x1d6: {  	_ =	swait.ge [sflag:s30], $0x1000  }
0x1d7: {  	[sflag:s30] =	ssyncset.done $0x0  }
0x1d8: {  	[sflag:s30] =	ssyncadd.s32 $0xFFFFF000  }
0x1d9: {  	_ =	swait.ge [sflag:s30], $0x1000  }
0x1da: {  	[sflag:s30] =	ssyncset.done $0x0  }
0x1db: {  	[sflag:s30] =	ssyncadd.s32 $0xFFFFF000  }
0x1dc: {  	_ =	swait.ge [sflag:s30], $0x1000  }
0x1dd: {  	[sflag:s30] =	ssyncset.done $0x0  }
0x1de: {  	[sflag:s30] =	ssyncadd.s32 $0xFFFFF000  }
0x1df: {  	_ =	swait.ge [sflag:s30], $0x1000  }
0x1e0: {  	[sflag:s30] =	ssyncset.done $0x0  }
0x1e1: {  	[sflag:s30] =	ssyncadd.s32 $0xFFFFF000  }
0x1e2: {  	_ =	swait.ge [sflag:s30], $0x1000  }
0x1e3: {  	[sflag:s30] =	ssyncset.done $0x0  }
0x1e4: {  	[sflag:s30] =	ssyncadd.s32 $0xFFFFF000  }
0x1e5: {  	_ =	swait.ge [sflag:s30], $0x1000  }
0x1e6: {  	[sflag:s30] =	ssyncset.done $0x0  }
0x1e7: {  	[sflag:s30] =	ssyncadd.s32 $0xFFFFF000  }
0x1e8: {  	_ =	swait.ge [sflag:s30], $0x1000  }
0x1e9: {  	[sflag:s30] =	ssyncset.done $0x0  }
0x1ea: {  	[sflag:s30] =	ssyncadd.s32 $0xFFFFF000  }
0x1eb: {  	_ =	swait.ge [sflag:s30], $0x1000  }
0x1ec: {  	[sflag:s30] =	ssyncset.done $0x0  }
0x1ed: {  	[sflag:s30] =	ssyncadd.s32 $0xFFFFF000  }
0x1ee: {  	_ =	swait.ge [sflag:s30], $0x1000  }
0x1ef: {  	[sflag:s30] =	ssyncset.done $0x0  }
0x1f0: {  	[sflag:s30] =	ssyncadd.s32 $0xFFFFF000  }
0x1f1: {  	_ =	swait.ge [sflag:s30], $0x1000  }
0x1f2: {  	[sflag:s30] =	ssyncset.done $0x0  }
0x1f3: {  	[sflag:s30] =	ssyncadd.s32 $0xFFFFF000  }
0x1f4: {  	_ =	swait.ge [sflag:s30], $0x1000  }
0x1f5: {  	[sflag:s30] =	ssyncset.done $0x0  }
0x1f6: {  	[sflag:s30] =	ssyncadd.s32 $0xFFFFF000  }
0x1f7: {  	[bflag:$0x0] =	sbarrier.arrive $0xFFFF  }
0x1f8: {  	s25 =	simm.s32 $0x0;
	s31 =	rddreg [dreg:$0x1a]  }
.LBB2_8:
0x1f9: {  	s7 =	smul.u32 $0xE00, s25  }
0x1fa: {  	s18 =	rddreg [dreg:$0x1c]  }
0x1fb: {  	s7 =	sadd.s32 s18, s7  }
0x1fc: {  	s22 =	rddreg [dreg:$0x4];
	s30 =	simm.s32 $0x18700;
	s7 =	sshrl.u32 s7, $0x3  }
0x1fd: {  	s24 =	simm.s32 $0xA;
	s18 =	sadd.s32 s22, s7;
	s22 =	simm.s32 $0x0  }
0x1fe: {  	[tilespmem:s30], [sflag:$0xA] =	stream.linear.gather [hbm4b:s18+s22], $0xE00, $0x38;
	[tilespmem:$0x1F300] =	vst v63  }
0x1ff: {  	_ =	swait.ge [sflag:s24], $0xE00  }
0x200: {  	[sflag:s24] =	ssyncset.done $0x0;
	s18 =	rddreg [dreg:$0x5]  }
0x201: {  	[sflag:s24] =	ssyncadd.s32 $0xFFFFF200;
	s7 =	sadd.s32 s18, s7;
	s18 =	simm.s32 $0x19500  }
0x202: {  	[tilespmem:s18], [sflag:$0xA] =	stream.linear.gather [hbm4b:s7+s22], $0xE00, $0x38;
	[tilespmem:$0x1F300] =	vst v63  }
0x203: {  	_ =	swait.ge [sflag:s24], $0xE00  }
0x204: {  	[sflag:s24] =	ssyncset.done $0x0  }
0x205: {  	[sflag:s24] =	ssyncadd.s32 $0xFFFFF200  }
0x206: {  	[tilespmem:s29], [sflag:$0x1] =	stream.indirect.gather [hbm4b:s12+s28], $0x20, s30, s28, $0xb8;
	[tilespmem:$0x1F300] =	vst v63  }
0x207: {  	s24 =	simm.s32 $0x18780  }
0x208: {  	[tilespmem:s6], [sflag:$0x2] =	stream.indirect.gather [hbm4b:s12+s28], $0x20, s24, s28, $0xb8;
	[tilespmem:$0x1F300] =	vst v63  }
0x209: {  	s30 =	simm.s32 $0x18800  }
0x20a: {  	[tilespmem:s20], [sflag:$0x3] =	stream.indirect.gather [hbm4b:s12+s28], $0x20, s30, s28, $0xb8;
	[tilespmem:$0x1F300] =	vst v63  }
0x20b: {  	s18 =	simm.s32 $0x18880  }
0x20c: {  	[tilespmem:s9], [sflag:$0x4] =	stream.indirect.gather [hbm4b:s12+s28], $0x20, s18, s28, $0xb8;
	[tilespmem:$0x1F300] =	vst v63  }
0x20d: {  	_ =	swait.ge [sflag:s23], $0x1000  }
0x20e: {  	[sflag:s23] =	ssyncset.done $0x0  }
0x20f: {  	s22 =	simm.s32 $0x19500;
	[sflag:s23] =	ssyncadd.s32 $0xFFFFF000  }
0x210: {  	[spmem:s1] =	stream.indirect.scatter.add.f32 [tilespmem:s29], [sflag:$0x5], $0x20, s22, s28, $0xb8;
	[tilespmem:$0x1F300] =	vst v63  }
0x211: {  	_ =	swait.ge [sflag:s21], $0x1000  }
0x212: {  	[sflag:s21] =	ssyncset.done $0x0  }
0x213: {  	s24 =	simm.s32 $0x19580;
	[sflag:s21] =	ssyncadd.s32 $0xFFFFF000  }
0x214: {  	[spmem:s1] =	stream.indirect.scatter.add.f32 [tilespmem:s6], [sflag:$0x6], $0x20, s24, s28, $0xb8;
	[tilespmem:$0x1F300] =	vst v63  }
0x215: {  	_ =	swait.ge [sflag:s26], $0x1000  }
0x216: {  	[sflag:s26] =	ssyncset.done $0x0  }
0x217: {  	s30 =	simm.s32 $0x19600;
	[sflag:s26] =	ssyncadd.s32 $0xFFFFF000  }
0x218: {  	[spmem:s1] =	stream.indirect.scatter.add.f32 [tilespmem:s20], [sflag:$0x7], $0x20, s30, s28, $0xb8;
	[tilespmem:$0x1F300] =	vst v63  }
0x219: {  	_ =	swait.ge [sflag:s11], $0x1000  }
0x21a: {  	[sflag:s11] =	ssyncset.done $0x0  }
0x21b: {  	s18 =	simm.s32 $0x19680;
	[sflag:s11] =	ssyncadd.s32 $0xFFFFF000  }
0x21c: {  	[spmem:s1] =	stream.indirect.scatter.add.f32 [tilespmem:s9], [sflag:$0x8], $0x20, s18, s28, $0xb8;
	[tilespmem:$0x1F300] =	vst v63  }
0x21d: {  	_ =	swait.ge [sflag:s19], $0x1000  }
0x21e: {  	[sflag:s19] =	ssyncset.done $0x0  }
0x21f: {  	s22 =	simm.s32 $0x18900;
	[sflag:s19] =	ssyncadd.s32 $0xFFFFF000  }
0x220: {  	[tilespmem:s29], [sflag:$0x1] =	stream.indirect.gather [hbm4b:s12+s28], $0x20, s22, s28, $0xb8;
	[tilespmem:$0x1F300] =	vst v63  }
0x221: {  	_ =	swait.ge [sflag:s8], $0x1000  }
0x222: {  	[sflag:s8] =	ssyncset.done $0x0  }
0x223: {  	s24 =	simm.s32 $0x18980;
	[sflag:s8] =	ssyncadd.s32 $0xFFFFF000  }
0x224: {  	[tilespmem:s6], [sflag:$0x2] =	stream.indirect.gather [hbm4b:s12+s28], $0x20, s24, s28, $0xb8;
	[tilespmem:$0x1F300] =	vst v63  }
0x225: {  	_ =	swait.ge [sflag:s4], $0x1000  }
0x226: {  	[sflag:s4] =	ssyncset.done $0x0  }
0x227: {  	s30 =	simm.s32 $0x18A00;
	[sflag:s4] =	ssyncadd.s32 $0xFFFFF000  }
0x228: {  	[tilespmem:s20], [sflag:$0x3] =	stream.indirect.gather [hbm4b:s12+s28], $0x20, s30, s28, $0xb8;
	[tilespmem:$0x1F300] =	vst v63  }
0x229: {  	_ =	swait.ge [sflag:s5], $0x1000  }
0x22a: {  	[sflag:s5] =	ssyncset.done $0x0  }
0x22b: {  	s18 =	simm.s32 $0x18A80;
	s24 =	simm.s32 $0x800;
	[sflag:s5] =	ssyncadd.s32 $0xFFFFF000  }
.LBB2_9:
0x22c: {  	[tilespmem:s9], [sflag:$0x4] =	stream.indirect.gather [hbm4b:s12+s28], $0x20, s18, s28, $0xb8;
	[tilespmem:$0x1F300] =	vst v63  }
0x22d: {  	s7 =	smov.u32 s24  }
0x22e: {  	p0 =	sne.s32 s24, $0x2800;
	s24 =	sadd.s32 $0x800, s24;
	_ =	swait.ge [sflag:s23], $0x1000  }
0x22f: {  	s18 =	sshra.s32 s7, $0x2;
	[sflag:s23] =	ssyncset.done $0x0  }
0x230: {  	s7 =	sadd.s32 $0x19500, s18;
	[sflag:s23] =	ssyncadd.s32 $0xFFFFF000  }
0x231: {  	[spmem:s1] =	stream.indirect.scatter.add.f32 [tilespmem:s29], [sflag:$0x5], $0x20, s7, s28, $0xb8;
	[tilespmem:$0x1F300] =	vst v63  }
0x232: {  	_ =	swait.ge [sflag:s21], $0x1000  }
0x233: {  	[sflag:s21] =	ssyncset.done $0x0  }
0x234: {  	s7 =	sadd.s32 $0x19580, s18;
	[sflag:s21] =	ssyncadd.s32 $0xFFFFF000  }
0x235: {  	[spmem:s1] =	stream.indirect.scatter.add.f32 [tilespmem:s6], [sflag:$0x6], $0x20, s7, s28, $0xb8;
	[tilespmem:$0x1F300] =	vst v63  }
0x236: {  	_ =	swait.ge [sflag:s26], $0x1000  }
0x237: {  	[sflag:s26] =	ssyncset.done $0x0  }
0x238: {  	s7 =	sadd.s32 $0x19600, s18;
	[sflag:s26] =	ssyncadd.s32 $0xFFFFF000  }
0x239: {  	[spmem:s1] =	stream.indirect.scatter.add.f32 [tilespmem:s20], [sflag:$0x7], $0x20, s7, s28, $0xb8;
	[tilespmem:$0x1F300] =	vst v63  }
0x23a: {  	_ =	swait.ge [sflag:s11], $0x1000  }
0x23b: {  	[sflag:s11] =	ssyncset.done $0x0  }
0x23c: {  	s7 =	sadd.s32 $0x19680, s18;
	[sflag:s11] =	ssyncadd.s32 $0xFFFFF000  }
0x23d: {  	[spmem:s1] =	stream.indirect.scatter.add.f32 [tilespmem:s9], [sflag:$0x8], $0x20, s7, s28, $0xb8;
	[tilespmem:$0x1F300] =	vst v63  }
0x23e: {  	_ =	swait.ge [sflag:s19], $0x1000  }
0x23f: {  	[sflag:s19] =	ssyncset.done $0x0  }
0x240: {  	s7 =	sadd.s32 $0x18900, s18;
	[sflag:s19] =	ssyncadd.s32 $0xFFFFF000  }
0x241: {  	[tilespmem:s29], [sflag:$0x1] =	stream.indirect.gather [hbm4b:s12+s28], $0x20, s7, s28, $0xb8;
	[tilespmem:$0x1F300] =	vst v63  }
0x242: {  	_ =	swait.ge [sflag:s8], $0x1000  }
0x243: {  	[sflag:s8] =	ssyncset.done $0x0  }
0x244: {  	s7 =	sadd.s32 $0x18980, s18;
	[sflag:s8] =	ssyncadd.s32 $0xFFFFF000  }
0x245: {  	[tilespmem:s6], [sflag:$0x2] =	stream.indirect.gather [hbm4b:s12+s28], $0x20, s7, s28, $0xb8;
	[tilespmem:$0x1F300] =	vst v63  }
0x246: {  	_ =	swait.ge [sflag:s4], $0x1000  }
0x247: {  	[sflag:s4] =	ssyncset.done $0x0  }
.Ltmp3:
0x248: {  	s7 =	sadd.s32 $0x18A00, s18;
	[sflag:s4] =	ssyncadd.s32 $0xFFFFF000;
	(pc) =	sbr.rel @p0 .LBB2_9-.Ltmp3, $4  }
0x249: {  	[tilespmem:s20], [sflag:$0x3] =	stream.indirect.gather [hbm4b:s12+s28], $0x20, s7, s28, $0xb8;
	[tilespmem:$0x1F300] =	vst v63  }
0x24a: {  	_ =	swait.ge [sflag:s5], $0x1000  }
0x24b: {  	[sflag:s5] =	ssyncset.done $0x0  }
0x24c: {  	s18 =	sadd.s32 $0x18A80, s18;
	[sflag:s5] =	ssyncadd.s32 $0xFFFFF000  }
0x24d: {  	[tilespmem:s9], [sflag:$0x4] =	stream.indirect.gather [hbm4b:s12+s28], $0x20, s18, s28, $0xb8;
	[tilespmem:$0x1F300] =	vst v63  }
0x24e: {  	_ =	swait.ge [sflag:s23], $0x1000  }
0x24f: {  	[sflag:s23] =	ssyncset.done $0x0  }
0x250: {  	s7 =	simm.s32 $0x1A100;
	[sflag:s23] =	ssyncadd.s32 $0xFFFFF000  }
0x251: {  	[spmem:s1] =	stream.indirect.scatter.add.f32 [tilespmem:s29], [sflag:$0x5], $0x20, s7, s28, $0xb8;
	[tilespmem:$0x1F300] =	vst v63  }
0x252: {  	_ =	swait.ge [sflag:s21], $0x1000  }
0x253: {  	[sflag:s21] =	ssyncset.done $0x0  }
0x254: {  	s22 =	simm.s32 $0x1A180;
	[sflag:s21] =	ssyncadd.s32 $0xFFFFF000  }
0x255: {  	[spmem:s1] =	stream.indirect.scatter.add.f32 [tilespmem:s6], [sflag:$0x6], $0x20, s22, s28, $0xb8;
	[tilespmem:$0x1F300] =	vst v63  }
0x256: {  	_ =	swait.ge [sflag:s26], $0x1000  }
0x257: {  	[sflag:s26] =	ssyncset.done $0x0  }
0x258: {  	s24 =	simm.s32 $0x1A200;
	[sflag:s26] =	ssyncadd.s32 $0xFFFFF000  }
0x259: {  	[spmem:s1] =	stream.indirect.scatter.add.f32 [tilespmem:s20], [sflag:$0x7], $0x20, s24, s28, $0xb8;
	[tilespmem:$0x1F300] =	vst v63  }
0x25a: {  	_ =	swait.ge [sflag:s11], $0x1000  }
0x25b: {  	[sflag:s11] =	ssyncset.done $0x0  }
0x25c: {  	s30 =	simm.s32 $0x1A280;
	[sflag:s11] =	ssyncadd.s32 $0xFFFFF000  }
0x25d: {  	[spmem:s1] =	stream.indirect.scatter.add.f32 [tilespmem:s9], [sflag:$0x8], $0x20, s30, s28, $0xb8;
	[tilespmem:$0x1F300] =	vst v63  }
0x25e: {  	_ =	swait.ge [sflag:s19], $0x1000  }
0x25f: {  	[sflag:s19] =	ssyncset.done $0x0  }
0x260: {  	[sflag:s19] =	ssyncadd.s32 $0xFFFFF000  }
0x261: {  	_ =	swait.ge [sflag:s8], $0x1000  }
0x262: {  	[sflag:s8] =	ssyncset.done $0x0  }
0x263: {  	s25 =	sadd.s32 $0x1, s25;
	[sflag:s8] =	ssyncadd.s32 $0xFFFFF000  }
0x264: {  	p0 =	sne.s32 s25, $0xE;
	_ =	swait.ge [sflag:s4], $0x1000  }
.Ltmp4:
0x265: {  	[sflag:s4] =	ssyncset.done $0x0;
	(pc) =	sbr.rel @p0 .LBB2_8-.Ltmp4, $4  }
0x266: {  	[sflag:s4] =	ssyncadd.s32 $0xFFFFF000  }
0x267: {  	_ =	swait.ge [sflag:s5], $0x1000  }
0x268: {  	[sflag:s5] =	ssyncset.done $0x0  }
0x269: {  	[sflag:s5] =	ssyncadd.s32 $0xFFFFF000  }
0x26a: {  	[bflag:$0x0] =	sbarrier.arrive $0xFFFF  }
0x26b: {  	s7 =	rddreg [dreg:$0xf]  }
0x26c: {  	[tilespmem:s29], [sflag:$0x1] =	stream.linear.gather [spmem:s7], $0x1000, $0x38;
	[tilespmem:$0x1F300] =	vst v63  }
0x26d: {  	s18 =	rddreg [dreg:$0x10]  }
0x26e: {  	[tilespmem:s6], [sflag:$0x2] =	stream.linear.gather [spmem:s18], $0x1000, $0x38;
	[tilespmem:$0x1F300] =	vst v63  }
0x26f: {  	_ =	swait.ge [sflag:s23], $0x1000  }
0x270: {  	[sflag:s23] =	ssyncset.done $0x0  }
0x271: {  	s22 =	simm.s32 $0x0;
	s18 =	rddreg [dreg:$0x13];
	[sflag:s23] =	ssyncadd.s32 $0xFFFFF000  }
0x272: {  	[hbm4b:s18+s22] =	stream.linear.scatter [tilespmem:s29], [sflag:$0x5], $0x1000, $0x38;
	[tilespmem:$0x1F300] =	vst v63  }
0x273: {  	_ =	swait.ge [sflag:s21], $0x1000  }
0x274: {  	[sflag:s21] =	ssyncset.done $0x0  }
0x275: {  	s24 =	rddreg [dreg:$0x14];
	[sflag:s21] =	ssyncadd.s32 $0xFFFFF000  }
0x276: {  	[hbm4b:s24+s22] =	stream.linear.scatter [tilespmem:s6], [sflag:$0x6], $0x1000, $0x38;
	[tilespmem:$0x1F300] =	vst v63  }
0x277: {  	_ =	swait.ge [sflag:s19], $0x1000  }
0x278: {  	s25 =	sld [smem:$0x7E8]  }
0x279: {  	[sflag:s19] =	ssyncset.done $0x0  }
0x27a: {  	[sflag:s19] =	ssyncadd.s32 $0xFFFFF000  }
0x27b: {  	[tilespmem:s29], [sflag:$0x1] =	stream.linear.gather [spmem:s25], $0x1000, $0x38;
	[tilespmem:$0x1F300] =	vst v63  }
0x27c: {  	_ =	swait.ge [sflag:s8], $0x1000  }
0x27d: {  	[sflag:s8] =	ssyncset.done $0x0  }
0x27e: {  	s24 =	rddreg [dreg:$0x1f];
	[sflag:s8] =	ssyncadd.s32 $0xFFFFF000  }
0x27f: {  	[tilespmem:s6], [sflag:$0x2] =	stream.linear.gather [spmem:s24], $0x1000, $0x38;
	[tilespmem:$0x1F300] =	vst v63  }
0x280: {  	_ =	swait.ge [sflag:s23], $0x1000  }
0x281: {  	[sflag:s23] =	ssyncset.done $0x0  }
0x282: {  	s30 =	sadd.s32 $0x0, s0;
	[sflag:s23] =	ssyncadd.s32 $0xFFFFF000  }
0x283: {  	[hbm4b:s30+s2] =	stream.linear.scatter [tilespmem:s29], [sflag:$0x5], $0x1000, $0x38;
	[tilespmem:$0x1F300] =	vst v63  }
0x284: {  	_ =	swait.ge [sflag:s21], $0x1000  }
0x285: {  	s18 =	simm.s32 $0x400;
	[sflag:s21] =	ssyncset.done $0x0  }
0x286: {  	s22 =	sadd.s32 $0x0, s31;
	s24 =	sadd.s32 $0x2000, s24;
	[sflag:s21] =	ssyncadd.s32 $0xFFFFF000  }
.LBB2_12:
0x287: {  	[hbm4b:s22+s2] =	stream.linear.scatter [tilespmem:s6], [sflag:$0x6], $0x1000, $0x38;
	[tilespmem:$0x1F300] =	vst v63  }
0x288: {  	s7 =	smov.u32 s18  }
0x289: {  	p0 =	sne.s32 s18, $0x2800;
	s18 =	sadd.s32 $0x400, s18;
	_ =	swait.ge [sflag:s19], $0x1000  }
0x28a: {  	[sflag:s19] =	ssyncset.done $0x0  }
0x28b: {  	s22 =	sadd.s32 $0xFFFFF000, s24;
	[sflag:s19] =	ssyncadd.s32 $0xFFFFF000  }
0x28c: {  	[tilespmem:s29], [sflag:$0x1] =	stream.linear.gather [spmem:s22], $0x1000, $0x38;
	[tilespmem:$0x1F300] =	vst v63  }
0x28d: {  	_ =	swait.ge [sflag:s8], $0x1000  }
0x28e: {  	[sflag:s8] =	ssyncset.done $0x0  }
0x28f: {  	[sflag:s8] =	ssyncadd.s32 $0xFFFFF000  }
0x290: {  	[tilespmem:s6], [sflag:$0x2] =	stream.linear.gather [spmem:s24], $0x1000, $0x38;
	[tilespmem:$0x1F300] =	vst v63  }
0x291: {  	_ =	swait.ge [sflag:s23], $0x1000  }
0x292: {  	[sflag:s23] =	ssyncset.done $0x0  }
.Ltmp5:
0x293: {  	s22 =	sadd.s32 s7, s0;
	[sflag:s23] =	ssyncadd.s32 $0xFFFFF000;
	(pc) =	sbr.rel @p0 .LBB2_12-.Ltmp5, $4  }
0x294: {  	[hbm4b:s22+s2] =	stream.linear.scatter [tilespmem:s29], [sflag:$0x5], $0x1000, $0x38;
	[tilespmem:$0x1F300] =	vst v63  }
0x295: {  	_ =	swait.ge [sflag:s21], $0x1000  }
0x296: {  	[sflag:s21] =	ssyncset.done $0x0  }
0x297: {  	s24 =	sadd.s32 $0x2000, s24;
	s22 =	sadd.s32 s7, s31;
	[sflag:s21] =	ssyncadd.s32 $0xFFFFF000  }
0x298: {  	[hbm4b:s22+s2] =	stream.linear.scatter [tilespmem:s6], [sflag:$0x6], $0x1000, $0x38;
	[tilespmem:$0x1F300] =	vst v63  }
0x299: {  	s18 =	rddreg [dreg:$0x9];
	s22 =	simm.s32 $0x1E300;
	s24 =	simm.s32 $0xA  }
0x29a: {  	[tilespmem:s22], [sflag:$0xA] =	stream.linear.gather [spmem:s18], $0x700, $0x38;
	[tilespmem:$0x1F300] =	vst v63  }
0x29b: {  	_ =	swait.ge [sflag:s24], $0x700  }
0x29c: {  	[sflag:s24] =	ssyncset.done $0x0  }
0x29d: {  	s25 =	simm.s32 $0x0;
	s7 =	rddreg [dreg:$0xb];
	[sflag:s24] =	ssyncadd.s32 $0xFFFFF900  }
0x29e: {  	[hbm4b:s7+s25] =	stream.linear.scatter [tilespmem:s22], [sflag:$0xA], $0x700, $0x38;
	[tilespmem:$0x1F300] =	vst v63  }
0x29f: {  	_ =	swait.ge [sflag:s24], $0x700  }
0x2a0: {  	[sflag:s24] =	ssyncset.done $0x0  }
0x2a1: {  	[sflag:s24] =	ssyncadd.s32 $0xFFFFF900  }
0x2a2: {  	_ =	swait.ge [sflag:s19], $0x1000  }
0x2a3: {  	[sflag:s19] =	ssyncset.done $0x0  }
0x2a4: {  	[sflag:s19] =	ssyncadd.s32 $0xFFFFF000  }
0x2a5: {  	_ =	swait.ge [sflag:s8], $0x1000  }
0x2a6: {  	[sflag:s8] =	ssyncset.done $0x0  }
0x2a7: {  	[sflag:s8] =	ssyncadd.s32 $0xFFFFF000  }
0x2a8: {  	[bflag:$0x0] =	sbarrier.arrive $0xFFFF  }
0x2a9: {  	s30 =	rddreg [dreg:$0x6]  }
0x2aa: {  	[tilespmem:s22], [sflag:$0xA] =	stream.linear.gather [hbm4b:s30+s25], $0x1000, $0x38;
	[tilespmem:$0x1F300] =	vst v63  }
0x2ab: {  	_ =	swait.ge [sflag:s24], $0x1000  }
0x2ac: {  	[sflag:s24] =	ssyncset.done $0x0;
	s31 =	rddreg [dreg:$0x8]  }
0x2ad: {  	s25 =	rddreg [dreg:$0x1d];
	[sflag:s24] =	ssyncadd.s32 $0xFFFFF000  }
0x2ae: {  	[spmem:s31] =	stream.linear.scatter [tilespmem:s22], [sflag:$0x9], $0x1000, $0x38;
	[tilespmem:$0x1F300] =	vst v63  }
0x2af: {  	s30 =	rddreg [dreg:$0x1e]  }
0x2b0: {  	[spmem:s25] =	stream.linear.scatter [tilespmem:s22], [sflag:$0x9], $0x1000, $0x38;
	[tilespmem:$0x1F300] =	vst v63  }
0x2b1: {  	s31 =	rddreg [dreg:$0x1f]  }
0x2b2: {  	[spmem:s30] =	stream.linear.scatter [tilespmem:s22], [sflag:$0x9], $0x1000, $0x38;
	[tilespmem:$0x1F300] =	vst v63  }
0x2b3: {  	s25 =	sld [smem:$0x7EA]  }
0x2b4: {  	[spmem:s31] =	stream.linear.scatter [tilespmem:s22], [sflag:$0x9], $0x1000, $0x38;
	[tilespmem:$0x1F300] =	vst v63  }
0x2b5: {  	s30 =	sld [smem:$0x7EB]  }
0x2b6: {  	[spmem:s25] =	stream.linear.scatter [tilespmem:s22], [sflag:$0x9], $0x1000, $0x38;
	[tilespmem:$0x1F300] =	vst v63  }
0x2b7: {  	s31 =	sld [smem:$0x7EC]  }
0x2b8: {  	[spmem:s30] =	stream.linear.scatter [tilespmem:s22], [sflag:$0x9], $0x1000, $0x38;
	[tilespmem:$0x1F300] =	vst v63  }
0x2b9: {  	s25 =	sld [smem:$0x7ED]  }
0x2ba: {  	[spmem:s31] =	stream.linear.scatter [tilespmem:s22], [sflag:$0x9], $0x1000, $0x38;
	[tilespmem:$0x1F300] =	vst v63  }
0x2bb: {  	s30 =	sld [smem:$0x7EE]  }
0x2bc: {  	[spmem:s25] =	stream.linear.scatter [tilespmem:s22], [sflag:$0x9], $0x1000, $0x38;
	[tilespmem:$0x1F300] =	vst v63  }
0x2bd: {  	s31 =	sld [smem:$0x7EF]  }
0x2be: {  	[spmem:s30] =	stream.linear.scatter [tilespmem:s22], [sflag:$0x9], $0x1000, $0x38;
	[tilespmem:$0x1F300] =	vst v63  }
0x2bf: {  	s25 =	sld [smem:$0x7F0]  }
0x2c0: {  	[spmem:s31] =	stream.linear.scatter [tilespmem:s22], [sflag:$0x9], $0x1000, $0x38;
	[tilespmem:$0x1F300] =	vst v63  }
0x2c1: {  	s30 =	sld [smem:$0x7F1]  }
0x2c2: {  	[spmem:s25] =	stream.linear.scatter [tilespmem:s22], [sflag:$0x9], $0x1000, $0x38;
	[tilespmem:$0x1F300] =	vst v63  }
0x2c3: {  	s31 =	sld [smem:$0x7F2]  }
0x2c4: {  	[spmem:s30] =	stream.linear.scatter [tilespmem:s22], [sflag:$0x9], $0x1000, $0x38;
	[tilespmem:$0x1F300] =	vst v63  }
0x2c5: {  	s25 =	sld [smem:$0x7F3]  }
0x2c6: {  	[spmem:s31] =	stream.linear.scatter [tilespmem:s22], [sflag:$0x9], $0x1000, $0x38;
	[tilespmem:$0x1F300] =	vst v63  }
0x2c7: {  	s30 =	sld [smem:$0x7F4]  }
0x2c8: {  	[spmem:s25] =	stream.linear.scatter [tilespmem:s22], [sflag:$0x9], $0x1000, $0x38;
	[tilespmem:$0x1F300] =	vst v63  }
0x2c9: {  	s31 =	sld [smem:$0x7F5]  }
0x2ca: {  	[spmem:s30] =	stream.linear.scatter [tilespmem:s22], [sflag:$0x9], $0x1000, $0x38;
	[tilespmem:$0x1F300] =	vst v63  }
0x2cb: {  	s25 =	sld [smem:$0x7F6]  }
0x2cc: {  	[spmem:s31] =	stream.linear.scatter [tilespmem:s22], [sflag:$0x9], $0x1000, $0x38;
	[tilespmem:$0x1F300] =	vst v63  }
0x2cd: {  	s30 =	sld [smem:$0x7F7]  }
0x2ce: {  	[spmem:s25] =	stream.linear.scatter [tilespmem:s22], [sflag:$0x9], $0x1000, $0x38;
	[tilespmem:$0x1F300] =	vst v63  }
0x2cf: {  	s31 =	sld [smem:$0x7F8]  }
0x2d0: {  	[spmem:s30] =	stream.linear.scatter [tilespmem:s22], [sflag:$0x9], $0x1000, $0x38;
	[tilespmem:$0x1F300] =	vst v63  }
0x2d1: {  	s25 =	sld [smem:$0x7F9]  }
0x2d2: {  	[spmem:s31] =	stream.linear.scatter [tilespmem:s22], [sflag:$0x9], $0x1000, $0x38;
	[tilespmem:$0x1F300] =	vst v63  }
0x2d3: {  	s30 =	sld [smem:$0x7FA]  }
0x2d4: {  	[spmem:s25] =	stream.linear.scatter [tilespmem:s22], [sflag:$0x9], $0x1000, $0x38;
	[tilespmem:$0x1F300] =	vst v63  }
0x2d5: {  	s31 =	sld [smem:$0x7FB]  }
0x2d6: {  	[spmem:s30] =	stream.linear.scatter [tilespmem:s22], [sflag:$0x9], $0x1000, $0x38;
	[tilespmem:$0x1F300] =	vst v63  }
0x2d7: {  	s25 =	sld [smem:$0x7FC]  }
0x2d8: {  	[spmem:s31] =	stream.linear.scatter [tilespmem:s22], [sflag:$0x9], $0x1000, $0x38;
	[tilespmem:$0x1F300] =	vst v63  }
0x2d9: {  	s30 =	sld [smem:$0x7FD]  }
0x2da: {  	[spmem:s25] =	stream.linear.scatter [tilespmem:s22], [sflag:$0x9], $0x1000, $0x38;
	[tilespmem:$0x1F300] =	vst v63  }
0x2db: {  	_ = 	snop  }
0x2dc: {  	[spmem:s30] =	stream.linear.scatter [tilespmem:s22], [sflag:$0x9], $0x1000, $0x38;
	[tilespmem:$0x1F300] =	vst v63  }
0x2dd: {  	_ = 	snop  }
0x2de: {  	[spmem:s18] =	stream.linear.scatter [tilespmem:s22], [sflag:$0xA], $0x700, $0x38;
	[tilespmem:$0x1F300] =	vst v63  }
0x2df: {  	_ =	swait.ge [sflag:s24], $0x700  }
0x2e0: {  	[sflag:s24] =	ssyncset.done $0x0  }
0x2e1: {  	s31 =	simm.s32 $0x9;
	[sflag:s24] =	ssyncadd.s32 $0xFFFFF900  }
0x2e2: {  	_ =	swait.ge [sflag:s31], $0x1000  }
0x2e3: {  	[sflag:s31] =	ssyncset.done $0x0  }
0x2e4: {  	[sflag:s31] =	ssyncadd.s32 $0xFFFFF000  }
0x2e5: {  	_ =	swait.ge [sflag:s31], $0x1000  }
0x2e6: {  	[sflag:s31] =	ssyncset.done $0x0  }
0x2e7: {  	[sflag:s31] =	ssyncadd.s32 $0xFFFFF000  }
0x2e8: {  	_ =	swait.ge [sflag:s31], $0x1000  }
0x2e9: {  	[sflag:s31] =	ssyncset.done $0x0  }
0x2ea: {  	[sflag:s31] =	ssyncadd.s32 $0xFFFFF000  }
0x2eb: {  	_ =	swait.ge [sflag:s31], $0x1000  }
0x2ec: {  	[sflag:s31] =	ssyncset.done $0x0  }
0x2ed: {  	[sflag:s31] =	ssyncadd.s32 $0xFFFFF000  }
0x2ee: {  	_ =	swait.ge [sflag:s31], $0x1000  }
0x2ef: {  	[sflag:s31] =	ssyncset.done $0x0  }
0x2f0: {  	[sflag:s31] =	ssyncadd.s32 $0xFFFFF000  }
0x2f1: {  	_ =	swait.ge [sflag:s31], $0x1000  }
0x2f2: {  	[sflag:s31] =	ssyncset.done $0x0  }
0x2f3: {  	[sflag:s31] =	ssyncadd.s32 $0xFFFFF000  }
0x2f4: {  	_ =	swait.ge [sflag:s31], $0x1000  }
0x2f5: {  	[sflag:s31] =	ssyncset.done $0x0  }
0x2f6: {  	[sflag:s31] =	ssyncadd.s32 $0xFFFFF000  }
0x2f7: {  	_ =	swait.ge [sflag:s31], $0x1000  }
0x2f8: {  	[sflag:s31] =	ssyncset.done $0x0  }
0x2f9: {  	[sflag:s31] =	ssyncadd.s32 $0xFFFFF000  }
0x2fa: {  	_ =	swait.ge [sflag:s31], $0x1000  }
0x2fb: {  	[sflag:s31] =	ssyncset.done $0x0  }
0x2fc: {  	[sflag:s31] =	ssyncadd.s32 $0xFFFFF000  }
0x2fd: {  	_ =	swait.ge [sflag:s31], $0x1000  }
0x2fe: {  	[sflag:s31] =	ssyncset.done $0x0  }
0x2ff: {  	[sflag:s31] =	ssyncadd.s32 $0xFFFFF000  }
0x300: {  	_ =	swait.ge [sflag:s31], $0x1000  }
0x301: {  	[sflag:s31] =	ssyncset.done $0x0  }
0x302: {  	[sflag:s31] =	ssyncadd.s32 $0xFFFFF000  }
0x303: {  	_ =	swait.ge [sflag:s31], $0x1000  }
0x304: {  	[sflag:s31] =	ssyncset.done $0x0  }
0x305: {  	[sflag:s31] =	ssyncadd.s32 $0xFFFFF000  }
0x306: {  	_ =	swait.ge [sflag:s31], $0x1000  }
0x307: {  	[sflag:s31] =	ssyncset.done $0x0  }
0x308: {  	[sflag:s31] =	ssyncadd.s32 $0xFFFFF000  }
0x309: {  	_ =	swait.ge [sflag:s31], $0x1000  }
0x30a: {  	[sflag:s31] =	ssyncset.done $0x0  }
0x30b: {  	[sflag:s31] =	ssyncadd.s32 $0xFFFFF000  }
0x30c: {  	_ =	swait.ge [sflag:s31], $0x1000  }
0x30d: {  	[sflag:s31] =	ssyncset.done $0x0  }
0x30e: {  	[sflag:s31] =	ssyncadd.s32 $0xFFFFF000  }
0x30f: {  	_ =	swait.ge [sflag:s31], $0x1000  }
0x310: {  	[sflag:s31] =	ssyncset.done $0x0  }
0x311: {  	[sflag:s31] =	ssyncadd.s32 $0xFFFFF000  }
0x312: {  	_ =	swait.ge [sflag:s31], $0x1000  }
0x313: {  	[sflag:s31] =	ssyncset.done $0x0  }
0x314: {  	[sflag:s31] =	ssyncadd.s32 $0xFFFFF000  }
0x315: {  	_ =	swait.ge [sflag:s31], $0x1000  }
0x316: {  	[sflag:s31] =	ssyncset.done $0x0  }
0x317: {  	[sflag:s31] =	ssyncadd.s32 $0xFFFFF000  }
0x318: {  	_ =	swait.ge [sflag:s31], $0x1000  }
0x319: {  	[sflag:s31] =	ssyncset.done $0x0  }
0x31a: {  	[sflag:s31] =	ssyncadd.s32 $0xFFFFF000  }
0x31b: {  	_ =	swait.ge [sflag:s31], $0x1000  }
0x31c: {  	[sflag:s31] =	ssyncset.done $0x0  }
0x31d: {  	[sflag:s31] =	ssyncadd.s32 $0xFFFFF000  }
0x31e: {  	_ =	swait.ge [sflag:s31], $0x1000  }
0x31f: {  	[sflag:s31] =	ssyncset.done $0x0  }
0x320: {  	[sflag:s31] =	ssyncadd.s32 $0xFFFFF000  }
0x321: {  	_ =	swait.ge [sflag:s31], $0x1000  }
0x322: {  	[sflag:s31] =	ssyncset.done $0x0  }
0x323: {  	[sflag:s31] =	ssyncadd.s32 $0xFFFFF000  }
0x324: {  	_ =	swait.ge [sflag:s31], $0x1000  }
0x325: {  	[sflag:s31] =	ssyncset.done $0x0  }
0x326: {  	[sflag:s31] =	ssyncadd.s32 $0xFFFFF000  }
0x327: {  	_ =	swait.ge [sflag:s31], $0x1000  }
0x328: {  	[sflag:s31] =	ssyncset.done $0x0  }
0x329: {  	[sflag:s31] =	ssyncadd.s32 $0xFFFFF000  }
0x32a: {  	s25 =	simm.s32 $0x0;
	[bflag:$0x0] =	sbarrier.arrive $0xFFFF  }
.LBB2_14:
0x32b: {  	s7 =	smul.u32 $0xE00, s25  }
0x32c: {  	s18 =	rddreg [dreg:$0x1c]  }
0x32d: {  	s7 =	sadd.s32 s18, s7  }
0x32e: {  	s30 =	rddreg [dreg:$0x4];
	s22 =	simm.s32 $0x0;
	s7 =	sshrl.u32 s7, $0x3  }
0x32f: {  	s24 =	simm.s32 $0xA;
	s18 =	sadd.s32 s30, s7;
	s30 =	simm.s32 $0x18700  }
0x330: {  	[tilespmem:s30], [sflag:$0xA] =	stream.linear.gather [hbm4b:s18+s22], $0xE00, $0x38;
	[tilespmem:$0x1F300] =	vst v63  }
0x331: {  	_ =	swait.ge [sflag:s24], $0xE00  }
0x332: {  	[sflag:s24] =	ssyncset.done $0x0;
	s31 =	rddreg [dreg:$0x5]  }
0x333: {  	[sflag:s24] =	ssyncadd.s32 $0xFFFFF200;
	s7 =	sadd.s32 s31, s7;
	s31 =	simm.s32 $0x19500  }
0x334: {  	[tilespmem:s31], [sflag:$0xA] =	stream.linear.gather [hbm4b:s7+s22], $0xE00, $0x38;
	[tilespmem:$0x1F300] =	vst v63  }
0x335: {  	_ =	swait.ge [sflag:s24], $0xE00  }
0x336: {  	[sflag:s24] =	ssyncset.done $0x0  }
0x337: {  	[sflag:s24] =	ssyncadd.s32 $0xFFFFF200  }
0x338: {  	[tilespmem:s29], [sflag:$0x1] =	stream.indirect.gather [hbm4b:s14+s28], $0x20, s30, s28, $0xb8;
	[tilespmem:$0x1F300] =	vst v63  }
0x339: {  	s18 =	simm.s32 $0x18780  }
0x33a: {  	[tilespmem:s6], [sflag:$0x2] =	stream.indirect.gather [hbm4b:s14+s28], $0x20, s18, s28, $0xb8;
	[tilespmem:$0x1F300] =	vst v63  }
0x33b: {  	s22 =	simm.s32 $0x18800  }
0x33c: {  	[tilespmem:s20], [sflag:$0x3] =	stream.indirect.gather [hbm4b:s14+s28], $0x20, s22, s28, $0xb8;
	[tilespmem:$0x1F300] =	vst v63  }
0x33d: {  	s24 =	simm.s32 $0x18880  }
0x33e: {  	[tilespmem:s9], [sflag:$0x4] =	stream.indirect.gather [hbm4b:s14+s28], $0x20, s24, s28, $0xb8;
	[tilespmem:$0x1F300] =	vst v63  }
0x33f: {  	_ =	swait.ge [sflag:s23], $0x1000  }
0x340: {  	[sflag:s23] =	ssyncset.done $0x0  }
0x341: {  	s30 =	simm.s32 $0x19500;
	[sflag:s23] =	ssyncadd.s32 $0xFFFFF000  }
0x342: {  	[spmem:s1] =	stream.indirect.scatter.add.f32 [tilespmem:s29], [sflag:$0x5], $0x20, s30, s28, $0xb8;
	[tilespmem:$0x1F300] =	vst v63  }
0x343: {  	_ =	swait.ge [sflag:s21], $0x1000  }
0x344: {  	[sflag:s21] =	ssyncset.done $0x0  }
0x345: {  	s31 =	simm.s32 $0x19580;
	[sflag:s21] =	ssyncadd.s32 $0xFFFFF000  }
0x346: {  	[spmem:s1] =	stream.indirect.scatter.add.f32 [tilespmem:s6], [sflag:$0x6], $0x20, s31, s28, $0xb8;
	[tilespmem:$0x1F300] =	vst v63  }
0x347: {  	_ =	swait.ge [sflag:s26], $0x1000  }
0x348: {  	[sflag:s26] =	ssyncset.done $0x0  }
0x349: {  	s18 =	simm.s32 $0x19600;
	[sflag:s26] =	ssyncadd.s32 $0xFFFFF000  }
0x34a: {  	[spmem:s1] =	stream.indirect.scatter.add.f32 [tilespmem:s20], [sflag:$0x7], $0x20, s18, s28, $0xb8;
	[tilespmem:$0x1F300] =	vst v63  }
0x34b: {  	_ =	swait.ge [sflag:s11], $0x1000  }
0x34c: {  	[sflag:s11] =	ssyncset.done $0x0  }
0x34d: {  	s22 =	simm.s32 $0x19680;
	[sflag:s11] =	ssyncadd.s32 $0xFFFFF000  }
0x34e: {  	[spmem:s1] =	stream.indirect.scatter.add.f32 [tilespmem:s9], [sflag:$0x8], $0x20, s22, s28, $0xb8;
	[tilespmem:$0x1F300] =	vst v63  }
0x34f: {  	_ =	swait.ge [sflag:s19], $0x1000  }
0x350: {  	[sflag:s19] =	ssyncset.done $0x0  }
0x351: {  	s24 =	simm.s32 $0x18900;
	[sflag:s19] =	ssyncadd.s32 $0xFFFFF000  }
0x352: {  	[tilespmem:s29], [sflag:$0x1] =	stream.indirect.gather [hbm4b:s14+s28], $0x20, s24, s28, $0xb8;
	[tilespmem:$0x1F300] =	vst v63  }
0x353: {  	_ =	swait.ge [sflag:s8], $0x1000  }
0x354: {  	[sflag:s8] =	ssyncset.done $0x0  }
0x355: {  	s30 =	simm.s32 $0x18980;
	[sflag:s8] =	ssyncadd.s32 $0xFFFFF000  }
0x356: {  	[tilespmem:s6], [sflag:$0x2] =	stream.indirect.gather [hbm4b:s14+s28], $0x20, s30, s28, $0xb8;
	[tilespmem:$0x1F300] =	vst v63  }
0x357: {  	_ =	swait.ge [sflag:s4], $0x1000  }
0x358: {  	[sflag:s4] =	ssyncset.done $0x0  }
0x359: {  	s31 =	simm.s32 $0x18A00;
	[sflag:s4] =	ssyncadd.s32 $0xFFFFF000  }
0x35a: {  	[tilespmem:s20], [sflag:$0x3] =	stream.indirect.gather [hbm4b:s14+s28], $0x20, s31, s28, $0xb8;
	[tilespmem:$0x1F300] =	vst v63  }
0x35b: {  	_ =	swait.ge [sflag:s5], $0x1000  }
0x35c: {  	[sflag:s5] =	ssyncset.done $0x0  }
0x35d: {  	s18 =	simm.s32 $0x18A80;
	s24 =	simm.s32 $0x800;
	[sflag:s5] =	ssyncadd.s32 $0xFFFFF000  }
.LBB2_15:
0x35e: {  	[tilespmem:s9], [sflag:$0x4] =	stream.indirect.gather [hbm4b:s14+s28], $0x20, s18, s28, $0xb8;
	[tilespmem:$0x1F300] =	vst v63  }
0x35f: {  	s7 =	smov.u32 s24  }
0x360: {  	p0 =	sne.s32 s24, $0x2800;
	s24 =	sadd.s32 $0x800, s24;
	_ =	swait.ge [sflag:s23], $0x1000  }
0x361: {  	s18 =	sshra.s32 s7, $0x2;
	[sflag:s23] =	ssyncset.done $0x0  }
0x362: {  	s7 =	sadd.s32 $0x19500, s18;
	[sflag:s23] =	ssyncadd.s32 $0xFFFFF000  }
0x363: {  	[spmem:s1] =	stream.indirect.scatter.add.f32 [tilespmem:s29], [sflag:$0x5], $0x20, s7, s28, $0xb8;
	[tilespmem:$0x1F300] =	vst v63  }
0x364: {  	_ =	swait.ge [sflag:s21], $0x1000  }
0x365: {  	[sflag:s21] =	ssyncset.done $0x0  }
0x366: {  	s7 =	sadd.s32 $0x19580, s18;
	[sflag:s21] =	ssyncadd.s32 $0xFFFFF000  }
0x367: {  	[spmem:s1] =	stream.indirect.scatter.add.f32 [tilespmem:s6], [sflag:$0x6], $0x20, s7, s28, $0xb8;
	[tilespmem:$0x1F300] =	vst v63  }
0x368: {  	_ =	swait.ge [sflag:s26], $0x1000  }
0x369: {  	[sflag:s26] =	ssyncset.done $0x0  }
0x36a: {  	s7 =	sadd.s32 $0x19600, s18;
	[sflag:s26] =	ssyncadd.s32 $0xFFFFF000  }
0x36b: {  	[spmem:s1] =	stream.indirect.scatter.add.f32 [tilespmem:s20], [sflag:$0x7], $0x20, s7, s28, $0xb8;
	[tilespmem:$0x1F300] =	vst v63  }
0x36c: {  	_ =	swait.ge [sflag:s11], $0x1000  }
0x36d: {  	[sflag:s11] =	ssyncset.done $0x0  }
0x36e: {  	s7 =	sadd.s32 $0x19680, s18;
	[sflag:s11] =	ssyncadd.s32 $0xFFFFF000  }
0x36f: {  	[spmem:s1] =	stream.indirect.scatter.add.f32 [tilespmem:s9], [sflag:$0x8], $0x20, s7, s28, $0xb8;
	[tilespmem:$0x1F300] =	vst v63  }
0x370: {  	_ =	swait.ge [sflag:s19], $0x1000  }
0x371: {  	[sflag:s19] =	ssyncset.done $0x0  }
0x372: {  	s7 =	sadd.s32 $0x18900, s18;
	[sflag:s19] =	ssyncadd.s32 $0xFFFFF000  }
0x373: {  	[tilespmem:s29], [sflag:$0x1] =	stream.indirect.gather [hbm4b:s14+s28], $0x20, s7, s28, $0xb8;
	[tilespmem:$0x1F300] =	vst v63  }
0x374: {  	_ =	swait.ge [sflag:s8], $0x1000  }
0x375: {  	[sflag:s8] =	ssyncset.done $0x0  }
0x376: {  	s7 =	sadd.s32 $0x18980, s18;
	[sflag:s8] =	ssyncadd.s32 $0xFFFFF000  }
0x377: {  	[tilespmem:s6], [sflag:$0x2] =	stream.indirect.gather [hbm4b:s14+s28], $0x20, s7, s28, $0xb8;
	[tilespmem:$0x1F300] =	vst v63  }
0x378: {  	_ =	swait.ge [sflag:s4], $0x1000  }
0x379: {  	[sflag:s4] =	ssyncset.done $0x0  }
.Ltmp6:
0x37a: {  	s7 =	sadd.s32 $0x18A00, s18;
	[sflag:s4] =	ssyncadd.s32 $0xFFFFF000;
	(pc) =	sbr.rel @p0 .LBB2_15-.Ltmp6, $4  }
0x37b: {  	[tilespmem:s20], [sflag:$0x3] =	stream.indirect.gather [hbm4b:s14+s28], $0x20, s7, s28, $0xb8;
	[tilespmem:$0x1F300] =	vst v63  }
0x37c: {  	_ =	swait.ge [sflag:s5], $0x1000  }
0x37d: {  	[sflag:s5] =	ssyncset.done $0x0  }
0x37e: {  	s18 =	sadd.s32 $0x18A80, s18;
	[sflag:s5] =	ssyncadd.s32 $0xFFFFF000  }
0x37f: {  	[tilespmem:s9], [sflag:$0x4] =	stream.indirect.gather [hbm4b:s14+s28], $0x20, s18, s28, $0xb8;
	[tilespmem:$0x1F300] =	vst v63  }
0x380: {  	_ =	swait.ge [sflag:s23], $0x1000  }
0x381: {  	[sflag:s23] =	ssyncset.done $0x0  }
0x382: {  	s7 =	simm.s32 $0x1A100;
	[sflag:s23] =	ssyncadd.s32 $0xFFFFF000  }
0x383: {  	[spmem:s1] =	stream.indirect.scatter.add.f32 [tilespmem:s29], [sflag:$0x5], $0x20, s7, s28, $0xb8;
	[tilespmem:$0x1F300] =	vst v63  }
0x384: {  	_ =	swait.ge [sflag:s21], $0x1000  }
0x385: {  	[sflag:s21] =	ssyncset.done $0x0  }
0x386: {  	s24 =	simm.s32 $0x1A180;
	[sflag:s21] =	ssyncadd.s32 $0xFFFFF000  }
0x387: {  	[spmem:s1] =	stream.indirect.scatter.add.f32 [tilespmem:s6], [sflag:$0x6], $0x20, s24, s28, $0xb8;
	[tilespmem:$0x1F300] =	vst v63  }
0x388: {  	_ =	swait.ge [sflag:s26], $0x1000  }
0x389: {  	[sflag:s26] =	ssyncset.done $0x0  }
0x38a: {  	s30 =	simm.s32 $0x1A200;
	[sflag:s26] =	ssyncadd.s32 $0xFFFFF000  }
0x38b: {  	[spmem:s1] =	stream.indirect.scatter.add.f32 [tilespmem:s20], [sflag:$0x7], $0x20, s30, s28, $0xb8;
	[tilespmem:$0x1F300] =	vst v63  }
0x38c: {  	_ =	swait.ge [sflag:s11], $0x1000  }
0x38d: {  	[sflag:s11] =	ssyncset.done $0x0  }
0x38e: {  	s31 =	simm.s32 $0x1A280;
	[sflag:s11] =	ssyncadd.s32 $0xFFFFF000  }
0x38f: {  	[spmem:s1] =	stream.indirect.scatter.add.f32 [tilespmem:s9], [sflag:$0x8], $0x20, s31, s28, $0xb8;
	[tilespmem:$0x1F300] =	vst v63  }
0x390: {  	_ =	swait.ge [sflag:s19], $0x1000  }
0x391: {  	[sflag:s19] =	ssyncset.done $0x0  }
0x392: {  	[sflag:s19] =	ssyncadd.s32 $0xFFFFF000  }
0x393: {  	_ =	swait.ge [sflag:s8], $0x1000  }
0x394: {  	[sflag:s8] =	ssyncset.done $0x0  }
0x395: {  	s25 =	sadd.s32 $0x1, s25;
	[sflag:s8] =	ssyncadd.s32 $0xFFFFF000  }
0x396: {  	p0 =	sne.s32 s25, $0xE;
	_ =	swait.ge [sflag:s4], $0x1000  }
.Ltmp7:
0x397: {  	[sflag:s4] =	ssyncset.done $0x0;
	(pc) =	sbr.rel @p0 .LBB2_14-.Ltmp7, $4  }
0x398: {  	[sflag:s4] =	ssyncadd.s32 $0xFFFFF000  }
0x399: {  	_ =	swait.ge [sflag:s5], $0x1000  }
0x39a: {  	[sflag:s5] =	ssyncset.done $0x0  }
0x39b: {  	[sflag:s5] =	ssyncadd.s32 $0xFFFFF000  }
0x39c: {  	[bflag:$0x0] =	sbarrier.arrive $0xFFFF  }
0x39d: {  	s7 =	rddreg [dreg:$0xf]  }
0x39e: {  	[tilespmem:s29], [sflag:$0x1] =	stream.linear.gather [spmem:s7], $0x1000, $0x38;
	[tilespmem:$0x1F300] =	vst v63  }
0x39f: {  	s22 =	rddreg [dreg:$0x10]  }
0x3a0: {  	[tilespmem:s6], [sflag:$0x2] =	stream.linear.gather [spmem:s22], $0x1000, $0x38;
	[tilespmem:$0x1F300] =	vst v63  }
0x3a1: {  	_ =	swait.ge [sflag:s23], $0x1000  }
0x3a2: {  	[sflag:s23] =	ssyncset.done $0x0  }
0x3a3: {  	s24 =	simm.s32 $0x0;
	s18 =	rddreg [dreg:$0x15];
	[sflag:s23] =	ssyncadd.s32 $0xFFFFF000  }
0x3a4: {  	[hbm4b:s18+s24] =	stream.linear.scatter [tilespmem:s29], [sflag:$0x5], $0x1000, $0x38;
	[tilespmem:$0x1F300] =	vst v63  }
0x3a5: {  	_ =	swait.ge [sflag:s21], $0x1000  }
0x3a6: {  	[sflag:s21] =	ssyncset.done $0x0  }
0x3a7: {  	s25 =	rddreg [dreg:$0x16];
	[sflag:s21] =	ssyncadd.s32 $0xFFFFF000  }
0x3a8: {  	[hbm4b:s25+s24] =	stream.linear.scatter [tilespmem:s6], [sflag:$0x6], $0x1000, $0x38;
	[tilespmem:$0x1F300] =	vst v63  }
0x3a9: {  	_ =	swait.ge [sflag:s19], $0x1000  }
0x3aa: {  	s30 =	sld [smem:$0x7E8]  }
0x3ab: {  	[sflag:s19] =	ssyncset.done $0x0  }
0x3ac: {  	[sflag:s19] =	ssyncadd.s32 $0xFFFFF000  }
0x3ad: {  	[tilespmem:s29], [sflag:$0x1] =	stream.linear.gather [spmem:s30], $0x1000, $0x38;
	[tilespmem:$0x1F300] =	vst v63  }
0x3ae: {  	_ =	swait.ge [sflag:s8], $0x1000  }
0x3af: {  	[sflag:s8] =	ssyncset.done $0x0  }
0x3b0: {  	s24 =	rddreg [dreg:$0x1f];
	[sflag:s8] =	ssyncadd.s32 $0xFFFFF000  }
0x3b1: {  	[tilespmem:s6], [sflag:$0x2] =	stream.linear.gather [spmem:s24], $0x1000, $0x38;
	[tilespmem:$0x1F300] =	vst v63  }
0x3b2: {  	_ =	swait.ge [sflag:s23], $0x1000  }
0x3b3: {  	[sflag:s23] =	ssyncset.done $0x0  }
0x3b4: {  	s31 =	sadd.s32 $0x0, s13;
	[sflag:s23] =	ssyncadd.s32 $0xFFFFF000  }
0x3b5: {  	[hbm4b:s31+s2] =	stream.linear.scatter [tilespmem:s29], [sflag:$0x5], $0x1000, $0x38;
	[tilespmem:$0x1F300] =	vst v63  }
0x3b6: {  	_ =	swait.ge [sflag:s21], $0x1000  }
0x3b7: {  	s22 =	sadd.s32 $0x0, s3;
	[sflag:s21] =	ssyncset.done $0x0  }
0x3b8: {  	s18 =	simm.s32 $0x400;
	s24 =	sadd.s32 $0x2000, s24;
	[sflag:s21] =	ssyncadd.s32 $0xFFFFF000  }
.LBB2_18:
0x3b9: {  	[hbm4b:s22+s2] =	stream.linear.scatter [tilespmem:s6], [sflag:$0x6], $0x1000, $0x38;
	[tilespmem:$0x1F300] =	vst v63  }
0x3ba: {  	s7 =	smov.u32 s18  }
0x3bb: {  	p0 =	sne.s32 s18, $0x2800;
	s18 =	sadd.s32 $0x400, s18;
	_ =	swait.ge [sflag:s19], $0x1000  }
0x3bc: {  	[sflag:s19] =	ssyncset.done $0x0  }
0x3bd: {  	s22 =	sadd.s32 $0xFFFFF000, s24;
	[sflag:s19] =	ssyncadd.s32 $0xFFFFF000  }
0x3be: {  	[tilespmem:s29], [sflag:$0x1] =	stream.linear.gather [spmem:s22], $0x1000, $0x38;
	[tilespmem:$0x1F300] =	vst v63  }
0x3bf: {  	_ =	swait.ge [sflag:s8], $0x1000  }
0x3c0: {  	[sflag:s8] =	ssyncset.done $0x0  }
0x3c1: {  	[sflag:s8] =	ssyncadd.s32 $0xFFFFF000  }
0x3c2: {  	[tilespmem:s6], [sflag:$0x2] =	stream.linear.gather [spmem:s24], $0x1000, $0x38;
	[tilespmem:$0x1F300] =	vst v63  }
0x3c3: {  	_ =	swait.ge [sflag:s23], $0x1000  }
0x3c4: {  	[sflag:s23] =	ssyncset.done $0x0  }
.Ltmp8:
0x3c5: {  	s22 =	sadd.s32 s7, s13;
	[sflag:s23] =	ssyncadd.s32 $0xFFFFF000;
	(pc) =	sbr.rel @p0 .LBB2_18-.Ltmp8, $4  }
0x3c6: {  	[hbm4b:s22+s2] =	stream.linear.scatter [tilespmem:s29], [sflag:$0x5], $0x1000, $0x38;
	[tilespmem:$0x1F300] =	vst v63  }
0x3c7: {  	_ =	swait.ge [sflag:s21], $0x1000  }
0x3c8: {  	[sflag:s21] =	ssyncset.done $0x0  }
0x3c9: {  	s24 =	sadd.s32 $0x2000, s24;
	s22 =	sadd.s32 s7, s3;
	[sflag:s21] =	ssyncadd.s32 $0xFFFFF000  }
0x3ca: {  	[hbm4b:s22+s2] =	stream.linear.scatter [tilespmem:s6], [sflag:$0x6], $0x1000, $0x38;
	[tilespmem:$0x1F300] =	vst v63  }
0x3cb: {  	s18 =	rddreg [dreg:$0x9];
	s22 =	simm.s32 $0x1E300;
	s24 =	simm.s32 $0xA  }
0x3cc: {  	[tilespmem:s22], [sflag:$0xA] =	stream.linear.gather [spmem:s18], $0x700, $0x38;
	[tilespmem:$0x1F300] =	vst v63  }
0x3cd: {  	_ =	swait.ge [sflag:s24], $0x700  }
0x3ce: {  	[sflag:s24] =	ssyncset.done $0x0  }
0x3cf: {  	s25 =	simm.s32 $0x0;
	s7 =	rddreg [dreg:$0xc];
	[sflag:s24] =	ssyncadd.s32 $0xFFFFF900  }
0x3d0: {  	[hbm4b:s7+s25] =	stream.linear.scatter [tilespmem:s22], [sflag:$0xA], $0x700, $0x38;
	[tilespmem:$0x1F300] =	vst v63  }
0x3d1: {  	_ =	swait.ge [sflag:s24], $0x700  }
0x3d2: {  	[sflag:s24] =	ssyncset.done $0x0  }
0x3d3: {  	[sflag:s24] =	ssyncadd.s32 $0xFFFFF900  }
0x3d4: {  	_ =	swait.ge [sflag:s19], $0x1000  }
0x3d5: {  	[sflag:s19] =	ssyncset.done $0x0  }
0x3d6: {  	[sflag:s19] =	ssyncadd.s32 $0xFFFFF000  }
0x3d7: {  	_ =	swait.ge [sflag:s8], $0x1000  }
0x3d8: {  	[sflag:s8] =	ssyncset.done $0x0  }
0x3d9: {  	[sflag:s8] =	ssyncadd.s32 $0xFFFFF000  }
0x3da: {  	[bflag:$0x0] =	sbarrier.arrive $0xFFFF  }
0x3db: {  	s30 =	rddreg [dreg:$0x6]  }
0x3dc: {  	[tilespmem:s22], [sflag:$0xA] =	stream.linear.gather [hbm4b:s30+s25], $0x1000, $0x38;
	[tilespmem:$0x1F300] =	vst v63  }
0x3dd: {  	_ =	swait.ge [sflag:s24], $0x1000  }
0x3de: {  	[sflag:s24] =	ssyncset.done $0x0;
	s31 =	rddreg [dreg:$0x8]  }
0x3df: {  	s25 =	rddreg [dreg:$0x1d];
	[sflag:s24] =	ssyncadd.s32 $0xFFFFF000  }
0x3e0: {  	[spmem:s31] =	stream.linear.scatter [tilespmem:s22], [sflag:$0x9], $0x1000, $0x38;
	[tilespmem:$0x1F300] =	vst v63  }
0x3e1: {  	s30 =	rddreg [dreg:$0x1e]  }
0x3e2: {  	[spmem:s25] =	stream.linear.scatter [tilespmem:s22], [sflag:$0x9], $0x1000, $0x38;
	[tilespmem:$0x1F300] =	vst v63  }
0x3e3: {  	s31 =	rddreg [dreg:$0x1f]  }
0x3e4: {  	[spmem:s30] =	stream.linear.scatter [tilespmem:s22], [sflag:$0x9], $0x1000, $0x38;
	[tilespmem:$0x1F300] =	vst v63  }
0x3e5: {  	s25 =	sld [smem:$0x7EA]  }
0x3e6: {  	[spmem:s31] =	stream.linear.scatter [tilespmem:s22], [sflag:$0x9], $0x1000, $0x38;
	[tilespmem:$0x1F300] =	vst v63  }
0x3e7: {  	s30 =	sld [smem:$0x7EB]  }
0x3e8: {  	[spmem:s25] =	stream.linear.scatter [tilespmem:s22], [sflag:$0x9], $0x1000, $0x38;
	[tilespmem:$0x1F300] =	vst v63  }
0x3e9: {  	s31 =	sld [smem:$0x7EC]  }
0x3ea: {  	[spmem:s30] =	stream.linear.scatter [tilespmem:s22], [sflag:$0x9], $0x1000, $0x38;
	[tilespmem:$0x1F300] =	vst v63  }
0x3eb: {  	s25 =	sld [smem:$0x7ED]  }
0x3ec: {  	[spmem:s31] =	stream.linear.scatter [tilespmem:s22], [sflag:$0x9], $0x1000, $0x38;
	[tilespmem:$0x1F300] =	vst v63  }
0x3ed: {  	s30 =	sld [smem:$0x7EE]  }
0x3ee: {  	[spmem:s25] =	stream.linear.scatter [tilespmem:s22], [sflag:$0x9], $0x1000, $0x38;
	[tilespmem:$0x1F300] =	vst v63  }
0x3ef: {  	s31 =	sld [smem:$0x7EF]  }
0x3f0: {  	[spmem:s30] =	stream.linear.scatter [tilespmem:s22], [sflag:$0x9], $0x1000, $0x38;
	[tilespmem:$0x1F300] =	vst v63  }
0x3f1: {  	s25 =	sld [smem:$0x7F0]  }
0x3f2: {  	[spmem:s31] =	stream.linear.scatter [tilespmem:s22], [sflag:$0x9], $0x1000, $0x38;
	[tilespmem:$0x1F300] =	vst v63  }
0x3f3: {  	s30 =	sld [smem:$0x7F1]  }
0x3f4: {  	[spmem:s25] =	stream.linear.scatter [tilespmem:s22], [sflag:$0x9], $0x1000, $0x38;
	[tilespmem:$0x1F300] =	vst v63  }
0x3f5: {  	s31 =	sld [smem:$0x7F2]  }
0x3f6: {  	[spmem:s30] =	stream.linear.scatter [tilespmem:s22], [sflag:$0x9], $0x1000, $0x38;
	[tilespmem:$0x1F300] =	vst v63  }
0x3f7: {  	s25 =	sld [smem:$0x7F3]  }
0x3f8: {  	[spmem:s31] =	stream.linear.scatter [tilespmem:s22], [sflag:$0x9], $0x1000, $0x38;
	[tilespmem:$0x1F300] =	vst v63  }
0x3f9: {  	s30 =	sld [smem:$0x7F4]  }
0x3fa: {  	[spmem:s25] =	stream.linear.scatter [tilespmem:s22], [sflag:$0x9], $0x1000, $0x38;
	[tilespmem:$0x1F300] =	vst v63  }
0x3fb: {  	s31 =	sld [smem:$0x7F5]  }
0x3fc: {  	[spmem:s30] =	stream.linear.scatter [tilespmem:s22], [sflag:$0x9], $0x1000, $0x38;
	[tilespmem:$0x1F300] =	vst v63  }
0x3fd: {  	s25 =	sld [smem:$0x7F6]  }
0x3fe: {  	[spmem:s31] =	stream.linear.scatter [tilespmem:s22], [sflag:$0x9], $0x1000, $0x38;
	[tilespmem:$0x1F300] =	vst v63  }
0x3ff: {  	s30 =	sld [smem:$0x7F7]  }
0x400: {  	[spmem:s25] =	stream.linear.scatter [tilespmem:s22], [sflag:$0x9], $0x1000, $0x38;
	[tilespmem:$0x1F300] =	vst v63  }
0x401: {  	s31 =	sld [smem:$0x7F8]  }
0x402: {  	[spmem:s30] =	stream.linear.scatter [tilespmem:s22], [sflag:$0x9], $0x1000, $0x38;
	[tilespmem:$0x1F300] =	vst v63  }
0x403: {  	s25 =	sld [smem:$0x7F9]  }
0x404: {  	[spmem:s31] =	stream.linear.scatter [tilespmem:s22], [sflag:$0x9], $0x1000, $0x38;
	[tilespmem:$0x1F300] =	vst v63  }
0x405: {  	s30 =	sld [smem:$0x7FA]  }
0x406: {  	[spmem:s25] =	stream.linear.scatter [tilespmem:s22], [sflag:$0x9], $0x1000, $0x38;
	[tilespmem:$0x1F300] =	vst v63  }
0x407: {  	s31 =	sld [smem:$0x7FB]  }
0x408: {  	[spmem:s30] =	stream.linear.scatter [tilespmem:s22], [sflag:$0x9], $0x1000, $0x38;
	[tilespmem:$0x1F300] =	vst v63  }
0x409: {  	s25 =	sld [smem:$0x7FC]  }
0x40a: {  	[spmem:s31] =	stream.linear.scatter [tilespmem:s22], [sflag:$0x9], $0x1000, $0x38;
	[tilespmem:$0x1F300] =	vst v63  }
0x40b: {  	s30 =	sld [smem:$0x7FD]  }
0x40c: {  	[spmem:s25] =	stream.linear.scatter [tilespmem:s22], [sflag:$0x9], $0x1000, $0x38;
	[tilespmem:$0x1F300] =	vst v63  }
0x40d: {  	_ = 	snop  }
0x40e: {  	[spmem:s30] =	stream.linear.scatter [tilespmem:s22], [sflag:$0x9], $0x1000, $0x38;
	[tilespmem:$0x1F300] =	vst v63  }
0x40f: {  	_ = 	snop  }
0x410: {  	[spmem:s18] =	stream.linear.scatter [tilespmem:s22], [sflag:$0xA], $0x700, $0x38;
	[tilespmem:$0x1F300] =	vst v63  }
0x411: {  	_ =	swait.ge [sflag:s24], $0x700  }
0x412: {  	[sflag:s24] =	ssyncset.done $0x0  }
0x413: {  	s31 =	simm.s32 $0x9;
	[sflag:s24] =	ssyncadd.s32 $0xFFFFF900  }
0x414: {  	_ =	swait.ge [sflag:s31], $0x1000  }
0x415: {  	[sflag:s31] =	ssyncset.done $0x0  }
0x416: {  	[sflag:s31] =	ssyncadd.s32 $0xFFFFF000  }
0x417: {  	_ =	swait.ge [sflag:s31], $0x1000  }
0x418: {  	[sflag:s31] =	ssyncset.done $0x0  }
0x419: {  	[sflag:s31] =	ssyncadd.s32 $0xFFFFF000  }
0x41a: {  	_ =	swait.ge [sflag:s31], $0x1000  }
0x41b: {  	[sflag:s31] =	ssyncset.done $0x0  }
0x41c: {  	[sflag:s31] =	ssyncadd.s32 $0xFFFFF000  }
0x41d: {  	_ =	swait.ge [sflag:s31], $0x1000  }
0x41e: {  	[sflag:s31] =	ssyncset.done $0x0  }
0x41f: {  	[sflag:s31] =	ssyncadd.s32 $0xFFFFF000  }
0x420: {  	_ =	swait.ge [sflag:s31], $0x1000  }
0x421: {  	[sflag:s31] =	ssyncset.done $0x0  }
0x422: {  	[sflag:s31] =	ssyncadd.s32 $0xFFFFF000  }
0x423: {  	_ =	swait.ge [sflag:s31], $0x1000  }
0x424: {  	[sflag:s31] =	ssyncset.done $0x0  }
0x425: {  	[sflag:s31] =	ssyncadd.s32 $0xFFFFF000  }
0x426: {  	_ =	swait.ge [sflag:s31], $0x1000  }
0x427: {  	[sflag:s31] =	ssyncset.done $0x0  }
0x428: {  	[sflag:s31] =	ssyncadd.s32 $0xFFFFF000  }
0x429: {  	_ =	swait.ge [sflag:s31], $0x1000  }
0x42a: {  	[sflag:s31] =	ssyncset.done $0x0  }
0x42b: {  	[sflag:s31] =	ssyncadd.s32 $0xFFFFF000  }
0x42c: {  	_ =	swait.ge [sflag:s31], $0x1000  }
0x42d: {  	[sflag:s31] =	ssyncset.done $0x0  }
0x42e: {  	[sflag:s31] =	ssyncadd.s32 $0xFFFFF000  }
0x42f: {  	_ =	swait.ge [sflag:s31], $0x1000  }
0x430: {  	[sflag:s31] =	ssyncset.done $0x0  }
0x431: {  	[sflag:s31] =	ssyncadd.s32 $0xFFFFF000  }
0x432: {  	_ =	swait.ge [sflag:s31], $0x1000  }
0x433: {  	[sflag:s31] =	ssyncset.done $0x0  }
0x434: {  	[sflag:s31] =	ssyncadd.s32 $0xFFFFF000  }
0x435: {  	_ =	swait.ge [sflag:s31], $0x1000  }
0x436: {  	[sflag:s31] =	ssyncset.done $0x0  }
0x437: {  	[sflag:s31] =	ssyncadd.s32 $0xFFFFF000  }
0x438: {  	_ =	swait.ge [sflag:s31], $0x1000  }
0x439: {  	[sflag:s31] =	ssyncset.done $0x0  }
0x43a: {  	[sflag:s31] =	ssyncadd.s32 $0xFFFFF000  }
0x43b: {  	_ =	swait.ge [sflag:s31], $0x1000  }
0x43c: {  	[sflag:s31] =	ssyncset.done $0x0  }
0x43d: {  	[sflag:s31] =	ssyncadd.s32 $0xFFFFF000  }
0x43e: {  	_ =	swait.ge [sflag:s31], $0x1000  }
0x43f: {  	[sflag:s31] =	ssyncset.done $0x0  }
0x440: {  	[sflag:s31] =	ssyncadd.s32 $0xFFFFF000  }
0x441: {  	_ =	swait.ge [sflag:s31], $0x1000  }
0x442: {  	[sflag:s31] =	ssyncset.done $0x0  }
0x443: {  	[sflag:s31] =	ssyncadd.s32 $0xFFFFF000  }
0x444: {  	_ =	swait.ge [sflag:s31], $0x1000  }
0x445: {  	[sflag:s31] =	ssyncset.done $0x0  }
0x446: {  	[sflag:s31] =	ssyncadd.s32 $0xFFFFF000  }
0x447: {  	_ =	swait.ge [sflag:s31], $0x1000  }
0x448: {  	[sflag:s31] =	ssyncset.done $0x0  }
0x449: {  	[sflag:s31] =	ssyncadd.s32 $0xFFFFF000  }
0x44a: {  	_ =	swait.ge [sflag:s31], $0x1000  }
0x44b: {  	[sflag:s31] =	ssyncset.done $0x0  }
0x44c: {  	[sflag:s31] =	ssyncadd.s32 $0xFFFFF000  }
0x44d: {  	_ =	swait.ge [sflag:s31], $0x1000  }
0x44e: {  	[sflag:s31] =	ssyncset.done $0x0  }
0x44f: {  	[sflag:s31] =	ssyncadd.s32 $0xFFFFF000  }
0x450: {  	_ =	swait.ge [sflag:s31], $0x1000  }
0x451: {  	[sflag:s31] =	ssyncset.done $0x0  }
0x452: {  	[sflag:s31] =	ssyncadd.s32 $0xFFFFF000  }
0x453: {  	_ =	swait.ge [sflag:s31], $0x1000  }
0x454: {  	[sflag:s31] =	ssyncset.done $0x0  }
0x455: {  	[sflag:s31] =	ssyncadd.s32 $0xFFFFF000  }
0x456: {  	_ =	swait.ge [sflag:s31], $0x1000  }
0x457: {  	[sflag:s31] =	ssyncset.done $0x0  }
0x458: {  	[sflag:s31] =	ssyncadd.s32 $0xFFFFF000  }
0x459: {  	_ =	swait.ge [sflag:s31], $0x1000  }
0x45a: {  	[sflag:s31] =	ssyncset.done $0x0  }
0x45b: {  	[sflag:s31] =	ssyncadd.s32 $0xFFFFF000  }
0x45c: {  	s25 =	simm.s32 $0x0;
	[bflag:$0x0] =	sbarrier.arrive $0xFFFF  }
.LBB2_20:
0x45d: {  	s7 =	smul.u32 $0xE00, s25  }
0x45e: {  	s18 =	rddreg [dreg:$0x1c]  }
0x45f: {  	s7 =	sadd.s32 s18, s7  }
0x460: {  	s30 =	rddreg [dreg:$0x4];
	s22 =	simm.s32 $0x0;
	s7 =	sshrl.u32 s7, $0x3  }
0x461: {  	s24 =	simm.s32 $0xA;
	s18 =	sadd.s32 s30, s7;
	s30 =	simm.s32 $0x18700  }
0x462: {  	[tilespmem:s30], [sflag:$0xA] =	stream.linear.gather [hbm4b:s18+s22], $0xE00, $0x38;
	[tilespmem:$0x1F300] =	vst v63  }
0x463: {  	_ =	swait.ge [sflag:s24], $0xE00  }
0x464: {  	[sflag:s24] =	ssyncset.done $0x0;
	s31 =	rddreg [dreg:$0x5]  }
0x465: {  	[sflag:s24] =	ssyncadd.s32 $0xFFFFF200;
	s7 =	sadd.s32 s31, s7;
	s31 =	simm.s32 $0x19500  }
0x466: {  	[tilespmem:s31], [sflag:$0xA] =	stream.linear.gather [hbm4b:s7+s22], $0xE00, $0x38;
	[tilespmem:$0x1F300] =	vst v63  }
0x467: {  	_ =	swait.ge [sflag:s24], $0xE00  }
0x468: {  	[sflag:s24] =	ssyncset.done $0x0  }
0x469: {  	[sflag:s24] =	ssyncadd.s32 $0xFFFFF200  }
0x46a: {  	[tilespmem:s29], [sflag:$0x1] =	stream.indirect.gather [hbm4b:s16+s28], $0x20, s30, s28, $0xb8;
	[tilespmem:$0x1F300] =	vst v63  }
0x46b: {  	s18 =	simm.s32 $0x18780  }
0x46c: {  	[tilespmem:s6], [sflag:$0x2] =	stream.indirect.gather [hbm4b:s16+s28], $0x20, s18, s28, $0xb8;
	[tilespmem:$0x1F300] =	vst v63  }
0x46d: {  	s22 =	simm.s32 $0x18800  }
0x46e: {  	[tilespmem:s20], [sflag:$0x3] =	stream.indirect.gather [hbm4b:s16+s28], $0x20, s22, s28, $0xb8;
	[tilespmem:$0x1F300] =	vst v63  }
0x46f: {  	s24 =	simm.s32 $0x18880  }
0x470: {  	[tilespmem:s9], [sflag:$0x4] =	stream.indirect.gather [hbm4b:s16+s28], $0x20, s24, s28, $0xb8;
	[tilespmem:$0x1F300] =	vst v63  }
0x471: {  	_ =	swait.ge [sflag:s23], $0x1000  }
0x472: {  	[sflag:s23] =	ssyncset.done $0x0  }
0x473: {  	s30 =	simm.s32 $0x19500;
	[sflag:s23] =	ssyncadd.s32 $0xFFFFF000  }
0x474: {  	[spmem:s1] =	stream.indirect.scatter.add.f32 [tilespmem:s29], [sflag:$0x5], $0x20, s30, s28, $0xb8;
	[tilespmem:$0x1F300] =	vst v63  }
0x475: {  	_ =	swait.ge [sflag:s21], $0x1000  }
0x476: {  	[sflag:s21] =	ssyncset.done $0x0  }
0x477: {  	s31 =	simm.s32 $0x19580;
	[sflag:s21] =	ssyncadd.s32 $0xFFFFF000  }
0x478: {  	[spmem:s1] =	stream.indirect.scatter.add.f32 [tilespmem:s6], [sflag:$0x6], $0x20, s31, s28, $0xb8;
	[tilespmem:$0x1F300] =	vst v63  }
0x479: {  	_ =	swait.ge [sflag:s26], $0x1000  }
0x47a: {  	[sflag:s26] =	ssyncset.done $0x0  }
0x47b: {  	s18 =	simm.s32 $0x19600;
	[sflag:s26] =	ssyncadd.s32 $0xFFFFF000  }
0x47c: {  	[spmem:s1] =	stream.indirect.scatter.add.f32 [tilespmem:s20], [sflag:$0x7], $0x20, s18, s28, $0xb8;
	[tilespmem:$0x1F300] =	vst v63  }
0x47d: {  	_ =	swait.ge [sflag:s11], $0x1000  }
0x47e: {  	[sflag:s11] =	ssyncset.done $0x0  }
0x47f: {  	s22 =	simm.s32 $0x19680;
	[sflag:s11] =	ssyncadd.s32 $0xFFFFF000  }
0x480: {  	[spmem:s1] =	stream.indirect.scatter.add.f32 [tilespmem:s9], [sflag:$0x8], $0x20, s22, s28, $0xb8;
	[tilespmem:$0x1F300] =	vst v63  }
0x481: {  	_ =	swait.ge [sflag:s19], $0x1000  }
0x482: {  	[sflag:s19] =	ssyncset.done $0x0  }
0x483: {  	s24 =	simm.s32 $0x18900;
	[sflag:s19] =	ssyncadd.s32 $0xFFFFF000  }
0x484: {  	[tilespmem:s29], [sflag:$0x1] =	stream.indirect.gather [hbm4b:s16+s28], $0x20, s24, s28, $0xb8;
	[tilespmem:$0x1F300] =	vst v63  }
0x485: {  	_ =	swait.ge [sflag:s8], $0x1000  }
0x486: {  	[sflag:s8] =	ssyncset.done $0x0  }
0x487: {  	s30 =	simm.s32 $0x18980;
	[sflag:s8] =	ssyncadd.s32 $0xFFFFF000  }
0x488: {  	[tilespmem:s6], [sflag:$0x2] =	stream.indirect.gather [hbm4b:s16+s28], $0x20, s30, s28, $0xb8;
	[tilespmem:$0x1F300] =	vst v63  }
0x489: {  	_ =	swait.ge [sflag:s4], $0x1000  }
0x48a: {  	[sflag:s4] =	ssyncset.done $0x0  }
0x48b: {  	s31 =	simm.s32 $0x18A00;
	[sflag:s4] =	ssyncadd.s32 $0xFFFFF000  }
0x48c: {  	[tilespmem:s20], [sflag:$0x3] =	stream.indirect.gather [hbm4b:s16+s28], $0x20, s31, s28, $0xb8;
	[tilespmem:$0x1F300] =	vst v63  }
0x48d: {  	_ =	swait.ge [sflag:s5], $0x1000  }
0x48e: {  	[sflag:s5] =	ssyncset.done $0x0  }
0x48f: {  	s18 =	simm.s32 $0x18A80;
	s24 =	simm.s32 $0x800;
	[sflag:s5] =	ssyncadd.s32 $0xFFFFF000  }
.LBB2_21:
0x490: {  	[tilespmem:s9], [sflag:$0x4] =	stream.indirect.gather [hbm4b:s16+s28], $0x20, s18, s28, $0xb8;
	[tilespmem:$0x1F300] =	vst v63  }
0x491: {  	s7 =	smov.u32 s24  }
0x492: {  	p0 =	sne.s32 s24, $0x2800;
	s24 =	sadd.s32 $0x800, s24;
	_ =	swait.ge [sflag:s23], $0x1000  }
0x493: {  	s18 =	sshra.s32 s7, $0x2;
	[sflag:s23] =	ssyncset.done $0x0  }
0x494: {  	s7 =	sadd.s32 $0x19500, s18;
	[sflag:s23] =	ssyncadd.s32 $0xFFFFF000  }
0x495: {  	[spmem:s1] =	stream.indirect.scatter.add.f32 [tilespmem:s29], [sflag:$0x5], $0x20, s7, s28, $0xb8;
	[tilespmem:$0x1F300] =	vst v63  }
0x496: {  	_ =	swait.ge [sflag:s21], $0x1000  }
0x497: {  	[sflag:s21] =	ssyncset.done $0x0  }
0x498: {  	s7 =	sadd.s32 $0x19580, s18;
	[sflag:s21] =	ssyncadd.s32 $0xFFFFF000  }
0x499: {  	[spmem:s1] =	stream.indirect.scatter.add.f32 [tilespmem:s6], [sflag:$0x6], $0x20, s7, s28, $0xb8;
	[tilespmem:$0x1F300] =	vst v63  }
0x49a: {  	_ =	swait.ge [sflag:s26], $0x1000  }
0x49b: {  	[sflag:s26] =	ssyncset.done $0x0  }
0x49c: {  	s7 =	sadd.s32 $0x19600, s18;
	[sflag:s26] =	ssyncadd.s32 $0xFFFFF000  }
0x49d: {  	[spmem:s1] =	stream.indirect.scatter.add.f32 [tilespmem:s20], [sflag:$0x7], $0x20, s7, s28, $0xb8;
	[tilespmem:$0x1F300] =	vst v63  }
0x49e: {  	_ =	swait.ge [sflag:s11], $0x1000  }
0x49f: {  	[sflag:s11] =	ssyncset.done $0x0  }
0x4a0: {  	s7 =	sadd.s32 $0x19680, s18;
	[sflag:s11] =	ssyncadd.s32 $0xFFFFF000  }
0x4a1: {  	[spmem:s1] =	stream.indirect.scatter.add.f32 [tilespmem:s9], [sflag:$0x8], $0x20, s7, s28, $0xb8;
	[tilespmem:$0x1F300] =	vst v63  }
0x4a2: {  	_ =	swait.ge [sflag:s19], $0x1000  }
0x4a3: {  	[sflag:s19] =	ssyncset.done $0x0  }
0x4a4: {  	s7 =	sadd.s32 $0x18900, s18;
	[sflag:s19] =	ssyncadd.s32 $0xFFFFF000  }
0x4a5: {  	[tilespmem:s29], [sflag:$0x1] =	stream.indirect.gather [hbm4b:s16+s28], $0x20, s7, s28, $0xb8;
	[tilespmem:$0x1F300] =	vst v63  }
0x4a6: {  	_ =	swait.ge [sflag:s8], $0x1000  }
0x4a7: {  	[sflag:s8] =	ssyncset.done $0x0  }
0x4a8: {  	s7 =	sadd.s32 $0x18980, s18;
	[sflag:s8] =	ssyncadd.s32 $0xFFFFF000  }
0x4a9: {  	[tilespmem:s6], [sflag:$0x2] =	stream.indirect.gather [hbm4b:s16+s28], $0x20, s7, s28, $0xb8;
	[tilespmem:$0x1F300] =	vst v63  }
0x4aa: {  	_ =	swait.ge [sflag:s4], $0x1000  }
0x4ab: {  	[sflag:s4] =	ssyncset.done $0x0  }
.Ltmp9:
0x4ac: {  	s7 =	sadd.s32 $0x18A00, s18;
	[sflag:s4] =	ssyncadd.s32 $0xFFFFF000;
	(pc) =	sbr.rel @p0 .LBB2_21-.Ltmp9, $4  }
0x4ad: {  	[tilespmem:s20], [sflag:$0x3] =	stream.indirect.gather [hbm4b:s16+s28], $0x20, s7, s28, $0xb8;
	[tilespmem:$0x1F300] =	vst v63  }
0x4ae: {  	_ =	swait.ge [sflag:s5], $0x1000  }
0x4af: {  	[sflag:s5] =	ssyncset.done $0x0  }
0x4b0: {  	s18 =	sadd.s32 $0x18A80, s18;
	[sflag:s5] =	ssyncadd.s32 $0xFFFFF000  }
0x4b1: {  	[tilespmem:s9], [sflag:$0x4] =	stream.indirect.gather [hbm4b:s16+s28], $0x20, s18, s28, $0xb8;
	[tilespmem:$0x1F300] =	vst v63  }
0x4b2: {  	_ =	swait.ge [sflag:s23], $0x1000  }
0x4b3: {  	[sflag:s23] =	ssyncset.done $0x0  }
0x4b4: {  	s7 =	simm.s32 $0x1A100;
	[sflag:s23] =	ssyncadd.s32 $0xFFFFF000  }
0x4b5: {  	[spmem:s1] =	stream.indirect.scatter.add.f32 [tilespmem:s29], [sflag:$0x5], $0x20, s7, s28, $0xb8;
	[tilespmem:$0x1F300] =	vst v63  }
0x4b6: {  	_ =	swait.ge [sflag:s21], $0x1000  }
0x4b7: {  	[sflag:s21] =	ssyncset.done $0x0  }
0x4b8: {  	s24 =	simm.s32 $0x1A180;
	[sflag:s21] =	ssyncadd.s32 $0xFFFFF000  }
0x4b9: {  	[spmem:s1] =	stream.indirect.scatter.add.f32 [tilespmem:s6], [sflag:$0x6], $0x20, s24, s28, $0xb8;
	[tilespmem:$0x1F300] =	vst v63  }
0x4ba: {  	_ =	swait.ge [sflag:s26], $0x1000  }
0x4bb: {  	[sflag:s26] =	ssyncset.done $0x0  }
0x4bc: {  	s30 =	simm.s32 $0x1A200;
	[sflag:s26] =	ssyncadd.s32 $0xFFFFF000  }
0x4bd: {  	[spmem:s1] =	stream.indirect.scatter.add.f32 [tilespmem:s20], [sflag:$0x7], $0x20, s30, s28, $0xb8;
	[tilespmem:$0x1F300] =	vst v63  }
0x4be: {  	_ =	swait.ge [sflag:s11], $0x1000  }
0x4bf: {  	[sflag:s11] =	ssyncset.done $0x0  }
0x4c0: {  	s31 =	simm.s32 $0x1A280;
	[sflag:s11] =	ssyncadd.s32 $0xFFFFF000  }
0x4c1: {  	[spmem:s1] =	stream.indirect.scatter.add.f32 [tilespmem:s9], [sflag:$0x8], $0x20, s31, s28, $0xb8;
	[tilespmem:$0x1F300] =	vst v63  }
0x4c2: {  	_ =	swait.ge [sflag:s19], $0x1000  }
0x4c3: {  	[sflag:s19] =	ssyncset.done $0x0  }
0x4c4: {  	[sflag:s19] =	ssyncadd.s32 $0xFFFFF000  }
0x4c5: {  	_ =	swait.ge [sflag:s8], $0x1000  }
0x4c6: {  	[sflag:s8] =	ssyncset.done $0x0  }
0x4c7: {  	s25 =	sadd.s32 $0x1, s25;
	[sflag:s8] =	ssyncadd.s32 $0xFFFFF000  }
0x4c8: {  	p0 =	sne.s32 s25, $0xE;
	_ =	swait.ge [sflag:s4], $0x1000  }
.Ltmp10:
0x4c9: {  	[sflag:s4] =	ssyncset.done $0x0;
	(pc) =	sbr.rel @p0 .LBB2_20-.Ltmp10, $4  }
0x4ca: {  	[sflag:s4] =	ssyncadd.s32 $0xFFFFF000  }
0x4cb: {  	_ =	swait.ge [sflag:s5], $0x1000  }
0x4cc: {  	[sflag:s5] =	ssyncset.done $0x0  }
0x4cd: {  	[sflag:s5] =	ssyncadd.s32 $0xFFFFF000  }
0x4ce: {  	[bflag:$0x0] =	sbarrier.arrive $0xFFFF  }
0x4cf: {  	s7 =	rddreg [dreg:$0xf]  }
0x4d0: {  	[tilespmem:s29], [sflag:$0x1] =	stream.linear.gather [spmem:s7], $0x1000, $0x38;
	[tilespmem:$0x1F300] =	vst v63  }
0x4d1: {  	s22 =	rddreg [dreg:$0x10]  }
0x4d2: {  	[tilespmem:s6], [sflag:$0x2] =	stream.linear.gather [spmem:s22], $0x1000, $0x38;
	[tilespmem:$0x1F300] =	vst v63  }
0x4d3: {  	_ =	swait.ge [sflag:s23], $0x1000  }
0x4d4: {  	[sflag:s23] =	ssyncset.done $0x0  }
0x4d5: {  	s24 =	simm.s32 $0x0;
	s18 =	rddreg [dreg:$0x17];
	[sflag:s23] =	ssyncadd.s32 $0xFFFFF000  }
0x4d6: {  	[hbm4b:s18+s24] =	stream.linear.scatter [tilespmem:s29], [sflag:$0x5], $0x1000, $0x38;
	[tilespmem:$0x1F300] =	vst v63  }
0x4d7: {  	_ =	swait.ge [sflag:s21], $0x1000  }
0x4d8: {  	[sflag:s21] =	ssyncset.done $0x0  }
0x4d9: {  	s25 =	rddreg [dreg:$0x18];
	[sflag:s21] =	ssyncadd.s32 $0xFFFFF000  }
0x4da: {  	[hbm4b:s25+s24] =	stream.linear.scatter [tilespmem:s6], [sflag:$0x6], $0x1000, $0x38;
	[tilespmem:$0x1F300] =	vst v63  }
0x4db: {  	_ =	swait.ge [sflag:s19], $0x1000  }
0x4dc: {  	s30 =	sld [smem:$0x7E8]  }
0x4dd: {  	[sflag:s19] =	ssyncset.done $0x0  }
0x4de: {  	[sflag:s19] =	ssyncadd.s32 $0xFFFFF000  }
0x4df: {  	[tilespmem:s29], [sflag:$0x1] =	stream.linear.gather [spmem:s30], $0x1000, $0x38;
	[tilespmem:$0x1F300] =	vst v63  }
0x4e0: {  	_ =	swait.ge [sflag:s8], $0x1000  }
0x4e1: {  	[sflag:s8] =	ssyncset.done $0x0  }
0x4e2: {  	s24 =	rddreg [dreg:$0x1f];
	[sflag:s8] =	ssyncadd.s32 $0xFFFFF000  }
0x4e3: {  	[tilespmem:s6], [sflag:$0x2] =	stream.linear.gather [spmem:s24], $0x1000, $0x38;
	[tilespmem:$0x1F300] =	vst v63  }
0x4e4: {  	_ =	swait.ge [sflag:s23], $0x1000  }
0x4e5: {  	[sflag:s23] =	ssyncset.done $0x0  }
0x4e6: {  	s31 =	sadd.s32 $0x0, s17;
	[sflag:s23] =	ssyncadd.s32 $0xFFFFF000  }
0x4e7: {  	[hbm4b:s31+s2] =	stream.linear.scatter [tilespmem:s29], [sflag:$0x5], $0x1000, $0x38;
	[tilespmem:$0x1F300] =	vst v63  }
0x4e8: {  	_ =	swait.ge [sflag:s21], $0x1000  }
0x4e9: {  	s22 =	sadd.s32 $0x0, s15;
	[sflag:s21] =	ssyncset.done $0x0  }
0x4ea: {  	s18 =	simm.s32 $0x400;
	s24 =	sadd.s32 $0x2000, s24;
	[sflag:s21] =	ssyncadd.s32 $0xFFFFF000  }
.LBB2_24:
0x4eb: {  	[hbm4b:s22+s2] =	stream.linear.scatter [tilespmem:s6], [sflag:$0x6], $0x1000, $0x38;
	[tilespmem:$0x1F300] =	vst v63  }
0x4ec: {  	s7 =	smov.u32 s18  }
0x4ed: {  	p0 =	sne.s32 s18, $0x2800;
	s18 =	sadd.s32 $0x400, s18;
	_ =	swait.ge [sflag:s19], $0x1000  }
0x4ee: {  	[sflag:s19] =	ssyncset.done $0x0  }
0x4ef: {  	s22 =	sadd.s32 $0xFFFFF000, s24;
	[sflag:s19] =	ssyncadd.s32 $0xFFFFF000  }
0x4f0: {  	[tilespmem:s29], [sflag:$0x1] =	stream.linear.gather [spmem:s22], $0x1000, $0x38;
	[tilespmem:$0x1F300] =	vst v63  }
0x4f1: {  	_ =	swait.ge [sflag:s8], $0x1000  }
0x4f2: {  	[sflag:s8] =	ssyncset.done $0x0  }
0x4f3: {  	[sflag:s8] =	ssyncadd.s32 $0xFFFFF000  }
0x4f4: {  	[tilespmem:s6], [sflag:$0x2] =	stream.linear.gather [spmem:s24], $0x1000, $0x38;
	[tilespmem:$0x1F300] =	vst v63  }
0x4f5: {  	_ =	swait.ge [sflag:s23], $0x1000  }
0x4f6: {  	[sflag:s23] =	ssyncset.done $0x0  }
.Ltmp11:
0x4f7: {  	s22 =	sadd.s32 s7, s17;
	[sflag:s23] =	ssyncadd.s32 $0xFFFFF000;
	(pc) =	sbr.rel @p0 .LBB2_24-.Ltmp11, $4  }
0x4f8: {  	[hbm4b:s22+s2] =	stream.linear.scatter [tilespmem:s29], [sflag:$0x5], $0x1000, $0x38;
	[tilespmem:$0x1F300] =	vst v63  }
0x4f9: {  	_ =	swait.ge [sflag:s21], $0x1000  }
0x4fa: {  	[sflag:s21] =	ssyncset.done $0x0  }
0x4fb: {  	s24 =	sadd.s32 $0x2000, s24;
	s22 =	sadd.s32 s7, s15;
	[sflag:s21] =	ssyncadd.s32 $0xFFFFF000  }
0x4fc: {  	[hbm4b:s22+s2] =	stream.linear.scatter [tilespmem:s6], [sflag:$0x6], $0x1000, $0x38;
	[tilespmem:$0x1F300] =	vst v63  }
0x4fd: {  	s22 =	rddreg [dreg:$0x9];
	s18 =	simm.s32 $0x1E300;
	s24 =	simm.s32 $0xA  }
0x4fe: {  	[tilespmem:s18], [sflag:$0xA] =	stream.linear.gather [spmem:s22], $0x700, $0x38;
	[tilespmem:$0x1F300] =	vst v63  }
0x4ff: {  	_ =	swait.ge [sflag:s24], $0x700  }
0x500: {  	[sflag:s24] =	ssyncset.done $0x0  }
0x501: {  	s7 =	rddreg [dreg:$0xd];
	[sflag:s24] =	ssyncadd.s32 $0xFFFFF900  }
0x502: {  	[hbm4b:s7+s2] =	stream.linear.scatter [tilespmem:s18], [sflag:$0xA], $0x700, $0x38;
	[tilespmem:$0x1F300] =	vst v63  }
0x503: {  	_ =	swait.ge [sflag:s24], $0x700  }
0x504: {  	[sflag:s24] =	ssyncset.done $0x0  }
0x505: {  	[sflag:s24] =	ssyncadd.s32 $0xFFFFF900  }
0x506: {  	_ =	swait.ge [sflag:s19], $0x1000  }
0x507: {  	[sflag:s19] =	ssyncset.done $0x0  }
0x508: {  	[sflag:s19] =	ssyncadd.s32 $0xFFFFF000  }
0x509: {  	_ =	swait.ge [sflag:s8], $0x1000  }
0x50a: {  	s25 =	sld [smem:$0x7E9];
	_ =	sdelay $0x2  }
0x50b: {  	s31 =	rddreg [dreg:$0xe];
	s25 =	sadd.s32 $0x1, s25  }
0x50c: {  	p0 =	sne.s32 s25, s31  }
.Ltmp12:
0x50d: {  	_ = 	snop;
	(pc) =	sbr.rel @p0 .LBB2_1-.Ltmp12, $3  }
0x50e: {  	[sflag:s8] =	ssyncset.done $0x0  }
0x50f: {  	[sflag:s8] =	ssyncadd.s32 $0xFFFFF000  }
0x510: {  	[bflag:$0x0] =	sbarrier.arrive $0xFFFF;
	_ =	sdelay $0x1  }
0x511: {  	_ =	sfence.sel $0x180000  }
0x512: {  	[bflag:$0x0] =	sbarrier.arrive $0xFFFF  }
0x513: {  	_ =	strace $0x9000004A  }
0x514: {  	s0 =	stileid.u32;
	[bflag:$0x2] =	sbarrier.arrive $0xFFFF  }
0x515: {  	p0 =	sne.s32 s0, $0x0;
	s0 =	rddreg [dreg:$0x3]  }
0x516: {  	s0 =	sadd.s32 @!p0 $0x100000, s0  }
0x517: {  	[sflag:s0] =	ssyncadd.tile.s32 @!p0 $0x1;
	_ =	shalt  }
.Lfunc_end2:
_tile_overlayer_lowered:
.L_overlay_start_2:
0x518: {  	(tag) =	ssettag $0x2  }
0x519: {  	s0 =	rddreg [dreg:$0x0];
	s2 =	stileid.u32  }
0x51a: {  	s1 =	rddreg [dreg:$0x1];
	p0 =	sne.s32 s2, $0x0  }
0x51b: {  	s3 =	rddreg [dreg:$0x2];
	[bflag:$0x3] =	sbarrier.arrive $0xFFFF;
	s2 =	simm.s32 @!p0 $0x1C0A  }
0x51c: {  	[timem:s3], [sflag:s2] =	dma.local @!p0 [hbm:s0], s1  }
0x51d: {  	s0 =	simm.s32 @!p0 $0xA  }
0x51e: {  	_ =	swait.ge @!p0 [sflag:s0], s1  }
0x51f: {  	s1 =	ssub.s32 @!p0 $0x0, s1;
	[sflag:s0] =	ssyncset.done @!p0 $0x0  }
0x520: {  	[sflag:s0] =	ssyncadd.s32 @!p0 s1  }
0x521: {  	[bflag:$0x3] =	sbarrier.arrive $0xFFFF  }
0x522: {  	_ =	shalt  }

</sc_bundles>
